<compile_context>
chip_gen: v7x
topology: tpu7x:2x2x1
jax: 0.10.2.dev20260603
libtpu: 0.0.44.dev20260713+nightly
codegen_flags: <defaults>
</compile_context>

<pallas_src>
import functools
import jax
import jax.numpy as jnp
from jax import lax
from jax.experimental import pallas as pl
from jax.experimental.pallas import tpu as pltpu
from jax.experimental.pallas import tpu_sc as plsc

E = 64
K = 8
R = 16
TEMP = 0.5
TILE = 2048
NWORKERS = 32


def _h_kernel(x_ref, w_ref, b_ref, h_ref, mx_ref, smx):
    i = pl.program_id(0)
    h = lax.dot_general(x_ref[...], w_ref[:E, :], (((1,), (1,)), ((), ())),
                        preferred_element_type=jnp.float32)
    h = h + b_ref[:, :E]
    h_ref[...] = h
    tmax = jnp.max(jnp.abs(h))

    @pl.when(i == 0)
    def _():
        smx[0] = tmax

    @pl.when(i != 0)
    def _():
        smx[0] = jnp.maximum(smx[0], tmax)

    mx_ref[...] = jnp.full((1, 16), smx[0], jnp.float32)


def _sc_routing(h, mx16, limes, n_tokens):
    chunk = n_tokens // NWORKERS
    groups = chunk // 16
    mesh = plsc.VectorSubcoreMesh(core_axis_name="c", subcore_axis_name="s")

    @functools.partial(
        pl.kernel,
        out_type=jax.ShapeDtypeStruct((n_tokens * R,), jnp.float32),
        mesh=mesh,
        scratch_types=[
            pltpu.VMEM((chunk * E,), jnp.float32),
            pltpu.VMEM((E * R,), jnp.float32),
            pltpu.VMEM((16,), jnp.float32),
            pltpu.VMEM((chunk * R,), jnp.float32),
        ],
        compiler_params=pltpu.CompilerParams(needs_layout_passes=False),
    )
    def body(h_hbm, mx_hbm, l_hbm, out_hbm, h_v, l_v, mx_v, p_v):
        wid = lax.axis_index("s") * 2 + lax.axis_index("c")
        pltpu.sync_copy(h_hbm.at[pl.ds(wid * chunk * E, chunk * E)], h_v)
        pltpu.sync_copy(l_hbm, l_v)
        pltpu.sync_copy(mx_hbm, mx_v)
        scale = jnp.maximum(mx_v[...], 1e-6)
        inv = (1.0 / TEMP) / scale
        iota16 = lax.iota(jnp.int32, 16)

        @plsc.parallel_loop(0, groups, unroll=2)
        def group(g):
            rowE = (g * 16 + iota16) * E
            top = [jnp.zeros((16,), jnp.float32)] * K
            for e in range(E):
                he = plsc.load_gather(h_v, [rowE + e])
                vbits = lax.bitcast_convert_type(he + scale, jnp.int32)
                new = lax.bitcast_convert_type(
                    (vbits & -64) | (63 - e), jnp.float32)
                for j in range(K):
                    hi = jnp.maximum(top[j], new)
                    new = jnp.minimum(top[j], new)
                    top[j] = hi
            ws = []
            eidx = []
            s = jnp.zeros((16,), jnp.float32)
            for j in range(K):
                tb = lax.bitcast_convert_type(top[j], jnp.int32)
                hv = lax.bitcast_convert_type(tb & -64, jnp.float32) - scale
                wv = jnp.exp(hv * inv)
                ws.append(wv)
                eidx.append((63 - (tb & 63)) * R)
                s = s + wv
            sinv = 1.0 / s
            ws = [wv * sinv for wv in ws]
            rowR = (g * 16 + iota16) * R
            for r in range(R):
                acc = jnp.zeros((16,), jnp.float32)
                for j in range(K):
                    lv = plsc.load_gather(l_v, [eidx[j] + r])
                    acc = acc + ws[j] * lv
                plsc.store_scatter(p_v, [rowR + r], acc)

        pltpu.sync_copy(p_v, out_hbm.at[pl.ds(wid * chunk * R, chunk * R)])

    return body(h.reshape(-1), mx16, limes.reshape(-1)).reshape(n_tokens, R)


def _main_kernel(x_ref, w_ref, b_ref, a_ref, bm_ref, p_ref, o_ref):
    x = x_ref[...]
    base = lax.dot_general(x, w_ref[...], (((1,), (1,)), ((), ())),
                           preferred_element_type=jnp.float32)
    base = base + b_ref[...]
    u = jnp.dot(x, a_ref[...], preferred_element_type=jnp.float32)
    delta = jnp.dot(u * p_ref[...], bm_ref[...],
                    preferred_element_type=jnp.float32)
    o_ref[...] = base + delta


def kernel(x, W, b, A, Bm, LiMEs):
    Bb, T, D_in = x.shape
    D_out = W.shape[0]
    N = Bb * T
    NT = N // TILE
    x2 = x.reshape(N, D_in)

    h, mx = pl.pallas_call(
        _h_kernel,
        grid=(NT,),
        in_specs=[
            pl.BlockSpec((TILE, D_in), lambda i: (i, 0)),
            pl.BlockSpec((D_out, D_in), lambda i: (0, 0)),
            pl.BlockSpec((1, D_out), lambda i: (0, 0)),
        ],
        out_specs=[
            pl.BlockSpec((TILE, E), lambda i: (i, 0)),
            pl.BlockSpec((1, 16), lambda i: (0, 0)),
        ],
        out_shape=[
            jax.ShapeDtypeStruct((N, E), jnp.float32),
            jax.ShapeDtypeStruct((1, 16), jnp.float32),
        ],
        scratch_shapes=[pltpu.SMEM((1,), jnp.float32)],
    )(x2, W, b.reshape(1, D_out))

    p_mix = _sc_routing(h, mx.reshape(16), LiMEs, N)

    out = pl.pallas_call(
        _main_kernel,
        grid=(NT,),
        in_specs=[
            pl.BlockSpec((TILE, D_in), lambda i: (i, 0)),
            pl.BlockSpec((D_out, D_in), lambda i: (0, 0)),
            pl.BlockSpec((1, D_out), lambda i: (0, 0)),
            pl.BlockSpec((D_in, R), lambda i: (0, 0)),
            pl.BlockSpec((R, D_out), lambda i: (0, 0)),
            pl.BlockSpec((TILE, R), lambda i: (i, 0)),
        ],
        out_specs=pl.BlockSpec((TILE, D_out), lambda i: (i, 0)),
        out_shape=jax.ShapeDtypeStruct((N, D_out), jnp.float32),
        compiler_params=pltpu.CompilerParams(
            vmem_limit_bytes=100 * 1024 * 1024),
    )(x2, W, b.reshape(1, D_out), A, Bm, p_mix)

    return out.reshape(Bb, T, D_out)

# --- scband reference (transcript-rebuilt; emitter-appended) ---
"""Pipeline reference for scband-slice-fine-li-melinear-17325898072234 (READ-ONLY COPY).

The authoritative reference and input builder live on the scoring server;
editing this copy changes nothing except your own understanding.
"""

import jax, jax.numpy as jnp
import numpy as np

B, T, D_IN, D_OUT, E, K, R = 4, 8192, 1024, 1024, 64, 8, 16
TEMP = 0.5


def setup_inputs(seed: int = 0) -> dict:
    key = jax.random.key(seed)
    ks = jax.random.split(key, 6)
    x = jax.random.normal(ks[0], (B, T, D_IN), dtype=jnp.float32)
    W = jax.random.normal(ks[1], (D_OUT, D_IN), dtype=jnp.float32) * (1.0 / np.sqrt(D_IN))
    b = jnp.zeros((D_OUT,), dtype=jnp.float32)
    A = jax.random.normal(ks[2], (D_IN, R), dtype=jnp.float32) * (1.0 / np.sqrt(D_IN))
    Bm = jax.random.normal(ks[3], (R, D_OUT), dtype=jnp.float32) * (1.0 / np.sqrt(R))
    LiMEs = jax.random.normal(ks[4], (E, R), dtype=jnp.float32)
    return {"x": x, "W": W, "b": b, "A": A, "Bm": Bm, "LiMEs": LiMEs}


def reference(x, W, b, A, Bm, LiMEs):
    eps = 1e-6
    # base linear projection
    base = jnp.einsum('btd,od->bto', x, W) + b
    # slice routing: first E dims of the hidden/output serve as routing logits
    H_slice = base[..., :E]
    H_scale = jnp.maximum(jnp.max(jnp.abs(H_slice)), eps)
    logits = (H_slice / H_scale) * (1.0 / max(TEMP, eps))
    probs = jax.nn.softmax(logits, axis=-1)  # (B, T, E)
    # sparse top-k over experts + renormalize (as in _sparse_topk)
    topk_vals, topk_idx = jax.lax.top_k(probs, K)
    topk_vals = topk_vals / jnp.clip(jnp.sum(topk_vals, axis=-1, keepdims=True), 1e-9, None)
    # gather LiME expert vectors and compute expert mixture (as in _sparse_expert_mix)
    selected = jnp.take(LiMEs, topk_idx, axis=0)  # (B, T, K, R)
    p_mix = jnp.sum(topk_vals[..., None] * selected, axis=-2)  # (B, T, R)
    # low-rank LiME-modulated delta
    u = jnp.einsum('btd,dr->btr', x, A)
    delta = jnp.einsum('btr,ro->bto', u * p_mix, Bm)
    return base + delta

if __name__ == "__main__":
    import jax
    _d = setup_inputs()
    print(jax.jit(kernel)(*tuple(_d.values())))

</pallas_src>

<mosaic_0001>
#map = affine_map<(d0, d1) -> (0)>
module attributes {stable_mosaic.version = 14 : i64} {
  func.func @body(%arg0: i32, %arg1: i32, %arg2: memref<2097152xf32, #tpu.memory_space<hbm>>, %arg3: memref<16xf32, #tpu.memory_space<hbm>>, %arg4: memref<1024xf32, #tpu.memory_space<hbm>>, %arg5: memref<524288xf32, #tpu.memory_space<hbm>>, %arg6: memref<65536xf32, #tpu.memory_space<vmem>>, %arg7: memref<1024xf32, #tpu.memory_space<vmem>>, %arg8: memref<16xf32, #tpu.memory_space<vmem>>, %arg9: memref<16384xf32, #tpu.memory_space<vmem>>) attributes {dimension_semantics = [#tpu.dimension_semantics<core_parallel>, #tpu.dimension_semantics<subcore_parallel>], iteration_bounds = array<i64: 2, 16>, scalar_prefetch = 0 : i64, scratch_operands = 4 : i64, tpu.core_type = #tpu.core_type<sc_vector_subcore>, window_params = [{transform_indices = #map}, {transform_indices = #map}, {transform_indices = #map}, {transform_indices = #map}]} {
    %mul3A = arith.constant 2 : i32
    %mul3A_0 = arith.muli %arg1, %mul3A : i32
    %add3A = arith.addi %mul3A_0, %arg0 : i32
    %mul3A_1 = arith.constant 1024 : i32
    %mul3A_2 = arith.muli %add3A, %mul3A_1 : i32
    %mul3A_3 = arith.constant 64 : i32
    %mul3A_4 = arith.muli %mul3A_2, %mul3A_3 : i32
    "tpu.region"() ({
      %run_scoped3A = tpu.sem_alloc : memref<!tpu.dma_semaphore, #tpu.memory_space<semaphore_mem>>
      %dma_start3A = tpu.memref_slice %arg2[%mul3A_4] : memref<2097152xf32, #tpu.memory_space<hbm>> -> memref<65536xf32, #tpu.memory_space<hbm>>
      %dma_start3A_16 = tpu.memref_slice %arg2[%mul3A_4] : memref<2097152xf32, #tpu.memory_space<hbm>> -> memref<65536xf32, #tpu.memory_space<hbm>>
      tpu.enqueue_dma source(%dma_start3A_16 : memref<65536xf32, #tpu.memory_space<hbm>>) target(%arg6 : memref<65536xf32, #tpu.memory_space<vmem>>) target_semaphore(%run_scoped3A : memref<!tpu.dma_semaphore, #tpu.memory_space<semaphore_mem>>)
      %dma_wait3A = tpu.memref_slice %arg2[%mul3A_4] : memref<2097152xf32, #tpu.memory_space<hbm>> -> memref<65536xf32, #tpu.memory_space<hbm>>
      %dma_wait3A_17 = tpu.memref_slice %arg2[%mul3A_4] : memref<2097152xf32, #tpu.memory_space<hbm>> -> memref<65536xf32, #tpu.memory_space<hbm>>
      tpu.wait_dma2 semaphore(%run_scoped3A : memref<!tpu.dma_semaphore, #tpu.memory_space<semaphore_mem>>) src(%dma_wait3A_17 : memref<65536xf32, #tpu.memory_space<hbm>>) dst(%arg6 : memref<65536xf32, #tpu.memory_space<vmem>>)
      tpu.yield
    }) : () -> ()
    "tpu.region"() ({
      %run_scoped3A = tpu.sem_alloc : memref<!tpu.dma_semaphore, #tpu.memory_space<semaphore_mem>>
      tpu.enqueue_dma source(%arg4 : memref<1024xf32, #tpu.memory_space<hbm>>) target(%arg7 : memref<1024xf32, #tpu.memory_space<vmem>>) target_semaphore(%run_scoped3A : memref<!tpu.dma_semaphore, #tpu.memory_space<semaphore_mem>>)
      tpu.wait_dma2 semaphore(%run_scoped3A : memref<!tpu.dma_semaphore, #tpu.memory_space<semaphore_mem>>) src(%arg4 : memref<1024xf32, #tpu.memory_space<hbm>>) dst(%arg7 : memref<1024xf32, #tpu.memory_space<vmem>>)
      tpu.yield
    }) : () -> ()
    "tpu.region"() ({
      %run_scoped3A = tpu.sem_alloc : memref<!tpu.dma_semaphore, #tpu.memory_space<semaphore_mem>>
      tpu.enqueue_dma source(%arg3 : memref<16xf32, #tpu.memory_space<hbm>>) target(%arg8 : memref<16xf32, #tpu.memory_space<vmem>>) target_semaphore(%run_scoped3A : memref<!tpu.dma_semaphore, #tpu.memory_space<semaphore_mem>>)
      tpu.wait_dma2 semaphore(%run_scoped3A : memref<!tpu.dma_semaphore, #tpu.memory_space<semaphore_mem>>) src(%arg3 : memref<16xf32, #tpu.memory_space<hbm>>) dst(%arg8 : memref<16xf32, #tpu.memory_space<vmem>>)
      tpu.yield
    }) : () -> ()
    %get3A = arith.constant 0 : index
    %get3A_5 = tpu.vector_load %arg8[%get3A] {strides = array<i32>} : memref<16xf32, #tpu.memory_space<vmem>>, vector<16xf32>,
    %max3A = arith.constant 9.99999997E-7 : f32
    %max3A_6 = vector.broadcast %max3A : f32 to vector<16xf32>
    %max3A_7 = arith.maximumf %get3A_5, %max3A_6 : vector<16xf32>
    %div3A = arith.constant 2.000000e+00 : f32
    %div3A_8 = vector.broadcast %div3A : f32 to vector<16xf32>
    %div3A_9 = arith.divf %div3A_8, %max3A_7 : vector<16xf32>
    %iota3A = tpu.iota {dimensions = array<i32: 0>} : vector<16xi32>
    %parallel_loop3A = arith.constant 0 : i32
    %parallel_loop3A_10 = arith.constant 64 : i32
    %parallel_loop3A_11 = arith.constant 1 : i32
    scf.for %parallel_loop3A_16 = %parallel_loop3A to %parallel_loop3A_10 step %parallel_loop3A_11  : i32 {
      %parallel_loop3A_17 = arith.constant 16 : i32
      %parallel_loop3A_18 = arith.muli %parallel_loop3A_16, %parallel_loop3A_17 : i32
      %parallel_loop3A_19 = vector.broadcast %parallel_loop3A_18 : i32 to vector<16xi32>
      %parallel_loop3A_20 = arith.addi %parallel_loop3A_19, %iota3A : vector<16xi32>
      %parallel_loop3A_21 = arith.constant 64 : i32
      %parallel_loop3A_22 = vector.broadcast %parallel_loop3A_21 : i32 to vector<16xi32>
      %parallel_loop3A_23 = arith.muli %parallel_loop3A_20, %parallel_loop3A_22 : vector<16xi32>
      %parallel_loop3A_24 = arith.constant 0.000000e+00 : f32
      %parallel_loop3A_25 = vector.broadcast %parallel_loop3A_24 : f32 to vector<16xf32>
      %parallel_loop3A_26 = arith.constant 0 : i32
      %parallel_loop3A_27 = vector.broadcast %parallel_loop3A_26 : i32 to vector<16xi32>
      %parallel_loop3A_28 = arith.addi %parallel_loop3A_23, %parallel_loop3A_27 : vector<16xi32>
      %parallel_loop3A_29 = tpu.vector_load_idx %arg6[%parallel_loop3A_28] : memref<65536xf32, #tpu.memory_space<vmem>>[vector<16xi32>], vector<16xf32>,
      %parallel_loop3A_30 = arith.addf %parallel_loop3A_29, %max3A_7 : vector<16xf32>
      %parallel_loop3A_31 = tpu.bitcast %parallel_loop3A_30 : vector<16xf32> -> vector<16xi32>
      %parallel_loop3A_32 = arith.constant -64 : i32
      %parallel_loop3A_33 = vector.broadcast %parallel_loop3A_32 : i32 to vector<16xi32>
      %parallel_loop3A_34 = arith.andi %parallel_loop3A_31, %parallel_loop3A_33 : vector<16xi32>
      %parallel_loop3A_35 = arith.constant 63 : i32
      %parallel_loop3A_36 = vector.broadcast %parallel_loop3A_35 : i32 to vector<16xi32>
      %parallel_loop3A_37 = arith.ori %parallel_loop3A_34, %parallel_loop3A_36 : vector<16xi32>
      %parallel_loop3A_38 = tpu.bitcast %parallel_loop3A_37 : vector<16xi32> -> vector<16xf32>
      %parallel_loop3A_39 = arith.maximumf %parallel_loop3A_25, %parallel_loop3A_38 : vector<16xf32>
      %parallel_loop3A_40 = arith.minimumf %parallel_loop3A_25, %parallel_loop3A_38 : vector<16xf32>
      %parallel_loop3A_41 = arith.maximumf %parallel_loop3A_25, %parallel_loop3A_40 : vector<16xf32>
      %parallel_loop3A_42 = arith.minimumf %parallel_loop3A_25, %parallel_loop3A_40 : vector<16xf32>
      %parallel_loop3A_43 = arith.maximumf %parallel_loop3A_25, %parallel_loop3A_42 : vector<16xf32>
      %parallel_loop3A_44 = arith.minimumf %parallel_loop3A_25, %parallel_loop3A_42 : vector<16xf32>
      %parallel_loop3A_45 = arith.maximumf %parallel_loop3A_25, %parallel_loop3A_44 : vector<16xf32>
      %parallel_loop3A_46 = arith.minimumf %parallel_loop3A_25, %parallel_loop3A_44 : vector<16xf32>
      %parallel_loop3A_47 = arith.maximumf %parallel_loop3A_25, %parallel_loop3A_46 : vector<16xf32>
      %parallel_loop3A_48 = arith.minimumf %parallel_loop3A_25, %parallel_loop3A_46 : vector<16xf32>
      %parallel_loop3A_49 = arith.maximumf %parallel_loop3A_25, %parallel_loop3A_48 : vector<16xf32>
      %parallel_loop3A_50 = arith.minimumf %parallel_loop3A_25, %parallel_loop3A_48 : vector<16xf32>
      %parallel_loop3A_51 = arith.maximumf %parallel_loop3A_25, %parallel_loop3A_50 : vector<16xf32>
      %parallel_loop3A_52 = arith.minimumf %parallel_loop3A_25, %parallel_loop3A_50 : vector<16xf32>
      %parallel_loop3A_53 = arith.maximumf %parallel_loop3A_25, %parallel_loop3A_52 : vector<16xf32>
      %parallel_loop3A_54 = arith.minimumf %parallel_loop3A_25, %parallel_loop3A_52 : vector<16xf32>
      %parallel_loop3A_55 = arith.constant 1 : i32
      %parallel_loop3A_56 = vector.broadcast %parallel_loop3A_55 : i32 to vector<16xi32>
      %parallel_loop3A_57 = arith.addi %parallel_loop3A_23, %parallel_loop3A_56 : vector<16xi32>
      %parallel_loop3A_58 = tpu.vector_load_idx %arg6[%parallel_loop3A_57] : memref<65536xf32, #tpu.memory_space<vmem>>[vector<16xi32>], vector<16xf32>,
      %parallel_loop3A_59 = arith.addf %parallel_loop3A_58, %max3A_7 : vector<16xf32>
      %parallel_loop3A_60 = tpu.bitcast %parallel_loop3A_59 : vector<16xf32> -> vector<16xi32>
      %parallel_loop3A_61 = arith.constant -64 : i32
      %parallel_loop3A_62 = vector.broadcast %parallel_loop3A_61 : i32 to vector<16xi32>
      %parallel_loop3A_63 = arith.andi %parallel_loop3A_60, %parallel_loop3A_62 : vector<16xi32>
      %parallel_loop3A_64 = arith.constant 62 : i32
      %parallel_loop3A_65 = vector.broadcast %parallel_loop3A_64 : i32 to vector<16xi32>
      %parallel_loop3A_66 = arith.ori %parallel_loop3A_63, %parallel_loop3A_65 : vector<16xi32>
      %parallel_loop3A_67 = tpu.bitcast %parallel_loop3A_66 : vector<16xi32> -> vector<16xf32>
      %parallel_loop3A_68 = arith.maximumf %parallel_loop3A_39, %parallel_loop3A_67 : vector<16xf32>
      %parallel_loop3A_69 = arith.minimumf %parallel_loop3A_39, %parallel_loop3A_67 : vector<16xf32>
      %parallel_loop3A_70 = arith.maximumf %parallel_loop3A_41, %parallel_loop3A_69 : vector<16xf32>
      %parallel_loop3A_71 = arith.minimumf %parallel_loop3A_41, %parallel_loop3A_69 : vector<16xf32>
      %parallel_loop3A_72 = arith.maximumf %parallel_loop3A_43, %parallel_loop3A_71 : vector<16xf32>
      %parallel_loop3A_73 = arith.minimumf %parallel_loop3A_43, %parallel_loop3A_71 : vector<16xf32>
      %parallel_loop3A_74 = arith.maximumf %parallel_loop3A_45, %parallel_loop3A_73 : vector<16xf32>
      %parallel_loop3A_75 = arith.minimumf %parallel_loop3A_45, %parallel_loop3A_73 : vector<16xf32>
      %parallel_loop3A_76 = arith.maximumf %parallel_loop3A_47, %parallel_loop3A_75 : vector<16xf32>
      %parallel_loop3A_77 = arith.minimumf %parallel_loop3A_47, %parallel_loop3A_75 : vector<16xf32>
      %parallel_loop3A_78 = arith.maximumf %parallel_loop3A_49, %parallel_loop3A_77 : vector<16xf32>
      %parallel_loop3A_79 = arith.minimumf %parallel_loop3A_49, %parallel_loop3A_77 : vector<16xf32>
      %parallel_loop3A_80 = arith.maximumf %parallel_loop3A_51, %parallel_loop3A_79 : vector<16xf32>
      %parallel_loop3A_81 = arith.minimumf %parallel_loop3A_51, %parallel_loop3A_79 : vector<16xf32>
      %parallel_loop3A_82 = arith.maximumf %parallel_loop3A_53, %parallel_loop3A_81 : vector<16xf32>
      %parallel_loop3A_83 = arith.minimumf %parallel_loop3A_53, %parallel_loop3A_81 : vector<16xf32>
      %parallel_loop3A_84 = arith.constant 2 : i32
      %parallel_loop3A_85 = vector.broadcast %parallel_loop3A_84 : i32 to vector<16xi32>
      %parallel_loop3A_86 = arith.addi %parallel_loop3A_23, %parallel_loop3A_85 : vector<16xi32>
      %parallel_loop3A_87 = tpu.vector_load_idx %arg6[%parallel_loop3A_86] : memref<65536xf32, #tpu.memory_space<vmem>>[vector<16xi32>], vector<16xf32>,
      %parallel_loop3A_88 = arith.addf %parallel_loop3A_87, %max3A_7 : vector<16xf32>
      %parallel_loop3A_89 = tpu.bitcast %parallel_loop3A_88 : vector<16xf32> -> vector<16xi32>
      %parallel_loop3A_90 = arith.constant -64 : i32
      %parallel_loop3A_91 = vector.broadcast %parallel_loop3A_90 : i32 to vector<16xi32>
      %parallel_loop3A_92 = arith.andi %parallel_loop3A_89, %parallel_loop3A_91 : vector<16xi32>
      %parallel_loop3A_93 = arith.constant 61 : i32
      %parallel_loop3A_94 = vector.broadcast %parallel_loop3A_93 : i32 to vector<16xi32>
      %parallel_loop3A_95 = arith.ori %parallel_loop3A_92, %parallel_loop3A_94 : vector<16xi32>
      %parallel_loop3A_96 = tpu.bitcast %parallel_loop3A_95 : vector<16xi32> -> vector<16xf32>
      %parallel_loop3A_97 = arith.maximumf %parallel_loop3A_68, %parallel_loop3A_96 : vector<16xf32>
      %parallel_loop3A_98 = arith.minimumf %parallel_loop3A_68, %parallel_loop3A_96 : vector<16xf32>
      %parallel_loop3A_99 = arith.maximumf %parallel_loop3A_70, %parallel_loop3A_98 : vector<16xf32>
      %parallel_loop3A_100 = arith.minimumf %parallel_loop3A_70, %parallel_loop3A_98 : vector<16xf32>
      %parallel_loop3A_101 = arith.maximumf %parallel_loop3A_72, %parallel_loop3A_100 : vector<16xf32>
      %parallel_loop3A_102 = arith.minimumf %parallel_loop3A_72, %parallel_loop3A_100 : vector<16xf32>
      %parallel_loop3A_103 = arith.maximumf %parallel_loop3A_74, %parallel_loop3A_102 : vector<16xf32>
      %parallel_loop3A_104 = arith.minimumf %parallel_loop3A_74, %parallel_loop3A_102 : vector<16xf32>
      %parallel_loop3A_105 = arith.maximumf %parallel_loop3A_76, %parallel_loop3A_104 : vector<16xf32>
      %parallel_loop3A_106 = arith.minimumf %parallel_loop3A_76, %parallel_loop3A_104 : vector<16xf32>
      %parallel_loop3A_107 = arith.maximumf %parallel_loop3A_78, %parallel_loop3A_106 : vector<16xf32>
      %parallel_loop3A_108 = arith.minimumf %parallel_loop3A_78, %parallel_loop3A_106 : vector<16xf32>
      %parallel_loop3A_109 = arith.maximumf %parallel_loop3A_80, %parallel_loop3A_108 : vector<16xf32>
      %parallel_loop3A_110 = arith.minimumf %parallel_loop3A_80, %parallel_loop3A_108 : vector<16xf32>
      %parallel_loop3A_111 = arith.maximumf %parallel_loop3A_82, %parallel_loop3A_110 : vector<16xf32>
      %parallel_loop3A_112 = arith.minimumf %parallel_loop3A_82, %parallel_loop3A_110 : vector<16xf32>
      %parallel_loop3A_113 = arith.constant 3 : i32
      %parallel_loop3A_114 = vector.broadcast %parallel_loop3A_113 : i32 to vector<16xi32>
      %parallel_loop3A_115 = arith.addi %parallel_loop3A_23, %parallel_loop3A_114 : vector<16xi32>
      %parallel_loop3A_116 = tpu.vector_load_idx %arg6[%parallel_loop3A_115] : memref<65536xf32, #tpu.memory_space<vmem>>[vector<16xi32>], vector<16xf32>,
      %parallel_loop3A_117 = arith.addf %parallel_loop3A_116, %max3A_7 : vector<16xf32>
      %parallel_loop3A_118 = tpu.bitcast %parallel_loop3A_117 : vector<16xf32> -> vector<16xi32>
      %parallel_loop3A_119 = arith.constant -64 : i32
      %parallel_loop3A_120 = vector.broadcast %parallel_loop3A_119 : i32 to vector<16xi32>
      %parallel_loop3A_121 = arith.andi %parallel_loop3A_118, %parallel_loop3A_120 : vector<16xi32>
      %parallel_loop3A_122 = arith.constant 60 : i32
      %parallel_loop3A_123 = vector.broadcast %parallel_loop3A_122 : i32 to vector<16xi32>
      %parallel_loop3A_124 = arith.ori %parallel_loop3A_121, %parallel_loop3A_123 : vector<16xi32>
      %parallel_loop3A_125 = tpu.bitcast %parallel_loop3A_124 : vector<16xi32> -> vector<16xf32>
      %parallel_loop3A_126 = arith.maximumf %parallel_loop3A_97, %parallel_loop3A_125 : vector<16xf32>
      %parallel_loop3A_127 = arith.minimumf %parallel_loop3A_97, %parallel_loop3A_125 : vector<16xf32>
      %parallel_loop3A_128 = arith.maximumf %parallel_loop3A_99, %parallel_loop3A_127 : vector<16xf32>
      %parallel_loop3A_129 = arith.minimumf %parallel_loop3A_99, %parallel_loop3A_127 : vector<16xf32>
      %parallel_loop3A_130 = arith.maximumf %parallel_loop3A_101, %parallel_loop3A_129 : vector<16xf32>
      %parallel_loop3A_131 = arith.minimumf %parallel_loop3A_101, %parallel_loop3A_129 : vector<16xf32>
      %parallel_loop3A_132 = arith.maximumf %parallel_loop3A_103, %parallel_loop3A_131 : vector<16xf32>
      %parallel_loop3A_133 = arith.minimumf %parallel_loop3A_103, %parallel_loop3A_131 : vector<16xf32>
      %parallel_loop3A_134 = arith.maximumf %parallel_loop3A_105, %parallel_loop3A_133 : vector<16xf32>
      %parallel_loop3A_135 = arith.minimumf %parallel_loop3A_105, %parallel_loop3A_133 : vector<16xf32>
      %parallel_loop3A_136 = arith.maximumf %parallel_loop3A_107, %parallel_loop3A_135 : vector<16xf32>
      %parallel_loop3A_137 = arith.minimumf %parallel_loop3A_107, %parallel_loop3A_135 : vector<16xf32>
      %parallel_loop3A_138 = arith.maximumf %parallel_loop3A_109, %parallel_loop3A_137 : vector<16xf32>
      %parallel_loop3A_139 = arith.minimumf %parallel_loop3A_109, %parallel_loop3A_137 : vector<16xf32>
      %parallel_loop3A_140 = arith.maximumf %parallel_loop3A_111, %parallel_loop3A_139 : vector<16xf32>
      %parallel_loop3A_141 = arith.minimumf %parallel_loop3A_111, %parallel_loop3A_139 : vector<16xf32>
      %parallel_loop3A_142 = arith.constant 4 : i32
      %parallel_loop3A_143 = vector.broadcast %parallel_loop3A_142 : i32 to vector<16xi32>
      %parallel_loop3A_144 = arith.addi %parallel_loop3A_23, %parallel_loop3A_143 : vector<16xi32>
      %parallel_loop3A_145 = tpu.vector_load_idx %arg6[%parallel_loop3A_144] : memref<65536xf32, #tpu.memory_space<vmem>>[vector<16xi32>], vector<16xf32>,
      %parallel_loop3A_146 = arith.addf %parallel_loop3A_145, %max3A_7 : vector<16xf32>
      %parallel_loop3A_147 = tpu.bitcast %parallel_loop3A_146 : vector<16xf32> -> vector<16xi32>
      %parallel_loop3A_148 = arith.constant -64 : i32
      %parallel_loop3A_149 = vector.broadcast %parallel_loop3A_148 : i32 to vector<16xi32>
      %parallel_loop3A_150 = arith.andi %parallel_loop3A_147, %parallel_loop3A_149 : vector<16xi32>
      %parallel_loop3A_151 = arith.constant 59 : i32
      %parallel_loop3A_152 = vector.broadcast %parallel_loop3A_151 : i32 to vector<16xi32>
      %parallel_loop3A_153 = arith.ori %parallel_loop3A_150, %parallel_loop3A_152 : vector<16xi32>
      %parallel_loop3A_154 = tpu.bitcast %parallel_loop3A_153 : vector<16xi32> -> vector<16xf32>
      %parallel_loop3A_155 = arith.maximumf %parallel_loop3A_126, %parallel_loop3A_154 : vector<16xf32>
      %parallel_loop3A_156 = arith.minimumf %parallel_loop3A_126, %parallel_loop3A_154 : vector<16xf32>
      %parallel_loop3A_157 = arith.maximumf %parallel_loop3A_128, %parallel_loop3A_156 : vector<16xf32>
      %parallel_loop3A_158 = arith.minimumf %parallel_loop3A_128, %parallel_loop3A_156 : vector<16xf32>
      %parallel_loop3A_159 = arith.maximumf %parallel_loop3A_130, %parallel_loop3A_158 : vector<16xf32>
      %parallel_loop3A_160 = arith.minimumf %parallel_loop3A_130, %parallel_loop3A_158 : vector<16xf32>
      %parallel_loop3A_161 = arith.maximumf %parallel_loop3A_132, %parallel_loop3A_160 : vector<16xf32>
      %parallel_loop3A_162 = arith.minimumf %parallel_loop3A_132, %parallel_loop3A_160 : vector<16xf32>
      %parallel_loop3A_163 = arith.maximumf %parallel_loop3A_134, %parallel_loop3A_162 : vector<16xf32>
      %parallel_loop3A_164 = arith.minimumf %parallel_loop3A_134, %parallel_loop3A_162 : vector<16xf32>
      %parallel_loop3A_165 = arith.maximumf %parallel_loop3A_136, %parallel_loop3A_164 : vector<16xf32>
      %parallel_loop3A_166 = arith.minimumf %parallel_loop3A_136, %parallel_loop3A_164 : vector<16xf32>
      %parallel_loop3A_167 = arith.maximumf %parallel_loop3A_138, %parallel_loop3A_166 : vector<16xf32>
      %parallel_loop3A_168 = arith.minimumf %parallel_loop3A_138, %parallel_loop3A_166 : vector<16xf32>
      %parallel_loop3A_169 = arith.maximumf %parallel_loop3A_140, %parallel_loop3A_168 : vector<16xf32>
      %parallel_loop3A_170 = arith.minimumf %parallel_loop3A_140, %parallel_loop3A_168 : vector<16xf32>
      %parallel_loop3A_171 = arith.constant 5 : i32
      %parallel_loop3A_172 = vector.broadcast %parallel_loop3A_171 : i32 to vector<16xi32>
      %parallel_loop3A_173 = arith.addi %parallel_loop3A_23, %parallel_loop3A_172 : vector<16xi32>
      %parallel_loop3A_174 = tpu.vector_load_idx %arg6[%parallel_loop3A_173] : memref<65536xf32, #tpu.memory_space<vmem>>[vector<16xi32>], vector<16xf32>,
      %parallel_loop3A_175 = arith.addf %parallel_loop3A_174, %max3A_7 : vector<16xf32>
      %parallel_loop3A_176 = tpu.bitcast %parallel_loop3A_175 : vector<16xf32> -> vector<16xi32>
      %parallel_loop3A_177 = arith.constant -64 : i32
      %parallel_loop3A_178 = vector.broadcast %parallel_loop3A_177 : i32 to vector<16xi32>
      %parallel_loop3A_179 = arith.andi %parallel_loop3A_176, %parallel_loop3A_178 : vector<16xi32>
      %parallel_loop3A_180 = arith.constant 58 : i32
      %parallel_loop3A_181 = vector.broadcast %parallel_loop3A_180 : i32 to vector<16xi32>
      %parallel_loop3A_182 = arith.ori %parallel_loop3A_179, %parallel_loop3A_181 : vector<16xi32>
      %parallel_loop3A_183 = tpu.bitcast %parallel_loop3A_182 : vector<16xi32> -> vector<16xf32>
      %parallel_loop3A_184 = arith.maximumf %parallel_loop3A_155, %parallel_loop3A_183 : vector<16xf32>
      %parallel_loop3A_185 = arith.minimumf %parallel_loop3A_155, %parallel_loop3A_183 : vector<16xf32>
      %parallel_loop3A_186 = arith.maximumf %parallel_loop3A_157, %parallel_loop3A_185 : vector<16xf32>
      %parallel_loop3A_187 = arith.minimumf %parallel_loop3A_157, %parallel_loop3A_185 : vector<16xf32>
      %parallel_loop3A_188 = arith.maximumf %parallel_loop3A_159, %parallel_loop3A_187 : vector<16xf32>
      %parallel_loop3A_189 = arith.minimumf %parallel_loop3A_159, %parallel_loop3A_187 : vector<16xf32>
      %parallel_loop3A_190 = arith.maximumf %parallel_loop3A_161, %parallel_loop3A_189 : vector<16xf32>
      %parallel_loop3A_191 = arith.minimumf %parallel_loop3A_161, %parallel_loop3A_189 : vector<16xf32>
      %parallel_loop3A_192 = arith.maximumf %parallel_loop3A_163, %parallel_loop3A_191 : vector<16xf32>
      %parallel_loop3A_193 = arith.minimumf %parallel_loop3A_163, %parallel_loop3A_191 : vector<16xf32>
      %parallel_loop3A_194 = arith.maximumf %parallel_loop3A_165, %parallel_loop3A_193 : vector<16xf32>
      %parallel_loop3A_195 = arith.minimumf %parallel_loop3A_165, %parallel_loop3A_193 : vector<16xf32>
      %parallel_loop3A_196 = arith.maximumf %parallel_loop3A_167, %parallel_loop3A_195 : vector<16xf32>
      %parallel_loop3A_197 = arith.minimumf %parallel_loop3A_167, %parallel_loop3A_195 : vector<16xf32>
      %parallel_loop3A_198 = arith.maximumf %parallel_loop3A_169, %parallel_loop3A_197 : vector<16xf32>
      %parallel_loop3A_199 = arith.minimumf %parallel_loop3A_169, %parallel_loop3A_197 : vector<16xf32>
      %parallel_loop3A_200 = arith.constant 6 : i32
      %parallel_loop3A_201 = vector.broadcast %parallel_loop3A_200 : i32 to vector<16xi32>
      %parallel_loop3A_202 = arith.addi %parallel_loop3A_23, %parallel_loop3A_201 : vector<16xi32>
      %parallel_loop3A_203 = tpu.vector_load_idx %arg6[%parallel_loop3A_202] : memref<65536xf32, #tpu.memory_space<vmem>>[vector<16xi32>], vector<16xf32>,
      %parallel_loop3A_204 = arith.addf %parallel_loop3A_203, %max3A_7 : vector<16xf32>
      %parallel_loop3A_205 = tpu.bitcast %parallel_loop3A_204 : vector<16xf32> -> vector<16xi32>
      %parallel_loop3A_206 = arith.constant -64 : i32
      %parallel_loop3A_207 = vector.broadcast %parallel_loop3A_206 : i32 to vector<16xi32>
      %parallel_loop3A_208 = arith.andi %parallel_loop3A_205, %parallel_loop3A_207 : vector<16xi32>
      %parallel_loop3A_209 = arith.constant 57 : i32
      %parallel_loop3A_210 = vector.broadcast %parallel_loop3A_209 : i32 to vector<16xi32>
      %parallel_loop3A_211 = arith.ori %parallel_loop3A_208, %parallel_loop3A_210 : vector<16xi32>
      %parallel_loop3A_212 = tpu.bitcast %parallel_loop3A_211 : vector<16xi32> -> vector<16xf32>
      %parallel_loop3A_213 = arith.maximumf %parallel_loop3A_184, %parallel_loop3A_212 : vector<16xf32>
      %parallel_loop3A_214 = arith.minimumf %parallel_loop3A_184, %parallel_loop3A_212 : vector<16xf32>
      %parallel_loop3A_215 = arith.maximumf %parallel_loop3A_186, %parallel_loop3A_214 : vector<16xf32>
      %parallel_loop3A_216 = arith.minimumf %parallel_loop3A_186, %parallel_loop3A_214 : vector<16xf32>
      %parallel_loop3A_217 = arith.maximumf %parallel_loop3A_188, %parallel_loop3A_216 : vector<16xf32>
      %parallel_loop3A_218 = arith.minimumf %parallel_loop3A_188, %parallel_loop3A_216 : vector<16xf32>
      %parallel_loop3A_219 = arith.maximumf %parallel_loop3A_190, %parallel_loop3A_218 : vector<16xf32>
      %parallel_loop3A_220 = arith.minimumf %parallel_loop3A_190, %parallel_loop3A_218 : vector<16xf32>
      %parallel_loop3A_221 = arith.maximumf %parallel_loop3A_192, %parallel_loop3A_220 : vector<16xf32>
      %parallel_loop3A_222 = arith.minimumf %parallel_loop3A_192, %parallel_loop3A_220 : vector<16xf32>
      %parallel_loop3A_223 = arith.maximumf %parallel_loop3A_194, %parallel_loop3A_222 : vector<16xf32>
      %parallel_loop3A_224 = arith.minimumf %parallel_loop3A_194, %parallel_loop3A_222 : vector<16xf32>
      %parallel_loop3A_225 = arith.maximumf %parallel_loop3A_196, %parallel_loop3A_224 : vector<16xf32>
      %parallel_loop3A_226 = arith.minimumf %parallel_loop3A_196, %parallel_loop3A_224 : vector<16xf32>
      %parallel_loop3A_227 = arith.maximumf %parallel_loop3A_198, %parallel_loop3A_226 : vector<16xf32>
      %parallel_loop3A_228 = arith.minimumf %parallel_loop3A_198, %parallel_loop3A_226 : vector<16xf32>
      %parallel_loop3A_229 = arith.constant 7 : i32
      %parallel_loop3A_230 = vector.broadcast %parallel_loop3A_229 : i32 to vector<16xi32>
      %parallel_loop3A_231 = arith.addi %parallel_loop3A_23, %parallel_loop3A_230 : vector<16xi32>
      %parallel_loop3A_232 = tpu.vector_load_idx %arg6[%parallel_loop3A_231] : memref<65536xf32, #tpu.memory_space<vmem>>[vector<16xi32>], vector<16xf32>,
      %parallel_loop3A_233 = arith.addf %parallel_loop3A_232, %max3A_7 : vector<16xf32>
      %parallel_loop3A_234 = tpu.bitcast %parallel_loop3A_233 : vector<16xf32> -> vector<16xi32>
      %parallel_loop3A_235 = arith.constant -64 : i32
      %parallel_loop3A_236 = vector.broadcast %parallel_loop3A_235 : i32 to vector<16xi32>
      %parallel_loop3A_237 = arith.andi %parallel_loop3A_234, %parallel_loop3A_236 : vector<16xi32>
      %parallel_loop3A_238 = arith.constant 56 : i32
      %parallel_loop3A_239 = vector.broadcast %parallel_loop3A_238 : i32 to vector<16xi32>
      %parallel_loop3A_240 = arith.ori %parallel_loop3A_237, %parallel_loop3A_239 : vector<16xi32>
      %parallel_loop3A_241 = tpu.bitcast %parallel_loop3A_240 : vector<16xi32> -> vector<16xf32>
      %parallel_loop3A_242 = arith.maximumf %parallel_loop3A_213, %parallel_loop3A_241 : vector<16xf32>
      %parallel_loop3A_243 = arith.minimumf %parallel_loop3A_213, %parallel_loop3A_241 : vector<16xf32>
      %parallel_loop3A_244 = arith.maximumf %parallel_loop3A_215, %parallel_loop3A_243 : vector<16xf32>
      %parallel_loop3A_245 = arith.minimumf %parallel_loop3A_215, %parallel_loop3A_243 : vector<16xf32>
      %parallel_loop3A_246 = arith.maximumf %parallel_loop3A_217, %parallel_loop3A_245 : vector<16xf32>
      %parallel_loop3A_247 = arith.minimumf %parallel_loop3A_217, %parallel_loop3A_245 : vector<16xf32>
      %parallel_loop3A_248 = arith.maximumf %parallel_loop3A_219, %parallel_loop3A_247 : vector<16xf32>
      %parallel_loop3A_249 = arith.minimumf %parallel_loop3A_219, %parallel_loop3A_247 : vector<16xf32>
      %parallel_loop3A_250 = arith.maximumf %parallel_loop3A_221, %parallel_loop3A_249 : vector<16xf32>
      %parallel_loop3A_251 = arith.minimumf %parallel_loop3A_221, %parallel_loop3A_249 : vector<16xf32>
      %parallel_loop3A_252 = arith.maximumf %parallel_loop3A_223, %parallel_loop3A_251 : vector<16xf32>
      %parallel_loop3A_253 = arith.minimumf %parallel_loop3A_223, %parallel_loop3A_251 : vector<16xf32>
      %parallel_loop3A_254 = arith.maximumf %parallel_loop3A_225, %parallel_loop3A_253 : vector<16xf32>
      %parallel_loop3A_255 = arith.minimumf %parallel_loop3A_225, %parallel_loop3A_253 : vector<16xf32>
      %parallel_loop3A_256 = arith.maximumf %parallel_loop3A_227, %parallel_loop3A_255 : vector<16xf32>
      %parallel_loop3A_257 = arith.minimumf %parallel_loop3A_227, %parallel_loop3A_255 : vector<16xf32>
      %parallel_loop3A_258 = arith.constant 8 : i32
      %parallel_loop3A_259 = vector.broadcast %parallel_loop3A_258 : i32 to vector<16xi32>
      %parallel_loop3A_260 = arith.addi %parallel_loop3A_23, %parallel_loop3A_259 : vector<16xi32>
      %parallel_loop3A_261 = tpu.vector_load_idx %arg6[%parallel_loop3A_260] : memref<65536xf32, #tpu.memory_space<vmem>>[vector<16xi32>], vector<16xf32>,
      %parallel_loop3A_262 = arith.addf %parallel_loop3A_261, %max3A_7 : vector<16xf32>
      %parallel_loop3A_263 = tpu.bitcast %parallel_loop3A_262 : vector<16xf32> -> vector<16xi32>
      %parallel_loop3A_264 = arith.constant -64 : i32
      %parallel_loop3A_265 = vector.broadcast %parallel_loop3A_264 : i32 to vector<16xi32>
      %parallel_loop3A_266 = arith.andi %parallel_loop3A_263, %parallel_loop3A_265 : vector<16xi32>
      %parallel_loop3A_267 = arith.constant 55 : i32
      %parallel_loop3A_268 = vector.broadcast %parallel_loop3A_267 : i32 to vector<16xi32>
      %parallel_loop3A_269 = arith.ori %parallel_loop3A_266, %parallel_loop3A_268 : vector<16xi32>
      %parallel_loop3A_270 = tpu.bitcast %parallel_loop3A_269 : vector<16xi32> -> vector<16xf32>
      %parallel_loop3A_271 = arith.maximumf %parallel_loop3A_242, %parallel_loop3A_270 : vector<16xf32>
      %parallel_loop3A_272 = arith.minimumf %parallel_loop3A_242, %parallel_loop3A_270 : vector<16xf32>
      %parallel_loop3A_273 = arith.maximumf %parallel_loop3A_244, %parallel_loop3A_272 : vector<16xf32>
      %parallel_loop3A_274 = arith.minimumf %parallel_loop3A_244, %parallel_loop3A_272 : vector<16xf32>
      %parallel_loop3A_275 = arith.maximumf %parallel_loop3A_246, %parallel_loop3A_274 : vector<16xf32>
      %parallel_loop3A_276 = arith.minimumf %parallel_loop3A_246, %parallel_loop3A_274 : vector<16xf32>
      %parallel_loop3A_277 = arith.maximumf %parallel_loop3A_248, %parallel_loop3A_276 : vector<16xf32>
      %parallel_loop3A_278 = arith.minimumf %parallel_loop3A_248, %parallel_loop3A_276 : vector<16xf32>
      %parallel_loop3A_279 = arith.maximumf %parallel_loop3A_250, %parallel_loop3A_278 : vector<16xf32>
      %parallel_loop3A_280 = arith.minimumf %parallel_loop3A_250, %parallel_loop3A_278 : vector<16xf32>
      %parallel_loop3A_281 = arith.maximumf %parallel_loop3A_252, %parallel_loop3A_280 : vector<16xf32>
      %parallel_loop3A_282 = arith.minimumf %parallel_loop3A_252, %parallel_loop3A_280 : vector<16xf32>
      %parallel_loop3A_283 = arith.maximumf %parallel_loop3A_254, %parallel_loop3A_282 : vector<16xf32>
      %parallel_loop3A_284 = arith.minimumf %parallel_loop3A_254, %parallel_loop3A_282 : vector<16xf32>
      %parallel_loop3A_285 = arith.maximumf %parallel_loop3A_256, %parallel_loop3A_284 : vector<16xf32>
      %parallel_loop3A_286 = arith.minimumf %parallel_loop3A_256, %parallel_loop3A_284 : vector<16xf32>
      %parallel_loop3A_287 = arith.constant 9 : i32
      %parallel_loop3A_288 = vector.broadcast %parallel_loop3A_287 : i32 to vector<16xi32>
      %parallel_loop3A_289 = arith.addi %parallel_loop3A_23, %parallel_loop3A_288 : vector<16xi32>
      %parallel_loop3A_290 = tpu.vector_load_idx %arg6[%parallel_loop3A_289] : memref<65536xf32, #tpu.memory_space<vmem>>[vector<16xi32>], vector<16xf32>,
      %parallel_loop3A_291 = arith.addf %parallel_loop3A_290, %max3A_7 : vector<16xf32>
      %parallel_loop3A_292 = tpu.bitcast %parallel_loop3A_291 : vector<16xf32> -> vector<16xi32>
      %parallel_loop3A_293 = arith.constant -64 : i32
      %parallel_loop3A_294 = vector.broadcast %parallel_loop3A_293 : i32 to vector<16xi32>
      %parallel_loop3A_295 = arith.andi %parallel_loop3A_292, %parallel_loop3A_294 : vector<16xi32>
      %parallel_loop3A_296 = arith.constant 54 : i32
      %parallel_loop3A_297 = vector.broadcast %parallel_loop3A_296 : i32 to vector<16xi32>
      %parallel_loop3A_298 = arith.ori %parallel_loop3A_295, %parallel_loop3A_297 : vector<16xi32>
      %parallel_loop3A_299 = tpu.bitcast %parallel_loop3A_298 : vector<16xi32> -> vector<16xf32>
      %parallel_loop3A_300 = arith.maximumf %parallel_loop3A_271, %parallel_loop3A_299 : vector<16xf32>
      %parallel_loop3A_301 = arith.minimumf %parallel_loop3A_271, %parallel_loop3A_299 : vector<16xf32>
      %parallel_loop3A_302 = arith.maximumf %parallel_loop3A_273, %parallel_loop3A_301 : vector<16xf32>
      %parallel_loop3A_303 = arith.minimumf %parallel_loop3A_273, %parallel_loop3A_301 : vector<16xf32>
      %parallel_loop3A_304 = arith.maximumf %parallel_loop3A_275, %parallel_loop3A_303 : vector<16xf32>
      %parallel_loop3A_305 = arith.minimumf %parallel_loop3A_275, %parallel_loop3A_303 : vector<16xf32>
      %parallel_loop3A_306 = arith.maximumf %parallel_loop3A_277, %parallel_loop3A_305 : vector<16xf32>
      %parallel_loop3A_307 = arith.minimumf %parallel_loop3A_277, %parallel_loop3A_305 : vector<16xf32>
      %parallel_loop3A_308 = arith.maximumf %parallel_loop3A_279, %parallel_loop3A_307 : vector<16xf32>
      %parallel_loop3A_309 = arith.minimumf %parallel_loop3A_279, %parallel_loop3A_307 : vector<16xf32>
      %parallel_loop3A_310 = arith.maximumf %parallel_loop3A_281, %parallel_loop3A_309 : vector<16xf32>
      %parallel_loop3A_311 = arith.minimumf %parallel_loop3A_281, %parallel_loop3A_309 : vector<16xf32>
      %parallel_loop3A_312 = arith.maximumf %parallel_loop3A_283, %parallel_loop3A_311 : vector<16xf32>
      %parallel_loop3A_313 = arith.minimumf %parallel_loop3A_283, %parallel_loop3A_311 : vector<16xf32>
      %parallel_loop3A_314 = arith.maximumf %parallel_loop3A_285, %parallel_loop3A_313 : vector<16xf32>
      %parallel_loop3A_315 = arith.minimumf %parallel_loop3A_285, %parallel_loop3A_313 : vector<16xf32>
      %parallel_loop3A_316 = arith.constant 10 : i32
      %parallel_loop3A_317 = vector.broadcast %parallel_loop3A_316 : i32 to vector<16xi32>
      %parallel_loop3A_318 = arith.addi %parallel_loop3A_23, %parallel_loop3A_317 : vector<16xi32>
      %parallel_loop3A_319 = tpu.vector_load_idx %arg6[%parallel_loop3A_318] : memref<65536xf32, #tpu.memory_space<vmem>>[vector<16xi32>], vector<16xf32>,
      %parallel_loop3A_320 = arith.addf %parallel_loop3A_319, %max3A_7 : vector<16xf32>
      %parallel_loop3A_321 = tpu.bitcast %parallel_loop3A_320 : vector<16xf32> -> vector<16xi32>
      %parallel_loop3A_322 = arith.constant -64 : i32
      %parallel_loop3A_323 = vector.broadcast %parallel_loop3A_322 : i32 to vector<16xi32>
      %parallel_loop3A_324 = arith.andi %parallel_loop3A_321, %parallel_loop3A_323 : vector<16xi32>
      %parallel_loop3A_325 = arith.constant 53 : i32
      %parallel_loop3A_326 = vector.broadcast %parallel_loop3A_325 : i32 to vector<16xi32>
      %parallel_loop3A_327 = arith.ori %parallel_loop3A_324, %parallel_loop3A_326 : vector<16xi32>
      %parallel_loop3A_328 = tpu.bitcast %parallel_loop3A_327 : vector<16xi32> -> vector<16xf32>
      %parallel_loop3A_329 = arith.maximumf %parallel_loop3A_300, %parallel_loop3A_328 : vector<16xf32>
      %parallel_loop3A_330 = arith.minimumf %parallel_loop3A_300, %parallel_loop3A_328 : vector<16xf32>
      %parallel_loop3A_331 = arith.maximumf %parallel_loop3A_302, %parallel_loop3A_330 : vector<16xf32>
      %parallel_loop3A_332 = arith.minimumf %parallel_loop3A_302, %parallel_loop3A_330 : vector<16xf32>
      %parallel_loop3A_333 = arith.maximumf %parallel_loop3A_304, %parallel_loop3A_332 : vector<16xf32>
      %parallel_loop3A_334 = arith.minimumf %parallel_loop3A_304, %parallel_loop3A_332 : vector<16xf32>
      %parallel_loop3A_335 = arith.maximumf %parallel_loop3A_306, %parallel_loop3A_334 : vector<16xf32>
      %parallel_loop3A_336 = arith.minimumf %parallel_loop3A_306, %parallel_loop3A_334 : vector<16xf32>
      %parallel_loop3A_337 = arith.maximumf %parallel_loop3A_308, %parallel_loop3A_336 : vector<16xf32>
      %parallel_loop3A_338 = arith.minimumf %parallel_loop3A_308, %parallel_loop3A_336 : vector<16xf32>
      %parallel_loop3A_339 = arith.maximumf %parallel_loop3A_310, %parallel_loop3A_338 : vector<16xf32>
      %parallel_loop3A_340 = arith.minimumf %parallel_loop3A_310, %parallel_loop3A_338 : vector<16xf32>
      %parallel_loop3A_341 = arith.maximumf %parallel_loop3A_312, %parallel_loop3A_340 : vector<16xf32>
      %parallel_loop3A_342 = arith.minimumf %parallel_loop3A_312, %parallel_loop3A_340 : vector<16xf32>
      %parallel_loop3A_343 = arith.maximumf %parallel_loop3A_314, %parallel_loop3A_342 : vector<16xf32>
      %parallel_loop3A_344 = arith.minimumf %parallel_loop3A_314, %parallel_loop3A_342 : vector<16xf32>
      %parallel_loop3A_345 = arith.constant 11 : i32
      %parallel_loop3A_346 = vector.broadcast %parallel_loop3A_345 : i32 to vector<16xi32>
      %parallel_loop3A_347 = arith.addi %parallel_loop3A_23, %parallel_loop3A_346 : vector<16xi32>
      %parallel_loop3A_348 = tpu.vector_load_idx %arg6[%parallel_loop3A_347] : memref<65536xf32, #tpu.memory_space<vmem>>[vector<16xi32>], vector<16xf32>,
      %parallel_loop3A_349 = arith.addf %parallel_loop3A_348, %max3A_7 : vector<16xf32>
      %parallel_loop3A_350 = tpu.bitcast %parallel_loop3A_349 : vector<16xf32> -> vector<16xi32>
      %parallel_loop3A_351 = arith.constant -64 : i32
      %parallel_loop3A_352 = vector.broadcast %parallel_loop3A_351 : i32 to vector<16xi32>
      %parallel_loop3A_353 = arith.andi %parallel_loop3A_350, %parallel_loop3A_352 : vector<16xi32>
      %parallel_loop3A_354 = arith.constant 52 : i32
      %parallel_loop3A_355 = vector.broadcast %parallel_loop3A_354 : i32 to vector<16xi32>
      %parallel_loop3A_356 = arith.ori %parallel_loop3A_353, %parallel_loop3A_355 : vector<16xi32>
      %parallel_loop3A_357 = tpu.bitcast %parallel_loop3A_356 : vector<16xi32> -> vector<16xf32>
      %parallel_loop3A_358 = arith.maximumf %parallel_loop3A_329, %parallel_loop3A_357 : vector<16xf32>
      %parallel_loop3A_359 = arith.minimumf %parallel_loop3A_329, %parallel_loop3A_357 : vector<16xf32>
      %parallel_loop3A_360 = arith.maximumf %parallel_loop3A_331, %parallel_loop3A_359 : vector<16xf32>
      %parallel_loop3A_361 = arith.minimumf %parallel_loop3A_331, %parallel_loop3A_359 : vector<16xf32>
      %parallel_loop3A_362 = arith.maximumf %parallel_loop3A_333, %parallel_loop3A_361 : vector<16xf32>
      %parallel_loop3A_363 = arith.minimumf %parallel_loop3A_333, %parallel_loop3A_361 : vector<16xf32>
      %parallel_loop3A_364 = arith.maximumf %parallel_loop3A_335, %parallel_loop3A_363 : vector<16xf32>
      %parallel_loop3A_365 = arith.minimumf %parallel_loop3A_335, %parallel_loop3A_363 : vector<16xf32>
      %parallel_loop3A_366 = arith.maximumf %parallel_loop3A_337, %parallel_loop3A_365 : vector<16xf32>
      %parallel_loop3A_367 = arith.minimumf %parallel_loop3A_337, %parallel_loop3A_365 : vector<16xf32>
      %parallel_loop3A_368 = arith.maximumf %parallel_loop3A_339, %parallel_loop3A_367 : vector<16xf32>
      %parallel_loop3A_369 = arith.minimumf %parallel_loop3A_339, %parallel_loop3A_367 : vector<16xf32>
      %parallel_loop3A_370 = arith.maximumf %parallel_loop3A_341, %parallel_loop3A_369 : vector<16xf32>
      %parallel_loop3A_371 = arith.minimumf %parallel_loop3A_341, %parallel_loop3A_369 : vector<16xf32>
      %parallel_loop3A_372 = arith.maximumf %parallel_loop3A_343, %parallel_loop3A_371 : vector<16xf32>
      %parallel_loop3A_373 = arith.minimumf %parallel_loop3A_343, %parallel_loop3A_371 : vector<16xf32>
      %parallel_loop3A_374 = arith.constant 12 : i32
      %parallel_loop3A_375 = vector.broadcast %parallel_loop3A_374 : i32 to vector<16xi32>
      %parallel_loop3A_376 = arith.addi %parallel_loop3A_23, %parallel_loop3A_375 : vector<16xi32>
      %parallel_loop3A_377 = tpu.vector_load_idx %arg6[%parallel_loop3A_376] : memref<65536xf32, #tpu.memory_space<vmem>>[vector<16xi32>], vector<16xf32>,
      %parallel_loop3A_378 = arith.addf %parallel_loop3A_377, %max3A_7 : vector<16xf32>
      %parallel_loop3A_379 = tpu.bitcast %parallel_loop3A_378 : vector<16xf32> -> vector<16xi32>
      %parallel_loop3A_380 = arith.constant -64 : i32
      %parallel_loop3A_381 = vector.broadcast %parallel_loop3A_380 : i32 to vector<16xi32>
      %parallel_loop3A_382 = arith.andi %parallel_loop3A_379, %parallel_loop3A_381 : vector<16xi32>
      %parallel_loop3A_383 = arith.constant 51 : i32
      %parallel_loop3A_384 = vector.broadcast %parallel_loop3A_383 : i32 to vector<16xi32>
      %parallel_loop3A_385 = arith.ori %parallel_loop3A_382, %parallel_loop3A_384 : vector<16xi32>
      %parallel_loop3A_386 = tpu.bitcast %parallel_loop3A_385 : vector<16xi32> -> vector<16xf32>
      %parallel_loop3A_387 = arith.maximumf %parallel_loop3A_358, %parallel_loop3A_386 : vector<16xf32>
      %parallel_loop3A_388 = arith.minimumf %parallel_loop3A_358, %parallel_loop3A_386 : vector<16xf32>
      %parallel_loop3A_389 = arith.maximumf %parallel_loop3A_360, %parallel_loop3A_388 : vector<16xf32>
      %parallel_loop3A_390 = arith.minimumf %parallel_loop3A_360, %parallel_loop3A_388 : vector<16xf32>
      %parallel_loop3A_391 = arith.maximumf %parallel_loop3A_362, %parallel_loop3A_390 : vector<16xf32>
      %parallel_loop3A_392 = arith.minimumf %parallel_loop3A_362, %parallel_loop3A_390 : vector<16xf32>
      %parallel_loop3A_393 = arith.maximumf %parallel_loop3A_364, %parallel_loop3A_392 : vector<16xf32>
      %parallel_loop3A_394 = arith.minimumf %parallel_loop3A_364, %parallel_loop3A_392 : vector<16xf32>
      %parallel_loop3A_395 = arith.maximumf %parallel_loop3A_366, %parallel_loop3A_394 : vector<16xf32>
      %parallel_loop3A_396 = arith.minimumf %parallel_loop3A_366, %parallel_loop3A_394 : vector<16xf32>
      %parallel_loop3A_397 = arith.maximumf %parallel_loop3A_368, %parallel_loop3A_396 : vector<16xf32>
      %parallel_loop3A_398 = arith.minimumf %parallel_loop3A_368, %parallel_loop3A_396 : vector<16xf32>
      %parallel_loop3A_399 = arith.maximumf %parallel_loop3A_370, %parallel_loop3A_398 : vector<16xf32>
      %parallel_loop3A_400 = arith.minimumf %parallel_loop3A_370, %parallel_loop3A_398 : vector<16xf32>
      %parallel_loop3A_401 = arith.maximumf %parallel_loop3A_372, %parallel_loop3A_400 : vector<16xf32>
      %parallel_loop3A_402 = arith.minimumf %parallel_loop3A_372, %parallel_loop3A_400 : vector<16xf32>
      %parallel_loop3A_403 = arith.constant 13 : i32
      %parallel_loop3A_404 = vector.broadcast %parallel_loop3A_403 : i32 to vector<16xi32>
      %parallel_loop3A_405 = arith.addi %parallel_loop3A_23, %parallel_loop3A_404 : vector<16xi32>
      %parallel_loop3A_406 = tpu.vector_load_idx %arg6[%parallel_loop3A_405] : memref<65536xf32, #tpu.memory_space<vmem>>[vector<16xi32>], vector<16xf32>,
      %parallel_loop3A_407 = arith.addf %parallel_loop3A_406, %max3A_7 : vector<16xf32>
      %parallel_loop3A_408 = tpu.bitcast %parallel_loop3A_407 : vector<16xf32> -> vector<16xi32>
      %parallel_loop3A_409 = arith.constant -64 : i32
      %parallel_loop3A_410 = vector.broadcast %parallel_loop3A_409 : i32 to vector<16xi32>
      %parallel_loop3A_411 = arith.andi %parallel_loop3A_408, %parallel_loop3A_410 : vector<16xi32>
      %parallel_loop3A_412 = arith.constant 50 : i32
      %parallel_loop3A_413 = vector.broadcast %parallel_loop3A_412 : i32 to vector<16xi32>
      %parallel_loop3A_414 = arith.ori %parallel_loop3A_411, %parallel_loop3A_413 : vector<16xi32>
      %parallel_loop3A_415 = tpu.bitcast %parallel_loop3A_414 : vector<16xi32> -> vector<16xf32>
      %parallel_loop3A_416 = arith.maximumf %parallel_loop3A_387, %parallel_loop3A_415 : vector<16xf32>
      %parallel_loop3A_417 = arith.minimumf %parallel_loop3A_387, %parallel_loop3A_415 : vector<16xf32>
      %parallel_loop3A_418 = arith.maximumf %parallel_loop3A_389, %parallel_loop3A_417 : vector<16xf32>
      %parallel_loop3A_419 = arith.minimumf %parallel_loop3A_389, %parallel_loop3A_417 : vector<16xf32>
      %parallel_loop3A_420 = arith.maximumf %parallel_loop3A_391, %parallel_loop3A_419 : vector<16xf32>
      %parallel_loop3A_421 = arith.minimumf %parallel_loop3A_391, %parallel_loop3A_419 : vector<16xf32>
      %parallel_loop3A_422 = arith.maximumf %parallel_loop3A_393, %parallel_loop3A_421 : vector<16xf32>
      %parallel_loop3A_423 = arith.minimumf %parallel_loop3A_393, %parallel_loop3A_421 : vector<16xf32>
      %parallel_loop3A_424 = arith.maximumf %parallel_loop3A_395, %parallel_loop3A_423 : vector<16xf32>
      %parallel_loop3A_425 = arith.minimumf %parallel_loop3A_395, %parallel_loop3A_423 : vector<16xf32>
      %parallel_loop3A_426 = arith.maximumf %parallel_loop3A_397, %parallel_loop3A_425 : vector<16xf32>
      %parallel_loop3A_427 = arith.minimumf %parallel_loop3A_397, %parallel_loop3A_425 : vector<16xf32>
      %parallel_loop3A_428 = arith.maximumf %parallel_loop3A_399, %parallel_loop3A_427 : vector<16xf32>
      %parallel_loop3A_429 = arith.minimumf %parallel_loop3A_399, %parallel_loop3A_427 : vector<16xf32>
      %parallel_loop3A_430 = arith.maximumf %parallel_loop3A_401, %parallel_loop3A_429 : vector<16xf32>
      %parallel_loop3A_431 = arith.minimumf %parallel_loop3A_401, %parallel_loop3A_429 : vector<16xf32>
      %parallel_loop3A_432 = arith.constant 14 : i32
      %parallel_loop3A_433 = vector.broadcast %parallel_loop3A_432 : i32 to vector<16xi32>
      %parallel_loop3A_434 = arith.addi %parallel_loop3A_23, %parallel_loop3A_433 : vector<16xi32>
      %parallel_loop3A_435 = tpu.vector_load_idx %arg6[%parallel_loop3A_434] : memref<65536xf32, #tpu.memory_space<vmem>>[vector<16xi32>], vector<16xf32>,
      %parallel_loop3A_436 = arith.addf %parallel_loop3A_435, %max3A_7 : vector<16xf32>
      %parallel_loop3A_437 = tpu.bitcast %parallel_loop3A_436 : vector<16xf32> -> vector<16xi32>
      %parallel_loop3A_438 = arith.constant -64 : i32
      %parallel_loop3A_439 = vector.broadcast %parallel_loop3A_438 : i32 to vector<16xi32>
      %parallel_loop3A_440 = arith.andi %parallel_loop3A_437, %parallel_loop3A_439 : vector<16xi32>
      %parallel_loop3A_441 = arith.constant 49 : i32
      %parallel_loop3A_442 = vector.broadcast %parallel_loop3A_441 : i32 to vector<16xi32>
      %parallel_loop3A_443 = arith.ori %parallel_loop3A_440, %parallel_loop3A_442 : vector<16xi32>
      %parallel_loop3A_444 = tpu.bitcast %parallel_loop3A_443 : vector<16xi32> -> vector<16xf32>
      %parallel_loop3A_445 = arith.maximumf %parallel_loop3A_416, %parallel_loop3A_444 : vector<16xf32>
      %parallel_loop3A_446 = arith.minimumf %parallel_loop3A_416, %parallel_loop3A_444 : vector<16xf32>
      %parallel_loop3A_447 = arith.maximumf %parallel_loop3A_418, %parallel_loop3A_446 : vector<16xf32>
      %parallel_loop3A_448 = arith.minimumf %parallel_loop3A_418, %parallel_loop3A_446 : vector<16xf32>
      %parallel_loop3A_449 = arith.maximumf %parallel_loop3A_420, %parallel_loop3A_448 : vector<16xf32>
      %parallel_loop3A_450 = arith.minimumf %parallel_loop3A_420, %parallel_loop3A_448 : vector<16xf32>
      %parallel_loop3A_451 = arith.maximumf %parallel_loop3A_422, %parallel_loop3A_450 : vector<16xf32>
      %parallel_loop3A_452 = arith.minimumf %parallel_loop3A_422, %parallel_loop3A_450 : vector<16xf32>
      %parallel_loop3A_453 = arith.maximumf %parallel_loop3A_424, %parallel_loop3A_452 : vector<16xf32>
      %parallel_loop3A_454 = arith.minimumf %parallel_loop3A_424, %parallel_loop3A_452 : vector<16xf32>
      %parallel_loop3A_455 = arith.maximumf %parallel_loop3A_426, %parallel_loop3A_454 : vector<16xf32>
      %parallel_loop3A_456 = arith.minimumf %parallel_loop3A_426, %parallel_loop3A_454 : vector<16xf32>
      %parallel_loop3A_457 = arith.maximumf %parallel_loop3A_428, %parallel_loop3A_456 : vector<16xf32>
      %parallel_loop3A_458 = arith.minimumf %parallel_loop3A_428, %parallel_loop3A_456 : vector<16xf32>
      %parallel_loop3A_459 = arith.maximumf %parallel_loop3A_430, %parallel_loop3A_458 : vector<16xf32>
      %parallel_loop3A_460 = arith.minimumf %parallel_loop3A_430, %parallel_loop3A_458 : vector<16xf32>
      %parallel_loop3A_461 = arith.constant 15 : i32
      %parallel_loop3A_462 = vector.broadcast %parallel_loop3A_461 : i32 to vector<16xi32>
      %parallel_loop3A_463 = arith.addi %parallel_loop3A_23, %parallel_loop3A_462 : vector<16xi32>
      %parallel_loop3A_464 = tpu.vector_load_idx %arg6[%parallel_loop3A_463] : memref<65536xf32, #tpu.memory_space<vmem>>[vector<16xi32>], vector<16xf32>,
      %parallel_loop3A_465 = arith.addf %parallel_loop3A_464, %max3A_7 : vector<16xf32>
      %parallel_loop3A_466 = tpu.bitcast %parallel_loop3A_465 : vector<16xf32> -> vector<16xi32>
      %parallel_loop3A_467 = arith.constant -64 : i32
      %parallel_loop3A_468 = vector.broadcast %parallel_loop3A_467 : i32 to vector<16xi32>
      %parallel_loop3A_469 = arith.andi %parallel_loop3A_466, %parallel_loop3A_468 : vector<16xi32>
      %parallel_loop3A_470 = arith.constant 48 : i32
      %parallel_loop3A_471 = vector.broadcast %parallel_loop3A_470 : i32 to vector<16xi32>
      %parallel_loop3A_472 = arith.ori %parallel_loop3A_469, %parallel_loop3A_471 : vector<16xi32>
      %parallel_loop3A_473 = tpu.bitcast %parallel_loop3A_472 : vector<16xi32> -> vector<16xf32>
      %parallel_loop3A_474 = arith.maximumf %parallel_loop3A_445, %parallel_loop3A_473 : vector<16xf32>
      %parallel_loop3A_475 = arith.minimumf %parallel_loop3A_445, %parallel_loop3A_473 : vector<16xf32>
      %parallel_loop3A_476 = arith.maximumf %parallel_loop3A_447, %parallel_loop3A_475 : vector<16xf32>
      %parallel_loop3A_477 = arith.minimumf %parallel_loop3A_447, %parallel_loop3A_475 : vector<16xf32>
      %parallel_loop3A_478 = arith.maximumf %parallel_loop3A_449, %parallel_loop3A_477 : vector<16xf32>
      %parallel_loop3A_479 = arith.minimumf %parallel_loop3A_449, %parallel_loop3A_477 : vector<16xf32>
      %parallel_loop3A_480 = arith.maximumf %parallel_loop3A_451, %parallel_loop3A_479 : vector<16xf32>
      %parallel_loop3A_481 = arith.minimumf %parallel_loop3A_451, %parallel_loop3A_479 : vector<16xf32>
      %parallel_loop3A_482 = arith.maximumf %parallel_loop3A_453, %parallel_loop3A_481 : vector<16xf32>
      %parallel_loop3A_483 = arith.minimumf %parallel_loop3A_453, %parallel_loop3A_481 : vector<16xf32>
      %parallel_loop3A_484 = arith.maximumf %parallel_loop3A_455, %parallel_loop3A_483 : vector<16xf32>
      %parallel_loop3A_485 = arith.minimumf %parallel_loop3A_455, %parallel_loop3A_483 : vector<16xf32>
      %parallel_loop3A_486 = arith.maximumf %parallel_loop3A_457, %parallel_loop3A_485 : vector<16xf32>
      %parallel_loop3A_487 = arith.minimumf %parallel_loop3A_457, %parallel_loop3A_485 : vector<16xf32>
      %parallel_loop3A_488 = arith.maximumf %parallel_loop3A_459, %parallel_loop3A_487 : vector<16xf32>
      %parallel_loop3A_489 = arith.minimumf %parallel_loop3A_459, %parallel_loop3A_487 : vector<16xf32>
      %parallel_loop3A_490 = arith.constant 16 : i32
      %parallel_loop3A_491 = vector.broadcast %parallel_loop3A_490 : i32 to vector<16xi32>
      %parallel_loop3A_492 = arith.addi %parallel_loop3A_23, %parallel_loop3A_491 : vector<16xi32>
      %parallel_loop3A_493 = tpu.vector_load_idx %arg6[%parallel_loop3A_492] : memref<65536xf32, #tpu.memory_space<vmem>>[vector<16xi32>], vector<16xf32>,
      %parallel_loop3A_494 = arith.addf %parallel_loop3A_493, %max3A_7 : vector<16xf32>
      %parallel_loop3A_495 = tpu.bitcast %parallel_loop3A_494 : vector<16xf32> -> vector<16xi32>
      %parallel_loop3A_496 = arith.constant -64 : i32
      %parallel_loop3A_497 = vector.broadcast %parallel_loop3A_496 : i32 to vector<16xi32>
      %parallel_loop3A_498 = arith.andi %parallel_loop3A_495, %parallel_loop3A_497 : vector<16xi32>
      %parallel_loop3A_499 = arith.constant 47 : i32
      %parallel_loop3A_500 = vector.broadcast %parallel_loop3A_499 : i32 to vector<16xi32>
      %parallel_loop3A_501 = arith.ori %parallel_loop3A_498, %parallel_loop3A_500 : vector<16xi32>
      %parallel_loop3A_502 = tpu.bitcast %parallel_loop3A_501 : vector<16xi32> -> vector<16xf32>
      %parallel_loop3A_503 = arith.maximumf %parallel_loop3A_474, %parallel_loop3A_502 : vector<16xf32>
      %parallel_loop3A_504 = arith.minimumf %parallel_loop3A_474, %parallel_loop3A_502 : vector<16xf32>
      %parallel_loop3A_505 = arith.maximumf %parallel_loop3A_476, %parallel_loop3A_504 : vector<16xf32>
      %parallel_loop3A_506 = arith.minimumf %parallel_loop3A_476, %parallel_loop3A_504 : vector<16xf32>
      %parallel_loop3A_507 = arith.maximumf %parallel_loop3A_478, %parallel_loop3A_506 : vector<16xf32>
      %parallel_loop3A_508 = arith.minimumf %parallel_loop3A_478, %parallel_loop3A_506 : vector<16xf32>
      %parallel_loop3A_509 = arith.maximumf %parallel_loop3A_480, %parallel_loop3A_508 : vector<16xf32>
      %parallel_loop3A_510 = arith.minimumf %parallel_loop3A_480, %parallel_loop3A_508 : vector<16xf32>
      %parallel_loop3A_511 = arith.maximumf %parallel_loop3A_482, %parallel_loop3A_510 : vector<16xf32>
      %parallel_loop3A_512 = arith.minimumf %parallel_loop3A_482, %parallel_loop3A_510 : vector<16xf32>
      %parallel_loop3A_513 = arith.maximumf %parallel_loop3A_484, %parallel_loop3A_512 : vector<16xf32>
      %parallel_loop3A_514 = arith.minimumf %parallel_loop3A_484, %parallel_loop3A_512 : vector<16xf32>
      %parallel_loop3A_515 = arith.maximumf %parallel_loop3A_486, %parallel_loop3A_514 : vector<16xf32>
      %parallel_loop3A_516 = arith.minimumf %parallel_loop3A_486, %parallel_loop3A_514 : vector<16xf32>
      %parallel_loop3A_517 = arith.maximumf %parallel_loop3A_488, %parallel_loop3A_516 : vector<16xf32>
      %parallel_loop3A_518 = arith.minimumf %parallel_loop3A_488, %parallel_loop3A_516 : vector<16xf32>
      %parallel_loop3A_519 = arith.constant 17 : i32
      %parallel_loop3A_520 = vector.broadcast %parallel_loop3A_519 : i32 to vector<16xi32>
      %parallel_loop3A_521 = arith.addi %parallel_loop3A_23, %parallel_loop3A_520 : vector<16xi32>
      %parallel_loop3A_522 = tpu.vector_load_idx %arg6[%parallel_loop3A_521] : memref<65536xf32, #tpu.memory_space<vmem>>[vector<16xi32>], vector<16xf32>,
      %parallel_loop3A_523 = arith.addf %parallel_loop3A_522, %max3A_7 : vector<16xf32>
      %parallel_loop3A_524 = tpu.bitcast %parallel_loop3A_523 : vector<16xf32> -> vector<16xi32>
      %parallel_loop3A_525 = arith.constant -64 : i32
      %parallel_loop3A_526 = vector.broadcast %parallel_loop3A_525 : i32 to vector<16xi32>
      %parallel_loop3A_527 = arith.andi %parallel_loop3A_524, %parallel_loop3A_526 : vector<16xi32>
      %parallel_loop3A_528 = arith.constant 46 : i32
      %parallel_loop3A_529 = vector.broadcast %parallel_loop3A_528 : i32 to vector<16xi32>
      %parallel_loop3A_530 = arith.ori %parallel_loop3A_527, %parallel_loop3A_529 : vector<16xi32>
      %parallel_loop3A_531 = tpu.bitcast %parallel_loop3A_530 : vector<16xi32> -> vector<16xf32>
      %parallel_loop3A_532 = arith.maximumf %parallel_loop3A_503, %parallel_loop3A_531 : vector<16xf32>
      %parallel_loop3A_533 = arith.minimumf %parallel_loop3A_503, %parallel_loop3A_531 : vector<16xf32>
      %parallel_loop3A_534 = arith.maximumf %parallel_loop3A_505, %parallel_loop3A_533 : vector<16xf32>
      %parallel_loop3A_535 = arith.minimumf %parallel_loop3A_505, %parallel_loop3A_533 : vector<16xf32>
      %parallel_loop3A_536 = arith.maximumf %parallel_loop3A_507, %parallel_loop3A_535 : vector<16xf32>
      %parallel_loop3A_537 = arith.minimumf %parallel_loop3A_507, %parallel_loop3A_535 : vector<16xf32>
      %parallel_loop3A_538 = arith.maximumf %parallel_loop3A_509, %parallel_loop3A_537 : vector<16xf32>
      %parallel_loop3A_539 = arith.minimumf %parallel_loop3A_509, %parallel_loop3A_537 : vector<16xf32>
      %parallel_loop3A_540 = arith.maximumf %parallel_loop3A_511, %parallel_loop3A_539 : vector<16xf32>
      %parallel_loop3A_541 = arith.minimumf %parallel_loop3A_511, %parallel_loop3A_539 : vector<16xf32>
      %parallel_loop3A_542 = arith.maximumf %parallel_loop3A_513, %parallel_loop3A_541 : vector<16xf32>
      %parallel_loop3A_543 = arith.minimumf %parallel_loop3A_513, %parallel_loop3A_541 : vector<16xf32>
      %parallel_loop3A_544 = arith.maximumf %parallel_loop3A_515, %parallel_loop3A_543 : vector<16xf32>
      %parallel_loop3A_545 = arith.minimumf %parallel_loop3A_515, %parallel_loop3A_543 : vector<16xf32>
      %parallel_loop3A_546 = arith.maximumf %parallel_loop3A_517, %parallel_loop3A_545 : vector<16xf32>
      %parallel_loop3A_547 = arith.minimumf %parallel_loop3A_517, %parallel_loop3A_545 : vector<16xf32>
      %parallel_loop3A_548 = arith.constant 18 : i32
      %parallel_loop3A_549 = vector.broadcast %parallel_loop3A_548 : i32 to vector<16xi32>
      %parallel_loop3A_550 = arith.addi %parallel_loop3A_23, %parallel_loop3A_549 : vector<16xi32>
      %parallel_loop3A_551 = tpu.vector_load_idx %arg6[%parallel_loop3A_550] : memref<65536xf32, #tpu.memory_space<vmem>>[vector<16xi32>], vector<16xf32>,
      %parallel_loop3A_552 = arith.addf %parallel_loop3A_551, %max3A_7 : vector<16xf32>
      %parallel_loop3A_553 = tpu.bitcast %parallel_loop3A_552 : vector<16xf32> -> vector<16xi32>
      %parallel_loop3A_554 = arith.constant -64 : i32
      %parallel_loop3A_555 = vector.broadcast %parallel_loop3A_554 : i32 to vector<16xi32>
      %parallel_loop3A_556 = arith.andi %parallel_loop3A_553, %parallel_loop3A_555 : vector<16xi32>
      %parallel_loop3A_557 = arith.constant 45 : i32
      %parallel_loop3A_558 = vector.broadcast %parallel_loop3A_557 : i32 to vector<16xi32>
      %parallel_loop3A_559 = arith.ori %parallel_loop3A_556, %parallel_loop3A_558 : vector<16xi32>
      %parallel_loop3A_560 = tpu.bitcast %parallel_loop3A_559 : vector<16xi32> -> vector<16xf32>
      %parallel_loop3A_561 = arith.maximumf %parallel_loop3A_532, %parallel_loop3A_560 : vector<16xf32>
      %parallel_loop3A_562 = arith.minimumf %parallel_loop3A_532, %parallel_loop3A_560 : vector<16xf32>
      %parallel_loop3A_563 = arith.maximumf %parallel_loop3A_534, %parallel_loop3A_562 : vector<16xf32>
      %parallel_loop3A_564 = arith.minimumf %parallel_loop3A_534, %parallel_loop3A_562 : vector<16xf32>
      %parallel_loop3A_565 = arith.maximumf %parallel_loop3A_536, %parallel_loop3A_564 : vector<16xf32>
      %parallel_loop3A_566 = arith.minimumf %parallel_loop3A_536, %parallel_loop3A_564 : vector<16xf32>
      %parallel_loop3A_567 = arith.maximumf %parallel_loop3A_538, %parallel_loop3A_566 : vector<16xf32>
      %parallel_loop3A_568 = arith.minimumf %parallel_loop3A_538, %parallel_loop3A_566 : vector<16xf32>
      %parallel_loop3A_569 = arith.maximumf %parallel_loop3A_540, %parallel_loop3A_568 : vector<16xf32>
      %parallel_loop3A_570 = arith.minimumf %parallel_loop3A_540, %parallel_loop3A_568 : vector<16xf32>
      %parallel_loop3A_571 = arith.maximumf %parallel_loop3A_542, %parallel_loop3A_570 : vector<16xf32>
      %parallel_loop3A_572 = arith.minimumf %parallel_loop3A_542, %parallel_loop3A_570 : vector<16xf32>
      %parallel_loop3A_573 = arith.maximumf %parallel_loop3A_544, %parallel_loop3A_572 : vector<16xf32>
      %parallel_loop3A_574 = arith.minimumf %parallel_loop3A_544, %parallel_loop3A_572 : vector<16xf32>
      %parallel_loop3A_575 = arith.maximumf %parallel_loop3A_546, %parallel_loop3A_574 : vector<16xf32>
      %parallel_loop3A_576 = arith.minimumf %parallel_loop3A_546, %parallel_loop3A_574 : vector<16xf32>
      %parallel_loop3A_577 = arith.constant 19 : i32
      %parallel_loop3A_578 = vector.broadcast %parallel_loop3A_577 : i32 to vector<16xi32>
      %parallel_loop3A_579 = arith.addi %parallel_loop3A_23, %parallel_loop3A_578 : vector<16xi32>
      %parallel_loop3A_580 = tpu.vector_load_idx %arg6[%parallel_loop3A_579] : memref<65536xf32, #tpu.memory_space<vmem>>[vector<16xi32>], vector<16xf32>,
      %parallel_loop3A_581 = arith.addf %parallel_loop3A_580, %max3A_7 : vector<16xf32>
      %parallel_loop3A_582 = tpu.bitcast %parallel_loop3A_581 : vector<16xf32> -> vector<16xi32>
      %parallel_loop3A_583 = arith.constant -64 : i32
      %parallel_loop3A_584 = vector.broadcast %parallel_loop3A_583 : i32 to vector<16xi32>
      %parallel_loop3A_585 = arith.andi %parallel_loop3A_582, %parallel_loop3A_584 : vector<16xi32>
      %parallel_loop3A_586 = arith.constant 44 : i32
      %parallel_loop3A_587 = vector.broadcast %parallel_loop3A_586 : i32 to vector<16xi32>
      %parallel_loop3A_588 = arith.ori %parallel_loop3A_585, %parallel_loop3A_587 : vector<16xi32>
      %parallel_loop3A_589 = tpu.bitcast %parallel_loop3A_588 : vector<16xi32> -> vector<16xf32>
      %parallel_loop3A_590 = arith.maximumf %parallel_loop3A_561, %parallel_loop3A_589 : vector<16xf32>
      %parallel_loop3A_591 = arith.minimumf %parallel_loop3A_561, %parallel_loop3A_589 : vector<16xf32>
      %parallel_loop3A_592 = arith.maximumf %parallel_loop3A_563, %parallel_loop3A_591 : vector<16xf32>
      %parallel_loop3A_593 = arith.minimumf %parallel_loop3A_563, %parallel_loop3A_591 : vector<16xf32>
      %parallel_loop3A_594 = arith.maximumf %parallel_loop3A_565, %parallel_loop3A_593 : vector<16xf32>
      %parallel_loop3A_595 = arith.minimumf %parallel_loop3A_565, %parallel_loop3A_593 : vector<16xf32>
      %parallel_loop3A_596 = arith.maximumf %parallel_loop3A_567, %parallel_loop3A_595 : vector<16xf32>
      %parallel_loop3A_597 = arith.minimumf %parallel_loop3A_567, %parallel_loop3A_595 : vector<16xf32>
      %parallel_loop3A_598 = arith.maximumf %parallel_loop3A_569, %parallel_loop3A_597 : vector<16xf32>
      %parallel_loop3A_599 = arith.minimumf %parallel_loop3A_569, %parallel_loop3A_597 : vector<16xf32>
      %parallel_loop3A_600 = arith.maximumf %parallel_loop3A_571, %parallel_loop3A_599 : vector<16xf32>
      %parallel_loop3A_601 = arith.minimumf %parallel_loop3A_571, %parallel_loop3A_599 : vector<16xf32>
      %parallel_loop3A_602 = arith.maximumf %parallel_loop3A_573, %parallel_loop3A_601 : vector<16xf32>
      %parallel_loop3A_603 = arith.minimumf %parallel_loop3A_573, %parallel_loop3A_601 : vector<16xf32>
      %parallel_loop3A_604 = arith.maximumf %parallel_loop3A_575, %parallel_loop3A_603 : vector<16xf32>
      %parallel_loop3A_605 = arith.minimumf %parallel_loop3A_575, %parallel_loop3A_603 : vector<16xf32>
      %parallel_loop3A_606 = arith.constant 20 : i32
      %parallel_loop3A_607 = vector.broadcast %parallel_loop3A_606 : i32 to vector<16xi32>
      %parallel_loop3A_608 = arith.addi %parallel_loop3A_23, %parallel_loop3A_607 : vector<16xi32>
      %parallel_loop3A_609 = tpu.vector_load_idx %arg6[%parallel_loop3A_608] : memref<65536xf32, #tpu.memory_space<vmem>>[vector<16xi32>], vector<16xf32>,
      %parallel_loop3A_610 = arith.addf %parallel_loop3A_609, %max3A_7 : vector<16xf32>
      %parallel_loop3A_611 = tpu.bitcast %parallel_loop3A_610 : vector<16xf32> -> vector<16xi32>
      %parallel_loop3A_612 = arith.constant -64 : i32
      %parallel_loop3A_613 = vector.broadcast %parallel_loop3A_612 : i32 to vector<16xi32>
      %parallel_loop3A_614 = arith.andi %parallel_loop3A_611, %parallel_loop3A_613 : vector<16xi32>
      %parallel_loop3A_615 = arith.constant 43 : i32
      %parallel_loop3A_616 = vector.broadcast %parallel_loop3A_615 : i32 to vector<16xi32>
      %parallel_loop3A_617 = arith.ori %parallel_loop3A_614, %parallel_loop3A_616 : vector<16xi32>
      %parallel_loop3A_618 = tpu.bitcast %parallel_loop3A_617 : vector<16xi32> -> vector<16xf32>
      %parallel_loop3A_619 = arith.maximumf %parallel_loop3A_590, %parallel_loop3A_618 : vector<16xf32>
      %parallel_loop3A_620 = arith.minimumf %parallel_loop3A_590, %parallel_loop3A_618 : vector<16xf32>
      %parallel_loop3A_621 = arith.maximumf %parallel_loop3A_592, %parallel_loop3A_620 : vector<16xf32>
      %parallel_loop3A_622 = arith.minimumf %parallel_loop3A_592, %parallel_loop3A_620 : vector<16xf32>
      %parallel_loop3A_623 = arith.maximumf %parallel_loop3A_594, %parallel_loop3A_622 : vector<16xf32>
      %parallel_loop3A_624 = arith.minimumf %parallel_loop3A_594, %parallel_loop3A_622 : vector<16xf32>
      %parallel_loop3A_625 = arith.maximumf %parallel_loop3A_596, %parallel_loop3A_624 : vector<16xf32>
      %parallel_loop3A_626 = arith.minimumf %parallel_loop3A_596, %parallel_loop3A_624 : vector<16xf32>
      %parallel_loop3A_627 = arith.maximumf %parallel_loop3A_598, %parallel_loop3A_626 : vector<16xf32>
      %parallel_loop3A_628 = arith.minimumf %parallel_loop3A_598, %parallel_loop3A_626 : vector<16xf32>
      %parallel_loop3A_629 = arith.maximumf %parallel_loop3A_600, %parallel_loop3A_628 : vector<16xf32>
      %parallel_loop3A_630 = arith.minimumf %parallel_loop3A_600, %parallel_loop3A_628 : vector<16xf32>
      %parallel_loop3A_631 = arith.maximumf %parallel_loop3A_602, %parallel_loop3A_630 : vector<16xf32>
      %parallel_loop3A_632 = arith.minimumf %parallel_loop3A_602, %parallel_loop3A_630 : vector<16xf32>
      %parallel_loop3A_633 = arith.maximumf %parallel_loop3A_604, %parallel_loop3A_632 : vector<16xf32>
      %parallel_loop3A_634 = arith.minimumf %parallel_loop3A_604, %parallel_loop3A_632 : vector<16xf32>
      %parallel_loop3A_635 = arith.constant 21 : i32
      %parallel_loop3A_636 = vector.broadcast %parallel_loop3A_635 : i32 to vector<16xi32>
      %parallel_loop3A_637 = arith.addi %parallel_loop3A_23, %parallel_loop3A_636 : vector<16xi32>
      %parallel_loop3A_638 = tpu.vector_load_idx %arg6[%parallel_loop3A_637] : memref<65536xf32, #tpu.memory_space<vmem>>[vector<16xi32>], vector<16xf32>,
      %parallel_loop3A_639 = arith.addf %parallel_loop3A_638, %max3A_7 : vector<16xf32>
      %parallel_loop3A_640 = tpu.bitcast %parallel_loop3A_639 : vector<16xf32> -> vector<16xi32>
      %parallel_loop3A_641 = arith.constant -64 : i32
      %parallel_loop3A_642 = vector.broadcast %parallel_loop3A_641 : i32 to vector<16xi32>
      %parallel_loop3A_643 = arith.andi %parallel_loop3A_640, %parallel_loop3A_642 : vector<16xi32>
      %parallel_loop3A_644 = arith.constant 42 : i32
      %parallel_loop3A_645 = vector.broadcast %parallel_loop3A_644 : i32 to vector<16xi32>
      %parallel_loop3A_646 = arith.ori %parallel_loop3A_643, %parallel_loop3A_645 : vector<16xi32>
      %parallel_loop3A_647 = tpu.bitcast %parallel_loop3A_646 : vector<16xi32> -> vector<16xf32>
      %parallel_loop3A_648 = arith.maximumf %parallel_loop3A_619, %parallel_loop3A_647 : vector<16xf32>
      %parallel_loop3A_649 = arith.minimumf %parallel_loop3A_619, %parallel_loop3A_647 : vector<16xf32>
      %parallel_loop3A_650 = arith.maximumf %parallel_loop3A_621, %parallel_loop3A_649 : vector<16xf32>
      %parallel_loop3A_651 = arith.minimumf %parallel_loop3A_621, %parallel_loop3A_649 : vector<16xf32>
      %parallel_loop3A_652 = arith.maximumf %parallel_loop3A_623, %parallel_loop3A_651 : vector<16xf32>
      %parallel_loop3A_653 = arith.minimumf %parallel_loop3A_623, %parallel_loop3A_651 : vector<16xf32>
      %parallel_loop3A_654 = arith.maximumf %parallel_loop3A_625, %parallel_loop3A_653 : vector<16xf32>
      %parallel_loop3A_655 = arith.minimumf %parallel_loop3A_625, %parallel_loop3A_653 : vector<16xf32>
      %parallel_loop3A_656 = arith.maximumf %parallel_loop3A_627, %parallel_loop3A_655 : vector<16xf32>
      %parallel_loop3A_657 = arith.minimumf %parallel_loop3A_627, %parallel_loop3A_655 : vector<16xf32>
      %parallel_loop3A_658 = arith.maximumf %parallel_loop3A_629, %parallel_loop3A_657 : vector<16xf32>
      %parallel_loop3A_659 = arith.minimumf %parallel_loop3A_629, %parallel_loop3A_657 : vector<16xf32>
      %parallel_loop3A_660 = arith.maximumf %parallel_loop3A_631, %parallel_loop3A_659 : vector<16xf32>
      %parallel_loop3A_661 = arith.minimumf %parallel_loop3A_631, %parallel_loop3A_659 : vector<16xf32>
      %parallel_loop3A_662 = arith.maximumf %parallel_loop3A_633, %parallel_loop3A_661 : vector<16xf32>
      %parallel_loop3A_663 = arith.minimumf %parallel_loop3A_633, %parallel_loop3A_661 : vector<16xf32>
      %parallel_loop3A_664 = arith.constant 22 : i32
      %parallel_loop3A_665 = vector.broadcast %parallel_loop3A_664 : i32 to vector<16xi32>
      %parallel_loop3A_666 = arith.addi %parallel_loop3A_23, %parallel_loop3A_665 : vector<16xi32>
      %parallel_loop3A_667 = tpu.vector_load_idx %arg6[%parallel_loop3A_666] : memref<65536xf32, #tpu.memory_space<vmem>>[vector<16xi32>], vector<16xf32>,
      %parallel_loop3A_668 = arith.addf %parallel_loop3A_667, %max3A_7 : vector<16xf32>
      %parallel_loop3A_669 = tpu.bitcast %parallel_loop3A_668 : vector<16xf32> -> vector<16xi32>
      %parallel_loop3A_670 = arith.constant -64 : i32
      %parallel_loop3A_671 = vector.broadcast %parallel_loop3A_670 : i32 to vector<16xi32>
      %parallel_loop3A_672 = arith.andi %parallel_loop3A_669, %parallel_loop3A_671 : vector<16xi32>
      %parallel_loop3A_673 = arith.constant 41 : i32
      %parallel_loop3A_674 = vector.broadcast %parallel_loop3A_673 : i32 to vector<16xi32>
      %parallel_loop3A_675 = arith.ori %parallel_loop3A_672, %parallel_loop3A_674 : vector<16xi32>
      %parallel_loop3A_676 = tpu.bitcast %parallel_loop3A_675 : vector<16xi32> -> vector<16xf32>
      %parallel_loop3A_677 = arith.maximumf %parallel_loop3A_648, %parallel_loop3A_676 : vector<16xf32>
      %parallel_loop3A_678 = arith.minimumf %parallel_loop3A_648, %parallel_loop3A_676 : vector<16xf32>
      %parallel_loop3A_679 = arith.maximumf %parallel_loop3A_650, %parallel_loop3A_678 : vector<16xf32>
      %parallel_loop3A_680 = arith.minimumf %parallel_loop3A_650, %parallel_loop3A_678 : vector<16xf32>
      %parallel_loop3A_681 = arith.maximumf %parallel_loop3A_652, %parallel_loop3A_680 : vector<16xf32>
      %parallel_loop3A_682 = arith.minimumf %parallel_loop3A_652, %parallel_loop3A_680 : vector<16xf32>
      %parallel_loop3A_683 = arith.maximumf %parallel_loop3A_654, %parallel_loop3A_682 : vector<16xf32>
      %parallel_loop3A_684 = arith.minimumf %parallel_loop3A_654, %parallel_loop3A_682 : vector<16xf32>
      %parallel_loop3A_685 = arith.maximumf %parallel_loop3A_656, %parallel_loop3A_684 : vector<16xf32>
      %parallel_loop3A_686 = arith.minimumf %parallel_loop3A_656, %parallel_loop3A_684 : vector<16xf32>
      %parallel_loop3A_687 = arith.maximumf %parallel_loop3A_658, %parallel_loop3A_686 : vector<16xf32>
      %parallel_loop3A_688 = arith.minimumf %parallel_loop3A_658, %parallel_loop3A_686 : vector<16xf32>
      %parallel_loop3A_689 = arith.maximumf %parallel_loop3A_660, %parallel_loop3A_688 : vector<16xf32>
      %parallel_loop3A_690 = arith.minimumf %parallel_loop3A_660, %parallel_loop3A_688 : vector<16xf32>
      %parallel_loop3A_691 = arith.maximumf %parallel_loop3A_662, %parallel_loop3A_690 : vector<16xf32>
      %parallel_loop3A_692 = arith.minimumf %parallel_loop3A_662, %parallel_loop3A_690 : vector<16xf32>
      %parallel_loop3A_693 = arith.constant 23 : i32
      %parallel_loop3A_694 = vector.broadcast %parallel_loop3A_693 : i32 to vector<16xi32>
      %parallel_loop3A_695 = arith.addi %parallel_loop3A_23, %parallel_loop3A_694 : vector<16xi32>
      %parallel_loop3A_696 = tpu.vector_load_idx %arg6[%parallel_loop3A_695] : memref<65536xf32, #tpu.memory_space<vmem>>[vector<16xi32>], vector<16xf32>,
      %parallel_loop3A_697 = arith.addf %parallel_loop3A_696, %max3A_7 : vector<16xf32>
      %parallel_loop3A_698 = tpu.bitcast %parallel_loop3A_697 : vector<16xf32> -> vector<16xi32>
      %parallel_loop3A_699 = arith.constant -64 : i32
      %parallel_loop3A_700 = vector.broadcast %parallel_loop3A_699 : i32 to vector<16xi32>
      %parallel_loop3A_701 = arith.andi %parallel_loop3A_698, %parallel_loop3A_700 : vector<16xi32>
      %parallel_loop3A_702 = arith.constant 40 : i32
      %parallel_loop3A_703 = vector.broadcast %parallel_loop3A_702 : i32 to vector<16xi32>
      %parallel_loop3A_704 = arith.ori %parallel_loop3A_701, %parallel_loop3A_703 : vector<16xi32>
      %parallel_loop3A_705 = tpu.bitcast %parallel_loop3A_704 : vector<16xi32> -> vector<16xf32>
      %parallel_loop3A_706 = arith.maximumf %parallel_loop3A_677, %parallel_loop3A_705 : vector<16xf32>
      %parallel_loop3A_707 = arith.minimumf %parallel_loop3A_677, %parallel_loop3A_705 : vector<16xf32>
      %parallel_loop3A_708 = arith.maximumf %parallel_loop3A_679, %parallel_loop3A_707 : vector<16xf32>
      %parallel_loop3A_709 = arith.minimumf %parallel_loop3A_679, %parallel_loop3A_707 : vector<16xf32>
      %parallel_loop3A_710 = arith.maximumf %parallel_loop3A_681, %parallel_loop3A_709 : vector<16xf32>
      %parallel_loop3A_711 = arith.minimumf %parallel_loop3A_681, %parallel_loop3A_709 : vector<16xf32>
      %parallel_loop3A_712 = arith.maximumf %parallel_loop3A_683, %parallel_loop3A_711 : vector<16xf32>
      %parallel_loop3A_713 = arith.minimumf %parallel_loop3A_683, %parallel_loop3A_711 : vector<16xf32>
      %parallel_loop3A_714 = arith.maximumf %parallel_loop3A_685, %parallel_loop3A_713 : vector<16xf32>
      %parallel_loop3A_715 = arith.minimumf %parallel_loop3A_685, %parallel_loop3A_713 : vector<16xf32>
      %parallel_loop3A_716 = arith.maximumf %parallel_loop3A_687, %parallel_loop3A_715 : vector<16xf32>
      %parallel_loop3A_717 = arith.minimumf %parallel_loop3A_687, %parallel_loop3A_715 : vector<16xf32>
      %parallel_loop3A_718 = arith.maximumf %parallel_loop3A_689, %parallel_loop3A_717 : vector<16xf32>
      %parallel_loop3A_719 = arith.minimumf %parallel_loop3A_689, %parallel_loop3A_717 : vector<16xf32>
      %parallel_loop3A_720 = arith.maximumf %parallel_loop3A_691, %parallel_loop3A_719 : vector<16xf32>
      %parallel_loop3A_721 = arith.minimumf %parallel_loop3A_691, %parallel_loop3A_719 : vector<16xf32>
      %parallel_loop3A_722 = arith.constant 24 : i32
      %parallel_loop3A_723 = vector.broadcast %parallel_loop3A_722 : i32 to vector<16xi32>
      %parallel_loop3A_724 = arith.addi %parallel_loop3A_23, %parallel_loop3A_723 : vector<16xi32>
      %parallel_loop3A_725 = tpu.vector_load_idx %arg6[%parallel_loop3A_724] : memref<65536xf32, #tpu.memory_space<vmem>>[vector<16xi32>], vector<16xf32>,
      %parallel_loop3A_726 = arith.addf %parallel_loop3A_725, %max3A_7 : vector<16xf32>
      %parallel_loop3A_727 = tpu.bitcast %parallel_loop3A_726 : vector<16xf32> -> vector<16xi32>
      %parallel_loop3A_728 = arith.constant -64 : i32
      %parallel_loop3A_729 = vector.broadcast %parallel_loop3A_728 : i32 to vector<16xi32>
      %parallel_loop3A_730 = arith.andi %parallel_loop3A_727, %parallel_loop3A_729 : vector<16xi32>
      %parallel_loop3A_731 = arith.constant 39 : i32
      %parallel_loop3A_732 = vector.broadcast %parallel_loop3A_731 : i32 to vector<16xi32>
      %parallel_loop3A_733 = arith.ori %parallel_loop3A_730, %parallel_loop3A_732 : vector<16xi32>
      %parallel_loop3A_734 = tpu.bitcast %parallel_loop3A_733 : vector<16xi32> -> vector<16xf32>
      %parallel_loop3A_735 = arith.maximumf %parallel_loop3A_706, %parallel_loop3A_734 : vector<16xf32>
      %parallel_loop3A_736 = arith.minimumf %parallel_loop3A_706, %parallel_loop3A_734 : vector<16xf32>
      %parallel_loop3A_737 = arith.maximumf %parallel_loop3A_708, %parallel_loop3A_736 : vector<16xf32>
      %parallel_loop3A_738 = arith.minimumf %parallel_loop3A_708, %parallel_loop3A_736 : vector<16xf32>
      %parallel_loop3A_739 = arith.maximumf %parallel_loop3A_710, %parallel_loop3A_738 : vector<16xf32>
      %parallel_loop3A_740 = arith.minimumf %parallel_loop3A_710, %parallel_loop3A_738 : vector<16xf32>
      %parallel_loop3A_741 = arith.maximumf %parallel_loop3A_712, %parallel_loop3A_740 : vector<16xf32>
      %parallel_loop3A_742 = arith.minimumf %parallel_loop3A_712, %parallel_loop3A_740 : vector<16xf32>
      %parallel_loop3A_743 = arith.maximumf %parallel_loop3A_714, %parallel_loop3A_742 : vector<16xf32>
      %parallel_loop3A_744 = arith.minimumf %parallel_loop3A_714, %parallel_loop3A_742 : vector<16xf32>
      %parallel_loop3A_745 = arith.maximumf %parallel_loop3A_716, %parallel_loop3A_744 : vector<16xf32>
      %parallel_loop3A_746 = arith.minimumf %parallel_loop3A_716, %parallel_loop3A_744 : vector<16xf32>
      %parallel_loop3A_747 = arith.maximumf %parallel_loop3A_718, %parallel_loop3A_746 : vector<16xf32>
      %parallel_loop3A_748 = arith.minimumf %parallel_loop3A_718, %parallel_loop3A_746 : vector<16xf32>
      %parallel_loop3A_749 = arith.maximumf %parallel_loop3A_720, %parallel_loop3A_748 : vector<16xf32>
      %parallel_loop3A_750 = arith.minimumf %parallel_loop3A_720, %parallel_loop3A_748 : vector<16xf32>
      %parallel_loop3A_751 = arith.constant 25 : i32
      %parallel_loop3A_752 = vector.broadcast %parallel_loop3A_751 : i32 to vector<16xi32>
      %parallel_loop3A_753 = arith.addi %parallel_loop3A_23, %parallel_loop3A_752 : vector<16xi32>
      %parallel_loop3A_754 = tpu.vector_load_idx %arg6[%parallel_loop3A_753] : memref<65536xf32, #tpu.memory_space<vmem>>[vector<16xi32>], vector<16xf32>,
      %parallel_loop3A_755 = arith.addf %parallel_loop3A_754, %max3A_7 : vector<16xf32>
      %parallel_loop3A_756 = tpu.bitcast %parallel_loop3A_755 : vector<16xf32> -> vector<16xi32>
      %parallel_loop3A_757 = arith.constant -64 : i32
      %parallel_loop3A_758 = vector.broadcast %parallel_loop3A_757 : i32 to vector<16xi32>
      %parallel_loop3A_759 = arith.andi %parallel_loop3A_756, %parallel_loop3A_758 : vector<16xi32>
      %parallel_loop3A_760 = arith.constant 38 : i32
      %parallel_loop3A_761 = vector.broadcast %parallel_loop3A_760 : i32 to vector<16xi32>
      %parallel_loop3A_762 = arith.ori %parallel_loop3A_759, %parallel_loop3A_761 : vector<16xi32>
      %parallel_loop3A_763 = tpu.bitcast %parallel_loop3A_762 : vector<16xi32> -> vector<16xf32>
      %parallel_loop3A_764 = arith.maximumf %parallel_loop3A_735, %parallel_loop3A_763 : vector<16xf32>
      %parallel_loop3A_765 = arith.minimumf %parallel_loop3A_735, %parallel_loop3A_763 : vector<16xf32>
      %parallel_loop3A_766 = arith.maximumf %parallel_loop3A_737, %parallel_loop3A_765 : vector<16xf32>
      %parallel_loop3A_767 = arith.minimumf %parallel_loop3A_737, %parallel_loop3A_765 : vector<16xf32>
      %parallel_loop3A_768 = arith.maximumf %parallel_loop3A_739, %parallel_loop3A_767 : vector<16xf32>
      %parallel_loop3A_769 = arith.minimumf %parallel_loop3A_739, %parallel_loop3A_767 : vector<16xf32>
      %parallel_loop3A_770 = arith.maximumf %parallel_loop3A_741, %parallel_loop3A_769 : vector<16xf32>
      %parallel_loop3A_771 = arith.minimumf %parallel_loop3A_741, %parallel_loop3A_769 : vector<16xf32>
      %parallel_loop3A_772 = arith.maximumf %parallel_loop3A_743, %parallel_loop3A_771 : vector<16xf32>
      %parallel_loop3A_773 = arith.minimumf %parallel_loop3A_743, %parallel_loop3A_771 : vector<16xf32>
      %parallel_loop3A_774 = arith.maximumf %parallel_loop3A_745, %parallel_loop3A_773 : vector<16xf32>
      %parallel_loop3A_775 = arith.minimumf %parallel_loop3A_745, %parallel_loop3A_773 : vector<16xf32>
      %parallel_loop3A_776 = arith.maximumf %parallel_loop3A_747, %parallel_loop3A_775 : vector<16xf32>
      %parallel_loop3A_777 = arith.minimumf %parallel_loop3A_747, %parallel_loop3A_775 : vector<16xf32>
      %parallel_loop3A_778 = arith.maximumf %parallel_loop3A_749, %parallel_loop3A_777 : vector<16xf32>
      %parallel_loop3A_779 = arith.minimumf %parallel_loop3A_749, %parallel_loop3A_777 : vector<16xf32>
      %parallel_loop3A_780 = arith.constant 26 : i32
      %parallel_loop3A_781 = vector.broadcast %parallel_loop3A_780 : i32 to vector<16xi32>
      %parallel_loop3A_782 = arith.addi %parallel_loop3A_23, %parallel_loop3A_781 : vector<16xi32>
      %parallel_loop3A_783 = tpu.vector_load_idx %arg6[%parallel_loop3A_782] : memref<65536xf32, #tpu.memory_space<vmem>>[vector<16xi32>], vector<16xf32>,
      %parallel_loop3A_784 = arith.addf %parallel_loop3A_783, %max3A_7 : vector<16xf32>
      %parallel_loop3A_785 = tpu.bitcast %parallel_loop3A_784 : vector<16xf32> -> vector<16xi32>
      %parallel_loop3A_786 = arith.constant -64 : i32
      %parallel_loop3A_787 = vector.broadcast %parallel_loop3A_786 : i32 to vector<16xi32>
      %parallel_loop3A_788 = arith.andi %parallel_loop3A_785, %parallel_loop3A_787 : vector<16xi32>
      %parallel_loop3A_789 = arith.constant 37 : i32
      %parallel_loop3A_790 = vector.broadcast %parallel_loop3A_789 : i32 to vector<16xi32>
      %parallel_loop3A_791 = arith.ori %parallel_loop3A_788, %parallel_loop3A_790 : vector<16xi32>
      %parallel_loop3A_792 = tpu.bitcast %parallel_loop3A_791 : vector<16xi32> -> vector<16xf32>
      %parallel_loop3A_793 = arith.maximumf %parallel_loop3A_764, %parallel_loop3A_792 : vector<16xf32>
      %parallel_loop3A_794 = arith.minimumf %parallel_loop3A_764, %parallel_loop3A_792 : vector<16xf32>
      %parallel_loop3A_795 = arith.maximumf %parallel_loop3A_766, %parallel_loop3A_794 : vector<16xf32>
      %parallel_loop3A_796 = arith.minimumf %parallel_loop3A_766, %parallel_loop3A_794 : vector<16xf32>
      %parallel_loop3A_797 = arith.maximumf %parallel_loop3A_768, %parallel_loop3A_796 : vector<16xf32>
      %parallel_loop3A_798 = arith.minimumf %parallel_loop3A_768, %parallel_loop3A_796 : vector<16xf32>
      %parallel_loop3A_799 = arith.maximumf %parallel_loop3A_770, %parallel_loop3A_798 : vector<16xf32>
      %parallel_loop3A_800 = arith.minimumf %parallel_loop3A_770, %parallel_loop3A_798 : vector<16xf32>
      %parallel_loop3A_801 = arith.maximumf %parallel_loop3A_772, %parallel_loop3A_800 : vector<16xf32>
      %parallel_loop3A_802 = arith.minimumf %parallel_loop3A_772, %parallel_loop3A_800 : vector<16xf32>
      %parallel_loop3A_803 = arith.maximumf %parallel_loop3A_774, %parallel_loop3A_802 : vector<16xf32>
      %parallel_loop3A_804 = arith.minimumf %parallel_loop3A_774, %parallel_loop3A_802 : vector<16xf32>
      %parallel_loop3A_805 = arith.maximumf %parallel_loop3A_776, %parallel_loop3A_804 : vector<16xf32>
      %parallel_loop3A_806 = arith.minimumf %parallel_loop3A_776, %parallel_loop3A_804 : vector<16xf32>
      %parallel_loop3A_807 = arith.maximumf %parallel_loop3A_778, %parallel_loop3A_806 : vector<16xf32>
      %parallel_loop3A_808 = arith.minimumf %parallel_loop3A_778, %parallel_loop3A_806 : vector<16xf32>
      %parallel_loop3A_809 = arith.constant 27 : i32
      %parallel_loop3A_810 = vector.broadcast %parallel_loop3A_809 : i32 to vector<16xi32>
      %parallel_loop3A_811 = arith.addi %parallel_loop3A_23, %parallel_loop3A_810 : vector<16xi32>
      %parallel_loop3A_812 = tpu.vector_load_idx %arg6[%parallel_loop3A_811] : memref<65536xf32, #tpu.memory_space<vmem>>[vector<16xi32>], vector<16xf32>,
      %parallel_loop3A_813 = arith.addf %parallel_loop3A_812, %max3A_7 : vector<16xf32>
      %parallel_loop3A_814 = tpu.bitcast %parallel_loop3A_813 : vector<16xf32> -> vector<16xi32>
      %parallel_loop3A_815 = arith.constant -64 : i32
      %parallel_loop3A_816 = vector.broadcast %parallel_loop3A_815 : i32 to vector<16xi32>
      %parallel_loop3A_817 = arith.andi %parallel_loop3A_814, %parallel_loop3A_816 : vector<16xi32>
      %parallel_loop3A_818 = arith.constant 36 : i32
      %parallel_loop3A_819 = vector.broadcast %parallel_loop3A_818 : i32 to vector<16xi32>
      %parallel_loop3A_820 = arith.ori %parallel_loop3A_817, %parallel_loop3A_819 : vector<16xi32>
      %parallel_loop3A_821 = tpu.bitcast %parallel_loop3A_820 : vector<16xi32> -> vector<16xf32>
      %parallel_loop3A_822 = arith.maximumf %parallel_loop3A_793, %parallel_loop3A_821 : vector<16xf32>
      %parallel_loop3A_823 = arith.minimumf %parallel_loop3A_793, %parallel_loop3A_821 : vector<16xf32>
      %parallel_loop3A_824 = arith.maximumf %parallel_loop3A_795, %parallel_loop3A_823 : vector<16xf32>
      %parallel_loop3A_825 = arith.minimumf %parallel_loop3A_795, %parallel_loop3A_823 : vector<16xf32>
      %parallel_loop3A_826 = arith.maximumf %parallel_loop3A_797, %parallel_loop3A_825 : vector<16xf32>
      %parallel_loop3A_827 = arith.minimumf %parallel_loop3A_797, %parallel_loop3A_825 : vector<16xf32>
      %parallel_loop3A_828 = arith.maximumf %parallel_loop3A_799, %parallel_loop3A_827 : vector<16xf32>
      %parallel_loop3A_829 = arith.minimumf %parallel_loop3A_799, %parallel_loop3A_827 : vector<16xf32>
      %parallel_loop3A_830 = arith.maximumf %parallel_loop3A_801, %parallel_loop3A_829 : vector<16xf32>
      %parallel_loop3A_831 = arith.minimumf %parallel_loop3A_801, %parallel_loop3A_829 : vector<16xf32>
      %parallel_loop3A_832 = arith.maximumf %parallel_loop3A_803, %parallel_loop3A_831 : vector<16xf32>
      %parallel_loop3A_833 = arith.minimumf %parallel_loop3A_803, %parallel_loop3A_831 : vector<16xf32>
      %parallel_loop3A_834 = arith.maximumf %parallel_loop3A_805, %parallel_loop3A_833 : vector<16xf32>
      %parallel_loop3A_835 = arith.minimumf %parallel_loop3A_805, %parallel_loop3A_833 : vector<16xf32>
      %parallel_loop3A_836 = arith.maximumf %parallel_loop3A_807, %parallel_loop3A_835 : vector<16xf32>
      %parallel_loop3A_837 = arith.minimumf %parallel_loop3A_807, %parallel_loop3A_835 : vector<16xf32>
      %parallel_loop3A_838 = arith.constant 28 : i32
      %parallel_loop3A_839 = vector.broadcast %parallel_loop3A_838 : i32 to vector<16xi32>
      %parallel_loop3A_840 = arith.addi %parallel_loop3A_23, %parallel_loop3A_839 : vector<16xi32>
      %parallel_loop3A_841 = tpu.vector_load_idx %arg6[%parallel_loop3A_840] : memref<65536xf32, #tpu.memory_space<vmem>>[vector<16xi32>], vector<16xf32>,
      %parallel_loop3A_842 = arith.addf %parallel_loop3A_841, %max3A_7 : vector<16xf32>
      %parallel_loop3A_843 = tpu.bitcast %parallel_loop3A_842 : vector<16xf32> -> vector<16xi32>
      %parallel_loop3A_844 = arith.constant -64 : i32
      %parallel_loop3A_845 = vector.broadcast %parallel_loop3A_844 : i32 to vector<16xi32>
      %parallel_loop3A_846 = arith.andi %parallel_loop3A_843, %parallel_loop3A_845 : vector<16xi32>
      %parallel_loop3A_847 = arith.constant 35 : i32
      %parallel_loop3A_848 = vector.broadcast %parallel_loop3A_847 : i32 to vector<16xi32>
      %parallel_loop3A_849 = arith.ori %parallel_loop3A_846, %parallel_loop3A_848 : vector<16xi32>
      %parallel_loop3A_850 = tpu.bitcast %parallel_loop3A_849 : vector<16xi32> -> vector<16xf32>
      %parallel_loop3A_851 = arith.maximumf %parallel_loop3A_822, %parallel_loop3A_850 : vector<16xf32>
      %parallel_loop3A_852 = arith.minimumf %parallel_loop3A_822, %parallel_loop3A_850 : vector<16xf32>
      %parallel_loop3A_853 = arith.maximumf %parallel_loop3A_824, %parallel_loop3A_852 : vector<16xf32>
      %parallel_loop3A_854 = arith.minimumf %parallel_loop3A_824, %parallel_loop3A_852 : vector<16xf32>
      %parallel_loop3A_855 = arith.maximumf %parallel_loop3A_826, %parallel_loop3A_854 : vector<16xf32>
      %parallel_loop3A_856 = arith.minimumf %parallel_loop3A_826, %parallel_loop3A_854 : vector<16xf32>
      %parallel_loop3A_857 = arith.maximumf %parallel_loop3A_828, %parallel_loop3A_856 : vector<16xf32>
      %parallel_loop3A_858 = arith.minimumf %parallel_loop3A_828, %parallel_loop3A_856 : vector<16xf32>
      %parallel_loop3A_859 = arith.maximumf %parallel_loop3A_830, %parallel_loop3A_858 : vector<16xf32>
      %parallel_loop3A_860 = arith.minimumf %parallel_loop3A_830, %parallel_loop3A_858 : vector<16xf32>
      %parallel_loop3A_861 = arith.maximumf %parallel_loop3A_832, %parallel_loop3A_860 : vector<16xf32>
      %parallel_loop3A_862 = arith.minimumf %parallel_loop3A_832, %parallel_loop3A_860 : vector<16xf32>
      %parallel_loop3A_863 = arith.maximumf %parallel_loop3A_834, %parallel_loop3A_862 : vector<16xf32>
      %parallel_loop3A_864 = arith.minimumf %parallel_loop3A_834, %parallel_loop3A_862 : vector<16xf32>
      %parallel_loop3A_865 = arith.maximumf %parallel_loop3A_836, %parallel_loop3A_864 : vector<16xf32>
      %parallel_loop3A_866 = arith.minimumf %parallel_loop3A_836, %parallel_loop3A_864 : vector<16xf32>
      %parallel_loop3A_867 = arith.constant 29 : i32
      %parallel_loop3A_868 = vector.broadcast %parallel_loop3A_867 : i32 to vector<16xi32>
      %parallel_loop3A_869 = arith.addi %parallel_loop3A_23, %parallel_loop3A_868 : vector<16xi32>
      %parallel_loop3A_870 = tpu.vector_load_idx %arg6[%parallel_loop3A_869] : memref<65536xf32, #tpu.memory_space<vmem>>[vector<16xi32>], vector<16xf32>,
      %parallel_loop3A_871 = arith.addf %parallel_loop3A_870, %max3A_7 : vector<16xf32>
      %parallel_loop3A_872 = tpu.bitcast %parallel_loop3A_871 : vector<16xf32> -> vector<16xi32>
      %parallel_loop3A_873 = arith.constant -64 : i32
      %parallel_loop3A_874 = vector.broadcast %parallel_loop3A_873 : i32 to vector<16xi32>
      %parallel_loop3A_875 = arith.andi %parallel_loop3A_872, %parallel_loop3A_874 : vector<16xi32>
      %parallel_loop3A_876 = arith.constant 34 : i32
      %parallel_loop3A_877 = vector.broadcast %parallel_loop3A_876 : i32 to vector<16xi32>
      %parallel_loop3A_878 = arith.ori %parallel_loop3A_875, %parallel_loop3A_877 : vector<16xi32>
      %parallel_loop3A_879 = tpu.bitcast %parallel_loop3A_878 : vector<16xi32> -> vector<16xf32>
      %parallel_loop3A_880 = arith.maximumf %parallel_loop3A_851, %parallel_loop3A_879 : vector<16xf32>
      %parallel_loop3A_881 = arith.minimumf %parallel_loop3A_851, %parallel_loop3A_879 : vector<16xf32>
      %parallel_loop3A_882 = arith.maximumf %parallel_loop3A_853, %parallel_loop3A_881 : vector<16xf32>
      %parallel_loop3A_883 = arith.minimumf %parallel_loop3A_853, %parallel_loop3A_881 : vector<16xf32>
      %parallel_loop3A_884 = arith.maximumf %parallel_loop3A_855, %parallel_loop3A_883 : vector<16xf32>
      %parallel_loop3A_885 = arith.minimumf %parallel_loop3A_855, %parallel_loop3A_883 : vector<16xf32>
      %parallel_loop3A_886 = arith.maximumf %parallel_loop3A_857, %parallel_loop3A_885 : vector<16xf32>
      %parallel_loop3A_887 = arith.minimumf %parallel_loop3A_857, %parallel_loop3A_885 : vector<16xf32>
      %parallel_loop3A_888 = arith.maximumf %parallel_loop3A_859, %parallel_loop3A_887 : vector<16xf32>
      %parallel_loop3A_889 = arith.minimumf %parallel_loop3A_859, %parallel_loop3A_887 : vector<16xf32>
      %parallel_loop3A_890 = arith.maximumf %parallel_loop3A_861, %parallel_loop3A_889 : vector<16xf32>
      %parallel_loop3A_891 = arith.minimumf %parallel_loop3A_861, %parallel_loop3A_889 : vector<16xf32>
      %parallel_loop3A_892 = arith.maximumf %parallel_loop3A_863, %parallel_loop3A_891 : vector<16xf32>
      %parallel_loop3A_893 = arith.minimumf %parallel_loop3A_863, %parallel_loop3A_891 : vector<16xf32>
      %parallel_loop3A_894 = arith.maximumf %parallel_loop3A_865, %parallel_loop3A_893 : vector<16xf32>
      %parallel_loop3A_895 = arith.minimumf %parallel_loop3A_865, %parallel_loop3A_893 : vector<16xf32>
      %parallel_loop3A_896 = arith.constant 30 : i32
      %parallel_loop3A_897 = vector.broadcast %parallel_loop3A_896 : i32 to vector<16xi32>
      %parallel_loop3A_898 = arith.addi %parallel_loop3A_23, %parallel_loop3A_897 : vector<16xi32>
      %parallel_loop3A_899 = tpu.vector_load_idx %arg6[%parallel_loop3A_898] : memref<65536xf32, #tpu.memory_space<vmem>>[vector<16xi32>], vector<16xf32>,
      %parallel_loop3A_900 = arith.addf %parallel_loop3A_899, %max3A_7 : vector<16xf32>
      %parallel_loop3A_901 = tpu.bitcast %parallel_loop3A_900 : vector<16xf32> -> vector<16xi32>
      %parallel_loop3A_902 = arith.constant -64 : i32
      %parallel_loop3A_903 = vector.broadcast %parallel_loop3A_902 : i32 to vector<16xi32>
      %parallel_loop3A_904 = arith.andi %parallel_loop3A_901, %parallel_loop3A_903 : vector<16xi32>
      %parallel_loop3A_905 = arith.constant 33 : i32
      %parallel_loop3A_906 = vector.broadcast %parallel_loop3A_905 : i32 to vector<16xi32>
      %parallel_loop3A_907 = arith.ori %parallel_loop3A_904, %parallel_loop3A_906 : vector<16xi32>
      %parallel_loop3A_908 = tpu.bitcast %parallel_loop3A_907 : vector<16xi32> -> vector<16xf32>
      %parallel_loop3A_909 = arith.maximumf %parallel_loop3A_880, %parallel_loop3A_908 : vector<16xf32>
      %parallel_loop3A_910 = arith.minimumf %parallel_loop3A_880, %parallel_loop3A_908 : vector<16xf32>
      %parallel_loop3A_911 = arith.maximumf %parallel_loop3A_882, %parallel_loop3A_910 : vector<16xf32>
      %parallel_loop3A_912 = arith.minimumf %parallel_loop3A_882, %parallel_loop3A_910 : vector<16xf32>
      %parallel_loop3A_913 = arith.maximumf %parallel_loop3A_884, %parallel_loop3A_912 : vector<16xf32>
      %parallel_loop3A_914 = arith.minimumf %parallel_loop3A_884, %parallel_loop3A_912 : vector<16xf32>
      %parallel_loop3A_915 = arith.maximumf %parallel_loop3A_886, %parallel_loop3A_914 : vector<16xf32>
      %parallel_loop3A_916 = arith.minimumf %parallel_loop3A_886, %parallel_loop3A_914 : vector<16xf32>
      %parallel_loop3A_917 = arith.maximumf %parallel_loop3A_888, %parallel_loop3A_916 : vector<16xf32>
      %parallel_loop3A_918 = arith.minimumf %parallel_loop3A_888, %parallel_loop3A_916 : vector<16xf32>
      %parallel_loop3A_919 = arith.maximumf %parallel_loop3A_890, %parallel_loop3A_918 : vector<16xf32>
      %parallel_loop3A_920 = arith.minimumf %parallel_loop3A_890, %parallel_loop3A_918 : vector<16xf32>
      %parallel_loop3A_921 = arith.maximumf %parallel_loop3A_892, %parallel_loop3A_920 : vector<16xf32>
      %parallel_loop3A_922 = arith.minimumf %parallel_loop3A_892, %parallel_loop3A_920 : vector<16xf32>
      %parallel_loop3A_923 = arith.maximumf %parallel_loop3A_894, %parallel_loop3A_922 : vector<16xf32>
      %parallel_loop3A_924 = arith.minimumf %parallel_loop3A_894, %parallel_loop3A_922 : vector<16xf32>
      %parallel_loop3A_925 = arith.constant 31 : i32
      %parallel_loop3A_926 = vector.broadcast %parallel_loop3A_925 : i32 to vector<16xi32>
      %parallel_loop3A_927 = arith.addi %parallel_loop3A_23, %parallel_loop3A_926 : vector<16xi32>
      %parallel_loop3A_928 = tpu.vector_load_idx %arg6[%parallel_loop3A_927] : memref<65536xf32, #tpu.memory_space<vmem>>[vector<16xi32>], vector<16xf32>,
      %parallel_loop3A_929 = arith.addf %parallel_loop3A_928, %max3A_7 : vector<16xf32>
      %parallel_loop3A_930 = tpu.bitcast %parallel_loop3A_929 : vector<16xf32> -> vector<16xi32>
      %parallel_loop3A_931 = arith.constant -64 : i32
      %parallel_loop3A_932 = vector.broadcast %parallel_loop3A_931 : i32 to vector<16xi32>
      %parallel_loop3A_933 = arith.andi %parallel_loop3A_930, %parallel_loop3A_932 : vector<16xi32>
      %parallel_loop3A_934 = arith.constant 32 : i32
      %parallel_loop3A_935 = vector.broadcast %parallel_loop3A_934 : i32 to vector<16xi32>
      %parallel_loop3A_936 = arith.ori %parallel_loop3A_933, %parallel_loop3A_935 : vector<16xi32>
      %parallel_loop3A_937 = tpu.bitcast %parallel_loop3A_936 : vector<16xi32> -> vector<16xf32>
      %parallel_loop3A_938 = arith.maximumf %parallel_loop3A_909, %parallel_loop3A_937 : vector<16xf32>
      %parallel_loop3A_939 = arith.minimumf %parallel_loop3A_909, %parallel_loop3A_937 : vector<16xf32>
      %parallel_loop3A_940 = arith.maximumf %parallel_loop3A_911, %parallel_loop3A_939 : vector<16xf32>
      %parallel_loop3A_941 = arith.minimumf %parallel_loop3A_911, %parallel_loop3A_939 : vector<16xf32>
      %parallel_loop3A_942 = arith.maximumf %parallel_loop3A_913, %parallel_loop3A_941 : vector<16xf32>
      %parallel_loop3A_943 = arith.minimumf %parallel_loop3A_913, %parallel_loop3A_941 : vector<16xf32>
      %parallel_loop3A_944 = arith.maximumf %parallel_loop3A_915, %parallel_loop3A_943 : vector<16xf32>
      %parallel_loop3A_945 = arith.minimumf %parallel_loop3A_915, %parallel_loop3A_943 : vector<16xf32>
      %parallel_loop3A_946 = arith.maximumf %parallel_loop3A_917, %parallel_loop3A_945 : vector<16xf32>
      %parallel_loop3A_947 = arith.minimumf %parallel_loop3A_917, %parallel_loop3A_945 : vector<16xf32>
      %parallel_loop3A_948 = arith.maximumf %parallel_loop3A_919, %parallel_loop3A_947 : vector<16xf32>
      %parallel_loop3A_949 = arith.minimumf %parallel_loop3A_919, %parallel_loop3A_947 : vector<16xf32>
      %parallel_loop3A_950 = arith.maximumf %parallel_loop3A_921, %parallel_loop3A_949 : vector<16xf32>
      %parallel_loop3A_951 = arith.minimumf %parallel_loop3A_921, %parallel_loop3A_949 : vector<16xf32>
      %parallel_loop3A_952 = arith.maximumf %parallel_loop3A_923, %parallel_loop3A_951 : vector<16xf32>
      %parallel_loop3A_953 = arith.minimumf %parallel_loop3A_923, %parallel_loop3A_951 : vector<16xf32>
      %parallel_loop3A_954 = arith.constant 32 : i32
      %parallel_loop3A_955 = vector.broadcast %parallel_loop3A_954 : i32 to vector<16xi32>
      %parallel_loop3A_956 = arith.addi %parallel_loop3A_23, %parallel_loop3A_955 : vector<16xi32>
      %parallel_loop3A_957 = tpu.vector_load_idx %arg6[%parallel_loop3A_956] : memref<65536xf32, #tpu.memory_space<vmem>>[vector<16xi32>], vector<16xf32>,
      %parallel_loop3A_958 = arith.addf %parallel_loop3A_957, %max3A_7 : vector<16xf32>
      %parallel_loop3A_959 = tpu.bitcast %parallel_loop3A_958 : vector<16xf32> -> vector<16xi32>
      %parallel_loop3A_960 = arith.constant -64 : i32
      %parallel_loop3A_961 = vector.broadcast %parallel_loop3A_960 : i32 to vector<16xi32>
      %parallel_loop3A_962 = arith.andi %parallel_loop3A_959, %parallel_loop3A_961 : vector<16xi32>
      %parallel_loop3A_963 = arith.constant 31 : i32
      %parallel_loop3A_964 = vector.broadcast %parallel_loop3A_963 : i32 to vector<16xi32>
      %parallel_loop3A_965 = arith.ori %parallel_loop3A_962, %parallel_loop3A_964 : vector<16xi32>
      %parallel_loop3A_966 = tpu.bitcast %parallel_loop3A_965 : vector<16xi32> -> vector<16xf32>
      %parallel_loop3A_967 = arith.maximumf %parallel_loop3A_938, %parallel_loop3A_966 : vector<16xf32>
      %parallel_loop3A_968 = arith.minimumf %parallel_loop3A_938, %parallel_loop3A_966 : vector<16xf32>
      %parallel_loop3A_969 = arith.maximumf %parallel_loop3A_940, %parallel_loop3A_968 : vector<16xf32>
      %parallel_loop3A_970 = arith.minimumf %parallel_loop3A_940, %parallel_loop3A_968 : vector<16xf32>
      %parallel_loop3A_971 = arith.maximumf %parallel_loop3A_942, %parallel_loop3A_970 : vector<16xf32>
      %parallel_loop3A_972 = arith.minimumf %parallel_loop3A_942, %parallel_loop3A_970 : vector<16xf32>
      %parallel_loop3A_973 = arith.maximumf %parallel_loop3A_944, %parallel_loop3A_972 : vector<16xf32>
      %parallel_loop3A_974 = arith.minimumf %parallel_loop3A_944, %parallel_loop3A_972 : vector<16xf32>
      %parallel_loop3A_975 = arith.maximumf %parallel_loop3A_946, %parallel_loop3A_974 : vector<16xf32>
      %parallel_loop3A_976 = arith.minimumf %parallel_loop3A_946, %parallel_loop3A_974 : vector<16xf32>
      %parallel_loop3A_977 = arith.maximumf %parallel_loop3A_948, %parallel_loop3A_976 : vector<16xf32>
      %parallel_loop3A_978 = arith.minimumf %parallel_loop3A_948, %parallel_loop3A_976 : vector<16xf32>
      %parallel_loop3A_979 = arith.maximumf %parallel_loop3A_950, %parallel_loop3A_978 : vector<16xf32>
      %parallel_loop3A_980 = arith.minimumf %parallel_loop3A_950, %parallel_loop3A_978 : vector<16xf32>
      %parallel_loop3A_981 = arith.maximumf %parallel_loop3A_952, %parallel_loop3A_980 : vector<16xf32>
      %parallel_loop3A_982 = arith.minimumf %parallel_loop3A_952, %parallel_loop3A_980 : vector<16xf32>
      %parallel_loop3A_983 = arith.constant 33 : i32
      %parallel_loop3A_984 = vector.broadcast %parallel_loop3A_983 : i32 to vector<16xi32>
      %parallel_loop3A_985 = arith.addi %parallel_loop3A_23, %parallel_loop3A_984 : vector<16xi32>
      %parallel_loop3A_986 = tpu.vector_load_idx %arg6[%parallel_loop3A_985] : memref<65536xf32, #tpu.memory_space<vmem>>[vector<16xi32>], vector<16xf32>,
      %parallel_loop3A_987 = arith.addf %parallel_loop3A_986, %max3A_7 : vector<16xf32>
      %parallel_loop3A_988 = tpu.bitcast %parallel_loop3A_987 : vector<16xf32> -> vector<16xi32>
      %parallel_loop3A_989 = arith.constant -64 : i32
      %parallel_loop3A_990 = vector.broadcast %parallel_loop3A_989 : i32 to vector<16xi32>
      %parallel_loop3A_991 = arith.andi %parallel_loop3A_988, %parallel_loop3A_990 : vector<16xi32>
      %parallel_loop3A_992 = arith.constant 30 : i32
      %parallel_loop3A_993 = vector.broadcast %parallel_loop3A_992 : i32 to vector<16xi32>
      %parallel_loop3A_994 = arith.ori %parallel_loop3A_991, %parallel_loop3A_993 : vector<16xi32>
      %parallel_loop3A_995 = tpu.bitcast %parallel_loop3A_994 : vector<16xi32> -> vector<16xf32>
      %parallel_loop3A_996 = arith.maximumf %parallel_loop3A_967, %parallel_loop3A_995 : vector<16xf32>
      %parallel_loop3A_997 = arith.minimumf %parallel_loop3A_967, %parallel_loop3A_995 : vector<16xf32>
      %parallel_loop3A_998 = arith.maximumf %parallel_loop3A_969, %parallel_loop3A_997 : vector<16xf32>
      %parallel_loop3A_999 = arith.minimumf %parallel_loop3A_969, %parallel_loop3A_997 : vector<16xf32>
      %parallel_loop3A_1000 = arith.maximumf %parallel_loop3A_971, %parallel_loop3A_999 : vector<16xf32>
      %parallel_loop3A_1001 = arith.minimumf %parallel_loop3A_971, %parallel_loop3A_999 : vector<16xf32>
      %parallel_loop3A_1002 = arith.maximumf %parallel_loop3A_973, %parallel_loop3A_1001 : vector<16xf32>
      %parallel_loop3A_1003 = arith.minimumf %parallel_loop3A_973, %parallel_loop3A_1001 : vector<16xf32>
      %parallel_loop3A_1004 = arith.maximumf %parallel_loop3A_975, %parallel_loop3A_1003 : vector<16xf32>
      %parallel_loop3A_1005 = arith.minimumf %parallel_loop3A_975, %parallel_loop3A_1003 : vector<16xf32>
      %parallel_loop3A_1006 = arith.maximumf %parallel_loop3A_977, %parallel_loop3A_1005 : vector<16xf32>
      %parallel_loop3A_1007 = arith.minimumf %parallel_loop3A_977, %parallel_loop3A_1005 : vector<16xf32>
      %parallel_loop3A_1008 = arith.maximumf %parallel_loop3A_979, %parallel_loop3A_1007 : vector<16xf32>
      %parallel_loop3A_1009 = arith.minimumf %parallel_loop3A_979, %parallel_loop3A_1007 : vector<16xf32>
      %parallel_loop3A_1010 = arith.maximumf %parallel_loop3A_981, %parallel_loop3A_1009 : vector<16xf32>
      %parallel_loop3A_1011 = arith.minimumf %parallel_loop3A_981, %parallel_loop3A_1009 : vector<16xf32>
      %parallel_loop3A_1012 = arith.constant 34 : i32
      %parallel_loop3A_1013 = vector.broadcast %parallel_loop3A_1012 : i32 to vector<16xi32>
      %parallel_loop3A_1014 = arith.addi %parallel_loop3A_23, %parallel_loop3A_1013 : vector<16xi32>
      %parallel_loop3A_1015 = tpu.vector_load_idx %arg6[%parallel_loop3A_1014] : memref<65536xf32, #tpu.memory_space<vmem>>[vector<16xi32>], vector<16xf32>,
      %parallel_loop3A_1016 = arith.addf %parallel_loop3A_1015, %max3A_7 : vector<16xf32>
      %parallel_loop3A_1017 = tpu.bitcast %parallel_loop3A_1016 : vector<16xf32> -> vector<16xi32>
      %parallel_loop3A_1018 = arith.constant -64 : i32
      %parallel_loop3A_1019 = vector.broadcast %parallel_loop3A_1018 : i32 to vector<16xi32>
      %parallel_loop3A_1020 = arith.andi %parallel_loop3A_1017, %parallel_loop3A_1019 : vector<16xi32>
      %parallel_loop3A_1021 = arith.constant 29 : i32
      %parallel_loop3A_1022 = vector.broadcast %parallel_loop3A_1021 : i32 to vector<16xi32>
      %parallel_loop3A_1023 = arith.ori %parallel_loop3A_1020, %parallel_loop3A_1022 : vector<16xi32>
      %parallel_loop3A_1024 = tpu.bitcast %parallel_loop3A_1023 : vector<16xi32> -> vector<16xf32>
      %parallel_loop3A_1025 = arith.maximumf %parallel_loop3A_996, %parallel_loop3A_1024 : vector<16xf32>
      %parallel_loop3A_1026 = arith.minimumf %parallel_loop3A_996, %parallel_loop3A_1024 : vector<16xf32>
      %parallel_loop3A_1027 = arith.maximumf %parallel_loop3A_998, %parallel_loop3A_1026 : vector<16xf32>
      %parallel_loop3A_1028 = arith.minimumf %parallel_loop3A_998, %parallel_loop3A_1026 : vector<16xf32>
      %parallel_loop3A_1029 = arith.maximumf %parallel_loop3A_1000, %parallel_loop3A_1028 : vector<16xf32>
      %parallel_loop3A_1030 = arith.minimumf %parallel_loop3A_1000, %parallel_loop3A_1028 : vector<16xf32>
      %parallel_loop3A_1031 = arith.maximumf %parallel_loop3A_1002, %parallel_loop3A_1030 : vector<16xf32>
      %parallel_loop3A_1032 = arith.minimumf %parallel_loop3A_1002, %parallel_loop3A_1030 : vector<16xf32>
      %parallel_loop3A_1033 = arith.maximumf %parallel_loop3A_1004, %parallel_loop3A_1032 : vector<16xf32>
      %parallel_loop3A_1034 = arith.minimumf %parallel_loop3A_1004, %parallel_loop3A_1032 : vector<16xf32>
      %parallel_loop3A_1035 = arith.maximumf %parallel_loop3A_1006, %parallel_loop3A_1034 : vector<16xf32>
      %parallel_loop3A_1036 = arith.minimumf %parallel_loop3A_1006, %parallel_loop3A_1034 : vector<16xf32>
      %parallel_loop3A_1037 = arith.maximumf %parallel_loop3A_1008, %parallel_loop3A_1036 : vector<16xf32>
      %parallel_loop3A_1038 = arith.minimumf %parallel_loop3A_1008, %parallel_loop3A_1036 : vector<16xf32>
      %parallel_loop3A_1039 = arith.maximumf %parallel_loop3A_1010, %parallel_loop3A_1038 : vector<16xf32>
      %parallel_loop3A_1040 = arith.minimumf %parallel_loop3A_1010, %parallel_loop3A_1038 : vector<16xf32>
      %parallel_loop3A_1041 = arith.constant 35 : i32
      %parallel_loop3A_1042 = vector.broadcast %parallel_loop3A_1041 : i32 to vector<16xi32>
      %parallel_loop3A_1043 = arith.addi %parallel_loop3A_23, %parallel_loop3A_1042 : vector<16xi32>
      %parallel_loop3A_1044 = tpu.vector_load_idx %arg6[%parallel_loop3A_1043] : memref<65536xf32, #tpu.memory_space<vmem>>[vector<16xi32>], vector<16xf32>,
      %parallel_loop3A_1045 = arith.addf %parallel_loop3A_1044, %max3A_7 : vector<16xf32>
      %parallel_loop3A_1046 = tpu.bitcast %parallel_loop3A_1045 : vector<16xf32> -> vector<16xi32>
      %parallel_loop3A_1047 = arith.constant -64 : i32
      %parallel_loop3A_1048 = vector.broadcast %parallel_loop3A_1047 : i32 to vector<16xi32>
      %parallel_loop3A_1049 = arith.andi %parallel_loop3A_1046, %parallel_loop3A_1048 : vector<16xi32>
      %parallel_loop3A_1050 = arith.constant 28 : i32
      %parallel_loop3A_1051 = vector.broadcast %parallel_loop3A_1050 : i32 to vector<16xi32>
      %parallel_loop3A_1052 = arith.ori %parallel_loop3A_1049, %parallel_loop3A_1051 : vector<16xi32>
      %parallel_loop3A_1053 = tpu.bitcast %parallel_loop3A_1052 : vector<16xi32> -> vector<16xf32>
      %parallel_loop3A_1054 = arith.maximumf %parallel_loop3A_1025, %parallel_loop3A_1053 : vector<16xf32>
      %parallel_loop3A_1055 = arith.minimumf %parallel_loop3A_1025, %parallel_loop3A_1053 : vector<16xf32>
      %parallel_loop3A_1056 = arith.maximumf %parallel_loop3A_1027, %parallel_loop3A_1055 : vector<16xf32>
      %parallel_loop3A_1057 = arith.minimumf %parallel_loop3A_1027, %parallel_loop3A_1055 : vector<16xf32>
      %parallel_loop3A_1058 = arith.maximumf %parallel_loop3A_1029, %parallel_loop3A_1057 : vector<16xf32>
      %parallel_loop3A_1059 = arith.minimumf %parallel_loop3A_1029, %parallel_loop3A_1057 : vector<16xf32>
      %parallel_loop3A_1060 = arith.maximumf %parallel_loop3A_1031, %parallel_loop3A_1059 : vector<16xf32>
      %parallel_loop3A_1061 = arith.minimumf %parallel_loop3A_1031, %parallel_loop3A_1059 : vector<16xf32>
      %parallel_loop3A_1062 = arith.maximumf %parallel_loop3A_1033, %parallel_loop3A_1061 : vector<16xf32>
      %parallel_loop3A_1063 = arith.minimumf %parallel_loop3A_1033, %parallel_loop3A_1061 : vector<16xf32>
      %parallel_loop3A_1064 = arith.maximumf %parallel_loop3A_1035, %parallel_loop3A_1063 : vector<16xf32>
      %parallel_loop3A_1065 = arith.minimumf %parallel_loop3A_1035, %parallel_loop3A_1063 : vector<16xf32>
      %parallel_loop3A_1066 = arith.maximumf %parallel_loop3A_1037, %parallel_loop3A_1065 : vector<16xf32>
      %parallel_loop3A_1067 = arith.minimumf %parallel_loop3A_1037, %parallel_loop3A_1065 : vector<16xf32>
      %parallel_loop3A_1068 = arith.maximumf %parallel_loop3A_1039, %parallel_loop3A_1067 : vector<16xf32>
      %parallel_loop3A_1069 = arith.minimumf %parallel_loop3A_1039, %parallel_loop3A_1067 : vector<16xf32>
      %parallel_loop3A_1070 = arith.constant 36 : i32
      %parallel_loop3A_1071 = vector.broadcast %parallel_loop3A_1070 : i32 to vector<16xi32>
      %parallel_loop3A_1072 = arith.addi %parallel_loop3A_23, %parallel_loop3A_1071 : vector<16xi32>
      %parallel_loop3A_1073 = tpu.vector_load_idx %arg6[%parallel_loop3A_1072] : memref<65536xf32, #tpu.memory_space<vmem>>[vector<16xi32>], vector<16xf32>,
      %parallel_loop3A_1074 = arith.addf %parallel_loop3A_1073, %max3A_7 : vector<16xf32>
      %parallel_loop3A_1075 = tpu.bitcast %parallel_loop3A_1074 : vector<16xf32> -> vector<16xi32>
      %parallel_loop3A_1076 = arith.constant -64 : i32
      %parallel_loop3A_1077 = vector.broadcast %parallel_loop3A_1076 : i32 to vector<16xi32>
      %parallel_loop3A_1078 = arith.andi %parallel_loop3A_1075, %parallel_loop3A_1077 : vector<16xi32>
      %parallel_loop3A_1079 = arith.constant 27 : i32
      %parallel_loop3A_1080 = vector.broadcast %parallel_loop3A_1079 : i32 to vector<16xi32>
      %parallel_loop3A_1081 = arith.ori %parallel_loop3A_1078, %parallel_loop3A_1080 : vector<16xi32>
      %parallel_loop3A_1082 = tpu.bitcast %parallel_loop3A_1081 : vector<16xi32> -> vector<16xf32>
      %parallel_loop3A_1083 = arith.maximumf %parallel_loop3A_1054, %parallel_loop3A_1082 : vector<16xf32>
      %parallel_loop3A_1084 = arith.minimumf %parallel_loop3A_1054, %parallel_loop3A_1082 : vector<16xf32>
      %parallel_loop3A_1085 = arith.maximumf %parallel_loop3A_1056, %parallel_loop3A_1084 : vector<16xf32>
      %parallel_loop3A_1086 = arith.minimumf %parallel_loop3A_1056, %parallel_loop3A_1084 : vector<16xf32>
      %parallel_loop3A_1087 = arith.maximumf %parallel_loop3A_1058, %parallel_loop3A_1086 : vector<16xf32>
      %parallel_loop3A_1088 = arith.minimumf %parallel_loop3A_1058, %parallel_loop3A_1086 : vector<16xf32>
      %parallel_loop3A_1089 = arith.maximumf %parallel_loop3A_1060, %parallel_loop3A_1088 : vector<16xf32>
      %parallel_loop3A_1090 = arith.minimumf %parallel_loop3A_1060, %parallel_loop3A_1088 : vector<16xf32>
      %parallel_loop3A_1091 = arith.maximumf %parallel_loop3A_1062, %parallel_loop3A_1090 : vector<16xf32>
      %parallel_loop3A_1092 = arith.minimumf %parallel_loop3A_1062, %parallel_loop3A_1090 : vector<16xf32>
      %parallel_loop3A_1093 = arith.maximumf %parallel_loop3A_1064, %parallel_loop3A_1092 : vector<16xf32>
      %parallel_loop3A_1094 = arith.minimumf %parallel_loop3A_1064, %parallel_loop3A_1092 : vector<16xf32>
      %parallel_loop3A_1095 = arith.maximumf %parallel_loop3A_1066, %parallel_loop3A_1094 : vector<16xf32>
      %parallel_loop3A_1096 = arith.minimumf %parallel_loop3A_1066, %parallel_loop3A_1094 : vector<16xf32>
      %parallel_loop3A_1097 = arith.maximumf %parallel_loop3A_1068, %parallel_loop3A_1096 : vector<16xf32>
      %parallel_loop3A_1098 = arith.minimumf %parallel_loop3A_1068, %parallel_loop3A_1096 : vector<16xf32>
      %parallel_loop3A_1099 = arith.constant 37 : i32
      %parallel_loop3A_1100 = vector.broadcast %parallel_loop3A_1099 : i32 to vector<16xi32>
      %parallel_loop3A_1101 = arith.addi %parallel_loop3A_23, %parallel_loop3A_1100 : vector<16xi32>
      %parallel_loop3A_1102 = tpu.vector_load_idx %arg6[%parallel_loop3A_1101] : memref<65536xf32, #tpu.memory_space<vmem>>[vector<16xi32>], vector<16xf32>,
      %parallel_loop3A_1103 = arith.addf %parallel_loop3A_1102, %max3A_7 : vector<16xf32>
      %parallel_loop3A_1104 = tpu.bitcast %parallel_loop3A_1103 : vector<16xf32> -> vector<16xi32>
      %parallel_loop3A_1105 = arith.constant -64 : i32
      %parallel_loop3A_1106 = vector.broadcast %parallel_loop3A_1105 : i32 to vector<16xi32>
      %parallel_loop3A_1107 = arith.andi %parallel_loop3A_1104, %parallel_loop3A_1106 : vector<16xi32>
      %parallel_loop3A_1108 = arith.constant 26 : i32
      %parallel_loop3A_1109 = vector.broadcast %parallel_loop3A_1108 : i32 to vector<16xi32>
      %parallel_loop3A_1110 = arith.ori %parallel_loop3A_1107, %parallel_loop3A_1109 : vector<16xi32>
      %parallel_loop3A_1111 = tpu.bitcast %parallel_loop3A_1110 : vector<16xi32> -> vector<16xf32>
      %parallel_loop3A_1112 = arith.maximumf %parallel_loop3A_1083, %parallel_loop3A_1111 : vector<16xf32>
      %parallel_loop3A_1113 = arith.minimumf %parallel_loop3A_1083, %parallel_loop3A_1111 : vector<16xf32>
      %parallel_loop3A_1114 = arith.maximumf %parallel_loop3A_1085, %parallel_loop3A_1113 : vector<16xf32>
      %parallel_loop3A_1115 = arith.minimumf %parallel_loop3A_1085, %parallel_loop3A_1113 : vector<16xf32>
      %parallel_loop3A_1116 = arith.maximumf %parallel_loop3A_1087, %parallel_loop3A_1115 : vector<16xf32>
      %parallel_loop3A_1117 = arith.minimumf %parallel_loop3A_1087, %parallel_loop3A_1115 : vector<16xf32>
      %parallel_loop3A_1118 = arith.maximumf %parallel_loop3A_1089, %parallel_loop3A_1117 : vector<16xf32>
      %parallel_loop3A_1119 = arith.minimumf %parallel_loop3A_1089, %parallel_loop3A_1117 : vector<16xf32>
      %parallel_loop3A_1120 = arith.maximumf %parallel_loop3A_1091, %parallel_loop3A_1119 : vector<16xf32>
      %parallel_loop3A_1121 = arith.minimumf %parallel_loop3A_1091, %parallel_loop3A_1119 : vector<16xf32>
      %parallel_loop3A_1122 = arith.maximumf %parallel_loop3A_1093, %parallel_loop3A_1121 : vector<16xf32>
      %parallel_loop3A_1123 = arith.minimumf %parallel_loop3A_1093, %parallel_loop3A_1121 : vector<16xf32>
      %parallel_loop3A_1124 = arith.maximumf %parallel_loop3A_1095, %parallel_loop3A_1123 : vector<16xf32>
      %parallel_loop3A_1125 = arith.minimumf %parallel_loop3A_1095, %parallel_loop3A_1123 : vector<16xf32>
      %parallel_loop3A_1126 = arith.maximumf %parallel_loop3A_1097, %parallel_loop3A_1125 : vector<16xf32>
      %parallel_loop3A_1127 = arith.minimumf %parallel_loop3A_1097, %parallel_loop3A_1125 : vector<16xf32>
      %parallel_loop3A_1128 = arith.constant 38 : i32
      %parallel_loop3A_1129 = vector.broadcast %parallel_loop3A_1128 : i32 to vector<16xi32>
      %parallel_loop3A_1130 = arith.addi %parallel_loop3A_23, %parallel_loop3A_1129 : vector<16xi32>
      %parallel_loop3A_1131 = tpu.vector_load_idx %arg6[%parallel_loop3A_1130] : memref<65536xf32, #tpu.memory_space<vmem>>[vector<16xi32>], vector<16xf32>,
      %parallel_loop3A_1132 = arith.addf %parallel_loop3A_1131, %max3A_7 : vector<16xf32>
      %parallel_loop3A_1133 = tpu.bitcast %parallel_loop3A_1132 : vector<16xf32> -> vector<16xi32>
      %parallel_loop3A_1134 = arith.constant -64 : i32
      %parallel_loop3A_1135 = vector.broadcast %parallel_loop3A_1134 : i32 to vector<16xi32>
      %parallel_loop3A_1136 = arith.andi %parallel_loop3A_1133, %parallel_loop3A_1135 : vector<16xi32>
      %parallel_loop3A_1137 = arith.constant 25 : i32
      %parallel_loop3A_1138 = vector.broadcast %parallel_loop3A_1137 : i32 to vector<16xi32>
      %parallel_loop3A_1139 = arith.ori %parallel_loop3A_1136, %parallel_loop3A_1138 : vector<16xi32>
      %parallel_loop3A_1140 = tpu.bitcast %parallel_loop3A_1139 : vector<16xi32> -> vector<16xf32>
      %parallel_loop3A_1141 = arith.maximumf %parallel_loop3A_1112, %parallel_loop3A_1140 : vector<16xf32>
      %parallel_loop3A_1142 = arith.minimumf %parallel_loop3A_1112, %parallel_loop3A_1140 : vector<16xf32>
      %parallel_loop3A_1143 = arith.maximumf %parallel_loop3A_1114, %parallel_loop3A_1142 : vector<16xf32>
      %parallel_loop3A_1144 = arith.minimumf %parallel_loop3A_1114, %parallel_loop3A_1142 : vector<16xf32>
      %parallel_loop3A_1145 = arith.maximumf %parallel_loop3A_1116, %parallel_loop3A_1144 : vector<16xf32>
      %parallel_loop3A_1146 = arith.minimumf %parallel_loop3A_1116, %parallel_loop3A_1144 : vector<16xf32>
      %parallel_loop3A_1147 = arith.maximumf %parallel_loop3A_1118, %parallel_loop3A_1146 : vector<16xf32>
      %parallel_loop3A_1148 = arith.minimumf %parallel_loop3A_1118, %parallel_loop3A_1146 : vector<16xf32>
      %parallel_loop3A_1149 = arith.maximumf %parallel_loop3A_1120, %parallel_loop3A_1148 : vector<16xf32>
      %parallel_loop3A_1150 = arith.minimumf %parallel_loop3A_1120, %parallel_loop3A_1148 : vector<16xf32>
      %parallel_loop3A_1151 = arith.maximumf %parallel_loop3A_1122, %parallel_loop3A_1150 : vector<16xf32>
      %parallel_loop3A_1152 = arith.minimumf %parallel_loop3A_1122, %parallel_loop3A_1150 : vector<16xf32>
      %parallel_loop3A_1153 = arith.maximumf %parallel_loop3A_1124, %parallel_loop3A_1152 : vector<16xf32>
      %parallel_loop3A_1154 = arith.minimumf %parallel_loop3A_1124, %parallel_loop3A_1152 : vector<16xf32>
      %parallel_loop3A_1155 = arith.maximumf %parallel_loop3A_1126, %parallel_loop3A_1154 : vector<16xf32>
      %parallel_loop3A_1156 = arith.minimumf %parallel_loop3A_1126, %parallel_loop3A_1154 : vector<16xf32>
      %parallel_loop3A_1157 = arith.constant 39 : i32
      %parallel_loop3A_1158 = vector.broadcast %parallel_loop3A_1157 : i32 to vector<16xi32>
      %parallel_loop3A_1159 = arith.addi %parallel_loop3A_23, %parallel_loop3A_1158 : vector<16xi32>
      %parallel_loop3A_1160 = tpu.vector_load_idx %arg6[%parallel_loop3A_1159] : memref<65536xf32, #tpu.memory_space<vmem>>[vector<16xi32>], vector<16xf32>,
      %parallel_loop3A_1161 = arith.addf %parallel_loop3A_1160, %max3A_7 : vector<16xf32>
      %parallel_loop3A_1162 = tpu.bitcast %parallel_loop3A_1161 : vector<16xf32> -> vector<16xi32>
      %parallel_loop3A_1163 = arith.constant -64 : i32
      %parallel_loop3A_1164 = vector.broadcast %parallel_loop3A_1163 : i32 to vector<16xi32>
      %parallel_loop3A_1165 = arith.andi %parallel_loop3A_1162, %parallel_loop3A_1164 : vector<16xi32>
      %parallel_loop3A_1166 = arith.constant 24 : i32
      %parallel_loop3A_1167 = vector.broadcast %parallel_loop3A_1166 : i32 to vector<16xi32>
      %parallel_loop3A_1168 = arith.ori %parallel_loop3A_1165, %parallel_loop3A_1167 : vector<16xi32>
      %parallel_loop3A_1169 = tpu.bitcast %parallel_loop3A_1168 : vector<16xi32> -> vector<16xf32>
      %parallel_loop3A_1170 = arith.maximumf %parallel_loop3A_1141, %parallel_loop3A_1169 : vector<16xf32>
      %parallel_loop3A_1171 = arith.minimumf %parallel_loop3A_1141, %parallel_loop3A_1169 : vector<16xf32>
      %parallel_loop3A_1172 = arith.maximumf %parallel_loop3A_1143, %parallel_loop3A_1171 : vector<16xf32>
      %parallel_loop3A_1173 = arith.minimumf %parallel_loop3A_1143, %parallel_loop3A_1171 : vector<16xf32>
      %parallel_loop3A_1174 = arith.maximumf %parallel_loop3A_1145, %parallel_loop3A_1173 : vector<16xf32>
      %parallel_loop3A_1175 = arith.minimumf %parallel_loop3A_1145, %parallel_loop3A_1173 : vector<16xf32>
      %parallel_loop3A_1176 = arith.maximumf %parallel_loop3A_1147, %parallel_loop3A_1175 : vector<16xf32>
      %parallel_loop3A_1177 = arith.minimumf %parallel_loop3A_1147, %parallel_loop3A_1175 : vector<16xf32>
      %parallel_loop3A_1178 = arith.maximumf %parallel_loop3A_1149, %parallel_loop3A_1177 : vector<16xf32>
      %parallel_loop3A_1179 = arith.minimumf %parallel_loop3A_1149, %parallel_loop3A_1177 : vector<16xf32>
      %parallel_loop3A_1180 = arith.maximumf %parallel_loop3A_1151, %parallel_loop3A_1179 : vector<16xf32>
      %parallel_loop3A_1181 = arith.minimumf %parallel_loop3A_1151, %parallel_loop3A_1179 : vector<16xf32>
      %parallel_loop3A_1182 = arith.maximumf %parallel_loop3A_1153, %parallel_loop3A_1181 : vector<16xf32>
      %parallel_loop3A_1183 = arith.minimumf %parallel_loop3A_1153, %parallel_loop3A_1181 : vector<16xf32>
      %parallel_loop3A_1184 = arith.maximumf %parallel_loop3A_1155, %parallel_loop3A_1183 : vector<16xf32>
      %parallel_loop3A_1185 = arith.minimumf %parallel_loop3A_1155, %parallel_loop3A_1183 : vector<16xf32>
      %parallel_loop3A_1186 = arith.constant 40 : i32
      %parallel_loop3A_1187 = vector.broadcast %parallel_loop3A_1186 : i32 to vector<16xi32>
      %parallel_loop3A_1188 = arith.addi %parallel_loop3A_23, %parallel_loop3A_1187 : vector<16xi32>
      %parallel_loop3A_1189 = tpu.vector_load_idx %arg6[%parallel_loop3A_1188] : memref<65536xf32, #tpu.memory_space<vmem>>[vector<16xi32>], vector<16xf32>,
      %parallel_loop3A_1190 = arith.addf %parallel_loop3A_1189, %max3A_7 : vector<16xf32>
      %parallel_loop3A_1191 = tpu.bitcast %parallel_loop3A_1190 : vector<16xf32> -> vector<16xi32>
      %parallel_loop3A_1192 = arith.constant -64 : i32
      %parallel_loop3A_1193 = vector.broadcast %parallel_loop3A_1192 : i32 to vector<16xi32>
      %parallel_loop3A_1194 = arith.andi %parallel_loop3A_1191, %parallel_loop3A_1193 : vector<16xi32>
      %parallel_loop3A_1195 = arith.constant 23 : i32
      %parallel_loop3A_1196 = vector.broadcast %parallel_loop3A_1195 : i32 to vector<16xi32>
      %parallel_loop3A_1197 = arith.ori %parallel_loop3A_1194, %parallel_loop3A_1196 : vector<16xi32>
      %parallel_loop3A_1198 = tpu.bitcast %parallel_loop3A_1197 : vector<16xi32> -> vector<16xf32>
      %parallel_loop3A_1199 = arith.maximumf %parallel_loop3A_1170, %parallel_loop3A_1198 : vector<16xf32>
      %parallel_loop3A_1200 = arith.minimumf %parallel_loop3A_1170, %parallel_loop3A_1198 : vector<16xf32>
      %parallel_loop3A_1201 = arith.maximumf %parallel_loop3A_1172, %parallel_loop3A_1200 : vector<16xf32>
      %parallel_loop3A_1202 = arith.minimumf %parallel_loop3A_1172, %parallel_loop3A_1200 : vector<16xf32>
      %parallel_loop3A_1203 = arith.maximumf %parallel_loop3A_1174, %parallel_loop3A_1202 : vector<16xf32>
      %parallel_loop3A_1204 = arith.minimumf %parallel_loop3A_1174, %parallel_loop3A_1202 : vector<16xf32>
      %parallel_loop3A_1205 = arith.maximumf %parallel_loop3A_1176, %parallel_loop3A_1204 : vector<16xf32>
      %parallel_loop3A_1206 = arith.minimumf %parallel_loop3A_1176, %parallel_loop3A_1204 : vector<16xf32>
      %parallel_loop3A_1207 = arith.maximumf %parallel_loop3A_1178, %parallel_loop3A_1206 : vector<16xf32>
      %parallel_loop3A_1208 = arith.minimumf %parallel_loop3A_1178, %parallel_loop3A_1206 : vector<16xf32>
      %parallel_loop3A_1209 = arith.maximumf %parallel_loop3A_1180, %parallel_loop3A_1208 : vector<16xf32>
      %parallel_loop3A_1210 = arith.minimumf %parallel_loop3A_1180, %parallel_loop3A_1208 : vector<16xf32>
      %parallel_loop3A_1211 = arith.maximumf %parallel_loop3A_1182, %parallel_loop3A_1210 : vector<16xf32>
      %parallel_loop3A_1212 = arith.minimumf %parallel_loop3A_1182, %parallel_loop3A_1210 : vector<16xf32>
      %parallel_loop3A_1213 = arith.maximumf %parallel_loop3A_1184, %parallel_loop3A_1212 : vector<16xf32>
      %parallel_loop3A_1214 = arith.minimumf %parallel_loop3A_1184, %parallel_loop3A_1212 : vector<16xf32>
      %parallel_loop3A_1215 = arith.constant 41 : i32
      %parallel_loop3A_1216 = vector.broadcast %parallel_loop3A_1215 : i32 to vector<16xi32>
      %parallel_loop3A_1217 = arith.addi %parallel_loop3A_23, %parallel_loop3A_1216 : vector<16xi32>
      %parallel_loop3A_1218 = tpu.vector_load_idx %arg6[%parallel_loop3A_1217] : memref<65536xf32, #tpu.memory_space<vmem>>[vector<16xi32>], vector<16xf32>,
      %parallel_loop3A_1219 = arith.addf %parallel_loop3A_1218, %max3A_7 : vector<16xf32>
      %parallel_loop3A_1220 = tpu.bitcast %parallel_loop3A_1219 : vector<16xf32> -> vector<16xi32>
      %parallel_loop3A_1221 = arith.constant -64 : i32
      %parallel_loop3A_1222 = vector.broadcast %parallel_loop3A_1221 : i32 to vector<16xi32>
      %parallel_loop3A_1223 = arith.andi %parallel_loop3A_1220, %parallel_loop3A_1222 : vector<16xi32>
      %parallel_loop3A_1224 = arith.constant 22 : i32
      %parallel_loop3A_1225 = vector.broadcast %parallel_loop3A_1224 : i32 to vector<16xi32>
      %parallel_loop3A_1226 = arith.ori %parallel_loop3A_1223, %parallel_loop3A_1225 : vector<16xi32>
      %parallel_loop3A_1227 = tpu.bitcast %parallel_loop3A_1226 : vector<16xi32> -> vector<16xf32>
      %parallel_loop3A_1228 = arith.maximumf %parallel_loop3A_1199, %parallel_loop3A_1227 : vector<16xf32>
      %parallel_loop3A_1229 = arith.minimumf %parallel_loop3A_1199, %parallel_loop3A_1227 : vector<16xf32>
      %parallel_loop3A_1230 = arith.maximumf %parallel_loop3A_1201, %parallel_loop3A_1229 : vector<16xf32>
      %parallel_loop3A_1231 = arith.minimumf %parallel_loop3A_1201, %parallel_loop3A_1229 : vector<16xf32>
      %parallel_loop3A_1232 = arith.maximumf %parallel_loop3A_1203, %parallel_loop3A_1231 : vector<16xf32>
      %parallel_loop3A_1233 = arith.minimumf %parallel_loop3A_1203, %parallel_loop3A_1231 : vector<16xf32>
      %parallel_loop3A_1234 = arith.maximumf %parallel_loop3A_1205, %parallel_loop3A_1233 : vector<16xf32>
      %parallel_loop3A_1235 = arith.minimumf %parallel_loop3A_1205, %parallel_loop3A_1233 : vector<16xf32>
      %parallel_loop3A_1236 = arith.maximumf %parallel_loop3A_1207, %parallel_loop3A_1235 : vector<16xf32>
      %parallel_loop3A_1237 = arith.minimumf %parallel_loop3A_1207, %parallel_loop3A_1235 : vector<16xf32>
      %parallel_loop3A_1238 = arith.maximumf %parallel_loop3A_1209, %parallel_loop3A_1237 : vector<16xf32>
      %parallel_loop3A_1239 = arith.minimumf %parallel_loop3A_1209, %parallel_loop3A_1237 : vector<16xf32>
      %parallel_loop3A_1240 = arith.maximumf %parallel_loop3A_1211, %parallel_loop3A_1239 : vector<16xf32>
      %parallel_loop3A_1241 = arith.minimumf %parallel_loop3A_1211, %parallel_loop3A_1239 : vector<16xf32>
      %parallel_loop3A_1242 = arith.maximumf %parallel_loop3A_1213, %parallel_loop3A_1241 : vector<16xf32>
      %parallel_loop3A_1243 = arith.minimumf %parallel_loop3A_1213, %parallel_loop3A_1241 : vector<16xf32>
      %parallel_loop3A_1244 = arith.constant 42 : i32
      %parallel_loop3A_1245 = vector.broadcast %parallel_loop3A_1244 : i32 to vector<16xi32>
      %parallel_loop3A_1246 = arith.addi %parallel_loop3A_23, %parallel_loop3A_1245 : vector<16xi32>
      %parallel_loop3A_1247 = tpu.vector_load_idx %arg6[%parallel_loop3A_1246] : memref<65536xf32, #tpu.memory_space<vmem>>[vector<16xi32>], vector<16xf32>,
      %parallel_loop3A_1248 = arith.addf %parallel_loop3A_1247, %max3A_7 : vector<16xf32>
      %parallel_loop3A_1249 = tpu.bitcast %parallel_loop3A_1248 : vector<16xf32> -> vector<16xi32>
      %parallel_loop3A_1250 = arith.constant -64 : i32
      %parallel_loop3A_1251 = vector.broadcast %parallel_loop3A_1250 : i32 to vector<16xi32>
      %parallel_loop3A_1252 = arith.andi %parallel_loop3A_1249, %parallel_loop3A_1251 : vector<16xi32>
      %parallel_loop3A_1253 = arith.constant 21 : i32
      %parallel_loop3A_1254 = vector.broadcast %parallel_loop3A_1253 : i32 to vector<16xi32>
      %parallel_loop3A_1255 = arith.ori %parallel_loop3A_1252, %parallel_loop3A_1254 : vector<16xi32>
      %parallel_loop3A_1256 = tpu.bitcast %parallel_loop3A_1255 : vector<16xi32> -> vector<16xf32>
      %parallel_loop3A_1257 = arith.maximumf %parallel_loop3A_1228, %parallel_loop3A_1256 : vector<16xf32>
      %parallel_loop3A_1258 = arith.minimumf %parallel_loop3A_1228, %parallel_loop3A_1256 : vector<16xf32>
      %parallel_loop3A_1259 = arith.maximumf %parallel_loop3A_1230, %parallel_loop3A_1258 : vector<16xf32>
      %parallel_loop3A_1260 = arith.minimumf %parallel_loop3A_1230, %parallel_loop3A_1258 : vector<16xf32>
      %parallel_loop3A_1261 = arith.maximumf %parallel_loop3A_1232, %parallel_loop3A_1260 : vector<16xf32>
      %parallel_loop3A_1262 = arith.minimumf %parallel_loop3A_1232, %parallel_loop3A_1260 : vector<16xf32>
      %parallel_loop3A_1263 = arith.maximumf %parallel_loop3A_1234, %parallel_loop3A_1262 : vector<16xf32>
      %parallel_loop3A_1264 = arith.minimumf %parallel_loop3A_1234, %parallel_loop3A_1262 : vector<16xf32>
      %parallel_loop3A_1265 = arith.maximumf %parallel_loop3A_1236, %parallel_loop3A_1264 : vector<16xf32>
      %parallel_loop3A_1266 = arith.minimumf %parallel_loop3A_1236, %parallel_loop3A_1264 : vector<16xf32>
      %parallel_loop3A_1267 = arith.maximumf %parallel_loop3A_1238, %parallel_loop3A_1266 : vector<16xf32>
      %parallel_loop3A_1268 = arith.minimumf %parallel_loop3A_1238, %parallel_loop3A_1266 : vector<16xf32>
      %parallel_loop3A_1269 = arith.maximumf %parallel_loop3A_1240, %parallel_loop3A_1268 : vector<16xf32>
      %parallel_loop3A_1270 = arith.minimumf %parallel_loop3A_1240, %parallel_loop3A_1268 : vector<16xf32>
      %parallel_loop3A_1271 = arith.maximumf %parallel_loop3A_1242, %parallel_loop3A_1270 : vector<16xf32>
      %parallel_loop3A_1272 = arith.minimumf %parallel_loop3A_1242, %parallel_loop3A_1270 : vector<16xf32>
      %parallel_loop3A_1273 = arith.constant 43 : i32
      %parallel_loop3A_1274 = vector.broadcast %parallel_loop3A_1273 : i32 to vector<16xi32>
      %parallel_loop3A_1275 = arith.addi %parallel_loop3A_23, %parallel_loop3A_1274 : vector<16xi32>
      %parallel_loop3A_1276 = tpu.vector_load_idx %arg6[%parallel_loop3A_1275] : memref<65536xf32, #tpu.memory_space<vmem>>[vector<16xi32>], vector<16xf32>,
      %parallel_loop3A_1277 = arith.addf %parallel_loop3A_1276, %max3A_7 : vector<16xf32>
      %parallel_loop3A_1278 = tpu.bitcast %parallel_loop3A_1277 : vector<16xf32> -> vector<16xi32>
      %parallel_loop3A_1279 = arith.constant -64 : i32
      %parallel_loop3A_1280 = vector.broadcast %parallel_loop3A_1279 : i32 to vector<16xi32>
      %parallel_loop3A_1281 = arith.andi %parallel_loop3A_1278, %parallel_loop3A_1280 : vector<16xi32>
      %parallel_loop3A_1282 = arith.constant 20 : i32
      %parallel_loop3A_1283 = vector.broadcast %parallel_loop3A_1282 : i32 to vector<16xi32>
      %parallel_loop3A_1284 = arith.ori %parallel_loop3A_1281, %parallel_loop3A_1283 : vector<16xi32>
      %parallel_loop3A_1285 = tpu.bitcast %parallel_loop3A_1284 : vector<16xi32> -> vector<16xf32>
      %parallel_loop3A_1286 = arith.maximumf %parallel_loop3A_1257, %parallel_loop3A_1285 : vector<16xf32>
      %parallel_loop3A_1287 = arith.minimumf %parallel_loop3A_1257, %parallel_loop3A_1285 : vector<16xf32>
      %parallel_loop3A_1288 = arith.maximumf %parallel_loop3A_1259, %parallel_loop3A_1287 : vector<16xf32>
      %parallel_loop3A_1289 = arith.minimumf %parallel_loop3A_1259, %parallel_loop3A_1287 : vector<16xf32>
      %parallel_loop3A_1290 = arith.maximumf %parallel_loop3A_1261, %parallel_loop3A_1289 : vector<16xf32>
      %parallel_loop3A_1291 = arith.minimumf %parallel_loop3A_1261, %parallel_loop3A_1289 : vector<16xf32>
      %parallel_loop3A_1292 = arith.maximumf %parallel_loop3A_1263, %parallel_loop3A_1291 : vector<16xf32>
      %parallel_loop3A_1293 = arith.minimumf %parallel_loop3A_1263, %parallel_loop3A_1291 : vector<16xf32>
      %parallel_loop3A_1294 = arith.maximumf %parallel_loop3A_1265, %parallel_loop3A_1293 : vector<16xf32>
      %parallel_loop3A_1295 = arith.minimumf %parallel_loop3A_1265, %parallel_loop3A_1293 : vector<16xf32>
      %parallel_loop3A_1296 = arith.maximumf %parallel_loop3A_1267, %parallel_loop3A_1295 : vector<16xf32>
      %parallel_loop3A_1297 = arith.minimumf %parallel_loop3A_1267, %parallel_loop3A_1295 : vector<16xf32>
      %parallel_loop3A_1298 = arith.maximumf %parallel_loop3A_1269, %parallel_loop3A_1297 : vector<16xf32>
      %parallel_loop3A_1299 = arith.minimumf %parallel_loop3A_1269, %parallel_loop3A_1297 : vector<16xf32>
      %parallel_loop3A_1300 = arith.maximumf %parallel_loop3A_1271, %parallel_loop3A_1299 : vector<16xf32>
      %parallel_loop3A_1301 = arith.minimumf %parallel_loop3A_1271, %parallel_loop3A_1299 : vector<16xf32>
      %parallel_loop3A_1302 = arith.constant 44 : i32
      %parallel_loop3A_1303 = vector.broadcast %parallel_loop3A_1302 : i32 to vector<16xi32>
      %parallel_loop3A_1304 = arith.addi %parallel_loop3A_23, %parallel_loop3A_1303 : vector<16xi32>
      %parallel_loop3A_1305 = tpu.vector_load_idx %arg6[%parallel_loop3A_1304] : memref<65536xf32, #tpu.memory_space<vmem>>[vector<16xi32>], vector<16xf32>,
      %parallel_loop3A_1306 = arith.addf %parallel_loop3A_1305, %max3A_7 : vector<16xf32>
      %parallel_loop3A_1307 = tpu.bitcast %parallel_loop3A_1306 : vector<16xf32> -> vector<16xi32>
      %parallel_loop3A_1308 = arith.constant -64 : i32
      %parallel_loop3A_1309 = vector.broadcast %parallel_loop3A_1308 : i32 to vector<16xi32>
      %parallel_loop3A_1310 = arith.andi %parallel_loop3A_1307, %parallel_loop3A_1309 : vector<16xi32>
      %parallel_loop3A_1311 = arith.constant 19 : i32
      %parallel_loop3A_1312 = vector.broadcast %parallel_loop3A_1311 : i32 to vector<16xi32>
      %parallel_loop3A_1313 = arith.ori %parallel_loop3A_1310, %parallel_loop3A_1312 : vector<16xi32>
      %parallel_loop3A_1314 = tpu.bitcast %parallel_loop3A_1313 : vector<16xi32> -> vector<16xf32>
      %parallel_loop3A_1315 = arith.maximumf %parallel_loop3A_1286, %parallel_loop3A_1314 : vector<16xf32>
      %parallel_loop3A_1316 = arith.minimumf %parallel_loop3A_1286, %parallel_loop3A_1314 : vector<16xf32>
      %parallel_loop3A_1317 = arith.maximumf %parallel_loop3A_1288, %parallel_loop3A_1316 : vector<16xf32>
      %parallel_loop3A_1318 = arith.minimumf %parallel_loop3A_1288, %parallel_loop3A_1316 : vector<16xf32>
      %parallel_loop3A_1319 = arith.maximumf %parallel_loop3A_1290, %parallel_loop3A_1318 : vector<16xf32>
      %parallel_loop3A_1320 = arith.minimumf %parallel_loop3A_1290, %parallel_loop3A_1318 : vector<16xf32>
      %parallel_loop3A_1321 = arith.maximumf %parallel_loop3A_1292, %parallel_loop3A_1320 : vector<16xf32>
      %parallel_loop3A_1322 = arith.minimumf %parallel_loop3A_1292, %parallel_loop3A_1320 : vector<16xf32>
      %parallel_loop3A_1323 = arith.maximumf %parallel_loop3A_1294, %parallel_loop3A_1322 : vector<16xf32>
      %parallel_loop3A_1324 = arith.minimumf %parallel_loop3A_1294, %parallel_loop3A_1322 : vector<16xf32>
      %parallel_loop3A_1325 = arith.maximumf %parallel_loop3A_1296, %parallel_loop3A_1324 : vector<16xf32>
      %parallel_loop3A_1326 = arith.minimumf %parallel_loop3A_1296, %parallel_loop3A_1324 : vector<16xf32>
      %parallel_loop3A_1327 = arith.maximumf %parallel_loop3A_1298, %parallel_loop3A_1326 : vector<16xf32>
      %parallel_loop3A_1328 = arith.minimumf %parallel_loop3A_1298, %parallel_loop3A_1326 : vector<16xf32>
      %parallel_loop3A_1329 = arith.maximumf %parallel_loop3A_1300, %parallel_loop3A_1328 : vector<16xf32>
      %parallel_loop3A_1330 = arith.minimumf %parallel_loop3A_1300, %parallel_loop3A_1328 : vector<16xf32>
      %parallel_loop3A_1331 = arith.constant 45 : i32
      %parallel_loop3A_1332 = vector.broadcast %parallel_loop3A_1331 : i32 to vector<16xi32>
      %parallel_loop3A_1333 = arith.addi %parallel_loop3A_23, %parallel_loop3A_1332 : vector<16xi32>
      %parallel_loop3A_1334 = tpu.vector_load_idx %arg6[%parallel_loop3A_1333] : memref<65536xf32, #tpu.memory_space<vmem>>[vector<16xi32>], vector<16xf32>,
      %parallel_loop3A_1335 = arith.addf %parallel_loop3A_1334, %max3A_7 : vector<16xf32>
      %parallel_loop3A_1336 = tpu.bitcast %parallel_loop3A_1335 : vector<16xf32> -> vector<16xi32>
      %parallel_loop3A_1337 = arith.constant -64 : i32
      %parallel_loop3A_1338 = vector.broadcast %parallel_loop3A_1337 : i32 to vector<16xi32>
      %parallel_loop3A_1339 = arith.andi %parallel_loop3A_1336, %parallel_loop3A_1338 : vector<16xi32>
      %parallel_loop3A_1340 = arith.constant 18 : i32
      %parallel_loop3A_1341 = vector.broadcast %parallel_loop3A_1340 : i32 to vector<16xi32>
      %parallel_loop3A_1342 = arith.ori %parallel_loop3A_1339, %parallel_loop3A_1341 : vector<16xi32>
      %parallel_loop3A_1343 = tpu.bitcast %parallel_loop3A_1342 : vector<16xi32> -> vector<16xf32>
      %parallel_loop3A_1344 = arith.maximumf %parallel_loop3A_1315, %parallel_loop3A_1343 : vector<16xf32>
      %parallel_loop3A_1345 = arith.minimumf %parallel_loop3A_1315, %parallel_loop3A_1343 : vector<16xf32>
      %parallel_loop3A_1346 = arith.maximumf %parallel_loop3A_1317, %parallel_loop3A_1345 : vector<16xf32>
      %parallel_loop3A_1347 = arith.minimumf %parallel_loop3A_1317, %parallel_loop3A_1345 : vector<16xf32>
      %parallel_loop3A_1348 = arith.maximumf %parallel_loop3A_1319, %parallel_loop3A_1347 : vector<16xf32>
      %parallel_loop3A_1349 = arith.minimumf %parallel_loop3A_1319, %parallel_loop3A_1347 : vector<16xf32>
      %parallel_loop3A_1350 = arith.maximumf %parallel_loop3A_1321, %parallel_loop3A_1349 : vector<16xf32>
      %parallel_loop3A_1351 = arith.minimumf %parallel_loop3A_1321, %parallel_loop3A_1349 : vector<16xf32>
      %parallel_loop3A_1352 = arith.maximumf %parallel_loop3A_1323, %parallel_loop3A_1351 : vector<16xf32>
      %parallel_loop3A_1353 = arith.minimumf %parallel_loop3A_1323, %parallel_loop3A_1351 : vector<16xf32>
      %parallel_loop3A_1354 = arith.maximumf %parallel_loop3A_1325, %parallel_loop3A_1353 : vector<16xf32>
      %parallel_loop3A_1355 = arith.minimumf %parallel_loop3A_1325, %parallel_loop3A_1353 : vector<16xf32>
      %parallel_loop3A_1356 = arith.maximumf %parallel_loop3A_1327, %parallel_loop3A_1355 : vector<16xf32>
      %parallel_loop3A_1357 = arith.minimumf %parallel_loop3A_1327, %parallel_loop3A_1355 : vector<16xf32>
      %parallel_loop3A_1358 = arith.maximumf %parallel_loop3A_1329, %parallel_loop3A_1357 : vector<16xf32>
      %parallel_loop3A_1359 = arith.minimumf %parallel_loop3A_1329, %parallel_loop3A_1357 : vector<16xf32>
      %parallel_loop3A_1360 = arith.constant 46 : i32
      %parallel_loop3A_1361 = vector.broadcast %parallel_loop3A_1360 : i32 to vector<16xi32>
      %parallel_loop3A_1362 = arith.addi %parallel_loop3A_23, %parallel_loop3A_1361 : vector<16xi32>
      %parallel_loop3A_1363 = tpu.vector_load_idx %arg6[%parallel_loop3A_1362] : memref<65536xf32, #tpu.memory_space<vmem>>[vector<16xi32>], vector<16xf32>,
      %parallel_loop3A_1364 = arith.addf %parallel_loop3A_1363, %max3A_7 : vector<16xf32>
      %parallel_loop3A_1365 = tpu.bitcast %parallel_loop3A_1364 : vector<16xf32> -> vector<16xi32>
      %parallel_loop3A_1366 = arith.constant -64 : i32
      %parallel_loop3A_1367 = vector.broadcast %parallel_loop3A_1366 : i32 to vector<16xi32>
      %parallel_loop3A_1368 = arith.andi %parallel_loop3A_1365, %parallel_loop3A_1367 : vector<16xi32>
      %parallel_loop3A_1369 = arith.constant 17 : i32
      %parallel_loop3A_1370 = vector.broadcast %parallel_loop3A_1369 : i32 to vector<16xi32>
      %parallel_loop3A_1371 = arith.ori %parallel_loop3A_1368, %parallel_loop3A_1370 : vector<16xi32>
      %parallel_loop3A_1372 = tpu.bitcast %parallel_loop3A_1371 : vector<16xi32> -> vector<16xf32>
      %parallel_loop3A_1373 = arith.maximumf %parallel_loop3A_1344, %parallel_loop3A_1372 : vector<16xf32>
      %parallel_loop3A_1374 = arith.minimumf %parallel_loop3A_1344, %parallel_loop3A_1372 : vector<16xf32>
      %parallel_loop3A_1375 = arith.maximumf %parallel_loop3A_1346, %parallel_loop3A_1374 : vector<16xf32>
      %parallel_loop3A_1376 = arith.minimumf %parallel_loop3A_1346, %parallel_loop3A_1374 : vector<16xf32>
      %parallel_loop3A_1377 = arith.maximumf %parallel_loop3A_1348, %parallel_loop3A_1376 : vector<16xf32>
      %parallel_loop3A_1378 = arith.minimumf %parallel_loop3A_1348, %parallel_loop3A_1376 : vector<16xf32>
      %parallel_loop3A_1379 = arith.maximumf %parallel_loop3A_1350, %parallel_loop3A_1378 : vector<16xf32>
      %parallel_loop3A_1380 = arith.minimumf %parallel_loop3A_1350, %parallel_loop3A_1378 : vector<16xf32>
      %parallel_loop3A_1381 = arith.maximumf %parallel_loop3A_1352, %parallel_loop3A_1380 : vector<16xf32>
      %parallel_loop3A_1382 = arith.minimumf %parallel_loop3A_1352, %parallel_loop3A_1380 : vector<16xf32>
      %parallel_loop3A_1383 = arith.maximumf %parallel_loop3A_1354, %parallel_loop3A_1382 : vector<16xf32>
      %parallel_loop3A_1384 = arith.minimumf %parallel_loop3A_1354, %parallel_loop3A_1382 : vector<16xf32>
      %parallel_loop3A_1385 = arith.maximumf %parallel_loop3A_1356, %parallel_loop3A_1384 : vector<16xf32>
      %parallel_loop3A_1386 = arith.minimumf %parallel_loop3A_1356, %parallel_loop3A_1384 : vector<16xf32>
      %parallel_loop3A_1387 = arith.maximumf %parallel_loop3A_1358, %parallel_loop3A_1386 : vector<16xf32>
      %parallel_loop3A_1388 = arith.minimumf %parallel_loop3A_1358, %parallel_loop3A_1386 : vector<16xf32>
      %parallel_loop3A_1389 = arith.constant 47 : i32
      %parallel_loop3A_1390 = vector.broadcast %parallel_loop3A_1389 : i32 to vector<16xi32>
      %parallel_loop3A_1391 = arith.addi %parallel_loop3A_23, %parallel_loop3A_1390 : vector<16xi32>
      %parallel_loop3A_1392 = tpu.vector_load_idx %arg6[%parallel_loop3A_1391] : memref<65536xf32, #tpu.memory_space<vmem>>[vector<16xi32>], vector<16xf32>,
      %parallel_loop3A_1393 = arith.addf %parallel_loop3A_1392, %max3A_7 : vector<16xf32>
      %parallel_loop3A_1394 = tpu.bitcast %parallel_loop3A_1393 : vector<16xf32> -> vector<16xi32>
      %parallel_loop3A_1395 = arith.constant -64 : i32
      %parallel_loop3A_1396 = vector.broadcast %parallel_loop3A_1395 : i32 to vector<16xi32>
      %parallel_loop3A_1397 = arith.andi %parallel_loop3A_1394, %parallel_loop3A_1396 : vector<16xi32>
      %parallel_loop3A_1398 = arith.constant 16 : i32
      %parallel_loop3A_1399 = vector.broadcast %parallel_loop3A_1398 : i32 to vector<16xi32>
      %parallel_loop3A_1400 = arith.ori %parallel_loop3A_1397, %parallel_loop3A_1399 : vector<16xi32>
      %parallel_loop3A_1401 = tpu.bitcast %parallel_loop3A_1400 : vector<16xi32> -> vector<16xf32>
      %parallel_loop3A_1402 = arith.maximumf %parallel_loop3A_1373, %parallel_loop3A_1401 : vector<16xf32>
      %parallel_loop3A_1403 = arith.minimumf %parallel_loop3A_1373, %parallel_loop3A_1401 : vector<16xf32>
      %parallel_loop3A_1404 = arith.maximumf %parallel_loop3A_1375, %parallel_loop3A_1403 : vector<16xf32>
      %parallel_loop3A_1405 = arith.minimumf %parallel_loop3A_1375, %parallel_loop3A_1403 : vector<16xf32>
      %parallel_loop3A_1406 = arith.maximumf %parallel_loop3A_1377, %parallel_loop3A_1405 : vector<16xf32>
      %parallel_loop3A_1407 = arith.minimumf %parallel_loop3A_1377, %parallel_loop3A_1405 : vector<16xf32>
      %parallel_loop3A_1408 = arith.maximumf %parallel_loop3A_1379, %parallel_loop3A_1407 : vector<16xf32>
      %parallel_loop3A_1409 = arith.minimumf %parallel_loop3A_1379, %parallel_loop3A_1407 : vector<16xf32>
      %parallel_loop3A_1410 = arith.maximumf %parallel_loop3A_1381, %parallel_loop3A_1409 : vector<16xf32>
      %parallel_loop3A_1411 = arith.minimumf %parallel_loop3A_1381, %parallel_loop3A_1409 : vector<16xf32>
      %parallel_loop3A_1412 = arith.maximumf %parallel_loop3A_1383, %parallel_loop3A_1411 : vector<16xf32>
      %parallel_loop3A_1413 = arith.minimumf %parallel_loop3A_1383, %parallel_loop3A_1411 : vector<16xf32>
      %parallel_loop3A_1414 = arith.maximumf %parallel_loop3A_1385, %parallel_loop3A_1413 : vector<16xf32>
      %parallel_loop3A_1415 = arith.minimumf %parallel_loop3A_1385, %parallel_loop3A_1413 : vector<16xf32>
      %parallel_loop3A_1416 = arith.maximumf %parallel_loop3A_1387, %parallel_loop3A_1415 : vector<16xf32>
      %parallel_loop3A_1417 = arith.minimumf %parallel_loop3A_1387, %parallel_loop3A_1415 : vector<16xf32>
      %parallel_loop3A_1418 = arith.constant 48 : i32
      %parallel_loop3A_1419 = vector.broadcast %parallel_loop3A_1418 : i32 to vector<16xi32>
      %parallel_loop3A_1420 = arith.addi %parallel_loop3A_23, %parallel_loop3A_1419 : vector<16xi32>
      %parallel_loop3A_1421 = tpu.vector_load_idx %arg6[%parallel_loop3A_1420] : memref<65536xf32, #tpu.memory_space<vmem>>[vector<16xi32>], vector<16xf32>,
      %parallel_loop3A_1422 = arith.addf %parallel_loop3A_1421, %max3A_7 : vector<16xf32>
      %parallel_loop3A_1423 = tpu.bitcast %parallel_loop3A_1422 : vector<16xf32> -> vector<16xi32>
      %parallel_loop3A_1424 = arith.constant -64 : i32
      %parallel_loop3A_1425 = vector.broadcast %parallel_loop3A_1424 : i32 to vector<16xi32>
      %parallel_loop3A_1426 = arith.andi %parallel_loop3A_1423, %parallel_loop3A_1425 : vector<16xi32>
      %parallel_loop3A_1427 = arith.constant 15 : i32
      %parallel_loop3A_1428 = vector.broadcast %parallel_loop3A_1427 : i32 to vector<16xi32>
      %parallel_loop3A_1429 = arith.ori %parallel_loop3A_1426, %parallel_loop3A_1428 : vector<16xi32>
      %parallel_loop3A_1430 = tpu.bitcast %parallel_loop3A_1429 : vector<16xi32> -> vector<16xf32>
      %parallel_loop3A_1431 = arith.maximumf %parallel_loop3A_1402, %parallel_loop3A_1430 : vector<16xf32>
      %parallel_loop3A_1432 = arith.minimumf %parallel_loop3A_1402, %parallel_loop3A_1430 : vector<16xf32>
      %parallel_loop3A_1433 = arith.maximumf %parallel_loop3A_1404, %parallel_loop3A_1432 : vector<16xf32>
      %parallel_loop3A_1434 = arith.minimumf %parallel_loop3A_1404, %parallel_loop3A_1432 : vector<16xf32>
      %parallel_loop3A_1435 = arith.maximumf %parallel_loop3A_1406, %parallel_loop3A_1434 : vector<16xf32>
      %parallel_loop3A_1436 = arith.minimumf %parallel_loop3A_1406, %parallel_loop3A_1434 : vector<16xf32>
      %parallel_loop3A_1437 = arith.maximumf %parallel_loop3A_1408, %parallel_loop3A_1436 : vector<16xf32>
      %parallel_loop3A_1438 = arith.minimumf %parallel_loop3A_1408, %parallel_loop3A_1436 : vector<16xf32>
      %parallel_loop3A_1439 = arith.maximumf %parallel_loop3A_1410, %parallel_loop3A_1438 : vector<16xf32>
      %parallel_loop3A_1440 = arith.minimumf %parallel_loop3A_1410, %parallel_loop3A_1438 : vector<16xf32>
      %parallel_loop3A_1441 = arith.maximumf %parallel_loop3A_1412, %parallel_loop3A_1440 : vector<16xf32>
      %parallel_loop3A_1442 = arith.minimumf %parallel_loop3A_1412, %parallel_loop3A_1440 : vector<16xf32>
      %parallel_loop3A_1443 = arith.maximumf %parallel_loop3A_1414, %parallel_loop3A_1442 : vector<16xf32>
      %parallel_loop3A_1444 = arith.minimumf %parallel_loop3A_1414, %parallel_loop3A_1442 : vector<16xf32>
      %parallel_loop3A_1445 = arith.maximumf %parallel_loop3A_1416, %parallel_loop3A_1444 : vector<16xf32>
      %parallel_loop3A_1446 = arith.minimumf %parallel_loop3A_1416, %parallel_loop3A_1444 : vector<16xf32>
      %parallel_loop3A_1447 = arith.constant 49 : i32
      %parallel_loop3A_1448 = vector.broadcast %parallel_loop3A_1447 : i32 to vector<16xi32>
      %parallel_loop3A_1449 = arith.addi %parallel_loop3A_23, %parallel_loop3A_1448 : vector<16xi32>
      %parallel_loop3A_1450 = tpu.vector_load_idx %arg6[%parallel_loop3A_1449] : memref<65536xf32, #tpu.memory_space<vmem>>[vector<16xi32>], vector<16xf32>,
      %parallel_loop3A_1451 = arith.addf %parallel_loop3A_1450, %max3A_7 : vector<16xf32>
      %parallel_loop3A_1452 = tpu.bitcast %parallel_loop3A_1451 : vector<16xf32> -> vector<16xi32>
      %parallel_loop3A_1453 = arith.constant -64 : i32
      %parallel_loop3A_1454 = vector.broadcast %parallel_loop3A_1453 : i32 to vector<16xi32>
      %parallel_loop3A_1455 = arith.andi %parallel_loop3A_1452, %parallel_loop3A_1454 : vector<16xi32>
      %parallel_loop3A_1456 = arith.constant 14 : i32
      %parallel_loop3A_1457 = vector.broadcast %parallel_loop3A_1456 : i32 to vector<16xi32>
      %parallel_loop3A_1458 = arith.ori %parallel_loop3A_1455, %parallel_loop3A_1457 : vector<16xi32>
      %parallel_loop3A_1459 = tpu.bitcast %parallel_loop3A_1458 : vector<16xi32> -> vector<16xf32>
      %parallel_loop3A_1460 = arith.maximumf %parallel_loop3A_1431, %parallel_loop3A_1459 : vector<16xf32>
      %parallel_loop3A_1461 = arith.minimumf %parallel_loop3A_1431, %parallel_loop3A_1459 : vector<16xf32>
      %parallel_loop3A_1462 = arith.maximumf %parallel_loop3A_1433, %parallel_loop3A_1461 : vector<16xf32>
      %parallel_loop3A_1463 = arith.minimumf %parallel_loop3A_1433, %parallel_loop3A_1461 : vector<16xf32>
      %parallel_loop3A_1464 = arith.maximumf %parallel_loop3A_1435, %parallel_loop3A_1463 : vector<16xf32>
      %parallel_loop3A_1465 = arith.minimumf %parallel_loop3A_1435, %parallel_loop3A_1463 : vector<16xf32>
      %parallel_loop3A_1466 = arith.maximumf %parallel_loop3A_1437, %parallel_loop3A_1465 : vector<16xf32>
      %parallel_loop3A_1467 = arith.minimumf %parallel_loop3A_1437, %parallel_loop3A_1465 : vector<16xf32>
      %parallel_loop3A_1468 = arith.maximumf %parallel_loop3A_1439, %parallel_loop3A_1467 : vector<16xf32>
      %parallel_loop3A_1469 = arith.minimumf %parallel_loop3A_1439, %parallel_loop3A_1467 : vector<16xf32>
      %parallel_loop3A_1470 = arith.maximumf %parallel_loop3A_1441, %parallel_loop3A_1469 : vector<16xf32>
      %parallel_loop3A_1471 = arith.minimumf %parallel_loop3A_1441, %parallel_loop3A_1469 : vector<16xf32>
      %parallel_loop3A_1472 = arith.maximumf %parallel_loop3A_1443, %parallel_loop3A_1471 : vector<16xf32>
      %parallel_loop3A_1473 = arith.minimumf %parallel_loop3A_1443, %parallel_loop3A_1471 : vector<16xf32>
      %parallel_loop3A_1474 = arith.maximumf %parallel_loop3A_1445, %parallel_loop3A_1473 : vector<16xf32>
      %parallel_loop3A_1475 = arith.minimumf %parallel_loop3A_1445, %parallel_loop3A_1473 : vector<16xf32>
      %parallel_loop3A_1476 = arith.constant 50 : i32
      %parallel_loop3A_1477 = vector.broadcast %parallel_loop3A_1476 : i32 to vector<16xi32>
      %parallel_loop3A_1478 = arith.addi %parallel_loop3A_23, %parallel_loop3A_1477 : vector<16xi32>
      %parallel_loop3A_1479 = tpu.vector_load_idx %arg6[%parallel_loop3A_1478] : memref<65536xf32, #tpu.memory_space<vmem>>[vector<16xi32>], vector<16xf32>,
      %parallel_loop3A_1480 = arith.addf %parallel_loop3A_1479, %max3A_7 : vector<16xf32>
      %parallel_loop3A_1481 = tpu.bitcast %parallel_loop3A_1480 : vector<16xf32> -> vector<16xi32>
      %parallel_loop3A_1482 = arith.constant -64 : i32
      %parallel_loop3A_1483 = vector.broadcast %parallel_loop3A_1482 : i32 to vector<16xi32>
      %parallel_loop3A_1484 = arith.andi %parallel_loop3A_1481, %parallel_loop3A_1483 : vector<16xi32>
      %parallel_loop3A_1485 = arith.constant 13 : i32
      %parallel_loop3A_1486 = vector.broadcast %parallel_loop3A_1485 : i32 to vector<16xi32>
      %parallel_loop3A_1487 = arith.ori %parallel_loop3A_1484, %parallel_loop3A_1486 : vector<16xi32>
      %parallel_loop3A_1488 = tpu.bitcast %parallel_loop3A_1487 : vector<16xi32> -> vector<16xf32>
      %parallel_loop3A_1489 = arith.maximumf %parallel_loop3A_1460, %parallel_loop3A_1488 : vector<16xf32>
      %parallel_loop3A_1490 = arith.minimumf %parallel_loop3A_1460, %parallel_loop3A_1488 : vector<16xf32>
      %parallel_loop3A_1491 = arith.maximumf %parallel_loop3A_1462, %parallel_loop3A_1490 : vector<16xf32>
      %parallel_loop3A_1492 = arith.minimumf %parallel_loop3A_1462, %parallel_loop3A_1490 : vector<16xf32>
      %parallel_loop3A_1493 = arith.maximumf %parallel_loop3A_1464, %parallel_loop3A_1492 : vector<16xf32>
      %parallel_loop3A_1494 = arith.minimumf %parallel_loop3A_1464, %parallel_loop3A_1492 : vector<16xf32>
      %parallel_loop3A_1495 = arith.maximumf %parallel_loop3A_1466, %parallel_loop3A_1494 : vector<16xf32>
      %parallel_loop3A_1496 = arith.minimumf %parallel_loop3A_1466, %parallel_loop3A_1494 : vector<16xf32>
      %parallel_loop3A_1497 = arith.maximumf %parallel_loop3A_1468, %parallel_loop3A_1496 : vector<16xf32>
      %parallel_loop3A_1498 = arith.minimumf %parallel_loop3A_1468, %parallel_loop3A_1496 : vector<16xf32>
      %parallel_loop3A_1499 = arith.maximumf %parallel_loop3A_1470, %parallel_loop3A_1498 : vector<16xf32>
      %parallel_loop3A_1500 = arith.minimumf %parallel_loop3A_1470, %parallel_loop3A_1498 : vector<16xf32>
      %parallel_loop3A_1501 = arith.maximumf %parallel_loop3A_1472, %parallel_loop3A_1500 : vector<16xf32>
      %parallel_loop3A_1502 = arith.minimumf %parallel_loop3A_1472, %parallel_loop3A_1500 : vector<16xf32>
      %parallel_loop3A_1503 = arith.maximumf %parallel_loop3A_1474, %parallel_loop3A_1502 : vector<16xf32>
      %parallel_loop3A_1504 = arith.minimumf %parallel_loop3A_1474, %parallel_loop3A_1502 : vector<16xf32>
      %parallel_loop3A_1505 = arith.constant 51 : i32
      %parallel_loop3A_1506 = vector.broadcast %parallel_loop3A_1505 : i32 to vector<16xi32>
      %parallel_loop3A_1507 = arith.addi %parallel_loop3A_23, %parallel_loop3A_1506 : vector<16xi32>
      %parallel_loop3A_1508 = tpu.vector_load_idx %arg6[%parallel_loop3A_1507] : memref<65536xf32, #tpu.memory_space<vmem>>[vector<16xi32>], vector<16xf32>,
      %parallel_loop3A_1509 = arith.addf %parallel_loop3A_1508, %max3A_7 : vector<16xf32>
      %parallel_loop3A_1510 = tpu.bitcast %parallel_loop3A_1509 : vector<16xf32> -> vector<16xi32>
      %parallel_loop3A_1511 = arith.constant -64 : i32
      %parallel_loop3A_1512 = vector.broadcast %parallel_loop3A_1511 : i32 to vector<16xi32>
      %parallel_loop3A_1513 = arith.andi %parallel_loop3A_1510, %parallel_loop3A_1512 : vector<16xi32>
      %parallel_loop3A_1514 = arith.constant 12 : i32
      %parallel_loop3A_1515 = vector.broadcast %parallel_loop3A_1514 : i32 to vector<16xi32>
      %parallel_loop3A_1516 = arith.ori %parallel_loop3A_1513, %parallel_loop3A_1515 : vector<16xi32>
      %parallel_loop3A_1517 = tpu.bitcast %parallel_loop3A_1516 : vector<16xi32> -> vector<16xf32>
      %parallel_loop3A_1518 = arith.maximumf %parallel_loop3A_1489, %parallel_loop3A_1517 : vector<16xf32>
      %parallel_loop3A_1519 = arith.minimumf %parallel_loop3A_1489, %parallel_loop3A_1517 : vector<16xf32>
      %parallel_loop3A_1520 = arith.maximumf %parallel_loop3A_1491, %parallel_loop3A_1519 : vector<16xf32>
      %parallel_loop3A_1521 = arith.minimumf %parallel_loop3A_1491, %parallel_loop3A_1519 : vector<16xf32>
      %parallel_loop3A_1522 = arith.maximumf %parallel_loop3A_1493, %parallel_loop3A_1521 : vector<16xf32>
      %parallel_loop3A_1523 = arith.minimumf %parallel_loop3A_1493, %parallel_loop3A_1521 : vector<16xf32>
      %parallel_loop3A_1524 = arith.maximumf %parallel_loop3A_1495, %parallel_loop3A_1523 : vector<16xf32>
      %parallel_loop3A_1525 = arith.minimumf %parallel_loop3A_1495, %parallel_loop3A_1523 : vector<16xf32>
      %parallel_loop3A_1526 = arith.maximumf %parallel_loop3A_1497, %parallel_loop3A_1525 : vector<16xf32>
      %parallel_loop3A_1527 = arith.minimumf %parallel_loop3A_1497, %parallel_loop3A_1525 : vector<16xf32>
      %parallel_loop3A_1528 = arith.maximumf %parallel_loop3A_1499, %parallel_loop3A_1527 : vector<16xf32>
      %parallel_loop3A_1529 = arith.minimumf %parallel_loop3A_1499, %parallel_loop3A_1527 : vector<16xf32>
      %parallel_loop3A_1530 = arith.maximumf %parallel_loop3A_1501, %parallel_loop3A_1529 : vector<16xf32>
      %parallel_loop3A_1531 = arith.minimumf %parallel_loop3A_1501, %parallel_loop3A_1529 : vector<16xf32>
      %parallel_loop3A_1532 = arith.maximumf %parallel_loop3A_1503, %parallel_loop3A_1531 : vector<16xf32>
      %parallel_loop3A_1533 = arith.minimumf %parallel_loop3A_1503, %parallel_loop3A_1531 : vector<16xf32>
      %parallel_loop3A_1534 = arith.constant 52 : i32
      %parallel_loop3A_1535 = vector.broadcast %parallel_loop3A_1534 : i32 to vector<16xi32>
      %parallel_loop3A_1536 = arith.addi %parallel_loop3A_23, %parallel_loop3A_1535 : vector<16xi32>
      %parallel_loop3A_1537 = tpu.vector_load_idx %arg6[%parallel_loop3A_1536] : memref<65536xf32, #tpu.memory_space<vmem>>[vector<16xi32>], vector<16xf32>,
      %parallel_loop3A_1538 = arith.addf %parallel_loop3A_1537, %max3A_7 : vector<16xf32>
      %parallel_loop3A_1539 = tpu.bitcast %parallel_loop3A_1538 : vector<16xf32> -> vector<16xi32>
      %parallel_loop3A_1540 = arith.constant -64 : i32
      %parallel_loop3A_1541 = vector.broadcast %parallel_loop3A_1540 : i32 to vector<16xi32>
      %parallel_loop3A_1542 = arith.andi %parallel_loop3A_1539, %parallel_loop3A_1541 : vector<16xi32>
      %parallel_loop3A_1543 = arith.constant 11 : i32
      %parallel_loop3A_1544 = vector.broadcast %parallel_loop3A_1543 : i32 to vector<16xi32>
      %parallel_loop3A_1545 = arith.ori %parallel_loop3A_1542, %parallel_loop3A_1544 : vector<16xi32>
      %parallel_loop3A_1546 = tpu.bitcast %parallel_loop3A_1545 : vector<16xi32> -> vector<16xf32>
      %parallel_loop3A_1547 = arith.maximumf %parallel_loop3A_1518, %parallel_loop3A_1546 : vector<16xf32>
      %parallel_loop3A_1548 = arith.minimumf %parallel_loop3A_1518, %parallel_loop3A_1546 : vector<16xf32>
      %parallel_loop3A_1549 = arith.maximumf %parallel_loop3A_1520, %parallel_loop3A_1548 : vector<16xf32>
      %parallel_loop3A_1550 = arith.minimumf %parallel_loop3A_1520, %parallel_loop3A_1548 : vector<16xf32>
      %parallel_loop3A_1551 = arith.maximumf %parallel_loop3A_1522, %parallel_loop3A_1550 : vector<16xf32>
      %parallel_loop3A_1552 = arith.minimumf %parallel_loop3A_1522, %parallel_loop3A_1550 : vector<16xf32>
      %parallel_loop3A_1553 = arith.maximumf %parallel_loop3A_1524, %parallel_loop3A_1552 : vector<16xf32>
      %parallel_loop3A_1554 = arith.minimumf %parallel_loop3A_1524, %parallel_loop3A_1552 : vector<16xf32>
      %parallel_loop3A_1555 = arith.maximumf %parallel_loop3A_1526, %parallel_loop3A_1554 : vector<16xf32>
      %parallel_loop3A_1556 = arith.minimumf %parallel_loop3A_1526, %parallel_loop3A_1554 : vector<16xf32>
      %parallel_loop3A_1557 = arith.maximumf %parallel_loop3A_1528, %parallel_loop3A_1556 : vector<16xf32>
      %parallel_loop3A_1558 = arith.minimumf %parallel_loop3A_1528, %parallel_loop3A_1556 : vector<16xf32>
      %parallel_loop3A_1559 = arith.maximumf %parallel_loop3A_1530, %parallel_loop3A_1558 : vector<16xf32>
      %parallel_loop3A_1560 = arith.minimumf %parallel_loop3A_1530, %parallel_loop3A_1558 : vector<16xf32>
      %parallel_loop3A_1561 = arith.maximumf %parallel_loop3A_1532, %parallel_loop3A_1560 : vector<16xf32>
      %parallel_loop3A_1562 = arith.minimumf %parallel_loop3A_1532, %parallel_loop3A_1560 : vector<16xf32>
      %parallel_loop3A_1563 = arith.constant 53 : i32
      %parallel_loop3A_1564 = vector.broadcast %parallel_loop3A_1563 : i32 to vector<16xi32>
      %parallel_loop3A_1565 = arith.addi %parallel_loop3A_23, %parallel_loop3A_1564 : vector<16xi32>
      %parallel_loop3A_1566 = tpu.vector_load_idx %arg6[%parallel_loop3A_1565] : memref<65536xf32, #tpu.memory_space<vmem>>[vector<16xi32>], vector<16xf32>,
      %parallel_loop3A_1567 = arith.addf %parallel_loop3A_1566, %max3A_7 : vector<16xf32>
      %parallel_loop3A_1568 = tpu.bitcast %parallel_loop3A_1567 : vector<16xf32> -> vector<16xi32>
      %parallel_loop3A_1569 = arith.constant -64 : i32
      %parallel_loop3A_1570 = vector.broadcast %parallel_loop3A_1569 : i32 to vector<16xi32>
      %parallel_loop3A_1571 = arith.andi %parallel_loop3A_1568, %parallel_loop3A_1570 : vector<16xi32>
      %parallel_loop3A_1572 = arith.constant 10 : i32
      %parallel_loop3A_1573 = vector.broadcast %parallel_loop3A_1572 : i32 to vector<16xi32>
      %parallel_loop3A_1574 = arith.ori %parallel_loop3A_1571, %parallel_loop3A_1573 : vector<16xi32>
      %parallel_loop3A_1575 = tpu.bitcast %parallel_loop3A_1574 : vector<16xi32> -> vector<16xf32>
      %parallel_loop3A_1576 = arith.maximumf %parallel_loop3A_1547, %parallel_loop3A_1575 : vector<16xf32>
      %parallel_loop3A_1577 = arith.minimumf %parallel_loop3A_1547, %parallel_loop3A_1575 : vector<16xf32>
      %parallel_loop3A_1578 = arith.maximumf %parallel_loop3A_1549, %parallel_loop3A_1577 : vector<16xf32>
      %parallel_loop3A_1579 = arith.minimumf %parallel_loop3A_1549, %parallel_loop3A_1577 : vector<16xf32>
      %parallel_loop3A_1580 = arith.maximumf %parallel_loop3A_1551, %parallel_loop3A_1579 : vector<16xf32>
      %parallel_loop3A_1581 = arith.minimumf %parallel_loop3A_1551, %parallel_loop3A_1579 : vector<16xf32>
      %parallel_loop3A_1582 = arith.maximumf %parallel_loop3A_1553, %parallel_loop3A_1581 : vector<16xf32>
      %parallel_loop3A_1583 = arith.minimumf %parallel_loop3A_1553, %parallel_loop3A_1581 : vector<16xf32>
      %parallel_loop3A_1584 = arith.maximumf %parallel_loop3A_1555, %parallel_loop3A_1583 : vector<16xf32>
      %parallel_loop3A_1585 = arith.minimumf %parallel_loop3A_1555, %parallel_loop3A_1583 : vector<16xf32>
      %parallel_loop3A_1586 = arith.maximumf %parallel_loop3A_1557, %parallel_loop3A_1585 : vector<16xf32>
      %parallel_loop3A_1587 = arith.minimumf %parallel_loop3A_1557, %parallel_loop3A_1585 : vector<16xf32>
      %parallel_loop3A_1588 = arith.maximumf %parallel_loop3A_1559, %parallel_loop3A_1587 : vector<16xf32>
      %parallel_loop3A_1589 = arith.minimumf %parallel_loop3A_1559, %parallel_loop3A_1587 : vector<16xf32>
      %parallel_loop3A_1590 = arith.maximumf %parallel_loop3A_1561, %parallel_loop3A_1589 : vector<16xf32>
      %parallel_loop3A_1591 = arith.minimumf %parallel_loop3A_1561, %parallel_loop3A_1589 : vector<16xf32>
      %parallel_loop3A_1592 = arith.constant 54 : i32
      %parallel_loop3A_1593 = vector.broadcast %parallel_loop3A_1592 : i32 to vector<16xi32>
      %parallel_loop3A_1594 = arith.addi %parallel_loop3A_23, %parallel_loop3A_1593 : vector<16xi32>
      %parallel_loop3A_1595 = tpu.vector_load_idx %arg6[%parallel_loop3A_1594] : memref<65536xf32, #tpu.memory_space<vmem>>[vector<16xi32>], vector<16xf32>,
      %parallel_loop3A_1596 = arith.addf %parallel_loop3A_1595, %max3A_7 : vector<16xf32>
      %parallel_loop3A_1597 = tpu.bitcast %parallel_loop3A_1596 : vector<16xf32> -> vector<16xi32>
      %parallel_loop3A_1598 = arith.constant -64 : i32
      %parallel_loop3A_1599 = vector.broadcast %parallel_loop3A_1598 : i32 to vector<16xi32>
      %parallel_loop3A_1600 = arith.andi %parallel_loop3A_1597, %parallel_loop3A_1599 : vector<16xi32>
      %parallel_loop3A_1601 = arith.constant 9 : i32
      %parallel_loop3A_1602 = vector.broadcast %parallel_loop3A_1601 : i32 to vector<16xi32>
      %parallel_loop3A_1603 = arith.ori %parallel_loop3A_1600, %parallel_loop3A_1602 : vector<16xi32>
      %parallel_loop3A_1604 = tpu.bitcast %parallel_loop3A_1603 : vector<16xi32> -> vector<16xf32>
      %parallel_loop3A_1605 = arith.maximumf %parallel_loop3A_1576, %parallel_loop3A_1604 : vector<16xf32>
      %parallel_loop3A_1606 = arith.minimumf %parallel_loop3A_1576, %parallel_loop3A_1604 : vector<16xf32>
      %parallel_loop3A_1607 = arith.maximumf %parallel_loop3A_1578, %parallel_loop3A_1606 : vector<16xf32>
      %parallel_loop3A_1608 = arith.minimumf %parallel_loop3A_1578, %parallel_loop3A_1606 : vector<16xf32>
      %parallel_loop3A_1609 = arith.maximumf %parallel_loop3A_1580, %parallel_loop3A_1608 : vector<16xf32>
      %parallel_loop3A_1610 = arith.minimumf %parallel_loop3A_1580, %parallel_loop3A_1608 : vector<16xf32>
      %parallel_loop3A_1611 = arith.maximumf %parallel_loop3A_1582, %parallel_loop3A_1610 : vector<16xf32>
      %parallel_loop3A_1612 = arith.minimumf %parallel_loop3A_1582, %parallel_loop3A_1610 : vector<16xf32>
      %parallel_loop3A_1613 = arith.maximumf %parallel_loop3A_1584, %parallel_loop3A_1612 : vector<16xf32>
      %parallel_loop3A_1614 = arith.minimumf %parallel_loop3A_1584, %parallel_loop3A_1612 : vector<16xf32>
      %parallel_loop3A_1615 = arith.maximumf %parallel_loop3A_1586, %parallel_loop3A_1614 : vector<16xf32>
      %parallel_loop3A_1616 = arith.minimumf %parallel_loop3A_1586, %parallel_loop3A_1614 : vector<16xf32>
      %parallel_loop3A_1617 = arith.maximumf %parallel_loop3A_1588, %parallel_loop3A_1616 : vector<16xf32>
      %parallel_loop3A_1618 = arith.minimumf %parallel_loop3A_1588, %parallel_loop3A_1616 : vector<16xf32>
      %parallel_loop3A_1619 = arith.maximumf %parallel_loop3A_1590, %parallel_loop3A_1618 : vector<16xf32>
      %parallel_loop3A_1620 = arith.minimumf %parallel_loop3A_1590, %parallel_loop3A_1618 : vector<16xf32>
      %parallel_loop3A_1621 = arith.constant 55 : i32
      %parallel_loop3A_1622 = vector.broadcast %parallel_loop3A_1621 : i32 to vector<16xi32>
      %parallel_loop3A_1623 = arith.addi %parallel_loop3A_23, %parallel_loop3A_1622 : vector<16xi32>
      %parallel_loop3A_1624 = tpu.vector_load_idx %arg6[%parallel_loop3A_1623] : memref<65536xf32, #tpu.memory_space<vmem>>[vector<16xi32>], vector<16xf32>,
      %parallel_loop3A_1625 = arith.addf %parallel_loop3A_1624, %max3A_7 : vector<16xf32>
      %parallel_loop3A_1626 = tpu.bitcast %parallel_loop3A_1625 : vector<16xf32> -> vector<16xi32>
      %parallel_loop3A_1627 = arith.constant -64 : i32
      %parallel_loop3A_1628 = vector.broadcast %parallel_loop3A_1627 : i32 to vector<16xi32>
      %parallel_loop3A_1629 = arith.andi %parallel_loop3A_1626, %parallel_loop3A_1628 : vector<16xi32>
      %parallel_loop3A_1630 = arith.constant 8 : i32
      %parallel_loop3A_1631 = vector.broadcast %parallel_loop3A_1630 : i32 to vector<16xi32>
      %parallel_loop3A_1632 = arith.ori %parallel_loop3A_1629, %parallel_loop3A_1631 : vector<16xi32>
      %parallel_loop3A_1633 = tpu.bitcast %parallel_loop3A_1632 : vector<16xi32> -> vector<16xf32>
      %parallel_loop3A_1634 = arith.maximumf %parallel_loop3A_1605, %parallel_loop3A_1633 : vector<16xf32>
      %parallel_loop3A_1635 = arith.minimumf %parallel_loop3A_1605, %parallel_loop3A_1633 : vector<16xf32>
      %parallel_loop3A_1636 = arith.maximumf %parallel_loop3A_1607, %parallel_loop3A_1635 : vector<16xf32>
      %parallel_loop3A_1637 = arith.minimumf %parallel_loop3A_1607, %parallel_loop3A_1635 : vector<16xf32>
      %parallel_loop3A_1638 = arith.maximumf %parallel_loop3A_1609, %parallel_loop3A_1637 : vector<16xf32>
      %parallel_loop3A_1639 = arith.minimumf %parallel_loop3A_1609, %parallel_loop3A_1637 : vector<16xf32>
      %parallel_loop3A_1640 = arith.maximumf %parallel_loop3A_1611, %parallel_loop3A_1639 : vector<16xf32>
      %parallel_loop3A_1641 = arith.minimumf %parallel_loop3A_1611, %parallel_loop3A_1639 : vector<16xf32>
      %parallel_loop3A_1642 = arith.maximumf %parallel_loop3A_1613, %parallel_loop3A_1641 : vector<16xf32>
      %parallel_loop3A_1643 = arith.minimumf %parallel_loop3A_1613, %parallel_loop3A_1641 : vector<16xf32>
      %parallel_loop3A_1644 = arith.maximumf %parallel_loop3A_1615, %parallel_loop3A_1643 : vector<16xf32>
      %parallel_loop3A_1645 = arith.minimumf %parallel_loop3A_1615, %parallel_loop3A_1643 : vector<16xf32>
      %parallel_loop3A_1646 = arith.maximumf %parallel_loop3A_1617, %parallel_loop3A_1645 : vector<16xf32>
      %parallel_loop3A_1647 = arith.minimumf %parallel_loop3A_1617, %parallel_loop3A_1645 : vector<16xf32>
      %parallel_loop3A_1648 = arith.maximumf %parallel_loop3A_1619, %parallel_loop3A_1647 : vector<16xf32>
      %parallel_loop3A_1649 = arith.minimumf %parallel_loop3A_1619, %parallel_loop3A_1647 : vector<16xf32>
      %parallel_loop3A_1650 = arith.constant 56 : i32
      %parallel_loop3A_1651 = vector.broadcast %parallel_loop3A_1650 : i32 to vector<16xi32>
      %parallel_loop3A_1652 = arith.addi %parallel_loop3A_23, %parallel_loop3A_1651 : vector<16xi32>
      %parallel_loop3A_1653 = tpu.vector_load_idx %arg6[%parallel_loop3A_1652] : memref<65536xf32, #tpu.memory_space<vmem>>[vector<16xi32>], vector<16xf32>,
      %parallel_loop3A_1654 = arith.addf %parallel_loop3A_1653, %max3A_7 : vector<16xf32>
      %parallel_loop3A_1655 = tpu.bitcast %parallel_loop3A_1654 : vector<16xf32> -> vector<16xi32>
      %parallel_loop3A_1656 = arith.constant -64 : i32
      %parallel_loop3A_1657 = vector.broadcast %parallel_loop3A_1656 : i32 to vector<16xi32>
      %parallel_loop3A_1658 = arith.andi %parallel_loop3A_1655, %parallel_loop3A_1657 : vector<16xi32>
      %parallel_loop3A_1659 = arith.constant 7 : i32
      %parallel_loop3A_1660 = vector.broadcast %parallel_loop3A_1659 : i32 to vector<16xi32>
      %parallel_loop3A_1661 = arith.ori %parallel_loop3A_1658, %parallel_loop3A_1660 : vector<16xi32>
      %parallel_loop3A_1662 = tpu.bitcast %parallel_loop3A_1661 : vector<16xi32> -> vector<16xf32>
      %parallel_loop3A_1663 = arith.maximumf %parallel_loop3A_1634, %parallel_loop3A_1662 : vector<16xf32>
      %parallel_loop3A_1664 = arith.minimumf %parallel_loop3A_1634, %parallel_loop3A_1662 : vector<16xf32>
      %parallel_loop3A_1665 = arith.maximumf %parallel_loop3A_1636, %parallel_loop3A_1664 : vector<16xf32>
      %parallel_loop3A_1666 = arith.minimumf %parallel_loop3A_1636, %parallel_loop3A_1664 : vector<16xf32>
      %parallel_loop3A_1667 = arith.maximumf %parallel_loop3A_1638, %parallel_loop3A_1666 : vector<16xf32>
      %parallel_loop3A_1668 = arith.minimumf %parallel_loop3A_1638, %parallel_loop3A_1666 : vector<16xf32>
      %parallel_loop3A_1669 = arith.maximumf %parallel_loop3A_1640, %parallel_loop3A_1668 : vector<16xf32>
      %parallel_loop3A_1670 = arith.minimumf %parallel_loop3A_1640, %parallel_loop3A_1668 : vector<16xf32>
      %parallel_loop3A_1671 = arith.maximumf %parallel_loop3A_1642, %parallel_loop3A_1670 : vector<16xf32>
      %parallel_loop3A_1672 = arith.minimumf %parallel_loop3A_1642, %parallel_loop3A_1670 : vector<16xf32>
      %parallel_loop3A_1673 = arith.maximumf %parallel_loop3A_1644, %parallel_loop3A_1672 : vector<16xf32>
      %parallel_loop3A_1674 = arith.minimumf %parallel_loop3A_1644, %parallel_loop3A_1672 : vector<16xf32>
      %parallel_loop3A_1675 = arith.maximumf %parallel_loop3A_1646, %parallel_loop3A_1674 : vector<16xf32>
      %parallel_loop3A_1676 = arith.minimumf %parallel_loop3A_1646, %parallel_loop3A_1674 : vector<16xf32>
      %parallel_loop3A_1677 = arith.maximumf %parallel_loop3A_1648, %parallel_loop3A_1676 : vector<16xf32>
      %parallel_loop3A_1678 = arith.minimumf %parallel_loop3A_1648, %parallel_loop3A_1676 : vector<16xf32>
      %parallel_loop3A_1679 = arith.constant 57 : i32
      %parallel_loop3A_1680 = vector.broadcast %parallel_loop3A_1679 : i32 to vector<16xi32>
      %parallel_loop3A_1681 = arith.addi %parallel_loop3A_23, %parallel_loop3A_1680 : vector<16xi32>
      %parallel_loop3A_1682 = tpu.vector_load_idx %arg6[%parallel_loop3A_1681] : memref<65536xf32, #tpu.memory_space<vmem>>[vector<16xi32>], vector<16xf32>,
      %parallel_loop3A_1683 = arith.addf %parallel_loop3A_1682, %max3A_7 : vector<16xf32>
      %parallel_loop3A_1684 = tpu.bitcast %parallel_loop3A_1683 : vector<16xf32> -> vector<16xi32>
      %parallel_loop3A_1685 = arith.constant -64 : i32
      %parallel_loop3A_1686 = vector.broadcast %parallel_loop3A_1685 : i32 to vector<16xi32>
      %parallel_loop3A_1687 = arith.andi %parallel_loop3A_1684, %parallel_loop3A_1686 : vector<16xi32>
      %parallel_loop3A_1688 = arith.constant 6 : i32
      %parallel_loop3A_1689 = vector.broadcast %parallel_loop3A_1688 : i32 to vector<16xi32>
      %parallel_loop3A_1690 = arith.ori %parallel_loop3A_1687, %parallel_loop3A_1689 : vector<16xi32>
      %parallel_loop3A_1691 = tpu.bitcast %parallel_loop3A_1690 : vector<16xi32> -> vector<16xf32>
      %parallel_loop3A_1692 = arith.maximumf %parallel_loop3A_1663, %parallel_loop3A_1691 : vector<16xf32>
      %parallel_loop3A_1693 = arith.minimumf %parallel_loop3A_1663, %parallel_loop3A_1691 : vector<16xf32>
      %parallel_loop3A_1694 = arith.maximumf %parallel_loop3A_1665, %parallel_loop3A_1693 : vector<16xf32>
      %parallel_loop3A_1695 = arith.minimumf %parallel_loop3A_1665, %parallel_loop3A_1693 : vector<16xf32>
      %parallel_loop3A_1696 = arith.maximumf %parallel_loop3A_1667, %parallel_loop3A_1695 : vector<16xf32>
      %parallel_loop3A_1697 = arith.minimumf %parallel_loop3A_1667, %parallel_loop3A_1695 : vector<16xf32>
      %parallel_loop3A_1698 = arith.maximumf %parallel_loop3A_1669, %parallel_loop3A_1697 : vector<16xf32>
      %parallel_loop3A_1699 = arith.minimumf %parallel_loop3A_1669, %parallel_loop3A_1697 : vector<16xf32>
      %parallel_loop3A_1700 = arith.maximumf %parallel_loop3A_1671, %parallel_loop3A_1699 : vector<16xf32>
      %parallel_loop3A_1701 = arith.minimumf %parallel_loop3A_1671, %parallel_loop3A_1699 : vector<16xf32>
      %parallel_loop3A_1702 = arith.maximumf %parallel_loop3A_1673, %parallel_loop3A_1701 : vector<16xf32>
      %parallel_loop3A_1703 = arith.minimumf %parallel_loop3A_1673, %parallel_loop3A_1701 : vector<16xf32>
      %parallel_loop3A_1704 = arith.maximumf %parallel_loop3A_1675, %parallel_loop3A_1703 : vector<16xf32>
      %parallel_loop3A_1705 = arith.minimumf %parallel_loop3A_1675, %parallel_loop3A_1703 : vector<16xf32>
      %parallel_loop3A_1706 = arith.maximumf %parallel_loop3A_1677, %parallel_loop3A_1705 : vector<16xf32>
      %parallel_loop3A_1707 = arith.minimumf %parallel_loop3A_1677, %parallel_loop3A_1705 : vector<16xf32>
      %parallel_loop3A_1708 = arith.constant 58 : i32
      %parallel_loop3A_1709 = vector.broadcast %parallel_loop3A_1708 : i32 to vector<16xi32>
      %parallel_loop3A_1710 = arith.addi %parallel_loop3A_23, %parallel_loop3A_1709 : vector<16xi32>
      %parallel_loop3A_1711 = tpu.vector_load_idx %arg6[%parallel_loop3A_1710] : memref<65536xf32, #tpu.memory_space<vmem>>[vector<16xi32>], vector<16xf32>,
      %parallel_loop3A_1712 = arith.addf %parallel_loop3A_1711, %max3A_7 : vector<16xf32>
      %parallel_loop3A_1713 = tpu.bitcast %parallel_loop3A_1712 : vector<16xf32> -> vector<16xi32>
      %parallel_loop3A_1714 = arith.constant -64 : i32
      %parallel_loop3A_1715 = vector.broadcast %parallel_loop3A_1714 : i32 to vector<16xi32>
      %parallel_loop3A_1716 = arith.andi %parallel_loop3A_1713, %parallel_loop3A_1715 : vector<16xi32>
      %parallel_loop3A_1717 = arith.constant 5 : i32
      %parallel_loop3A_1718 = vector.broadcast %parallel_loop3A_1717 : i32 to vector<16xi32>
      %parallel_loop3A_1719 = arith.ori %parallel_loop3A_1716, %parallel_loop3A_1718 : vector<16xi32>
      %parallel_loop3A_1720 = tpu.bitcast %parallel_loop3A_1719 : vector<16xi32> -> vector<16xf32>
      %parallel_loop3A_1721 = arith.maximumf %parallel_loop3A_1692, %parallel_loop3A_1720 : vector<16xf32>
      %parallel_loop3A_1722 = arith.minimumf %parallel_loop3A_1692, %parallel_loop3A_1720 : vector<16xf32>
      %parallel_loop3A_1723 = arith.maximumf %parallel_loop3A_1694, %parallel_loop3A_1722 : vector<16xf32>
      %parallel_loop3A_1724 = arith.minimumf %parallel_loop3A_1694, %parallel_loop3A_1722 : vector<16xf32>
      %parallel_loop3A_1725 = arith.maximumf %parallel_loop3A_1696, %parallel_loop3A_1724 : vector<16xf32>
      %parallel_loop3A_1726 = arith.minimumf %parallel_loop3A_1696, %parallel_loop3A_1724 : vector<16xf32>
      %parallel_loop3A_1727 = arith.maximumf %parallel_loop3A_1698, %parallel_loop3A_1726 : vector<16xf32>
      %parallel_loop3A_1728 = arith.minimumf %parallel_loop3A_1698, %parallel_loop3A_1726 : vector<16xf32>
      %parallel_loop3A_1729 = arith.maximumf %parallel_loop3A_1700, %parallel_loop3A_1728 : vector<16xf32>
      %parallel_loop3A_1730 = arith.minimumf %parallel_loop3A_1700, %parallel_loop3A_1728 : vector<16xf32>
      %parallel_loop3A_1731 = arith.maximumf %parallel_loop3A_1702, %parallel_loop3A_1730 : vector<16xf32>
      %parallel_loop3A_1732 = arith.minimumf %parallel_loop3A_1702, %parallel_loop3A_1730 : vector<16xf32>
      %parallel_loop3A_1733 = arith.maximumf %parallel_loop3A_1704, %parallel_loop3A_1732 : vector<16xf32>
      %parallel_loop3A_1734 = arith.minimumf %parallel_loop3A_1704, %parallel_loop3A_1732 : vector<16xf32>
      %parallel_loop3A_1735 = arith.maximumf %parallel_loop3A_1706, %parallel_loop3A_1734 : vector<16xf32>
      %parallel_loop3A_1736 = arith.minimumf %parallel_loop3A_1706, %parallel_loop3A_1734 : vector<16xf32>
      %parallel_loop3A_1737 = arith.constant 59 : i32
      %parallel_loop3A_1738 = vector.broadcast %parallel_loop3A_1737 : i32 to vector<16xi32>
      %parallel_loop3A_1739 = arith.addi %parallel_loop3A_23, %parallel_loop3A_1738 : vector<16xi32>
      %parallel_loop3A_1740 = tpu.vector_load_idx %arg6[%parallel_loop3A_1739] : memref<65536xf32, #tpu.memory_space<vmem>>[vector<16xi32>], vector<16xf32>,
      %parallel_loop3A_1741 = arith.addf %parallel_loop3A_1740, %max3A_7 : vector<16xf32>
      %parallel_loop3A_1742 = tpu.bitcast %parallel_loop3A_1741 : vector<16xf32> -> vector<16xi32>
      %parallel_loop3A_1743 = arith.constant -64 : i32
      %parallel_loop3A_1744 = vector.broadcast %parallel_loop3A_1743 : i32 to vector<16xi32>
      %parallel_loop3A_1745 = arith.andi %parallel_loop3A_1742, %parallel_loop3A_1744 : vector<16xi32>
      %parallel_loop3A_1746 = arith.constant 4 : i32
      %parallel_loop3A_1747 = vector.broadcast %parallel_loop3A_1746 : i32 to vector<16xi32>
      %parallel_loop3A_1748 = arith.ori %parallel_loop3A_1745, %parallel_loop3A_1747 : vector<16xi32>
      %parallel_loop3A_1749 = tpu.bitcast %parallel_loop3A_1748 : vector<16xi32> -> vector<16xf32>
      %parallel_loop3A_1750 = arith.maximumf %parallel_loop3A_1721, %parallel_loop3A_1749 : vector<16xf32>
      %parallel_loop3A_1751 = arith.minimumf %parallel_loop3A_1721, %parallel_loop3A_1749 : vector<16xf32>
      %parallel_loop3A_1752 = arith.maximumf %parallel_loop3A_1723, %parallel_loop3A_1751 : vector<16xf32>
      %parallel_loop3A_1753 = arith.minimumf %parallel_loop3A_1723, %parallel_loop3A_1751 : vector<16xf32>
      %parallel_loop3A_1754 = arith.maximumf %parallel_loop3A_1725, %parallel_loop3A_1753 : vector<16xf32>
      %parallel_loop3A_1755 = arith.minimumf %parallel_loop3A_1725, %parallel_loop3A_1753 : vector<16xf32>
      %parallel_loop3A_1756 = arith.maximumf %parallel_loop3A_1727, %parallel_loop3A_1755 : vector<16xf32>
      %parallel_loop3A_1757 = arith.minimumf %parallel_loop3A_1727, %parallel_loop3A_1755 : vector<16xf32>
      %parallel_loop3A_1758 = arith.maximumf %parallel_loop3A_1729, %parallel_loop3A_1757 : vector<16xf32>
      %parallel_loop3A_1759 = arith.minimumf %parallel_loop3A_1729, %parallel_loop3A_1757 : vector<16xf32>
      %parallel_loop3A_1760 = arith.maximumf %parallel_loop3A_1731, %parallel_loop3A_1759 : vector<16xf32>
      %parallel_loop3A_1761 = arith.minimumf %parallel_loop3A_1731, %parallel_loop3A_1759 : vector<16xf32>
      %parallel_loop3A_1762 = arith.maximumf %parallel_loop3A_1733, %parallel_loop3A_1761 : vector<16xf32>
      %parallel_loop3A_1763 = arith.minimumf %parallel_loop3A_1733, %parallel_loop3A_1761 : vector<16xf32>
      %parallel_loop3A_1764 = arith.maximumf %parallel_loop3A_1735, %parallel_loop3A_1763 : vector<16xf32>
      %parallel_loop3A_1765 = arith.minimumf %parallel_loop3A_1735, %parallel_loop3A_1763 : vector<16xf32>
      %parallel_loop3A_1766 = arith.constant 60 : i32
      %parallel_loop3A_1767 = vector.broadcast %parallel_loop3A_1766 : i32 to vector<16xi32>
      %parallel_loop3A_1768 = arith.addi %parallel_loop3A_23, %parallel_loop3A_1767 : vector<16xi32>
      %parallel_loop3A_1769 = tpu.vector_load_idx %arg6[%parallel_loop3A_1768] : memref<65536xf32, #tpu.memory_space<vmem>>[vector<16xi32>], vector<16xf32>,
      %parallel_loop3A_1770 = arith.addf %parallel_loop3A_1769, %max3A_7 : vector<16xf32>
      %parallel_loop3A_1771 = tpu.bitcast %parallel_loop3A_1770 : vector<16xf32> -> vector<16xi32>
      %parallel_loop3A_1772 = arith.constant -64 : i32
      %parallel_loop3A_1773 = vector.broadcast %parallel_loop3A_1772 : i32 to vector<16xi32>
      %parallel_loop3A_1774 = arith.andi %parallel_loop3A_1771, %parallel_loop3A_1773 : vector<16xi32>
      %parallel_loop3A_1775 = arith.constant 3 : i32
      %parallel_loop3A_1776 = vector.broadcast %parallel_loop3A_1775 : i32 to vector<16xi32>
      %parallel_loop3A_1777 = arith.ori %parallel_loop3A_1774, %parallel_loop3A_1776 : vector<16xi32>
      %parallel_loop3A_1778 = tpu.bitcast %parallel_loop3A_1777 : vector<16xi32> -> vector<16xf32>
      %parallel_loop3A_1779 = arith.maximumf %parallel_loop3A_1750, %parallel_loop3A_1778 : vector<16xf32>
      %parallel_loop3A_1780 = arith.minimumf %parallel_loop3A_1750, %parallel_loop3A_1778 : vector<16xf32>
      %parallel_loop3A_1781 = arith.maximumf %parallel_loop3A_1752, %parallel_loop3A_1780 : vector<16xf32>
      %parallel_loop3A_1782 = arith.minimumf %parallel_loop3A_1752, %parallel_loop3A_1780 : vector<16xf32>
      %parallel_loop3A_1783 = arith.maximumf %parallel_loop3A_1754, %parallel_loop3A_1782 : vector<16xf32>
      %parallel_loop3A_1784 = arith.minimumf %parallel_loop3A_1754, %parallel_loop3A_1782 : vector<16xf32>
      %parallel_loop3A_1785 = arith.maximumf %parallel_loop3A_1756, %parallel_loop3A_1784 : vector<16xf32>
      %parallel_loop3A_1786 = arith.minimumf %parallel_loop3A_1756, %parallel_loop3A_1784 : vector<16xf32>
      %parallel_loop3A_1787 = arith.maximumf %parallel_loop3A_1758, %parallel_loop3A_1786 : vector<16xf32>
      %parallel_loop3A_1788 = arith.minimumf %parallel_loop3A_1758, %parallel_loop3A_1786 : vector<16xf32>
      %parallel_loop3A_1789 = arith.maximumf %parallel_loop3A_1760, %parallel_loop3A_1788 : vector<16xf32>
      %parallel_loop3A_1790 = arith.minimumf %parallel_loop3A_1760, %parallel_loop3A_1788 : vector<16xf32>
      %parallel_loop3A_1791 = arith.maximumf %parallel_loop3A_1762, %parallel_loop3A_1790 : vector<16xf32>
      %parallel_loop3A_1792 = arith.minimumf %parallel_loop3A_1762, %parallel_loop3A_1790 : vector<16xf32>
      %parallel_loop3A_1793 = arith.maximumf %parallel_loop3A_1764, %parallel_loop3A_1792 : vector<16xf32>
      %parallel_loop3A_1794 = arith.minimumf %parallel_loop3A_1764, %parallel_loop3A_1792 : vector<16xf32>
      %parallel_loop3A_1795 = arith.constant 61 : i32
      %parallel_loop3A_1796 = vector.broadcast %parallel_loop3A_1795 : i32 to vector<16xi32>
      %parallel_loop3A_1797 = arith.addi %parallel_loop3A_23, %parallel_loop3A_1796 : vector<16xi32>
      %parallel_loop3A_1798 = tpu.vector_load_idx %arg6[%parallel_loop3A_1797] : memref<65536xf32, #tpu.memory_space<vmem>>[vector<16xi32>], vector<16xf32>,
      %parallel_loop3A_1799 = arith.addf %parallel_loop3A_1798, %max3A_7 : vector<16xf32>
      %parallel_loop3A_1800 = tpu.bitcast %parallel_loop3A_1799 : vector<16xf32> -> vector<16xi32>
      %parallel_loop3A_1801 = arith.constant -64 : i32
      %parallel_loop3A_1802 = vector.broadcast %parallel_loop3A_1801 : i32 to vector<16xi32>
      %parallel_loop3A_1803 = arith.andi %parallel_loop3A_1800, %parallel_loop3A_1802 : vector<16xi32>
      %parallel_loop3A_1804 = arith.constant 2 : i32
      %parallel_loop3A_1805 = vector.broadcast %parallel_loop3A_1804 : i32 to vector<16xi32>
      %parallel_loop3A_1806 = arith.ori %parallel_loop3A_1803, %parallel_loop3A_1805 : vector<16xi32>
      %parallel_loop3A_1807 = tpu.bitcast %parallel_loop3A_1806 : vector<16xi32> -> vector<16xf32>
      %parallel_loop3A_1808 = arith.maximumf %parallel_loop3A_1779, %parallel_loop3A_1807 : vector<16xf32>
      %parallel_loop3A_1809 = arith.minimumf %parallel_loop3A_1779, %parallel_loop3A_1807 : vector<16xf32>
      %parallel_loop3A_1810 = arith.maximumf %parallel_loop3A_1781, %parallel_loop3A_1809 : vector<16xf32>
      %parallel_loop3A_1811 = arith.minimumf %parallel_loop3A_1781, %parallel_loop3A_1809 : vector<16xf32>
      %parallel_loop3A_1812 = arith.maximumf %parallel_loop3A_1783, %parallel_loop3A_1811 : vector<16xf32>
      %parallel_loop3A_1813 = arith.minimumf %parallel_loop3A_1783, %parallel_loop3A_1811 : vector<16xf32>
      %parallel_loop3A_1814 = arith.maximumf %parallel_loop3A_1785, %parallel_loop3A_1813 : vector<16xf32>
      %parallel_loop3A_1815 = arith.minimumf %parallel_loop3A_1785, %parallel_loop3A_1813 : vector<16xf32>
      %parallel_loop3A_1816 = arith.maximumf %parallel_loop3A_1787, %parallel_loop3A_1815 : vector<16xf32>
      %parallel_loop3A_1817 = arith.minimumf %parallel_loop3A_1787, %parallel_loop3A_1815 : vector<16xf32>
      %parallel_loop3A_1818 = arith.maximumf %parallel_loop3A_1789, %parallel_loop3A_1817 : vector<16xf32>
      %parallel_loop3A_1819 = arith.minimumf %parallel_loop3A_1789, %parallel_loop3A_1817 : vector<16xf32>
      %parallel_loop3A_1820 = arith.maximumf %parallel_loop3A_1791, %parallel_loop3A_1819 : vector<16xf32>
      %parallel_loop3A_1821 = arith.minimumf %parallel_loop3A_1791, %parallel_loop3A_1819 : vector<16xf32>
      %parallel_loop3A_1822 = arith.maximumf %parallel_loop3A_1793, %parallel_loop3A_1821 : vector<16xf32>
      %parallel_loop3A_1823 = arith.minimumf %parallel_loop3A_1793, %parallel_loop3A_1821 : vector<16xf32>
      %parallel_loop3A_1824 = arith.constant 62 : i32
      %parallel_loop3A_1825 = vector.broadcast %parallel_loop3A_1824 : i32 to vector<16xi32>
      %parallel_loop3A_1826 = arith.addi %parallel_loop3A_23, %parallel_loop3A_1825 : vector<16xi32>
      %parallel_loop3A_1827 = tpu.vector_load_idx %arg6[%parallel_loop3A_1826] : memref<65536xf32, #tpu.memory_space<vmem>>[vector<16xi32>], vector<16xf32>,
      %parallel_loop3A_1828 = arith.addf %parallel_loop3A_1827, %max3A_7 : vector<16xf32>
      %parallel_loop3A_1829 = tpu.bitcast %parallel_loop3A_1828 : vector<16xf32> -> vector<16xi32>
      %parallel_loop3A_1830 = arith.constant -64 : i32
      %parallel_loop3A_1831 = vector.broadcast %parallel_loop3A_1830 : i32 to vector<16xi32>
      %parallel_loop3A_1832 = arith.andi %parallel_loop3A_1829, %parallel_loop3A_1831 : vector<16xi32>
      %parallel_loop3A_1833 = arith.constant 1 : i32
      %parallel_loop3A_1834 = vector.broadcast %parallel_loop3A_1833 : i32 to vector<16xi32>
      %parallel_loop3A_1835 = arith.ori %parallel_loop3A_1832, %parallel_loop3A_1834 : vector<16xi32>
      %parallel_loop3A_1836 = tpu.bitcast %parallel_loop3A_1835 : vector<16xi32> -> vector<16xf32>
      %parallel_loop3A_1837 = arith.maximumf %parallel_loop3A_1808, %parallel_loop3A_1836 : vector<16xf32>
      %parallel_loop3A_1838 = arith.minimumf %parallel_loop3A_1808, %parallel_loop3A_1836 : vector<16xf32>
      %parallel_loop3A_1839 = arith.maximumf %parallel_loop3A_1810, %parallel_loop3A_1838 : vector<16xf32>
      %parallel_loop3A_1840 = arith.minimumf %parallel_loop3A_1810, %parallel_loop3A_1838 : vector<16xf32>
      %parallel_loop3A_1841 = arith.maximumf %parallel_loop3A_1812, %parallel_loop3A_1840 : vector<16xf32>
      %parallel_loop3A_1842 = arith.minimumf %parallel_loop3A_1812, %parallel_loop3A_1840 : vector<16xf32>
      %parallel_loop3A_1843 = arith.maximumf %parallel_loop3A_1814, %parallel_loop3A_1842 : vector<16xf32>
      %parallel_loop3A_1844 = arith.minimumf %parallel_loop3A_1814, %parallel_loop3A_1842 : vector<16xf32>
      %parallel_loop3A_1845 = arith.maximumf %parallel_loop3A_1816, %parallel_loop3A_1844 : vector<16xf32>
      %parallel_loop3A_1846 = arith.minimumf %parallel_loop3A_1816, %parallel_loop3A_1844 : vector<16xf32>
      %parallel_loop3A_1847 = arith.maximumf %parallel_loop3A_1818, %parallel_loop3A_1846 : vector<16xf32>
      %parallel_loop3A_1848 = arith.minimumf %parallel_loop3A_1818, %parallel_loop3A_1846 : vector<16xf32>
      %parallel_loop3A_1849 = arith.maximumf %parallel_loop3A_1820, %parallel_loop3A_1848 : vector<16xf32>
      %parallel_loop3A_1850 = arith.minimumf %parallel_loop3A_1820, %parallel_loop3A_1848 : vector<16xf32>
      %parallel_loop3A_1851 = arith.maximumf %parallel_loop3A_1822, %parallel_loop3A_1850 : vector<16xf32>
      %parallel_loop3A_1852 = arith.minimumf %parallel_loop3A_1822, %parallel_loop3A_1850 : vector<16xf32>
      %parallel_loop3A_1853 = arith.constant 63 : i32
      %parallel_loop3A_1854 = vector.broadcast %parallel_loop3A_1853 : i32 to vector<16xi32>
      %parallel_loop3A_1855 = arith.addi %parallel_loop3A_23, %parallel_loop3A_1854 : vector<16xi32>
      %parallel_loop3A_1856 = tpu.vector_load_idx %arg6[%parallel_loop3A_1855] : memref<65536xf32, #tpu.memory_space<vmem>>[vector<16xi32>], vector<16xf32>,
      %parallel_loop3A_1857 = arith.addf %parallel_loop3A_1856, %max3A_7 : vector<16xf32>
      %parallel_loop3A_1858 = tpu.bitcast %parallel_loop3A_1857 : vector<16xf32> -> vector<16xi32>
      %parallel_loop3A_1859 = arith.constant -64 : i32
      %parallel_loop3A_1860 = vector.broadcast %parallel_loop3A_1859 : i32 to vector<16xi32>
      %parallel_loop3A_1861 = arith.andi %parallel_loop3A_1858, %parallel_loop3A_1860 : vector<16xi32>
      %parallel_loop3A_1862 = arith.constant 0 : i32
      %parallel_loop3A_1863 = vector.broadcast %parallel_loop3A_1862 : i32 to vector<16xi32>
      %parallel_loop3A_1864 = arith.ori %parallel_loop3A_1861, %parallel_loop3A_1863 : vector<16xi32>
      %parallel_loop3A_1865 = tpu.bitcast %parallel_loop3A_1864 : vector<16xi32> -> vector<16xf32>
      %parallel_loop3A_1866 = arith.maximumf %parallel_loop3A_1837, %parallel_loop3A_1865 : vector<16xf32>
      %parallel_loop3A_1867 = arith.minimumf %parallel_loop3A_1837, %parallel_loop3A_1865 : vector<16xf32>
      %parallel_loop3A_1868 = arith.maximumf %parallel_loop3A_1839, %parallel_loop3A_1867 : vector<16xf32>
      %parallel_loop3A_1869 = arith.minimumf %parallel_loop3A_1839, %parallel_loop3A_1867 : vector<16xf32>
      %parallel_loop3A_1870 = arith.maximumf %parallel_loop3A_1841, %parallel_loop3A_1869 : vector<16xf32>
      %parallel_loop3A_1871 = arith.minimumf %parallel_loop3A_1841, %parallel_loop3A_1869 : vector<16xf32>
      %parallel_loop3A_1872 = arith.maximumf %parallel_loop3A_1843, %parallel_loop3A_1871 : vector<16xf32>
      %parallel_loop3A_1873 = arith.minimumf %parallel_loop3A_1843, %parallel_loop3A_1871 : vector<16xf32>
      %parallel_loop3A_1874 = arith.maximumf %parallel_loop3A_1845, %parallel_loop3A_1873 : vector<16xf32>
      %parallel_loop3A_1875 = arith.minimumf %parallel_loop3A_1845, %parallel_loop3A_1873 : vector<16xf32>
      %parallel_loop3A_1876 = arith.maximumf %parallel_loop3A_1847, %parallel_loop3A_1875 : vector<16xf32>
      %parallel_loop3A_1877 = arith.minimumf %parallel_loop3A_1847, %parallel_loop3A_1875 : vector<16xf32>
      %parallel_loop3A_1878 = arith.maximumf %parallel_loop3A_1849, %parallel_loop3A_1877 : vector<16xf32>
      %parallel_loop3A_1879 = arith.minimumf %parallel_loop3A_1849, %parallel_loop3A_1877 : vector<16xf32>
      %parallel_loop3A_1880 = arith.maximumf %parallel_loop3A_1851, %parallel_loop3A_1879 : vector<16xf32>
      %parallel_loop3A_1881 = arith.minimumf %parallel_loop3A_1851, %parallel_loop3A_1879 : vector<16xf32>
      %parallel_loop3A_1882 = arith.constant 0.000000e+00 : f32
      %parallel_loop3A_1883 = vector.broadcast %parallel_loop3A_1882 : f32 to vector<16xf32>
      %parallel_loop3A_1884 = tpu.bitcast %parallel_loop3A_1866 : vector<16xf32> -> vector<16xi32>
      %parallel_loop3A_1885 = arith.constant -64 : i32
      %parallel_loop3A_1886 = vector.broadcast %parallel_loop3A_1885 : i32 to vector<16xi32>
      %parallel_loop3A_1887 = arith.andi %parallel_loop3A_1884, %parallel_loop3A_1886 : vector<16xi32>
      %parallel_loop3A_1888 = tpu.bitcast %parallel_loop3A_1887 : vector<16xi32> -> vector<16xf32>
      %parallel_loop3A_1889 = arith.subf %parallel_loop3A_1888, %max3A_7 : vector<16xf32>
      %parallel_loop3A_1890 = arith.mulf %parallel_loop3A_1889, %div3A_9 : vector<16xf32>
      %parallel_loop3A_1891 = math.exp %parallel_loop3A_1890 : vector<16xf32>
      %parallel_loop3A_1892 = arith.constant 63 : i32
      %parallel_loop3A_1893 = vector.broadcast %parallel_loop3A_1892 : i32 to vector<16xi32>
      %parallel_loop3A_1894 = arith.andi %parallel_loop3A_1884, %parallel_loop3A_1893 : vector<16xi32>
      %parallel_loop3A_1895 = arith.constant 63 : i32
      %parallel_loop3A_1896 = vector.broadcast %parallel_loop3A_1895 : i32 to vector<16xi32>
      %parallel_loop3A_1897 = arith.subi %parallel_loop3A_1896, %parallel_loop3A_1894 : vector<16xi32>
      %parallel_loop3A_1898 = arith.constant 16 : i32
      %parallel_loop3A_1899 = vector.broadcast %parallel_loop3A_1898 : i32 to vector<16xi32>
      %parallel_loop3A_1900 = arith.muli %parallel_loop3A_1897, %parallel_loop3A_1899 : vector<16xi32>
      %parallel_loop3A_1901 = arith.addf %parallel_loop3A_1883, %parallel_loop3A_1891 : vector<16xf32>
      %parallel_loop3A_1902 = tpu.bitcast %parallel_loop3A_1868 : vector<16xf32> -> vector<16xi32>
      %parallel_loop3A_1903 = arith.constant -64 : i32
      %parallel_loop3A_1904 = vector.broadcast %parallel_loop3A_1903 : i32 to vector<16xi32>
      %parallel_loop3A_1905 = arith.andi %parallel_loop3A_1902, %parallel_loop3A_1904 : vector<16xi32>
      %parallel_loop3A_1906 = tpu.bitcast %parallel_loop3A_1905 : vector<16xi32> -> vector<16xf32>
      %parallel_loop3A_1907 = arith.subf %parallel_loop3A_1906, %max3A_7 : vector<16xf32>
      %parallel_loop3A_1908 = arith.mulf %parallel_loop3A_1907, %div3A_9 : vector<16xf32>
      %parallel_loop3A_1909 = math.exp %parallel_loop3A_1908 : vector<16xf32>
      %parallel_loop3A_1910 = arith.constant 63 : i32
      %parallel_loop3A_1911 = vector.broadcast %parallel_loop3A_1910 : i32 to vector<16xi32>
      %parallel_loop3A_1912 = arith.andi %parallel_loop3A_1902, %parallel_loop3A_1911 : vector<16xi32>
      %parallel_loop3A_1913 = arith.constant 63 : i32
      %parallel_loop3A_1914 = vector.broadcast %parallel_loop3A_1913 : i32 to vector<16xi32>
      %parallel_loop3A_1915 = arith.subi %parallel_loop3A_1914, %parallel_loop3A_1912 : vector<16xi32>
      %parallel_loop3A_1916 = arith.constant 16 : i32
      %parallel_loop3A_1917 = vector.broadcast %parallel_loop3A_1916 : i32 to vector<16xi32>
      %parallel_loop3A_1918 = arith.muli %parallel_loop3A_1915, %parallel_loop3A_1917 : vector<16xi32>
      %parallel_loop3A_1919 = arith.addf %parallel_loop3A_1901, %parallel_loop3A_1909 : vector<16xf32>
      %parallel_loop3A_1920 = tpu.bitcast %parallel_loop3A_1870 : vector<16xf32> -> vector<16xi32>
      %parallel_loop3A_1921 = arith.constant -64 : i32
      %parallel_loop3A_1922 = vector.broadcast %parallel_loop3A_1921 : i32 to vector<16xi32>
      %parallel_loop3A_1923 = arith.andi %parallel_loop3A_1920, %parallel_loop3A_1922 : vector<16xi32>
      %parallel_loop3A_1924 = tpu.bitcast %parallel_loop3A_1923 : vector<16xi32> -> vector<16xf32>
      %parallel_loop3A_1925 = arith.subf %parallel_loop3A_1924, %max3A_7 : vector<16xf32>
      %parallel_loop3A_1926 = arith.mulf %parallel_loop3A_1925, %div3A_9 : vector<16xf32>
      %parallel_loop3A_1927 = math.exp %parallel_loop3A_1926 : vector<16xf32>
      %parallel_loop3A_1928 = arith.constant 63 : i32
      %parallel_loop3A_1929 = vector.broadcast %parallel_loop3A_1928 : i32 to vector<16xi32>
      %parallel_loop3A_1930 = arith.andi %parallel_loop3A_1920, %parallel_loop3A_1929 : vector<16xi32>
      %parallel_loop3A_1931 = arith.constant 63 : i32
      %parallel_loop3A_1932 = vector.broadcast %parallel_loop3A_1931 : i32 to vector<16xi32>
      %parallel_loop3A_1933 = arith.subi %parallel_loop3A_1932, %parallel_loop3A_1930 : vector<16xi32>
      %parallel_loop3A_1934 = arith.constant 16 : i32
      %parallel_loop3A_1935 = vector.broadcast %parallel_loop3A_1934 : i32 to vector<16xi32>
      %parallel_loop3A_1936 = arith.muli %parallel_loop3A_1933, %parallel_loop3A_1935 : vector<16xi32>
      %parallel_loop3A_1937 = arith.addf %parallel_loop3A_1919, %parallel_loop3A_1927 : vector<16xf32>
      %parallel_loop3A_1938 = tpu.bitcast %parallel_loop3A_1872 : vector<16xf32> -> vector<16xi32>
      %parallel_loop3A_1939 = arith.constant -64 : i32
      %parallel_loop3A_1940 = vector.broadcast %parallel_loop3A_1939 : i32 to vector<16xi32>
      %parallel_loop3A_1941 = arith.andi %parallel_loop3A_1938, %parallel_loop3A_1940 : vector<16xi32>
      %parallel_loop3A_1942 = tpu.bitcast %parallel_loop3A_1941 : vector<16xi32> -> vector<16xf32>
      %parallel_loop3A_1943 = arith.subf %parallel_loop3A_1942, %max3A_7 : vector<16xf32>
      %parallel_loop3A_1944 = arith.mulf %parallel_loop3A_1943, %div3A_9 : vector<16xf32>
      %parallel_loop3A_1945 = math.exp %parallel_loop3A_1944 : vector<16xf32>
      %parallel_loop3A_1946 = arith.constant 63 : i32
      %parallel_loop3A_1947 = vector.broadcast %parallel_loop3A_1946 : i32 to vector<16xi32>
      %parallel_loop3A_1948 = arith.andi %parallel_loop3A_1938, %parallel_loop3A_1947 : vector<16xi32>
      %parallel_loop3A_1949 = arith.constant 63 : i32
      %parallel_loop3A_1950 = vector.broadcast %parallel_loop3A_1949 : i32 to vector<16xi32>
      %parallel_loop3A_1951 = arith.subi %parallel_loop3A_1950, %parallel_loop3A_1948 : vector<16xi32>
      %parallel_loop3A_1952 = arith.constant 16 : i32
      %parallel_loop3A_1953 = vector.broadcast %parallel_loop3A_1952 : i32 to vector<16xi32>
      %parallel_loop3A_1954 = arith.muli %parallel_loop3A_1951, %parallel_loop3A_1953 : vector<16xi32>
      %parallel_loop3A_1955 = arith.addf %parallel_loop3A_1937, %parallel_loop3A_1945 : vector<16xf32>
      %parallel_loop3A_1956 = tpu.bitcast %parallel_loop3A_1874 : vector<16xf32> -> vector<16xi32>
      %parallel_loop3A_1957 = arith.constant -64 : i32
      %parallel_loop3A_1958 = vector.broadcast %parallel_loop3A_1957 : i32 to vector<16xi32>
      %parallel_loop3A_1959 = arith.andi %parallel_loop3A_1956, %parallel_loop3A_1958 : vector<16xi32>
      %parallel_loop3A_1960 = tpu.bitcast %parallel_loop3A_1959 : vector<16xi32> -> vector<16xf32>
      %parallel_loop3A_1961 = arith.subf %parallel_loop3A_1960, %max3A_7 : vector<16xf32>
      %parallel_loop3A_1962 = arith.mulf %parallel_loop3A_1961, %div3A_9 : vector<16xf32>
      %parallel_loop3A_1963 = math.exp %parallel_loop3A_1962 : vector<16xf32>
      %parallel_loop3A_1964 = arith.constant 63 : i32
      %parallel_loop3A_1965 = vector.broadcast %parallel_loop3A_1964 : i32 to vector<16xi32>
      %parallel_loop3A_1966 = arith.andi %parallel_loop3A_1956, %parallel_loop3A_1965 : vector<16xi32>
      %parallel_loop3A_1967 = arith.constant 63 : i32
      %parallel_loop3A_1968 = vector.broadcast %parallel_loop3A_1967 : i32 to vector<16xi32>
      %parallel_loop3A_1969 = arith.subi %parallel_loop3A_1968, %parallel_loop3A_1966 : vector<16xi32>
      %parallel_loop3A_1970 = arith.constant 16 : i32
      %parallel_loop3A_1971 = vector.broadcast %parallel_loop3A_1970 : i32 to vector<16xi32>
      %parallel_loop3A_1972 = arith.muli %parallel_loop3A_1969, %parallel_loop3A_1971 : vector<16xi32>
      %parallel_loop3A_1973 = arith.addf %parallel_loop3A_1955, %parallel_loop3A_1963 : vector<16xf32>
      %parallel_loop3A_1974 = tpu.bitcast %parallel_loop3A_1876 : vector<16xf32> -> vector<16xi32>
      %parallel_loop3A_1975 = arith.constant -64 : i32
      %parallel_loop3A_1976 = vector.broadcast %parallel_loop3A_1975 : i32 to vector<16xi32>
      %parallel_loop3A_1977 = arith.andi %parallel_loop3A_1974, %parallel_loop3A_1976 : vector<16xi32>
      %parallel_loop3A_1978 = tpu.bitcast %parallel_loop3A_1977 : vector<16xi32> -> vector<16xf32>
      %parallel_loop3A_1979 = arith.subf %parallel_loop3A_1978, %max3A_7 : vector<16xf32>
      %parallel_loop3A_1980 = arith.mulf %parallel_loop3A_1979, %div3A_9 : vector<16xf32>
      %parallel_loop3A_1981 = math.exp %parallel_loop3A_1980 : vector<16xf32>
      %parallel_loop3A_1982 = arith.constant 63 : i32
      %parallel_loop3A_1983 = vector.broadcast %parallel_loop3A_1982 : i32 to vector<16xi32>
      %parallel_loop3A_1984 = arith.andi %parallel_loop3A_1974, %parallel_loop3A_1983 : vector<16xi32>
      %parallel_loop3A_1985 = arith.constant 63 : i32
      %parallel_loop3A_1986 = vector.broadcast %parallel_loop3A_1985 : i32 to vector<16xi32>
      %parallel_loop3A_1987 = arith.subi %parallel_loop3A_1986, %parallel_loop3A_1984 : vector<16xi32>
      %parallel_loop3A_1988 = arith.constant 16 : i32
      %parallel_loop3A_1989 = vector.broadcast %parallel_loop3A_1988 : i32 to vector<16xi32>
      %parallel_loop3A_1990 = arith.muli %parallel_loop3A_1987, %parallel_loop3A_1989 : vector<16xi32>
      %parallel_loop3A_1991 = arith.addf %parallel_loop3A_1973, %parallel_loop3A_1981 : vector<16xf32>
      %parallel_loop3A_1992 = tpu.bitcast %parallel_loop3A_1878 : vector<16xf32> -> vector<16xi32>
      %parallel_loop3A_1993 = arith.constant -64 : i32
      %parallel_loop3A_1994 = vector.broadcast %parallel_loop3A_1993 : i32 to vector<16xi32>
      %parallel_loop3A_1995 = arith.andi %parallel_loop3A_1992, %parallel_loop3A_1994 : vector<16xi32>
      %parallel_loop3A_1996 = tpu.bitcast %parallel_loop3A_1995 : vector<16xi32> -> vector<16xf32>
      %parallel_loop3A_1997 = arith.subf %parallel_loop3A_1996, %max3A_7 : vector<16xf32>
      %parallel_loop3A_1998 = arith.mulf %parallel_loop3A_1997, %div3A_9 : vector<16xf32>
      %parallel_loop3A_1999 = math.exp %parallel_loop3A_1998 : vector<16xf32>
      %parallel_loop3A_2000 = arith.constant 63 : i32
      %parallel_loop3A_2001 = vector.broadcast %parallel_loop3A_2000 : i32 to vector<16xi32>
      %parallel_loop3A_2002 = arith.andi %parallel_loop3A_1992, %parallel_loop3A_2001 : vector<16xi32>
      %parallel_loop3A_2003 = arith.constant 63 : i32
      %parallel_loop3A_2004 = vector.broadcast %parallel_loop3A_2003 : i32 to vector<16xi32>
      %parallel_loop3A_2005 = arith.subi %parallel_loop3A_2004, %parallel_loop3A_2002 : vector<16xi32>
      %parallel_loop3A_2006 = arith.constant 16 : i32
      %parallel_loop3A_2007 = vector.broadcast %parallel_loop3A_2006 : i32 to vector<16xi32>
      %parallel_loop3A_2008 = arith.muli %parallel_loop3A_2005, %parallel_loop3A_2007 : vector<16xi32>
      %parallel_loop3A_2009 = arith.addf %parallel_loop3A_1991, %parallel_loop3A_1999 : vector<16xf32>
      %parallel_loop3A_2010 = tpu.bitcast %parallel_loop3A_1880 : vector<16xf32> -> vector<16xi32>
      %parallel_loop3A_2011 = arith.constant -64 : i32
      %parallel_loop3A_2012 = vector.broadcast %parallel_loop3A_2011 : i32 to vector<16xi32>
      %parallel_loop3A_2013 = arith.andi %parallel_loop3A_2010, %parallel_loop3A_2012 : vector<16xi32>
      %parallel_loop3A_2014 = tpu.bitcast %parallel_loop3A_2013 : vector<16xi32> -> vector<16xf32>
      %parallel_loop3A_2015 = arith.subf %parallel_loop3A_2014, %max3A_7 : vector<16xf32>
      %parallel_loop3A_2016 = arith.mulf %parallel_loop3A_2015, %div3A_9 : vector<16xf32>
      %parallel_loop3A_2017 = math.exp %parallel_loop3A_2016 : vector<16xf32>
      %parallel_loop3A_2018 = arith.constant 63 : i32
      %parallel_loop3A_2019 = vector.broadcast %parallel_loop3A_2018 : i32 to vector<16xi32>
      %parallel_loop3A_2020 = arith.andi %parallel_loop3A_2010, %parallel_loop3A_2019 : vector<16xi32>
      %parallel_loop3A_2021 = arith.constant 63 : i32
      %parallel_loop3A_2022 = vector.broadcast %parallel_loop3A_2021 : i32 to vector<16xi32>
      %parallel_loop3A_2023 = arith.subi %parallel_loop3A_2022, %parallel_loop3A_2020 : vector<16xi32>
      %parallel_loop3A_2024 = arith.constant 16 : i32
      %parallel_loop3A_2025 = vector.broadcast %parallel_loop3A_2024 : i32 to vector<16xi32>
      %parallel_loop3A_2026 = arith.muli %parallel_loop3A_2023, %parallel_loop3A_2025 : vector<16xi32>
      %parallel_loop3A_2027 = arith.addf %parallel_loop3A_2009, %parallel_loop3A_2017 : vector<16xf32>
      %parallel_loop3A_2028 = arith.constant 1.000000e+00 : f32
      %parallel_loop3A_2029 = vector.broadcast %parallel_loop3A_2028 : f32 to vector<16xf32>
      %parallel_loop3A_2030 = arith.divf %parallel_loop3A_2029, %parallel_loop3A_2027 : vector<16xf32>
      %parallel_loop3A_2031 = arith.mulf %parallel_loop3A_1891, %parallel_loop3A_2030 : vector<16xf32>
      %parallel_loop3A_2032 = arith.mulf %parallel_loop3A_1909, %parallel_loop3A_2030 : vector<16xf32>
      %parallel_loop3A_2033 = arith.mulf %parallel_loop3A_1927, %parallel_loop3A_2030 : vector<16xf32>
      %parallel_loop3A_2034 = arith.mulf %parallel_loop3A_1945, %parallel_loop3A_2030 : vector<16xf32>
      %parallel_loop3A_2035 = arith.mulf %parallel_loop3A_1963, %parallel_loop3A_2030 : vector<16xf32>
      %parallel_loop3A_2036 = arith.mulf %parallel_loop3A_1981, %parallel_loop3A_2030 : vector<16xf32>
      %parallel_loop3A_2037 = arith.mulf %parallel_loop3A_1999, %parallel_loop3A_2030 : vector<16xf32>
      %parallel_loop3A_2038 = arith.mulf %parallel_loop3A_2017, %parallel_loop3A_2030 : vector<16xf32>
      %parallel_loop3A_2039 = arith.constant 16 : i32
      %parallel_loop3A_2040 = arith.muli %parallel_loop3A_16, %parallel_loop3A_2039 : i32
      %parallel_loop3A_2041 = vector.broadcast %parallel_loop3A_2040 : i32 to vector<16xi32>
      %parallel_loop3A_2042 = arith.addi %parallel_loop3A_2041, %iota3A : vector<16xi32>
      %parallel_loop3A_2043 = arith.constant 16 : i32
      %parallel_loop3A_2044 = vector.broadcast %parallel_loop3A_2043 : i32 to vector<16xi32>
      %parallel_loop3A_2045 = arith.muli %parallel_loop3A_2042, %parallel_loop3A_2044 : vector<16xi32>
      %parallel_loop3A_2046 = arith.constant 0.000000e+00 : f32
      %parallel_loop3A_2047 = vector.broadcast %parallel_loop3A_2046 : f32 to vector<16xf32>
      %parallel_loop3A_2048 = arith.constant 0 : i32
      %parallel_loop3A_2049 = vector.broadcast %parallel_loop3A_2048 : i32 to vector<16xi32>
      %parallel_loop3A_2050 = arith.addi %parallel_loop3A_1900, %parallel_loop3A_2049 : vector<16xi32>
      %parallel_loop3A_2051 = tpu.vector_load_idx %arg7[%parallel_loop3A_2050] : memref<1024xf32, #tpu.memory_space<vmem>>[vector<16xi32>], vector<16xf32>,
      %parallel_loop3A_2052 = arith.mulf %parallel_loop3A_2031, %parallel_loop3A_2051 : vector<16xf32>
      %parallel_loop3A_2053 = arith.addf %parallel_loop3A_2047, %parallel_loop3A_2052 : vector<16xf32>
      %parallel_loop3A_2054 = arith.constant 0 : i32
      %parallel_loop3A_2055 = vector.broadcast %parallel_loop3A_2054 : i32 to vector<16xi32>
      %parallel_loop3A_2056 = arith.addi %parallel_loop3A_1918, %parallel_loop3A_2055 : vector<16xi32>
      %parallel_loop3A_2057 = tpu.vector_load_idx %arg7[%parallel_loop3A_2056] : memref<1024xf32, #tpu.memory_space<vmem>>[vector<16xi32>], vector<16xf32>,
      %parallel_loop3A_2058 = arith.mulf %parallel_loop3A_2032, %parallel_loop3A_2057 : vector<16xf32>
      %parallel_loop3A_2059 = arith.addf %parallel_loop3A_2053, %parallel_loop3A_2058 : vector<16xf32>
      %parallel_loop3A_2060 = arith.constant 0 : i32
      %parallel_loop3A_2061 = vector.broadcast %parallel_loop3A_2060 : i32 to vector<16xi32>
      %parallel_loop3A_2062 = arith.addi %parallel_loop3A_1936, %parallel_loop3A_2061 : vector<16xi32>
      %parallel_loop3A_2063 = tpu.vector_load_idx %arg7[%parallel_loop3A_2062] : memref<1024xf32, #tpu.memory_space<vmem>>[vector<16xi32>], vector<16xf32>,
      %parallel_loop3A_2064 = arith.mulf %parallel_loop3A_2033, %parallel_loop3A_2063 : vector<16xf32>
      %parallel_loop3A_2065 = arith.addf %parallel_loop3A_2059, %parallel_loop3A_2064 : vector<16xf32>
      %parallel_loop3A_2066 = arith.constant 0 : i32
      %parallel_loop3A_2067 = vector.broadcast %parallel_loop3A_2066 : i32 to vector<16xi32>
      %parallel_loop3A_2068 = arith.addi %parallel_loop3A_1954, %parallel_loop3A_2067 : vector<16xi32>
      %parallel_loop3A_2069 = tpu.vector_load_idx %arg7[%parallel_loop3A_2068] : memref<1024xf32, #tpu.memory_space<vmem>>[vector<16xi32>], vector<16xf32>,
      %parallel_loop3A_2070 = arith.mulf %parallel_loop3A_2034, %parallel_loop3A_2069 : vector<16xf32>
      %parallel_loop3A_2071 = arith.addf %parallel_loop3A_2065, %parallel_loop3A_2070 : vector<16xf32>
      %parallel_loop3A_2072 = arith.constant 0 : i32
      %parallel_loop3A_2073 = vector.broadcast %parallel_loop3A_2072 : i32 to vector<16xi32>
      %parallel_loop3A_2074 = arith.addi %parallel_loop3A_1972, %parallel_loop3A_2073 : vector<16xi32>
      %parallel_loop3A_2075 = tpu.vector_load_idx %arg7[%parallel_loop3A_2074] : memref<1024xf32, #tpu.memory_space<vmem>>[vector<16xi32>], vector<16xf32>,
      %parallel_loop3A_2076 = arith.mulf %parallel_loop3A_2035, %parallel_loop3A_2075 : vector<16xf32>
      %parallel_loop3A_2077 = arith.addf %parallel_loop3A_2071, %parallel_loop3A_2076 : vector<16xf32>
      %parallel_loop3A_2078 = arith.constant 0 : i32
      %parallel_loop3A_2079 = vector.broadcast %parallel_loop3A_2078 : i32 to vector<16xi32>
      %parallel_loop3A_2080 = arith.addi %parallel_loop3A_1990, %parallel_loop3A_2079 : vector<16xi32>
      %parallel_loop3A_2081 = tpu.vector_load_idx %arg7[%parallel_loop3A_2080] : memref<1024xf32, #tpu.memory_space<vmem>>[vector<16xi32>], vector<16xf32>,
      %parallel_loop3A_2082 = arith.mulf %parallel_loop3A_2036, %parallel_loop3A_2081 : vector<16xf32>
      %parallel_loop3A_2083 = arith.addf %parallel_loop3A_2077, %parallel_loop3A_2082 : vector<16xf32>
      %parallel_loop3A_2084 = arith.constant 0 : i32
      %parallel_loop3A_2085 = vector.broadcast %parallel_loop3A_2084 : i32 to vector<16xi32>
      %parallel_loop3A_2086 = arith.addi %parallel_loop3A_2008, %parallel_loop3A_2085 : vector<16xi32>
      %parallel_loop3A_2087 = tpu.vector_load_idx %arg7[%parallel_loop3A_2086] : memref<1024xf32, #tpu.memory_space<vmem>>[vector<16xi32>], vector<16xf32>,
      %parallel_loop3A_2088 = arith.mulf %parallel_loop3A_2037, %parallel_loop3A_2087 : vector<16xf32>
      %parallel_loop3A_2089 = arith.addf %parallel_loop3A_2083, %parallel_loop3A_2088 : vector<16xf32>
      %parallel_loop3A_2090 = arith.constant 0 : i32
      %parallel_loop3A_2091 = vector.broadcast %parallel_loop3A_2090 : i32 to vector<16xi32>
      %parallel_loop3A_2092 = arith.addi %parallel_loop3A_2026, %parallel_loop3A_2091 : vector<16xi32>
      %parallel_loop3A_2093 = tpu.vector_load_idx %arg7[%parallel_loop3A_2092] : memref<1024xf32, #tpu.memory_space<vmem>>[vector<16xi32>], vector<16xf32>,
      %parallel_loop3A_2094 = arith.mulf %parallel_loop3A_2038, %parallel_loop3A_2093 : vector<16xf32>
      %parallel_loop3A_2095 = arith.addf %parallel_loop3A_2089, %parallel_loop3A_2094 : vector<16xf32>
      %parallel_loop3A_2096 = arith.constant 0 : i32
      %parallel_loop3A_2097 = vector.broadcast %parallel_loop3A_2096 : i32 to vector<16xi32>
      %parallel_loop3A_2098 = arith.addi %parallel_loop3A_2045, %parallel_loop3A_2097 : vector<16xi32>
      tpu.vector_store_idx %arg9[%parallel_loop3A_2098], %parallel_loop3A_2095 : memref<16384xf32, #tpu.memory_space<vmem>>[vector<16xi32>], vector<16xf32>,
      %parallel_loop3A_2099 = arith.constant 0.000000e+00 : f32
      %parallel_loop3A_2100 = vector.broadcast %parallel_loop3A_2099 : f32 to vector<16xf32>
      %parallel_loop3A_2101 = arith.constant 1 : i32
      %parallel_loop3A_2102 = vector.broadcast %parallel_loop3A_2101 : i32 to vector<16xi32>
      %parallel_loop3A_2103 = arith.addi %parallel_loop3A_1900, %parallel_loop3A_2102 : vector<16xi32>
      %parallel_loop3A_2104 = tpu.vector_load_idx %arg7[%parallel_loop3A_2103] : memref<1024xf32, #tpu.memory_space<vmem>>[vector<16xi32>], vector<16xf32>,
      %parallel_loop3A_2105 = arith.mulf %parallel_loop3A_2031, %parallel_loop3A_2104 : vector<16xf32>
      %parallel_loop3A_2106 = arith.addf %parallel_loop3A_2100, %parallel_loop3A_2105 : vector<16xf32>
      %parallel_loop3A_2107 = arith.constant 1 : i32
      %parallel_loop3A_2108 = vector.broadcast %parallel_loop3A_2107 : i32 to vector<16xi32>
      %parallel_loop3A_2109 = arith.addi %parallel_loop3A_1918, %parallel_loop3A_2108 : vector<16xi32>
      %parallel_loop3A_2110 = tpu.vector_load_idx %arg7[%parallel_loop3A_2109] : memref<1024xf32, #tpu.memory_space<vmem>>[vector<16xi32>], vector<16xf32>,
      %parallel_loop3A_2111 = arith.mulf %parallel_loop3A_2032, %parallel_loop3A_2110 : vector<16xf32>
      %parallel_loop3A_2112 = arith.addf %parallel_loop3A_2106, %parallel_loop3A_2111 : vector<16xf32>
      %parallel_loop3A_2113 = arith.constant 1 : i32
      %parallel_loop3A_2114 = vector.broadcast %parallel_loop3A_2113 : i32 to vector<16xi32>
      %parallel_loop3A_2115 = arith.addi %parallel_loop3A_1936, %parallel_loop3A_2114 : vector<16xi32>
      %parallel_loop3A_2116 = tpu.vector_load_idx %arg7[%parallel_loop3A_2115] : memref<1024xf32, #tpu.memory_space<vmem>>[vector<16xi32>], vector<16xf32>,
      %parallel_loop3A_2117 = arith.mulf %parallel_loop3A_2033, %parallel_loop3A_2116 : vector<16xf32>
      %parallel_loop3A_2118 = arith.addf %parallel_loop3A_2112, %parallel_loop3A_2117 : vector<16xf32>
      %parallel_loop3A_2119 = arith.constant 1 : i32
      %parallel_loop3A_2120 = vector.broadcast %parallel_loop3A_2119 : i32 to vector<16xi32>
      %parallel_loop3A_2121 = arith.addi %parallel_loop3A_1954, %parallel_loop3A_2120 : vector<16xi32>
      %parallel_loop3A_2122 = tpu.vector_load_idx %arg7[%parallel_loop3A_2121] : memref<1024xf32, #tpu.memory_space<vmem>>[vector<16xi32>], vector<16xf32>,
      %parallel_loop3A_2123 = arith.mulf %parallel_loop3A_2034, %parallel_loop3A_2122 : vector<16xf32>
      %parallel_loop3A_2124 = arith.addf %parallel_loop3A_2118, %parallel_loop3A_2123 : vector<16xf32>
      %parallel_loop3A_2125 = arith.constant 1 : i32
      %parallel_loop3A_2126 = vector.broadcast %parallel_loop3A_2125 : i32 to vector<16xi32>
      %parallel_loop3A_2127 = arith.addi %parallel_loop3A_1972, %parallel_loop3A_2126 : vector<16xi32>
      %parallel_loop3A_2128 = tpu.vector_load_idx %arg7[%parallel_loop3A_2127] : memref<1024xf32, #tpu.memory_space<vmem>>[vector<16xi32>], vector<16xf32>,
      %parallel_loop3A_2129 = arith.mulf %parallel_loop3A_2035, %parallel_loop3A_2128 : vector<16xf32>
      %parallel_loop3A_2130 = arith.addf %parallel_loop3A_2124, %parallel_loop3A_2129 : vector<16xf32>
      %parallel_loop3A_2131 = arith.constant 1 : i32
      %parallel_loop3A_2132 = vector.broadcast %parallel_loop3A_2131 : i32 to vector<16xi32>
      %parallel_loop3A_2133 = arith.addi %parallel_loop3A_1990, %parallel_loop3A_2132 : vector<16xi32>
      %parallel_loop3A_2134 = tpu.vector_load_idx %arg7[%parallel_loop3A_2133] : memref<1024xf32, #tpu.memory_space<vmem>>[vector<16xi32>], vector<16xf32>,
      %parallel_loop3A_2135 = arith.mulf %parallel_loop3A_2036, %parallel_loop3A_2134 : vector<16xf32>
      %parallel_loop3A_2136 = arith.addf %parallel_loop3A_2130, %parallel_loop3A_2135 : vector<16xf32>
      %parallel_loop3A_2137 = arith.constant 1 : i32
      %parallel_loop3A_2138 = vector.broadcast %parallel_loop3A_2137 : i32 to vector<16xi32>
      %parallel_loop3A_2139 = arith.addi %parallel_loop3A_2008, %parallel_loop3A_2138 : vector<16xi32>
      %parallel_loop3A_2140 = tpu.vector_load_idx %arg7[%parallel_loop3A_2139] : memref<1024xf32, #tpu.memory_space<vmem>>[vector<16xi32>], vector<16xf32>,
      %parallel_loop3A_2141 = arith.mulf %parallel_loop3A_2037, %parallel_loop3A_2140 : vector<16xf32>
      %parallel_loop3A_2142 = arith.addf %parallel_loop3A_2136, %parallel_loop3A_2141 : vector<16xf32>
      %parallel_loop3A_2143 = arith.constant 1 : i32
      %parallel_loop3A_2144 = vector.broadcast %parallel_loop3A_2143 : i32 to vector<16xi32>
      %parallel_loop3A_2145 = arith.addi %parallel_loop3A_2026, %parallel_loop3A_2144 : vector<16xi32>
      %parallel_loop3A_2146 = tpu.vector_load_idx %arg7[%parallel_loop3A_2145] : memref<1024xf32, #tpu.memory_space<vmem>>[vector<16xi32>], vector<16xf32>,
      %parallel_loop3A_2147 = arith.mulf %parallel_loop3A_2038, %parallel_loop3A_2146 : vector<16xf32>
      %parallel_loop3A_2148 = arith.addf %parallel_loop3A_2142, %parallel_loop3A_2147 : vector<16xf32>
      %parallel_loop3A_2149 = arith.constant 1 : i32
      %parallel_loop3A_2150 = vector.broadcast %parallel_loop3A_2149 : i32 to vector<16xi32>
      %parallel_loop3A_2151 = arith.addi %parallel_loop3A_2045, %parallel_loop3A_2150 : vector<16xi32>
      tpu.vector_store_idx %arg9[%parallel_loop3A_2151], %parallel_loop3A_2148 : memref<16384xf32, #tpu.memory_space<vmem>>[vector<16xi32>], vector<16xf32>,
      %parallel_loop3A_2152 = arith.constant 0.000000e+00 : f32
      %parallel_loop3A_2153 = vector.broadcast %parallel_loop3A_2152 : f32 to vector<16xf32>
      %parallel_loop3A_2154 = arith.constant 2 : i32
      %parallel_loop3A_2155 = vector.broadcast %parallel_loop3A_2154 : i32 to vector<16xi32>
      %parallel_loop3A_2156 = arith.addi %parallel_loop3A_1900, %parallel_loop3A_2155 : vector<16xi32>
      %parallel_loop3A_2157 = tpu.vector_load_idx %arg7[%parallel_loop3A_2156] : memref<1024xf32, #tpu.memory_space<vmem>>[vector<16xi32>], vector<16xf32>,
      %parallel_loop3A_2158 = arith.mulf %parallel_loop3A_2031, %parallel_loop3A_2157 : vector<16xf32>
      %parallel_loop3A_2159 = arith.addf %parallel_loop3A_2153, %parallel_loop3A_2158 : vector<16xf32>
      %parallel_loop3A_2160 = arith.constant 2 : i32
      %parallel_loop3A_2161 = vector.broadcast %parallel_loop3A_2160 : i32 to vector<16xi32>
      %parallel_loop3A_2162 = arith.addi %parallel_loop3A_1918, %parallel_loop3A_2161 : vector<16xi32>
      %parallel_loop3A_2163 = tpu.vector_load_idx %arg7[%parallel_loop3A_2162] : memref<1024xf32, #tpu.memory_space<vmem>>[vector<16xi32>], vector<16xf32>,
      %parallel_loop3A_2164 = arith.mulf %parallel_loop3A_2032, %parallel_loop3A_2163 : vector<16xf32>
      %parallel_loop3A_2165 = arith.addf %parallel_loop3A_2159, %parallel_loop3A_2164 : vector<16xf32>
      %parallel_loop3A_2166 = arith.constant 2 : i32
      %parallel_loop3A_2167 = vector.broadcast %parallel_loop3A_2166 : i32 to vector<16xi32>
      %parallel_loop3A_2168 = arith.addi %parallel_loop3A_1936, %parallel_loop3A_2167 : vector<16xi32>
      %parallel_loop3A_2169 = tpu.vector_load_idx %arg7[%parallel_loop3A_2168] : memref<1024xf32, #tpu.memory_space<vmem>>[vector<16xi32>], vector<16xf32>,
      %parallel_loop3A_2170 = arith.mulf %parallel_loop3A_2033, %parallel_loop3A_2169 : vector<16xf32>
      %parallel_loop3A_2171 = arith.addf %parallel_loop3A_2165, %parallel_loop3A_2170 : vector<16xf32>
      %parallel_loop3A_2172 = arith.constant 2 : i32
      %parallel_loop3A_2173 = vector.broadcast %parallel_loop3A_2172 : i32 to vector<16xi32>
      %parallel_loop3A_2174 = arith.addi %parallel_loop3A_1954, %parallel_loop3A_2173 : vector<16xi32>
      %parallel_loop3A_2175 = tpu.vector_load_idx %arg7[%parallel_loop3A_2174] : memref<1024xf32, #tpu.memory_space<vmem>>[vector<16xi32>], vector<16xf32>,
      %parallel_loop3A_2176 = arith.mulf %parallel_loop3A_2034, %parallel_loop3A_2175 : vector<16xf32>
      %parallel_loop3A_2177 = arith.addf %parallel_loop3A_2171, %parallel_loop3A_2176 : vector<16xf32>
      %parallel_loop3A_2178 = arith.constant 2 : i32
      %parallel_loop3A_2179 = vector.broadcast %parallel_loop3A_2178 : i32 to vector<16xi32>
      %parallel_loop3A_2180 = arith.addi %parallel_loop3A_1972, %parallel_loop3A_2179 : vector<16xi32>
      %parallel_loop3A_2181 = tpu.vector_load_idx %arg7[%parallel_loop3A_2180] : memref<1024xf32, #tpu.memory_space<vmem>>[vector<16xi32>], vector<16xf32>,
      %parallel_loop3A_2182 = arith.mulf %parallel_loop3A_2035, %parallel_loop3A_2181 : vector<16xf32>
      %parallel_loop3A_2183 = arith.addf %parallel_loop3A_2177, %parallel_loop3A_2182 : vector<16xf32>
      %parallel_loop3A_2184 = arith.constant 2 : i32
      %parallel_loop3A_2185 = vector.broadcast %parallel_loop3A_2184 : i32 to vector<16xi32>
      %parallel_loop3A_2186 = arith.addi %parallel_loop3A_1990, %parallel_loop3A_2185 : vector<16xi32>
      %parallel_loop3A_2187 = tpu.vector_load_idx %arg7[%parallel_loop3A_2186] : memref<1024xf32, #tpu.memory_space<vmem>>[vector<16xi32>], vector<16xf32>,
      %parallel_loop3A_2188 = arith.mulf %parallel_loop3A_2036, %parallel_loop3A_2187 : vector<16xf32>
      %parallel_loop3A_2189 = arith.addf %parallel_loop3A_2183, %parallel_loop3A_2188 : vector<16xf32>
      %parallel_loop3A_2190 = arith.constant 2 : i32
      %parallel_loop3A_2191 = vector.broadcast %parallel_loop3A_2190 : i32 to vector<16xi32>
      %parallel_loop3A_2192 = arith.addi %parallel_loop3A_2008, %parallel_loop3A_2191 : vector<16xi32>
      %parallel_loop3A_2193 = tpu.vector_load_idx %arg7[%parallel_loop3A_2192] : memref<1024xf32, #tpu.memory_space<vmem>>[vector<16xi32>], vector<16xf32>,
      %parallel_loop3A_2194 = arith.mulf %parallel_loop3A_2037, %parallel_loop3A_2193 : vector<16xf32>
      %parallel_loop3A_2195 = arith.addf %parallel_loop3A_2189, %parallel_loop3A_2194 : vector<16xf32>
      %parallel_loop3A_2196 = arith.constant 2 : i32
      %parallel_loop3A_2197 = vector.broadcast %parallel_loop3A_2196 : i32 to vector<16xi32>
      %parallel_loop3A_2198 = arith.addi %parallel_loop3A_2026, %parallel_loop3A_2197 : vector<16xi32>
      %parallel_loop3A_2199 = tpu.vector_load_idx %arg7[%parallel_loop3A_2198] : memref<1024xf32, #tpu.memory_space<vmem>>[vector<16xi32>], vector<16xf32>,
      %parallel_loop3A_2200 = arith.mulf %parallel_loop3A_2038, %parallel_loop3A_2199 : vector<16xf32>
      %parallel_loop3A_2201 = arith.addf %parallel_loop3A_2195, %parallel_loop3A_2200 : vector<16xf32>
      %parallel_loop3A_2202 = arith.constant 2 : i32
      %parallel_loop3A_2203 = vector.broadcast %parallel_loop3A_2202 : i32 to vector<16xi32>
      %parallel_loop3A_2204 = arith.addi %parallel_loop3A_2045, %parallel_loop3A_2203 : vector<16xi32>
      tpu.vector_store_idx %arg9[%parallel_loop3A_2204], %parallel_loop3A_2201 : memref<16384xf32, #tpu.memory_space<vmem>>[vector<16xi32>], vector<16xf32>,
      %parallel_loop3A_2205 = arith.constant 0.000000e+00 : f32
      %parallel_loop3A_2206 = vector.broadcast %parallel_loop3A_2205 : f32 to vector<16xf32>
      %parallel_loop3A_2207 = arith.constant 3 : i32
      %parallel_loop3A_2208 = vector.broadcast %parallel_loop3A_2207 : i32 to vector<16xi32>
      %parallel_loop3A_2209 = arith.addi %parallel_loop3A_1900, %parallel_loop3A_2208 : vector<16xi32>
      %parallel_loop3A_2210 = tpu.vector_load_idx %arg7[%parallel_loop3A_2209] : memref<1024xf32, #tpu.memory_space<vmem>>[vector<16xi32>], vector<16xf32>,
      %parallel_loop3A_2211 = arith.mulf %parallel_loop3A_2031, %parallel_loop3A_2210 : vector<16xf32>
      %parallel_loop3A_2212 = arith.addf %parallel_loop3A_2206, %parallel_loop3A_2211 : vector<16xf32>
      %parallel_loop3A_2213 = arith.constant 3 : i32
      %parallel_loop3A_2214 = vector.broadcast %parallel_loop3A_2213 : i32 to vector<16xi32>
      %parallel_loop3A_2215 = arith.addi %parallel_loop3A_1918, %parallel_loop3A_2214 : vector<16xi32>
      %parallel_loop3A_2216 = tpu.vector_load_idx %arg7[%parallel_loop3A_2215] : memref<1024xf32, #tpu.memory_space<vmem>>[vector<16xi32>], vector<16xf32>,
      %parallel_loop3A_2217 = arith.mulf %parallel_loop3A_2032, %parallel_loop3A_2216 : vector<16xf32>
      %parallel_loop3A_2218 = arith.addf %parallel_loop3A_2212, %parallel_loop3A_2217 : vector<16xf32>
      %parallel_loop3A_2219 = arith.constant 3 : i32
      %parallel_loop3A_2220 = vector.broadcast %parallel_loop3A_2219 : i32 to vector<16xi32>
      %parallel_loop3A_2221 = arith.addi %parallel_loop3A_1936, %parallel_loop3A_2220 : vector<16xi32>
      %parallel_loop3A_2222 = tpu.vector_load_idx %arg7[%parallel_loop3A_2221] : memref<1024xf32, #tpu.memory_space<vmem>>[vector<16xi32>], vector<16xf32>,
      %parallel_loop3A_2223 = arith.mulf %parallel_loop3A_2033, %parallel_loop3A_2222 : vector<16xf32>
      %parallel_loop3A_2224 = arith.addf %parallel_loop3A_2218, %parallel_loop3A_2223 : vector<16xf32>
      %parallel_loop3A_2225 = arith.constant 3 : i32
      %parallel_loop3A_2226 = vector.broadcast %parallel_loop3A_2225 : i32 to vector<16xi32>
      %parallel_loop3A_2227 = arith.addi %parallel_loop3A_1954, %parallel_loop3A_2226 : vector<16xi32>
      %parallel_loop3A_2228 = tpu.vector_load_idx %arg7[%parallel_loop3A_2227] : memref<1024xf32, #tpu.memory_space<vmem>>[vector<16xi32>], vector<16xf32>,
      %parallel_loop3A_2229 = arith.mulf %parallel_loop3A_2034, %parallel_loop3A_2228 : vector<16xf32>
      %parallel_loop3A_2230 = arith.addf %parallel_loop3A_2224, %parallel_loop3A_2229 : vector<16xf32>
      %parallel_loop3A_2231 = arith.constant 3 : i32
      %parallel_loop3A_2232 = vector.broadcast %parallel_loop3A_2231 : i32 to vector<16xi32>
      %parallel_loop3A_2233 = arith.addi %parallel_loop3A_1972, %parallel_loop3A_2232 : vector<16xi32>
      %parallel_loop3A_2234 = tpu.vector_load_idx %arg7[%parallel_loop3A_2233] : memref<1024xf32, #tpu.memory_space<vmem>>[vector<16xi32>], vector<16xf32>,
      %parallel_loop3A_2235 = arith.mulf %parallel_loop3A_2035, %parallel_loop3A_2234 : vector<16xf32>
      %parallel_loop3A_2236 = arith.addf %parallel_loop3A_2230, %parallel_loop3A_2235 : vector<16xf32>
      %parallel_loop3A_2237 = arith.constant 3 : i32
      %parallel_loop3A_2238 = vector.broadcast %parallel_loop3A_2237 : i32 to vector<16xi32>
      %parallel_loop3A_2239 = arith.addi %parallel_loop3A_1990, %parallel_loop3A_2238 : vector<16xi32>
      %parallel_loop3A_2240 = tpu.vector_load_idx %arg7[%parallel_loop3A_2239] : memref<1024xf32, #tpu.memory_space<vmem>>[vector<16xi32>], vector<16xf32>,
      %parallel_loop3A_2241 = arith.mulf %parallel_loop3A_2036, %parallel_loop3A_2240 : vector<16xf32>
      %parallel_loop3A_2242 = arith.addf %parallel_loop3A_2236, %parallel_loop3A_2241 : vector<16xf32>
      %parallel_loop3A_2243 = arith.constant 3 : i32
      %parallel_loop3A_2244 = vector.broadcast %parallel_loop3A_2243 : i32 to vector<16xi32>
      %parallel_loop3A_2245 = arith.addi %parallel_loop3A_2008, %parallel_loop3A_2244 : vector<16xi32>
      %parallel_loop3A_2246 = tpu.vector_load_idx %arg7[%parallel_loop3A_2245] : memref<1024xf32, #tpu.memory_space<vmem>>[vector<16xi32>], vector<16xf32>,
      %parallel_loop3A_2247 = arith.mulf %parallel_loop3A_2037, %parallel_loop3A_2246 : vector<16xf32>
      %parallel_loop3A_2248 = arith.addf %parallel_loop3A_2242, %parallel_loop3A_2247 : vector<16xf32>
      %parallel_loop3A_2249 = arith.constant 3 : i32
      %parallel_loop3A_2250 = vector.broadcast %parallel_loop3A_2249 : i32 to vector<16xi32>
      %parallel_loop3A_2251 = arith.addi %parallel_loop3A_2026, %parallel_loop3A_2250 : vector<16xi32>
      %parallel_loop3A_2252 = tpu.vector_load_idx %arg7[%parallel_loop3A_2251] : memref<1024xf32, #tpu.memory_space<vmem>>[vector<16xi32>], vector<16xf32>,
      %parallel_loop3A_2253 = arith.mulf %parallel_loop3A_2038, %parallel_loop3A_2252 : vector<16xf32>
      %parallel_loop3A_2254 = arith.addf %parallel_loop3A_2248, %parallel_loop3A_2253 : vector<16xf32>
      %parallel_loop3A_2255 = arith.constant 3 : i32
      %parallel_loop3A_2256 = vector.broadcast %parallel_loop3A_2255 : i32 to vector<16xi32>
      %parallel_loop3A_2257 = arith.addi %parallel_loop3A_2045, %parallel_loop3A_2256 : vector<16xi32>
      tpu.vector_store_idx %arg9[%parallel_loop3A_2257], %parallel_loop3A_2254 : memref<16384xf32, #tpu.memory_space<vmem>>[vector<16xi32>], vector<16xf32>,
      %parallel_loop3A_2258 = arith.constant 0.000000e+00 : f32
      %parallel_loop3A_2259 = vector.broadcast %parallel_loop3A_2258 : f32 to vector<16xf32>
      %parallel_loop3A_2260 = arith.constant 4 : i32
      %parallel_loop3A_2261 = vector.broadcast %parallel_loop3A_2260 : i32 to vector<16xi32>
      %parallel_loop3A_2262 = arith.addi %parallel_loop3A_1900, %parallel_loop3A_2261 : vector<16xi32>
      %parallel_loop3A_2263 = tpu.vector_load_idx %arg7[%parallel_loop3A_2262] : memref<1024xf32, #tpu.memory_space<vmem>>[vector<16xi32>], vector<16xf32>,
      %parallel_loop3A_2264 = arith.mulf %parallel_loop3A_2031, %parallel_loop3A_2263 : vector<16xf32>
      %parallel_loop3A_2265 = arith.addf %parallel_loop3A_2259, %parallel_loop3A_2264 : vector<16xf32>
      %parallel_loop3A_2266 = arith.constant 4 : i32
      %parallel_loop3A_2267 = vector.broadcast %parallel_loop3A_2266 : i32 to vector<16xi32>
      %parallel_loop3A_2268 = arith.addi %parallel_loop3A_1918, %parallel_loop3A_2267 : vector<16xi32>
      %parallel_loop3A_2269 = tpu.vector_load_idx %arg7[%parallel_loop3A_2268] : memref<1024xf32, #tpu.memory_space<vmem>>[vector<16xi32>], vector<16xf32>,
      %parallel_loop3A_2270 = arith.mulf %parallel_loop3A_2032, %parallel_loop3A_2269 : vector<16xf32>
      %parallel_loop3A_2271 = arith.addf %parallel_loop3A_2265, %parallel_loop3A_2270 : vector<16xf32>
      %parallel_loop3A_2272 = arith.constant 4 : i32
      %parallel_loop3A_2273 = vector.broadcast %parallel_loop3A_2272 : i32 to vector<16xi32>
      %parallel_loop3A_2274 = arith.addi %parallel_loop3A_1936, %parallel_loop3A_2273 : vector<16xi32>
      %parallel_loop3A_2275 = tpu.vector_load_idx %arg7[%parallel_loop3A_2274] : memref<1024xf32, #tpu.memory_space<vmem>>[vector<16xi32>], vector<16xf32>,
      %parallel_loop3A_2276 = arith.mulf %parallel_loop3A_2033, %parallel_loop3A_2275 : vector<16xf32>
      %parallel_loop3A_2277 = arith.addf %parallel_loop3A_2271, %parallel_loop3A_2276 : vector<16xf32>
      %parallel_loop3A_2278 = arith.constant 4 : i32
      %parallel_loop3A_2279 = vector.broadcast %parallel_loop3A_2278 : i32 to vector<16xi32>
      %parallel_loop3A_2280 = arith.addi %parallel_loop3A_1954, %parallel_loop3A_2279 : vector<16xi32>
      %parallel_loop3A_2281 = tpu.vector_load_idx %arg7[%parallel_loop3A_2280] : memref<1024xf32, #tpu.memory_space<vmem>>[vector<16xi32>], vector<16xf32>,
      %parallel_loop3A_2282 = arith.mulf %parallel_loop3A_2034, %parallel_loop3A_2281 : vector<16xf32>
      %parallel_loop3A_2283 = arith.addf %parallel_loop3A_2277, %parallel_loop3A_2282 : vector<16xf32>
      %parallel_loop3A_2284 = arith.constant 4 : i32
      %parallel_loop3A_2285 = vector.broadcast %parallel_loop3A_2284 : i32 to vector<16xi32>
      %parallel_loop3A_2286 = arith.addi %parallel_loop3A_1972, %parallel_loop3A_2285 : vector<16xi32>
      %parallel_loop3A_2287 = tpu.vector_load_idx %arg7[%parallel_loop3A_2286] : memref<1024xf32, #tpu.memory_space<vmem>>[vector<16xi32>], vector<16xf32>,
      %parallel_loop3A_2288 = arith.mulf %parallel_loop3A_2035, %parallel_loop3A_2287 : vector<16xf32>
      %parallel_loop3A_2289 = arith.addf %parallel_loop3A_2283, %parallel_loop3A_2288 : vector<16xf32>
      %parallel_loop3A_2290 = arith.constant 4 : i32
      %parallel_loop3A_2291 = vector.broadcast %parallel_loop3A_2290 : i32 to vector<16xi32>
      %parallel_loop3A_2292 = arith.addi %parallel_loop3A_1990, %parallel_loop3A_2291 : vector<16xi32>
      %parallel_loop3A_2293 = tpu.vector_load_idx %arg7[%parallel_loop3A_2292] : memref<1024xf32, #tpu.memory_space<vmem>>[vector<16xi32>], vector<16xf32>,
      %parallel_loop3A_2294 = arith.mulf %parallel_loop3A_2036, %parallel_loop3A_2293 : vector<16xf32>
      %parallel_loop3A_2295 = arith.addf %parallel_loop3A_2289, %parallel_loop3A_2294 : vector<16xf32>
      %parallel_loop3A_2296 = arith.constant 4 : i32
      %parallel_loop3A_2297 = vector.broadcast %parallel_loop3A_2296 : i32 to vector<16xi32>
      %parallel_loop3A_2298 = arith.addi %parallel_loop3A_2008, %parallel_loop3A_2297 : vector<16xi32>
      %parallel_loop3A_2299 = tpu.vector_load_idx %arg7[%parallel_loop3A_2298] : memref<1024xf32, #tpu.memory_space<vmem>>[vector<16xi32>], vector<16xf32>,
      %parallel_loop3A_2300 = arith.mulf %parallel_loop3A_2037, %parallel_loop3A_2299 : vector<16xf32>
      %parallel_loop3A_2301 = arith.addf %parallel_loop3A_2295, %parallel_loop3A_2300 : vector<16xf32>
      %parallel_loop3A_2302 = arith.constant 4 : i32
      %parallel_loop3A_2303 = vector.broadcast %parallel_loop3A_2302 : i32 to vector<16xi32>
      %parallel_loop3A_2304 = arith.addi %parallel_loop3A_2026, %parallel_loop3A_2303 : vector<16xi32>
      %parallel_loop3A_2305 = tpu.vector_load_idx %arg7[%parallel_loop3A_2304] : memref<1024xf32, #tpu.memory_space<vmem>>[vector<16xi32>], vector<16xf32>,
      %parallel_loop3A_2306 = arith.mulf %parallel_loop3A_2038, %parallel_loop3A_2305 : vector<16xf32>
      %parallel_loop3A_2307 = arith.addf %parallel_loop3A_2301, %parallel_loop3A_2306 : vector<16xf32>
      %parallel_loop3A_2308 = arith.constant 4 : i32
      %parallel_loop3A_2309 = vector.broadcast %parallel_loop3A_2308 : i32 to vector<16xi32>
      %parallel_loop3A_2310 = arith.addi %parallel_loop3A_2045, %parallel_loop3A_2309 : vector<16xi32>
      tpu.vector_store_idx %arg9[%parallel_loop3A_2310], %parallel_loop3A_2307 : memref<16384xf32, #tpu.memory_space<vmem>>[vector<16xi32>], vector<16xf32>,
      %parallel_loop3A_2311 = arith.constant 0.000000e+00 : f32
      %parallel_loop3A_2312 = vector.broadcast %parallel_loop3A_2311 : f32 to vector<16xf32>
      %parallel_loop3A_2313 = arith.constant 5 : i32
      %parallel_loop3A_2314 = vector.broadcast %parallel_loop3A_2313 : i32 to vector<16xi32>
      %parallel_loop3A_2315 = arith.addi %parallel_loop3A_1900, %parallel_loop3A_2314 : vector<16xi32>
      %parallel_loop3A_2316 = tpu.vector_load_idx %arg7[%parallel_loop3A_2315] : memref<1024xf32, #tpu.memory_space<vmem>>[vector<16xi32>], vector<16xf32>,
      %parallel_loop3A_2317 = arith.mulf %parallel_loop3A_2031, %parallel_loop3A_2316 : vector<16xf32>
      %parallel_loop3A_2318 = arith.addf %parallel_loop3A_2312, %parallel_loop3A_2317 : vector<16xf32>
      %parallel_loop3A_2319 = arith.constant 5 : i32
      %parallel_loop3A_2320 = vector.broadcast %parallel_loop3A_2319 : i32 to vector<16xi32>
      %parallel_loop3A_2321 = arith.addi %parallel_loop3A_1918, %parallel_loop3A_2320 : vector<16xi32>
      %parallel_loop3A_2322 = tpu.vector_load_idx %arg7[%parallel_loop3A_2321] : memref<1024xf32, #tpu.memory_space<vmem>>[vector<16xi32>], vector<16xf32>,
      %parallel_loop3A_2323 = arith.mulf %parallel_loop3A_2032, %parallel_loop3A_2322 : vector<16xf32>
      %parallel_loop3A_2324 = arith.addf %parallel_loop3A_2318, %parallel_loop3A_2323 : vector<16xf32>
      %parallel_loop3A_2325 = arith.constant 5 : i32
      %parallel_loop3A_2326 = vector.broadcast %parallel_loop3A_2325 : i32 to vector<16xi32>
      %parallel_loop3A_2327 = arith.addi %parallel_loop3A_1936, %parallel_loop3A_2326 : vector<16xi32>
      %parallel_loop3A_2328 = tpu.vector_load_idx %arg7[%parallel_loop3A_2327] : memref<1024xf32, #tpu.memory_space<vmem>>[vector<16xi32>], vector<16xf32>,
      %parallel_loop3A_2329 = arith.mulf %parallel_loop3A_2033, %parallel_loop3A_2328 : vector<16xf32>
      %parallel_loop3A_2330 = arith.addf %parallel_loop3A_2324, %parallel_loop3A_2329 : vector<16xf32>
      %parallel_loop3A_2331 = arith.constant 5 : i32
      %parallel_loop3A_2332 = vector.broadcast %parallel_loop3A_2331 : i32 to vector<16xi32>
      %parallel_loop3A_2333 = arith.addi %parallel_loop3A_1954, %parallel_loop3A_2332 : vector<16xi32>
      %parallel_loop3A_2334 = tpu.vector_load_idx %arg7[%parallel_loop3A_2333] : memref<1024xf32, #tpu.memory_space<vmem>>[vector<16xi32>], vector<16xf32>,
      %parallel_loop3A_2335 = arith.mulf %parallel_loop3A_2034, %parallel_loop3A_2334 : vector<16xf32>
      %parallel_loop3A_2336 = arith.addf %parallel_loop3A_2330, %parallel_loop3A_2335 : vector<16xf32>
      %parallel_loop3A_2337 = arith.constant 5 : i32
      %parallel_loop3A_2338 = vector.broadcast %parallel_loop3A_2337 : i32 to vector<16xi32>
      %parallel_loop3A_2339 = arith.addi %parallel_loop3A_1972, %parallel_loop3A_2338 : vector<16xi32>
      %parallel_loop3A_2340 = tpu.vector_load_idx %arg7[%parallel_loop3A_2339] : memref<1024xf32, #tpu.memory_space<vmem>>[vector<16xi32>], vector<16xf32>,
      %parallel_loop3A_2341 = arith.mulf %parallel_loop3A_2035, %parallel_loop3A_2340 : vector<16xf32>
      %parallel_loop3A_2342 = arith.addf %parallel_loop3A_2336, %parallel_loop3A_2341 : vector<16xf32>
      %parallel_loop3A_2343 = arith.constant 5 : i32
      %parallel_loop3A_2344 = vector.broadcast %parallel_loop3A_2343 : i32 to vector<16xi32>
      %parallel_loop3A_2345 = arith.addi %parallel_loop3A_1990, %parallel_loop3A_2344 : vector<16xi32>
      %parallel_loop3A_2346 = tpu.vector_load_idx %arg7[%parallel_loop3A_2345] : memref<1024xf32, #tpu.memory_space<vmem>>[vector<16xi32>], vector<16xf32>,
      %parallel_loop3A_2347 = arith.mulf %parallel_loop3A_2036, %parallel_loop3A_2346 : vector<16xf32>
      %parallel_loop3A_2348 = arith.addf %parallel_loop3A_2342, %parallel_loop3A_2347 : vector<16xf32>
      %parallel_loop3A_2349 = arith.constant 5 : i32
      %parallel_loop3A_2350 = vector.broadcast %parallel_loop3A_2349 : i32 to vector<16xi32>
      %parallel_loop3A_2351 = arith.addi %parallel_loop3A_2008, %parallel_loop3A_2350 : vector<16xi32>
      %parallel_loop3A_2352 = tpu.vector_load_idx %arg7[%parallel_loop3A_2351] : memref<1024xf32, #tpu.memory_space<vmem>>[vector<16xi32>], vector<16xf32>,
      %parallel_loop3A_2353 = arith.mulf %parallel_loop3A_2037, %parallel_loop3A_2352 : vector<16xf32>
      %parallel_loop3A_2354 = arith.addf %parallel_loop3A_2348, %parallel_loop3A_2353 : vector<16xf32>
      %parallel_loop3A_2355 = arith.constant 5 : i32
      %parallel_loop3A_2356 = vector.broadcast %parallel_loop3A_2355 : i32 to vector<16xi32>
      %parallel_loop3A_2357 = arith.addi %parallel_loop3A_2026, %parallel_loop3A_2356 : vector<16xi32>
      %parallel_loop3A_2358 = tpu.vector_load_idx %arg7[%parallel_loop3A_2357] : memref<1024xf32, #tpu.memory_space<vmem>>[vector<16xi32>], vector<16xf32>,
      %parallel_loop3A_2359 = arith.mulf %parallel_loop3A_2038, %parallel_loop3A_2358 : vector<16xf32>
      %parallel_loop3A_2360 = arith.addf %parallel_loop3A_2354, %parallel_loop3A_2359 : vector<16xf32>
      %parallel_loop3A_2361 = arith.constant 5 : i32
      %parallel_loop3A_2362 = vector.broadcast %parallel_loop3A_2361 : i32 to vector<16xi32>
      %parallel_loop3A_2363 = arith.addi %parallel_loop3A_2045, %parallel_loop3A_2362 : vector<16xi32>
      tpu.vector_store_idx %arg9[%parallel_loop3A_2363], %parallel_loop3A_2360 : memref<16384xf32, #tpu.memory_space<vmem>>[vector<16xi32>], vector<16xf32>,
      %parallel_loop3A_2364 = arith.constant 0.000000e+00 : f32
      %parallel_loop3A_2365 = vector.broadcast %parallel_loop3A_2364 : f32 to vector<16xf32>
      %parallel_loop3A_2366 = arith.constant 6 : i32
      %parallel_loop3A_2367 = vector.broadcast %parallel_loop3A_2366 : i32 to vector<16xi32>
      %parallel_loop3A_2368 = arith.addi %parallel_loop3A_1900, %parallel_loop3A_2367 : vector<16xi32>
      %parallel_loop3A_2369 = tpu.vector_load_idx %arg7[%parallel_loop3A_2368] : memref<1024xf32, #tpu.memory_space<vmem>>[vector<16xi32>], vector<16xf32>,
      %parallel_loop3A_2370 = arith.mulf %parallel_loop3A_2031, %parallel_loop3A_2369 : vector<16xf32>
      %parallel_loop3A_2371 = arith.addf %parallel_loop3A_2365, %parallel_loop3A_2370 : vector<16xf32>
      %parallel_loop3A_2372 = arith.constant 6 : i32
      %parallel_loop3A_2373 = vector.broadcast %parallel_loop3A_2372 : i32 to vector<16xi32>
      %parallel_loop3A_2374 = arith.addi %parallel_loop3A_1918, %parallel_loop3A_2373 : vector<16xi32>
      %parallel_loop3A_2375 = tpu.vector_load_idx %arg7[%parallel_loop3A_2374] : memref<1024xf32, #tpu.memory_space<vmem>>[vector<16xi32>], vector<16xf32>,
      %parallel_loop3A_2376 = arith.mulf %parallel_loop3A_2032, %parallel_loop3A_2375 : vector<16xf32>
      %parallel_loop3A_2377 = arith.addf %parallel_loop3A_2371, %parallel_loop3A_2376 : vector<16xf32>
      %parallel_loop3A_2378 = arith.constant 6 : i32
      %parallel_loop3A_2379 = vector.broadcast %parallel_loop3A_2378 : i32 to vector<16xi32>
      %parallel_loop3A_2380 = arith.addi %parallel_loop3A_1936, %parallel_loop3A_2379 : vector<16xi32>
      %parallel_loop3A_2381 = tpu.vector_load_idx %arg7[%parallel_loop3A_2380] : memref<1024xf32, #tpu.memory_space<vmem>>[vector<16xi32>], vector<16xf32>,
      %parallel_loop3A_2382 = arith.mulf %parallel_loop3A_2033, %parallel_loop3A_2381 : vector<16xf32>
      %parallel_loop3A_2383 = arith.addf %parallel_loop3A_2377, %parallel_loop3A_2382 : vector<16xf32>
      %parallel_loop3A_2384 = arith.constant 6 : i32
      %parallel_loop3A_2385 = vector.broadcast %parallel_loop3A_2384 : i32 to vector<16xi32>
      %parallel_loop3A_2386 = arith.addi %parallel_loop3A_1954, %parallel_loop3A_2385 : vector<16xi32>
      %parallel_loop3A_2387 = tpu.vector_load_idx %arg7[%parallel_loop3A_2386] : memref<1024xf32, #tpu.memory_space<vmem>>[vector<16xi32>], vector<16xf32>,
      %parallel_loop3A_2388 = arith.mulf %parallel_loop3A_2034, %parallel_loop3A_2387 : vector<16xf32>
      %parallel_loop3A_2389 = arith.addf %parallel_loop3A_2383, %parallel_loop3A_2388 : vector<16xf32>
      %parallel_loop3A_2390 = arith.constant 6 : i32
      %parallel_loop3A_2391 = vector.broadcast %parallel_loop3A_2390 : i32 to vector<16xi32>
      %parallel_loop3A_2392 = arith.addi %parallel_loop3A_1972, %parallel_loop3A_2391 : vector<16xi32>
      %parallel_loop3A_2393 = tpu.vector_load_idx %arg7[%parallel_loop3A_2392] : memref<1024xf32, #tpu.memory_space<vmem>>[vector<16xi32>], vector<16xf32>,
      %parallel_loop3A_2394 = arith.mulf %parallel_loop3A_2035, %parallel_loop3A_2393 : vector<16xf32>
      %parallel_loop3A_2395 = arith.addf %parallel_loop3A_2389, %parallel_loop3A_2394 : vector<16xf32>
      %parallel_loop3A_2396 = arith.constant 6 : i32
      %parallel_loop3A_2397 = vector.broadcast %parallel_loop3A_2396 : i32 to vector<16xi32>
      %parallel_loop3A_2398 = arith.addi %parallel_loop3A_1990, %parallel_loop3A_2397 : vector<16xi32>
      %parallel_loop3A_2399 = tpu.vector_load_idx %arg7[%parallel_loop3A_2398] : memref<1024xf32, #tpu.memory_space<vmem>>[vector<16xi32>], vector<16xf32>,
      %parallel_loop3A_2400 = arith.mulf %parallel_loop3A_2036, %parallel_loop3A_2399 : vector<16xf32>
      %parallel_loop3A_2401 = arith.addf %parallel_loop3A_2395, %parallel_loop3A_2400 : vector<16xf32>
      %parallel_loop3A_2402 = arith.constant 6 : i32
      %parallel_loop3A_2403 = vector.broadcast %parallel_loop3A_2402 : i32 to vector<16xi32>
      %parallel_loop3A_2404 = arith.addi %parallel_loop3A_2008, %parallel_loop3A_2403 : vector<16xi32>
      %parallel_loop3A_2405 = tpu.vector_load_idx %arg7[%parallel_loop3A_2404] : memref<1024xf32, #tpu.memory_space<vmem>>[vector<16xi32>], vector<16xf32>,
      %parallel_loop3A_2406 = arith.mulf %parallel_loop3A_2037, %parallel_loop3A_2405 : vector<16xf32>
      %parallel_loop3A_2407 = arith.addf %parallel_loop3A_2401, %parallel_loop3A_2406 : vector<16xf32>
      %parallel_loop3A_2408 = arith.constant 6 : i32
      %parallel_loop3A_2409 = vector.broadcast %parallel_loop3A_2408 : i32 to vector<16xi32>
      %parallel_loop3A_2410 = arith.addi %parallel_loop3A_2026, %parallel_loop3A_2409 : vector<16xi32>
      %parallel_loop3A_2411 = tpu.vector_load_idx %arg7[%parallel_loop3A_2410] : memref<1024xf32, #tpu.memory_space<vmem>>[vector<16xi32>], vector<16xf32>,
      %parallel_loop3A_2412 = arith.mulf %parallel_loop3A_2038, %parallel_loop3A_2411 : vector<16xf32>
      %parallel_loop3A_2413 = arith.addf %parallel_loop3A_2407, %parallel_loop3A_2412 : vector<16xf32>
      %parallel_loop3A_2414 = arith.constant 6 : i32
      %parallel_loop3A_2415 = vector.broadcast %parallel_loop3A_2414 : i32 to vector<16xi32>
      %parallel_loop3A_2416 = arith.addi %parallel_loop3A_2045, %parallel_loop3A_2415 : vector<16xi32>
      tpu.vector_store_idx %arg9[%parallel_loop3A_2416], %parallel_loop3A_2413 : memref<16384xf32, #tpu.memory_space<vmem>>[vector<16xi32>], vector<16xf32>,
      %parallel_loop3A_2417 = arith.constant 0.000000e+00 : f32
      %parallel_loop3A_2418 = vector.broadcast %parallel_loop3A_2417 : f32 to vector<16xf32>
      %parallel_loop3A_2419 = arith.constant 7 : i32
      %parallel_loop3A_2420 = vector.broadcast %parallel_loop3A_2419 : i32 to vector<16xi32>
      %parallel_loop3A_2421 = arith.addi %parallel_loop3A_1900, %parallel_loop3A_2420 : vector<16xi32>
      %parallel_loop3A_2422 = tpu.vector_load_idx %arg7[%parallel_loop3A_2421] : memref<1024xf32, #tpu.memory_space<vmem>>[vector<16xi32>], vector<16xf32>,
      %parallel_loop3A_2423 = arith.mulf %parallel_loop3A_2031, %parallel_loop3A_2422 : vector<16xf32>
      %parallel_loop3A_2424 = arith.addf %parallel_loop3A_2418, %parallel_loop3A_2423 : vector<16xf32>
      %parallel_loop3A_2425 = arith.constant 7 : i32
      %parallel_loop3A_2426 = vector.broadcast %parallel_loop3A_2425 : i32 to vector<16xi32>
      %parallel_loop3A_2427 = arith.addi %parallel_loop3A_1918, %parallel_loop3A_2426 : vector<16xi32>
      %parallel_loop3A_2428 = tpu.vector_load_idx %arg7[%parallel_loop3A_2427] : memref<1024xf32, #tpu.memory_space<vmem>>[vector<16xi32>], vector<16xf32>,
      %parallel_loop3A_2429 = arith.mulf %parallel_loop3A_2032, %parallel_loop3A_2428 : vector<16xf32>
      %parallel_loop3A_2430 = arith.addf %parallel_loop3A_2424, %parallel_loop3A_2429 : vector<16xf32>
      %parallel_loop3A_2431 = arith.constant 7 : i32
      %parallel_loop3A_2432 = vector.broadcast %parallel_loop3A_2431 : i32 to vector<16xi32>
      %parallel_loop3A_2433 = arith.addi %parallel_loop3A_1936, %parallel_loop3A_2432 : vector<16xi32>
      %parallel_loop3A_2434 = tpu.vector_load_idx %arg7[%parallel_loop3A_2433] : memref<1024xf32, #tpu.memory_space<vmem>>[vector<16xi32>], vector<16xf32>,
      %parallel_loop3A_2435 = arith.mulf %parallel_loop3A_2033, %parallel_loop3A_2434 : vector<16xf32>
      %parallel_loop3A_2436 = arith.addf %parallel_loop3A_2430, %parallel_loop3A_2435 : vector<16xf32>
      %parallel_loop3A_2437 = arith.constant 7 : i32
      %parallel_loop3A_2438 = vector.broadcast %parallel_loop3A_2437 : i32 to vector<16xi32>
      %parallel_loop3A_2439 = arith.addi %parallel_loop3A_1954, %parallel_loop3A_2438 : vector<16xi32>
      %parallel_loop3A_2440 = tpu.vector_load_idx %arg7[%parallel_loop3A_2439] : memref<1024xf32, #tpu.memory_space<vmem>>[vector<16xi32>], vector<16xf32>,
      %parallel_loop3A_2441 = arith.mulf %parallel_loop3A_2034, %parallel_loop3A_2440 : vector<16xf32>
      %parallel_loop3A_2442 = arith.addf %parallel_loop3A_2436, %parallel_loop3A_2441 : vector<16xf32>
      %parallel_loop3A_2443 = arith.constant 7 : i32
      %parallel_loop3A_2444 = vector.broadcast %parallel_loop3A_2443 : i32 to vector<16xi32>
      %parallel_loop3A_2445 = arith.addi %parallel_loop3A_1972, %parallel_loop3A_2444 : vector<16xi32>
      %parallel_loop3A_2446 = tpu.vector_load_idx %arg7[%parallel_loop3A_2445] : memref<1024xf32, #tpu.memory_space<vmem>>[vector<16xi32>], vector<16xf32>,
      %parallel_loop3A_2447 = arith.mulf %parallel_loop3A_2035, %parallel_loop3A_2446 : vector<16xf32>
      %parallel_loop3A_2448 = arith.addf %parallel_loop3A_2442, %parallel_loop3A_2447 : vector<16xf32>
      %parallel_loop3A_2449 = arith.constant 7 : i32
      %parallel_loop3A_2450 = vector.broadcast %parallel_loop3A_2449 : i32 to vector<16xi32>
      %parallel_loop3A_2451 = arith.addi %parallel_loop3A_1990, %parallel_loop3A_2450 : vector<16xi32>
      %parallel_loop3A_2452 = tpu.vector_load_idx %arg7[%parallel_loop3A_2451] : memref<1024xf32, #tpu.memory_space<vmem>>[vector<16xi32>], vector<16xf32>,
      %parallel_loop3A_2453 = arith.mulf %parallel_loop3A_2036, %parallel_loop3A_2452 : vector<16xf32>
      %parallel_loop3A_2454 = arith.addf %parallel_loop3A_2448, %parallel_loop3A_2453 : vector<16xf32>
      %parallel_loop3A_2455 = arith.constant 7 : i32
      %parallel_loop3A_2456 = vector.broadcast %parallel_loop3A_2455 : i32 to vector<16xi32>
      %parallel_loop3A_2457 = arith.addi %parallel_loop3A_2008, %parallel_loop3A_2456 : vector<16xi32>
      %parallel_loop3A_2458 = tpu.vector_load_idx %arg7[%parallel_loop3A_2457] : memref<1024xf32, #tpu.memory_space<vmem>>[vector<16xi32>], vector<16xf32>,
      %parallel_loop3A_2459 = arith.mulf %parallel_loop3A_2037, %parallel_loop3A_2458 : vector<16xf32>
      %parallel_loop3A_2460 = arith.addf %parallel_loop3A_2454, %parallel_loop3A_2459 : vector<16xf32>
      %parallel_loop3A_2461 = arith.constant 7 : i32
      %parallel_loop3A_2462 = vector.broadcast %parallel_loop3A_2461 : i32 to vector<16xi32>
      %parallel_loop3A_2463 = arith.addi %parallel_loop3A_2026, %parallel_loop3A_2462 : vector<16xi32>
      %parallel_loop3A_2464 = tpu.vector_load_idx %arg7[%parallel_loop3A_2463] : memref<1024xf32, #tpu.memory_space<vmem>>[vector<16xi32>], vector<16xf32>,
      %parallel_loop3A_2465 = arith.mulf %parallel_loop3A_2038, %parallel_loop3A_2464 : vector<16xf32>
      %parallel_loop3A_2466 = arith.addf %parallel_loop3A_2460, %parallel_loop3A_2465 : vector<16xf32>
      %parallel_loop3A_2467 = arith.constant 7 : i32
      %parallel_loop3A_2468 = vector.broadcast %parallel_loop3A_2467 : i32 to vector<16xi32>
      %parallel_loop3A_2469 = arith.addi %parallel_loop3A_2045, %parallel_loop3A_2468 : vector<16xi32>
      tpu.vector_store_idx %arg9[%parallel_loop3A_2469], %parallel_loop3A_2466 : memref<16384xf32, #tpu.memory_space<vmem>>[vector<16xi32>], vector<16xf32>,
      %parallel_loop3A_2470 = arith.constant 0.000000e+00 : f32
      %parallel_loop3A_2471 = vector.broadcast %parallel_loop3A_2470 : f32 to vector<16xf32>
      %parallel_loop3A_2472 = arith.constant 8 : i32
      %parallel_loop3A_2473 = vector.broadcast %parallel_loop3A_2472 : i32 to vector<16xi32>
      %parallel_loop3A_2474 = arith.addi %parallel_loop3A_1900, %parallel_loop3A_2473 : vector<16xi32>
      %parallel_loop3A_2475 = tpu.vector_load_idx %arg7[%parallel_loop3A_2474] : memref<1024xf32, #tpu.memory_space<vmem>>[vector<16xi32>], vector<16xf32>,
      %parallel_loop3A_2476 = arith.mulf %parallel_loop3A_2031, %parallel_loop3A_2475 : vector<16xf32>
      %parallel_loop3A_2477 = arith.addf %parallel_loop3A_2471, %parallel_loop3A_2476 : vector<16xf32>
      %parallel_loop3A_2478 = arith.constant 8 : i32
      %parallel_loop3A_2479 = vector.broadcast %parallel_loop3A_2478 : i32 to vector<16xi32>
      %parallel_loop3A_2480 = arith.addi %parallel_loop3A_1918, %parallel_loop3A_2479 : vector<16xi32>
      %parallel_loop3A_2481 = tpu.vector_load_idx %arg7[%parallel_loop3A_2480] : memref<1024xf32, #tpu.memory_space<vmem>>[vector<16xi32>], vector<16xf32>,
      %parallel_loop3A_2482 = arith.mulf %parallel_loop3A_2032, %parallel_loop3A_2481 : vector<16xf32>
      %parallel_loop3A_2483 = arith.addf %parallel_loop3A_2477, %parallel_loop3A_2482 : vector<16xf32>
      %parallel_loop3A_2484 = arith.constant 8 : i32
      %parallel_loop3A_2485 = vector.broadcast %parallel_loop3A_2484 : i32 to vector<16xi32>
      %parallel_loop3A_2486 = arith.addi %parallel_loop3A_1936, %parallel_loop3A_2485 : vector<16xi32>
      %parallel_loop3A_2487 = tpu.vector_load_idx %arg7[%parallel_loop3A_2486] : memref<1024xf32, #tpu.memory_space<vmem>>[vector<16xi32>], vector<16xf32>,
      %parallel_loop3A_2488 = arith.mulf %parallel_loop3A_2033, %parallel_loop3A_2487 : vector<16xf32>
      %parallel_loop3A_2489 = arith.addf %parallel_loop3A_2483, %parallel_loop3A_2488 : vector<16xf32>
      %parallel_loop3A_2490 = arith.constant 8 : i32
      %parallel_loop3A_2491 = vector.broadcast %parallel_loop3A_2490 : i32 to vector<16xi32>
      %parallel_loop3A_2492 = arith.addi %parallel_loop3A_1954, %parallel_loop3A_2491 : vector<16xi32>
      %parallel_loop3A_2493 = tpu.vector_load_idx %arg7[%parallel_loop3A_2492] : memref<1024xf32, #tpu.memory_space<vmem>>[vector<16xi32>], vector<16xf32>,
      %parallel_loop3A_2494 = arith.mulf %parallel_loop3A_2034, %parallel_loop3A_2493 : vector<16xf32>
      %parallel_loop3A_2495 = arith.addf %parallel_loop3A_2489, %parallel_loop3A_2494 : vector<16xf32>
      %parallel_loop3A_2496 = arith.constant 8 : i32
      %parallel_loop3A_2497 = vector.broadcast %parallel_loop3A_2496 : i32 to vector<16xi32>
      %parallel_loop3A_2498 = arith.addi %parallel_loop3A_1972, %parallel_loop3A_2497 : vector<16xi32>
      %parallel_loop3A_2499 = tpu.vector_load_idx %arg7[%parallel_loop3A_2498] : memref<1024xf32, #tpu.memory_space<vmem>>[vector<16xi32>], vector<16xf32>,
      %parallel_loop3A_2500 = arith.mulf %parallel_loop3A_2035, %parallel_loop3A_2499 : vector<16xf32>
      %parallel_loop3A_2501 = arith.addf %parallel_loop3A_2495, %parallel_loop3A_2500 : vector<16xf32>
      %parallel_loop3A_2502 = arith.constant 8 : i32
      %parallel_loop3A_2503 = vector.broadcast %parallel_loop3A_2502 : i32 to vector<16xi32>
      %parallel_loop3A_2504 = arith.addi %parallel_loop3A_1990, %parallel_loop3A_2503 : vector<16xi32>
      %parallel_loop3A_2505 = tpu.vector_load_idx %arg7[%parallel_loop3A_2504] : memref<1024xf32, #tpu.memory_space<vmem>>[vector<16xi32>], vector<16xf32>,
      %parallel_loop3A_2506 = arith.mulf %parallel_loop3A_2036, %parallel_loop3A_2505 : vector<16xf32>
      %parallel_loop3A_2507 = arith.addf %parallel_loop3A_2501, %parallel_loop3A_2506 : vector<16xf32>
      %parallel_loop3A_2508 = arith.constant 8 : i32
      %parallel_loop3A_2509 = vector.broadcast %parallel_loop3A_2508 : i32 to vector<16xi32>
      %parallel_loop3A_2510 = arith.addi %parallel_loop3A_2008, %parallel_loop3A_2509 : vector<16xi32>
      %parallel_loop3A_2511 = tpu.vector_load_idx %arg7[%parallel_loop3A_2510] : memref<1024xf32, #tpu.memory_space<vmem>>[vector<16xi32>], vector<16xf32>,
      %parallel_loop3A_2512 = arith.mulf %parallel_loop3A_2037, %parallel_loop3A_2511 : vector<16xf32>
      %parallel_loop3A_2513 = arith.addf %parallel_loop3A_2507, %parallel_loop3A_2512 : vector<16xf32>
      %parallel_loop3A_2514 = arith.constant 8 : i32
      %parallel_loop3A_2515 = vector.broadcast %parallel_loop3A_2514 : i32 to vector<16xi32>
      %parallel_loop3A_2516 = arith.addi %parallel_loop3A_2026, %parallel_loop3A_2515 : vector<16xi32>
      %parallel_loop3A_2517 = tpu.vector_load_idx %arg7[%parallel_loop3A_2516] : memref<1024xf32, #tpu.memory_space<vmem>>[vector<16xi32>], vector<16xf32>,
      %parallel_loop3A_2518 = arith.mulf %parallel_loop3A_2038, %parallel_loop3A_2517 : vector<16xf32>
      %parallel_loop3A_2519 = arith.addf %parallel_loop3A_2513, %parallel_loop3A_2518 : vector<16xf32>
      %parallel_loop3A_2520 = arith.constant 8 : i32
      %parallel_loop3A_2521 = vector.broadcast %parallel_loop3A_2520 : i32 to vector<16xi32>
      %parallel_loop3A_2522 = arith.addi %parallel_loop3A_2045, %parallel_loop3A_2521 : vector<16xi32>
      tpu.vector_store_idx %arg9[%parallel_loop3A_2522], %parallel_loop3A_2519 : memref<16384xf32, #tpu.memory_space<vmem>>[vector<16xi32>], vector<16xf32>,
      %parallel_loop3A_2523 = arith.constant 0.000000e+00 : f32
      %parallel_loop3A_2524 = vector.broadcast %parallel_loop3A_2523 : f32 to vector<16xf32>
      %parallel_loop3A_2525 = arith.constant 9 : i32
      %parallel_loop3A_2526 = vector.broadcast %parallel_loop3A_2525 : i32 to vector<16xi32>
      %parallel_loop3A_2527 = arith.addi %parallel_loop3A_1900, %parallel_loop3A_2526 : vector<16xi32>
      %parallel_loop3A_2528 = tpu.vector_load_idx %arg7[%parallel_loop3A_2527] : memref<1024xf32, #tpu.memory_space<vmem>>[vector<16xi32>], vector<16xf32>,
      %parallel_loop3A_2529 = arith.mulf %parallel_loop3A_2031, %parallel_loop3A_2528 : vector<16xf32>
      %parallel_loop3A_2530 = arith.addf %parallel_loop3A_2524, %parallel_loop3A_2529 : vector<16xf32>
      %parallel_loop3A_2531 = arith.constant 9 : i32
      %parallel_loop3A_2532 = vector.broadcast %parallel_loop3A_2531 : i32 to vector<16xi32>
      %parallel_loop3A_2533 = arith.addi %parallel_loop3A_1918, %parallel_loop3A_2532 : vector<16xi32>
      %parallel_loop3A_2534 = tpu.vector_load_idx %arg7[%parallel_loop3A_2533] : memref<1024xf32, #tpu.memory_space<vmem>>[vector<16xi32>], vector<16xf32>,
      %parallel_loop3A_2535 = arith.mulf %parallel_loop3A_2032, %parallel_loop3A_2534 : vector<16xf32>
      %parallel_loop3A_2536 = arith.addf %parallel_loop3A_2530, %parallel_loop3A_2535 : vector<16xf32>
      %parallel_loop3A_2537 = arith.constant 9 : i32
      %parallel_loop3A_2538 = vector.broadcast %parallel_loop3A_2537 : i32 to vector<16xi32>
      %parallel_loop3A_2539 = arith.addi %parallel_loop3A_1936, %parallel_loop3A_2538 : vector<16xi32>
      %parallel_loop3A_2540 = tpu.vector_load_idx %arg7[%parallel_loop3A_2539] : memref<1024xf32, #tpu.memory_space<vmem>>[vector<16xi32>], vector<16xf32>,
      %parallel_loop3A_2541 = arith.mulf %parallel_loop3A_2033, %parallel_loop3A_2540 : vector<16xf32>
      %parallel_loop3A_2542 = arith.addf %parallel_loop3A_2536, %parallel_loop3A_2541 : vector<16xf32>
      %parallel_loop3A_2543 = arith.constant 9 : i32
      %parallel_loop3A_2544 = vector.broadcast %parallel_loop3A_2543 : i32 to vector<16xi32>
      %parallel_loop3A_2545 = arith.addi %parallel_loop3A_1954, %parallel_loop3A_2544 : vector<16xi32>
      %parallel_loop3A_2546 = tpu.vector_load_idx %arg7[%parallel_loop3A_2545] : memref<1024xf32, #tpu.memory_space<vmem>>[vector<16xi32>], vector<16xf32>,
      %parallel_loop3A_2547 = arith.mulf %parallel_loop3A_2034, %parallel_loop3A_2546 : vector<16xf32>
      %parallel_loop3A_2548 = arith.addf %parallel_loop3A_2542, %parallel_loop3A_2547 : vector<16xf32>
      %parallel_loop3A_2549 = arith.constant 9 : i32
      %parallel_loop3A_2550 = vector.broadcast %parallel_loop3A_2549 : i32 to vector<16xi32>
      %parallel_loop3A_2551 = arith.addi %parallel_loop3A_1972, %parallel_loop3A_2550 : vector<16xi32>
      %parallel_loop3A_2552 = tpu.vector_load_idx %arg7[%parallel_loop3A_2551] : memref<1024xf32, #tpu.memory_space<vmem>>[vector<16xi32>], vector<16xf32>,
      %parallel_loop3A_2553 = arith.mulf %parallel_loop3A_2035, %parallel_loop3A_2552 : vector<16xf32>
      %parallel_loop3A_2554 = arith.addf %parallel_loop3A_2548, %parallel_loop3A_2553 : vector<16xf32>
      %parallel_loop3A_2555 = arith.constant 9 : i32
      %parallel_loop3A_2556 = vector.broadcast %parallel_loop3A_2555 : i32 to vector<16xi32>
      %parallel_loop3A_2557 = arith.addi %parallel_loop3A_1990, %parallel_loop3A_2556 : vector<16xi32>
      %parallel_loop3A_2558 = tpu.vector_load_idx %arg7[%parallel_loop3A_2557] : memref<1024xf32, #tpu.memory_space<vmem>>[vector<16xi32>], vector<16xf32>,
      %parallel_loop3A_2559 = arith.mulf %parallel_loop3A_2036, %parallel_loop3A_2558 : vector<16xf32>
      %parallel_loop3A_2560 = arith.addf %parallel_loop3A_2554, %parallel_loop3A_2559 : vector<16xf32>
      %parallel_loop3A_2561 = arith.constant 9 : i32
      %parallel_loop3A_2562 = vector.broadcast %parallel_loop3A_2561 : i32 to vector<16xi32>
      %parallel_loop3A_2563 = arith.addi %parallel_loop3A_2008, %parallel_loop3A_2562 : vector<16xi32>
      %parallel_loop3A_2564 = tpu.vector_load_idx %arg7[%parallel_loop3A_2563] : memref<1024xf32, #tpu.memory_space<vmem>>[vector<16xi32>], vector<16xf32>,
      %parallel_loop3A_2565 = arith.mulf %parallel_loop3A_2037, %parallel_loop3A_2564 : vector<16xf32>
      %parallel_loop3A_2566 = arith.addf %parallel_loop3A_2560, %parallel_loop3A_2565 : vector<16xf32>
      %parallel_loop3A_2567 = arith.constant 9 : i32
      %parallel_loop3A_2568 = vector.broadcast %parallel_loop3A_2567 : i32 to vector<16xi32>
      %parallel_loop3A_2569 = arith.addi %parallel_loop3A_2026, %parallel_loop3A_2568 : vector<16xi32>
      %parallel_loop3A_2570 = tpu.vector_load_idx %arg7[%parallel_loop3A_2569] : memref<1024xf32, #tpu.memory_space<vmem>>[vector<16xi32>], vector<16xf32>,
      %parallel_loop3A_2571 = arith.mulf %parallel_loop3A_2038, %parallel_loop3A_2570 : vector<16xf32>
      %parallel_loop3A_2572 = arith.addf %parallel_loop3A_2566, %parallel_loop3A_2571 : vector<16xf32>
      %parallel_loop3A_2573 = arith.constant 9 : i32
      %parallel_loop3A_2574 = vector.broadcast %parallel_loop3A_2573 : i32 to vector<16xi32>
      %parallel_loop3A_2575 = arith.addi %parallel_loop3A_2045, %parallel_loop3A_2574 : vector<16xi32>
      tpu.vector_store_idx %arg9[%parallel_loop3A_2575], %parallel_loop3A_2572 : memref<16384xf32, #tpu.memory_space<vmem>>[vector<16xi32>], vector<16xf32>,
      %parallel_loop3A_2576 = arith.constant 0.000000e+00 : f32
      %parallel_loop3A_2577 = vector.broadcast %parallel_loop3A_2576 : f32 to vector<16xf32>
      %parallel_loop3A_2578 = arith.constant 10 : i32
      %parallel_loop3A_2579 = vector.broadcast %parallel_loop3A_2578 : i32 to vector<16xi32>
      %parallel_loop3A_2580 = arith.addi %parallel_loop3A_1900, %parallel_loop3A_2579 : vector<16xi32>
      %parallel_loop3A_2581 = tpu.vector_load_idx %arg7[%parallel_loop3A_2580] : memref<1024xf32, #tpu.memory_space<vmem>>[vector<16xi32>], vector<16xf32>,
      %parallel_loop3A_2582 = arith.mulf %parallel_loop3A_2031, %parallel_loop3A_2581 : vector<16xf32>
      %parallel_loop3A_2583 = arith.addf %parallel_loop3A_2577, %parallel_loop3A_2582 : vector<16xf32>
      %parallel_loop3A_2584 = arith.constant 10 : i32
      %parallel_loop3A_2585 = vector.broadcast %parallel_loop3A_2584 : i32 to vector<16xi32>
      %parallel_loop3A_2586 = arith.addi %parallel_loop3A_1918, %parallel_loop3A_2585 : vector<16xi32>
      %parallel_loop3A_2587 = tpu.vector_load_idx %arg7[%parallel_loop3A_2586] : memref<1024xf32, #tpu.memory_space<vmem>>[vector<16xi32>], vector<16xf32>,
      %parallel_loop3A_2588 = arith.mulf %parallel_loop3A_2032, %parallel_loop3A_2587 : vector<16xf32>
      %parallel_loop3A_2589 = arith.addf %parallel_loop3A_2583, %parallel_loop3A_2588 : vector<16xf32>
      %parallel_loop3A_2590 = arith.constant 10 : i32
      %parallel_loop3A_2591 = vector.broadcast %parallel_loop3A_2590 : i32 to vector<16xi32>
      %parallel_loop3A_2592 = arith.addi %parallel_loop3A_1936, %parallel_loop3A_2591 : vector<16xi32>
      %parallel_loop3A_2593 = tpu.vector_load_idx %arg7[%parallel_loop3A_2592] : memref<1024xf32, #tpu.memory_space<vmem>>[vector<16xi32>], vector<16xf32>,
      %parallel_loop3A_2594 = arith.mulf %parallel_loop3A_2033, %parallel_loop3A_2593 : vector<16xf32>
      %parallel_loop3A_2595 = arith.addf %parallel_loop3A_2589, %parallel_loop3A_2594 : vector<16xf32>
      %parallel_loop3A_2596 = arith.constant 10 : i32
      %parallel_loop3A_2597 = vector.broadcast %parallel_loop3A_2596 : i32 to vector<16xi32>
      %parallel_loop3A_2598 = arith.addi %parallel_loop3A_1954, %parallel_loop3A_2597 : vector<16xi32>
      %parallel_loop3A_2599 = tpu.vector_load_idx %arg7[%parallel_loop3A_2598] : memref<1024xf32, #tpu.memory_space<vmem>>[vector<16xi32>], vector<16xf32>,
      %parallel_loop3A_2600 = arith.mulf %parallel_loop3A_2034, %parallel_loop3A_2599 : vector<16xf32>
      %parallel_loop3A_2601 = arith.addf %parallel_loop3A_2595, %parallel_loop3A_2600 : vector<16xf32>
      %parallel_loop3A_2602 = arith.constant 10 : i32
      %parallel_loop3A_2603 = vector.broadcast %parallel_loop3A_2602 : i32 to vector<16xi32>
      %parallel_loop3A_2604 = arith.addi %parallel_loop3A_1972, %parallel_loop3A_2603 : vector<16xi32>
      %parallel_loop3A_2605 = tpu.vector_load_idx %arg7[%parallel_loop3A_2604] : memref<1024xf32, #tpu.memory_space<vmem>>[vector<16xi32>], vector<16xf32>,
      %parallel_loop3A_2606 = arith.mulf %parallel_loop3A_2035, %parallel_loop3A_2605 : vector<16xf32>
      %parallel_loop3A_2607 = arith.addf %parallel_loop3A_2601, %parallel_loop3A_2606 : vector<16xf32>
      %parallel_loop3A_2608 = arith.constant 10 : i32
      %parallel_loop3A_2609 = vector.broadcast %parallel_loop3A_2608 : i32 to vector<16xi32>
      %parallel_loop3A_2610 = arith.addi %parallel_loop3A_1990, %parallel_loop3A_2609 : vector<16xi32>
      %parallel_loop3A_2611 = tpu.vector_load_idx %arg7[%parallel_loop3A_2610] : memref<1024xf32, #tpu.memory_space<vmem>>[vector<16xi32>], vector<16xf32>,
      %parallel_loop3A_2612 = arith.mulf %parallel_loop3A_2036, %parallel_loop3A_2611 : vector<16xf32>
      %parallel_loop3A_2613 = arith.addf %parallel_loop3A_2607, %parallel_loop3A_2612 : vector<16xf32>
      %parallel_loop3A_2614 = arith.constant 10 : i32
      %parallel_loop3A_2615 = vector.broadcast %parallel_loop3A_2614 : i32 to vector<16xi32>
      %parallel_loop3A_2616 = arith.addi %parallel_loop3A_2008, %parallel_loop3A_2615 : vector<16xi32>
      %parallel_loop3A_2617 = tpu.vector_load_idx %arg7[%parallel_loop3A_2616] : memref<1024xf32, #tpu.memory_space<vmem>>[vector<16xi32>], vector<16xf32>,
      %parallel_loop3A_2618 = arith.mulf %parallel_loop3A_2037, %parallel_loop3A_2617 : vector<16xf32>
      %parallel_loop3A_2619 = arith.addf %parallel_loop3A_2613, %parallel_loop3A_2618 : vector<16xf32>
      %parallel_loop3A_2620 = arith.constant 10 : i32
      %parallel_loop3A_2621 = vector.broadcast %parallel_loop3A_2620 : i32 to vector<16xi32>
      %parallel_loop3A_2622 = arith.addi %parallel_loop3A_2026, %parallel_loop3A_2621 : vector<16xi32>
      %parallel_loop3A_2623 = tpu.vector_load_idx %arg7[%parallel_loop3A_2622] : memref<1024xf32, #tpu.memory_space<vmem>>[vector<16xi32>], vector<16xf32>,
      %parallel_loop3A_2624 = arith.mulf %parallel_loop3A_2038, %parallel_loop3A_2623 : vector<16xf32>
      %parallel_loop3A_2625 = arith.addf %parallel_loop3A_2619, %parallel_loop3A_2624 : vector<16xf32>
      %parallel_loop3A_2626 = arith.constant 10 : i32
      %parallel_loop3A_2627 = vector.broadcast %parallel_loop3A_2626 : i32 to vector<16xi32>
      %parallel_loop3A_2628 = arith.addi %parallel_loop3A_2045, %parallel_loop3A_2627 : vector<16xi32>
      tpu.vector_store_idx %arg9[%parallel_loop3A_2628], %parallel_loop3A_2625 : memref<16384xf32, #tpu.memory_space<vmem>>[vector<16xi32>], vector<16xf32>,
      %parallel_loop3A_2629 = arith.constant 0.000000e+00 : f32
      %parallel_loop3A_2630 = vector.broadcast %parallel_loop3A_2629 : f32 to vector<16xf32>
      %parallel_loop3A_2631 = arith.constant 11 : i32
      %parallel_loop3A_2632 = vector.broadcast %parallel_loop3A_2631 : i32 to vector<16xi32>
      %parallel_loop3A_2633 = arith.addi %parallel_loop3A_1900, %parallel_loop3A_2632 : vector<16xi32>
      %parallel_loop3A_2634 = tpu.vector_load_idx %arg7[%parallel_loop3A_2633] : memref<1024xf32, #tpu.memory_space<vmem>>[vector<16xi32>], vector<16xf32>,
      %parallel_loop3A_2635 = arith.mulf %parallel_loop3A_2031, %parallel_loop3A_2634 : vector<16xf32>
      %parallel_loop3A_2636 = arith.addf %parallel_loop3A_2630, %parallel_loop3A_2635 : vector<16xf32>
      %parallel_loop3A_2637 = arith.constant 11 : i32
      %parallel_loop3A_2638 = vector.broadcast %parallel_loop3A_2637 : i32 to vector<16xi32>
      %parallel_loop3A_2639 = arith.addi %parallel_loop3A_1918, %parallel_loop3A_2638 : vector<16xi32>
      %parallel_loop3A_2640 = tpu.vector_load_idx %arg7[%parallel_loop3A_2639] : memref<1024xf32, #tpu.memory_space<vmem>>[vector<16xi32>], vector<16xf32>,
      %parallel_loop3A_2641 = arith.mulf %parallel_loop3A_2032, %parallel_loop3A_2640 : vector<16xf32>
      %parallel_loop3A_2642 = arith.addf %parallel_loop3A_2636, %parallel_loop3A_2641 : vector<16xf32>
      %parallel_loop3A_2643 = arith.constant 11 : i32
      %parallel_loop3A_2644 = vector.broadcast %parallel_loop3A_2643 : i32 to vector<16xi32>
      %parallel_loop3A_2645 = arith.addi %parallel_loop3A_1936, %parallel_loop3A_2644 : vector<16xi32>
      %parallel_loop3A_2646 = tpu.vector_load_idx %arg7[%parallel_loop3A_2645] : memref<1024xf32, #tpu.memory_space<vmem>>[vector<16xi32>], vector<16xf32>,
      %parallel_loop3A_2647 = arith.mulf %parallel_loop3A_2033, %parallel_loop3A_2646 : vector<16xf32>
      %parallel_loop3A_2648 = arith.addf %parallel_loop3A_2642, %parallel_loop3A_2647 : vector<16xf32>
      %parallel_loop3A_2649 = arith.constant 11 : i32
      %parallel_loop3A_2650 = vector.broadcast %parallel_loop3A_2649 : i32 to vector<16xi32>
      %parallel_loop3A_2651 = arith.addi %parallel_loop3A_1954, %parallel_loop3A_2650 : vector<16xi32>
      %parallel_loop3A_2652 = tpu.vector_load_idx %arg7[%parallel_loop3A_2651] : memref<1024xf32, #tpu.memory_space<vmem>>[vector<16xi32>], vector<16xf32>,
      %parallel_loop3A_2653 = arith.mulf %parallel_loop3A_2034, %parallel_loop3A_2652 : vector<16xf32>
      %parallel_loop3A_2654 = arith.addf %parallel_loop3A_2648, %parallel_loop3A_2653 : vector<16xf32>
      %parallel_loop3A_2655 = arith.constant 11 : i32
      %parallel_loop3A_2656 = vector.broadcast %parallel_loop3A_2655 : i32 to vector<16xi32>
      %parallel_loop3A_2657 = arith.addi %parallel_loop3A_1972, %parallel_loop3A_2656 : vector<16xi32>
      %parallel_loop3A_2658 = tpu.vector_load_idx %arg7[%parallel_loop3A_2657] : memref<1024xf32, #tpu.memory_space<vmem>>[vector<16xi32>], vector<16xf32>,
      %parallel_loop3A_2659 = arith.mulf %parallel_loop3A_2035, %parallel_loop3A_2658 : vector<16xf32>
      %parallel_loop3A_2660 = arith.addf %parallel_loop3A_2654, %parallel_loop3A_2659 : vector<16xf32>
      %parallel_loop3A_2661 = arith.constant 11 : i32
      %parallel_loop3A_2662 = vector.broadcast %parallel_loop3A_2661 : i32 to vector<16xi32>
      %parallel_loop3A_2663 = arith.addi %parallel_loop3A_1990, %parallel_loop3A_2662 : vector<16xi32>
      %parallel_loop3A_2664 = tpu.vector_load_idx %arg7[%parallel_loop3A_2663] : memref<1024xf32, #tpu.memory_space<vmem>>[vector<16xi32>], vector<16xf32>,
      %parallel_loop3A_2665 = arith.mulf %parallel_loop3A_2036, %parallel_loop3A_2664 : vector<16xf32>
      %parallel_loop3A_2666 = arith.addf %parallel_loop3A_2660, %parallel_loop3A_2665 : vector<16xf32>
      %parallel_loop3A_2667 = arith.constant 11 : i32
      %parallel_loop3A_2668 = vector.broadcast %parallel_loop3A_2667 : i32 to vector<16xi32>
      %parallel_loop3A_2669 = arith.addi %parallel_loop3A_2008, %parallel_loop3A_2668 : vector<16xi32>
      %parallel_loop3A_2670 = tpu.vector_load_idx %arg7[%parallel_loop3A_2669] : memref<1024xf32, #tpu.memory_space<vmem>>[vector<16xi32>], vector<16xf32>,
      %parallel_loop3A_2671 = arith.mulf %parallel_loop3A_2037, %parallel_loop3A_2670 : vector<16xf32>
      %parallel_loop3A_2672 = arith.addf %parallel_loop3A_2666, %parallel_loop3A_2671 : vector<16xf32>
      %parallel_loop3A_2673 = arith.constant 11 : i32
      %parallel_loop3A_2674 = vector.broadcast %parallel_loop3A_2673 : i32 to vector<16xi32>
      %parallel_loop3A_2675 = arith.addi %parallel_loop3A_2026, %parallel_loop3A_2674 : vector<16xi32>
      %parallel_loop3A_2676 = tpu.vector_load_idx %arg7[%parallel_loop3A_2675] : memref<1024xf32, #tpu.memory_space<vmem>>[vector<16xi32>], vector<16xf32>,
      %parallel_loop3A_2677 = arith.mulf %parallel_loop3A_2038, %parallel_loop3A_2676 : vector<16xf32>
      %parallel_loop3A_2678 = arith.addf %parallel_loop3A_2672, %parallel_loop3A_2677 : vector<16xf32>
      %parallel_loop3A_2679 = arith.constant 11 : i32
      %parallel_loop3A_2680 = vector.broadcast %parallel_loop3A_2679 : i32 to vector<16xi32>
      %parallel_loop3A_2681 = arith.addi %parallel_loop3A_2045, %parallel_loop3A_2680 : vector<16xi32>
      tpu.vector_store_idx %arg9[%parallel_loop3A_2681], %parallel_loop3A_2678 : memref<16384xf32, #tpu.memory_space<vmem>>[vector<16xi32>], vector<16xf32>,
      %parallel_loop3A_2682 = arith.constant 0.000000e+00 : f32
      %parallel_loop3A_2683 = vector.broadcast %parallel_loop3A_2682 : f32 to vector<16xf32>
      %parallel_loop3A_2684 = arith.constant 12 : i32
      %parallel_loop3A_2685 = vector.broadcast %parallel_loop3A_2684 : i32 to vector<16xi32>
      %parallel_loop3A_2686 = arith.addi %parallel_loop3A_1900, %parallel_loop3A_2685 : vector<16xi32>
      %parallel_loop3A_2687 = tpu.vector_load_idx %arg7[%parallel_loop3A_2686] : memref<1024xf32, #tpu.memory_space<vmem>>[vector<16xi32>], vector<16xf32>,
      %parallel_loop3A_2688 = arith.mulf %parallel_loop3A_2031, %parallel_loop3A_2687 : vector<16xf32>
      %parallel_loop3A_2689 = arith.addf %parallel_loop3A_2683, %parallel_loop3A_2688 : vector<16xf32>
      %parallel_loop3A_2690 = arith.constant 12 : i32
      %parallel_loop3A_2691 = vector.broadcast %parallel_loop3A_2690 : i32 to vector<16xi32>
      %parallel_loop3A_2692 = arith.addi %parallel_loop3A_1918, %parallel_loop3A_2691 : vector<16xi32>
      %parallel_loop3A_2693 = tpu.vector_load_idx %arg7[%parallel_loop3A_2692] : memref<1024xf32, #tpu.memory_space<vmem>>[vector<16xi32>], vector<16xf32>,
      %parallel_loop3A_2694 = arith.mulf %parallel_loop3A_2032, %parallel_loop3A_2693 : vector<16xf32>
      %parallel_loop3A_2695 = arith.addf %parallel_loop3A_2689, %parallel_loop3A_2694 : vector<16xf32>
      %parallel_loop3A_2696 = arith.constant 12 : i32
      %parallel_loop3A_2697 = vector.broadcast %parallel_loop3A_2696 : i32 to vector<16xi32>
      %parallel_loop3A_2698 = arith.addi %parallel_loop3A_1936, %parallel_loop3A_2697 : vector<16xi32>
      %parallel_loop3A_2699 = tpu.vector_load_idx %arg7[%parallel_loop3A_2698] : memref<1024xf32, #tpu.memory_space<vmem>>[vector<16xi32>], vector<16xf32>,
      %parallel_loop3A_2700 = arith.mulf %parallel_loop3A_2033, %parallel_loop3A_2699 : vector<16xf32>
      %parallel_loop3A_2701 = arith.addf %parallel_loop3A_2695, %parallel_loop3A_2700 : vector<16xf32>
      %parallel_loop3A_2702 = arith.constant 12 : i32
      %parallel_loop3A_2703 = vector.broadcast %parallel_loop3A_2702 : i32 to vector<16xi32>
      %parallel_loop3A_2704 = arith.addi %parallel_loop3A_1954, %parallel_loop3A_2703 : vector<16xi32>
      %parallel_loop3A_2705 = tpu.vector_load_idx %arg7[%parallel_loop3A_2704] : memref<1024xf32, #tpu.memory_space<vmem>>[vector<16xi32>], vector<16xf32>,
      %parallel_loop3A_2706 = arith.mulf %parallel_loop3A_2034, %parallel_loop3A_2705 : vector<16xf32>
      %parallel_loop3A_2707 = arith.addf %parallel_loop3A_2701, %parallel_loop3A_2706 : vector<16xf32>
      %parallel_loop3A_2708 = arith.constant 12 : i32
      %parallel_loop3A_2709 = vector.broadcast %parallel_loop3A_2708 : i32 to vector<16xi32>
      %parallel_loop3A_2710 = arith.addi %parallel_loop3A_1972, %parallel_loop3A_2709 : vector<16xi32>
      %parallel_loop3A_2711 = tpu.vector_load_idx %arg7[%parallel_loop3A_2710] : memref<1024xf32, #tpu.memory_space<vmem>>[vector<16xi32>], vector<16xf32>,
      %parallel_loop3A_2712 = arith.mulf %parallel_loop3A_2035, %parallel_loop3A_2711 : vector<16xf32>
      %parallel_loop3A_2713 = arith.addf %parallel_loop3A_2707, %parallel_loop3A_2712 : vector<16xf32>
      %parallel_loop3A_2714 = arith.constant 12 : i32
      %parallel_loop3A_2715 = vector.broadcast %parallel_loop3A_2714 : i32 to vector<16xi32>
      %parallel_loop3A_2716 = arith.addi %parallel_loop3A_1990, %parallel_loop3A_2715 : vector<16xi32>
      %parallel_loop3A_2717 = tpu.vector_load_idx %arg7[%parallel_loop3A_2716] : memref<1024xf32, #tpu.memory_space<vmem>>[vector<16xi32>], vector<16xf32>,
      %parallel_loop3A_2718 = arith.mulf %parallel_loop3A_2036, %parallel_loop3A_2717 : vector<16xf32>
      %parallel_loop3A_2719 = arith.addf %parallel_loop3A_2713, %parallel_loop3A_2718 : vector<16xf32>
      %parallel_loop3A_2720 = arith.constant 12 : i32
      %parallel_loop3A_2721 = vector.broadcast %parallel_loop3A_2720 : i32 to vector<16xi32>
      %parallel_loop3A_2722 = arith.addi %parallel_loop3A_2008, %parallel_loop3A_2721 : vector<16xi32>
      %parallel_loop3A_2723 = tpu.vector_load_idx %arg7[%parallel_loop3A_2722] : memref<1024xf32, #tpu.memory_space<vmem>>[vector<16xi32>], vector<16xf32>,
      %parallel_loop3A_2724 = arith.mulf %parallel_loop3A_2037, %parallel_loop3A_2723 : vector<16xf32>
      %parallel_loop3A_2725 = arith.addf %parallel_loop3A_2719, %parallel_loop3A_2724 : vector<16xf32>
      %parallel_loop3A_2726 = arith.constant 12 : i32
      %parallel_loop3A_2727 = vector.broadcast %parallel_loop3A_2726 : i32 to vector<16xi32>
      %parallel_loop3A_2728 = arith.addi %parallel_loop3A_2026, %parallel_loop3A_2727 : vector<16xi32>
      %parallel_loop3A_2729 = tpu.vector_load_idx %arg7[%parallel_loop3A_2728] : memref<1024xf32, #tpu.memory_space<vmem>>[vector<16xi32>], vector<16xf32>,
      %parallel_loop3A_2730 = arith.mulf %parallel_loop3A_2038, %parallel_loop3A_2729 : vector<16xf32>
      %parallel_loop3A_2731 = arith.addf %parallel_loop3A_2725, %parallel_loop3A_2730 : vector<16xf32>
      %parallel_loop3A_2732 = arith.constant 12 : i32
      %parallel_loop3A_2733 = vector.broadcast %parallel_loop3A_2732 : i32 to vector<16xi32>
      %parallel_loop3A_2734 = arith.addi %parallel_loop3A_2045, %parallel_loop3A_2733 : vector<16xi32>
      tpu.vector_store_idx %arg9[%parallel_loop3A_2734], %parallel_loop3A_2731 : memref<16384xf32, #tpu.memory_space<vmem>>[vector<16xi32>], vector<16xf32>,
      %parallel_loop3A_2735 = arith.constant 0.000000e+00 : f32
      %parallel_loop3A_2736 = vector.broadcast %parallel_loop3A_2735 : f32 to vector<16xf32>
      %parallel_loop3A_2737 = arith.constant 13 : i32
      %parallel_loop3A_2738 = vector.broadcast %parallel_loop3A_2737 : i32 to vector<16xi32>
      %parallel_loop3A_2739 = arith.addi %parallel_loop3A_1900, %parallel_loop3A_2738 : vector<16xi32>
      %parallel_loop3A_2740 = tpu.vector_load_idx %arg7[%parallel_loop3A_2739] : memref<1024xf32, #tpu.memory_space<vmem>>[vector<16xi32>], vector<16xf32>,
      %parallel_loop3A_2741 = arith.mulf %parallel_loop3A_2031, %parallel_loop3A_2740 : vector<16xf32>
      %parallel_loop3A_2742 = arith.addf %parallel_loop3A_2736, %parallel_loop3A_2741 : vector<16xf32>
      %parallel_loop3A_2743 = arith.constant 13 : i32
      %parallel_loop3A_2744 = vector.broadcast %parallel_loop3A_2743 : i32 to vector<16xi32>
      %parallel_loop3A_2745 = arith.addi %parallel_loop3A_1918, %parallel_loop3A_2744 : vector<16xi32>
      %parallel_loop3A_2746 = tpu.vector_load_idx %arg7[%parallel_loop3A_2745] : memref<1024xf32, #tpu.memory_space<vmem>>[vector<16xi32>], vector<16xf32>,
      %parallel_loop3A_2747 = arith.mulf %parallel_loop3A_2032, %parallel_loop3A_2746 : vector<16xf32>
      %parallel_loop3A_2748 = arith.addf %parallel_loop3A_2742, %parallel_loop3A_2747 : vector<16xf32>
      %parallel_loop3A_2749 = arith.constant 13 : i32
      %parallel_loop3A_2750 = vector.broadcast %parallel_loop3A_2749 : i32 to vector<16xi32>
      %parallel_loop3A_2751 = arith.addi %parallel_loop3A_1936, %parallel_loop3A_2750 : vector<16xi32>
      %parallel_loop3A_2752 = tpu.vector_load_idx %arg7[%parallel_loop3A_2751] : memref<1024xf32, #tpu.memory_space<vmem>>[vector<16xi32>], vector<16xf32>,
      %parallel_loop3A_2753 = arith.mulf %parallel_loop3A_2033, %parallel_loop3A_2752 : vector<16xf32>
      %parallel_loop3A_2754 = arith.addf %parallel_loop3A_2748, %parallel_loop3A_2753 : vector<16xf32>
      %parallel_loop3A_2755 = arith.constant 13 : i32
      %parallel_loop3A_2756 = vector.broadcast %parallel_loop3A_2755 : i32 to vector<16xi32>
      %parallel_loop3A_2757 = arith.addi %parallel_loop3A_1954, %parallel_loop3A_2756 : vector<16xi32>
      %parallel_loop3A_2758 = tpu.vector_load_idx %arg7[%parallel_loop3A_2757] : memref<1024xf32, #tpu.memory_space<vmem>>[vector<16xi32>], vector<16xf32>,
      %parallel_loop3A_2759 = arith.mulf %parallel_loop3A_2034, %parallel_loop3A_2758 : vector<16xf32>
      %parallel_loop3A_2760 = arith.addf %parallel_loop3A_2754, %parallel_loop3A_2759 : vector<16xf32>
      %parallel_loop3A_2761 = arith.constant 13 : i32
      %parallel_loop3A_2762 = vector.broadcast %parallel_loop3A_2761 : i32 to vector<16xi32>
      %parallel_loop3A_2763 = arith.addi %parallel_loop3A_1972, %parallel_loop3A_2762 : vector<16xi32>
      %parallel_loop3A_2764 = tpu.vector_load_idx %arg7[%parallel_loop3A_2763] : memref<1024xf32, #tpu.memory_space<vmem>>[vector<16xi32>], vector<16xf32>,
      %parallel_loop3A_2765 = arith.mulf %parallel_loop3A_2035, %parallel_loop3A_2764 : vector<16xf32>
      %parallel_loop3A_2766 = arith.addf %parallel_loop3A_2760, %parallel_loop3A_2765 : vector<16xf32>
      %parallel_loop3A_2767 = arith.constant 13 : i32
      %parallel_loop3A_2768 = vector.broadcast %parallel_loop3A_2767 : i32 to vector<16xi32>
      %parallel_loop3A_2769 = arith.addi %parallel_loop3A_1990, %parallel_loop3A_2768 : vector<16xi32>
      %parallel_loop3A_2770 = tpu.vector_load_idx %arg7[%parallel_loop3A_2769] : memref<1024xf32, #tpu.memory_space<vmem>>[vector<16xi32>], vector<16xf32>,
      %parallel_loop3A_2771 = arith.mulf %parallel_loop3A_2036, %parallel_loop3A_2770 : vector<16xf32>
      %parallel_loop3A_2772 = arith.addf %parallel_loop3A_2766, %parallel_loop3A_2771 : vector<16xf32>
      %parallel_loop3A_2773 = arith.constant 13 : i32
      %parallel_loop3A_2774 = vector.broadcast %parallel_loop3A_2773 : i32 to vector<16xi32>
      %parallel_loop3A_2775 = arith.addi %parallel_loop3A_2008, %parallel_loop3A_2774 : vector<16xi32>
      %parallel_loop3A_2776 = tpu.vector_load_idx %arg7[%parallel_loop3A_2775] : memref<1024xf32, #tpu.memory_space<vmem>>[vector<16xi32>], vector<16xf32>,
      %parallel_loop3A_2777 = arith.mulf %parallel_loop3A_2037, %parallel_loop3A_2776 : vector<16xf32>
      %parallel_loop3A_2778 = arith.addf %parallel_loop3A_2772, %parallel_loop3A_2777 : vector<16xf32>
      %parallel_loop3A_2779 = arith.constant 13 : i32
      %parallel_loop3A_2780 = vector.broadcast %parallel_loop3A_2779 : i32 to vector<16xi32>
      %parallel_loop3A_2781 = arith.addi %parallel_loop3A_2026, %parallel_loop3A_2780 : vector<16xi32>
      %parallel_loop3A_2782 = tpu.vector_load_idx %arg7[%parallel_loop3A_2781] : memref<1024xf32, #tpu.memory_space<vmem>>[vector<16xi32>], vector<16xf32>,
      %parallel_loop3A_2783 = arith.mulf %parallel_loop3A_2038, %parallel_loop3A_2782 : vector<16xf32>
      %parallel_loop3A_2784 = arith.addf %parallel_loop3A_2778, %parallel_loop3A_2783 : vector<16xf32>
      %parallel_loop3A_2785 = arith.constant 13 : i32
      %parallel_loop3A_2786 = vector.broadcast %parallel_loop3A_2785 : i32 to vector<16xi32>
      %parallel_loop3A_2787 = arith.addi %parallel_loop3A_2045, %parallel_loop3A_2786 : vector<16xi32>
      tpu.vector_store_idx %arg9[%parallel_loop3A_2787], %parallel_loop3A_2784 : memref<16384xf32, #tpu.memory_space<vmem>>[vector<16xi32>], vector<16xf32>,
      %parallel_loop3A_2788 = arith.constant 0.000000e+00 : f32
      %parallel_loop3A_2789 = vector.broadcast %parallel_loop3A_2788 : f32 to vector<16xf32>
      %parallel_loop3A_2790 = arith.constant 14 : i32
      %parallel_loop3A_2791 = vector.broadcast %parallel_loop3A_2790 : i32 to vector<16xi32>
      %parallel_loop3A_2792 = arith.addi %parallel_loop3A_1900, %parallel_loop3A_2791 : vector<16xi32>
      %parallel_loop3A_2793 = tpu.vector_load_idx %arg7[%parallel_loop3A_2792] : memref<1024xf32, #tpu.memory_space<vmem>>[vector<16xi32>], vector<16xf32>,
      %parallel_loop3A_2794 = arith.mulf %parallel_loop3A_2031, %parallel_loop3A_2793 : vector<16xf32>
      %parallel_loop3A_2795 = arith.addf %parallel_loop3A_2789, %parallel_loop3A_2794 : vector<16xf32>
      %parallel_loop3A_2796 = arith.constant 14 : i32
      %parallel_loop3A_2797 = vector.broadcast %parallel_loop3A_2796 : i32 to vector<16xi32>
      %parallel_loop3A_2798 = arith.addi %parallel_loop3A_1918, %parallel_loop3A_2797 : vector<16xi32>
      %parallel_loop3A_2799 = tpu.vector_load_idx %arg7[%parallel_loop3A_2798] : memref<1024xf32, #tpu.memory_space<vmem>>[vector<16xi32>], vector<16xf32>,
      %parallel_loop3A_2800 = arith.mulf %parallel_loop3A_2032, %parallel_loop3A_2799 : vector<16xf32>
      %parallel_loop3A_2801 = arith.addf %parallel_loop3A_2795, %parallel_loop3A_2800 : vector<16xf32>
      %parallel_loop3A_2802 = arith.constant 14 : i32
      %parallel_loop3A_2803 = vector.broadcast %parallel_loop3A_2802 : i32 to vector<16xi32>
      %parallel_loop3A_2804 = arith.addi %parallel_loop3A_1936, %parallel_loop3A_2803 : vector<16xi32>
      %parallel_loop3A_2805 = tpu.vector_load_idx %arg7[%parallel_loop3A_2804] : memref<1024xf32, #tpu.memory_space<vmem>>[vector<16xi32>], vector<16xf32>,
      %parallel_loop3A_2806 = arith.mulf %parallel_loop3A_2033, %parallel_loop3A_2805 : vector<16xf32>
      %parallel_loop3A_2807 = arith.addf %parallel_loop3A_2801, %parallel_loop3A_2806 : vector<16xf32>
      %parallel_loop3A_2808 = arith.constant 14 : i32
      %parallel_loop3A_2809 = vector.broadcast %parallel_loop3A_2808 : i32 to vector<16xi32>
      %parallel_loop3A_2810 = arith.addi %parallel_loop3A_1954, %parallel_loop3A_2809 : vector<16xi32>
      %parallel_loop3A_2811 = tpu.vector_load_idx %arg7[%parallel_loop3A_2810] : memref<1024xf32, #tpu.memory_space<vmem>>[vector<16xi32>], vector<16xf32>,
      %parallel_loop3A_2812 = arith.mulf %parallel_loop3A_2034, %parallel_loop3A_2811 : vector<16xf32>
      %parallel_loop3A_2813 = arith.addf %parallel_loop3A_2807, %parallel_loop3A_2812 : vector<16xf32>
      %parallel_loop3A_2814 = arith.constant 14 : i32
      %parallel_loop3A_2815 = vector.broadcast %parallel_loop3A_2814 : i32 to vector<16xi32>
      %parallel_loop3A_2816 = arith.addi %parallel_loop3A_1972, %parallel_loop3A_2815 : vector<16xi32>
      %parallel_loop3A_2817 = tpu.vector_load_idx %arg7[%parallel_loop3A_2816] : memref<1024xf32, #tpu.memory_space<vmem>>[vector<16xi32>], vector<16xf32>,
      %parallel_loop3A_2818 = arith.mulf %parallel_loop3A_2035, %parallel_loop3A_2817 : vector<16xf32>
      %parallel_loop3A_2819 = arith.addf %parallel_loop3A_2813, %parallel_loop3A_2818 : vector<16xf32>
      %parallel_loop3A_2820 = arith.constant 14 : i32
      %parallel_loop3A_2821 = vector.broadcast %parallel_loop3A_2820 : i32 to vector<16xi32>
      %parallel_loop3A_2822 = arith.addi %parallel_loop3A_1990, %parallel_loop3A_2821 : vector<16xi32>
      %parallel_loop3A_2823 = tpu.vector_load_idx %arg7[%parallel_loop3A_2822] : memref<1024xf32, #tpu.memory_space<vmem>>[vector<16xi32>], vector<16xf32>,
      %parallel_loop3A_2824 = arith.mulf %parallel_loop3A_2036, %parallel_loop3A_2823 : vector<16xf32>
      %parallel_loop3A_2825 = arith.addf %parallel_loop3A_2819, %parallel_loop3A_2824 : vector<16xf32>
      %parallel_loop3A_2826 = arith.constant 14 : i32
      %parallel_loop3A_2827 = vector.broadcast %parallel_loop3A_2826 : i32 to vector<16xi32>
      %parallel_loop3A_2828 = arith.addi %parallel_loop3A_2008, %parallel_loop3A_2827 : vector<16xi32>
      %parallel_loop3A_2829 = tpu.vector_load_idx %arg7[%parallel_loop3A_2828] : memref<1024xf32, #tpu.memory_space<vmem>>[vector<16xi32>], vector<16xf32>,
      %parallel_loop3A_2830 = arith.mulf %parallel_loop3A_2037, %parallel_loop3A_2829 : vector<16xf32>
      %parallel_loop3A_2831 = arith.addf %parallel_loop3A_2825, %parallel_loop3A_2830 : vector<16xf32>
      %parallel_loop3A_2832 = arith.constant 14 : i32
      %parallel_loop3A_2833 = vector.broadcast %parallel_loop3A_2832 : i32 to vector<16xi32>
      %parallel_loop3A_2834 = arith.addi %parallel_loop3A_2026, %parallel_loop3A_2833 : vector<16xi32>
      %parallel_loop3A_2835 = tpu.vector_load_idx %arg7[%parallel_loop3A_2834] : memref<1024xf32, #tpu.memory_space<vmem>>[vector<16xi32>], vector<16xf32>,
      %parallel_loop3A_2836 = arith.mulf %parallel_loop3A_2038, %parallel_loop3A_2835 : vector<16xf32>
      %parallel_loop3A_2837 = arith.addf %parallel_loop3A_2831, %parallel_loop3A_2836 : vector<16xf32>
      %parallel_loop3A_2838 = arith.constant 14 : i32
      %parallel_loop3A_2839 = vector.broadcast %parallel_loop3A_2838 : i32 to vector<16xi32>
      %parallel_loop3A_2840 = arith.addi %parallel_loop3A_2045, %parallel_loop3A_2839 : vector<16xi32>
      tpu.vector_store_idx %arg9[%parallel_loop3A_2840], %parallel_loop3A_2837 : memref<16384xf32, #tpu.memory_space<vmem>>[vector<16xi32>], vector<16xf32>,
      %parallel_loop3A_2841 = arith.constant 0.000000e+00 : f32
      %parallel_loop3A_2842 = vector.broadcast %parallel_loop3A_2841 : f32 to vector<16xf32>
      %parallel_loop3A_2843 = arith.constant 15 : i32
      %parallel_loop3A_2844 = vector.broadcast %parallel_loop3A_2843 : i32 to vector<16xi32>
      %parallel_loop3A_2845 = arith.addi %parallel_loop3A_1900, %parallel_loop3A_2844 : vector<16xi32>
      %parallel_loop3A_2846 = tpu.vector_load_idx %arg7[%parallel_loop3A_2845] : memref<1024xf32, #tpu.memory_space<vmem>>[vector<16xi32>], vector<16xf32>,
      %parallel_loop3A_2847 = arith.mulf %parallel_loop3A_2031, %parallel_loop3A_2846 : vector<16xf32>
      %parallel_loop3A_2848 = arith.addf %parallel_loop3A_2842, %parallel_loop3A_2847 : vector<16xf32>
      %parallel_loop3A_2849 = arith.constant 15 : i32
      %parallel_loop3A_2850 = vector.broadcast %parallel_loop3A_2849 : i32 to vector<16xi32>
      %parallel_loop3A_2851 = arith.addi %parallel_loop3A_1918, %parallel_loop3A_2850 : vector<16xi32>
      %parallel_loop3A_2852 = tpu.vector_load_idx %arg7[%parallel_loop3A_2851] : memref<1024xf32, #tpu.memory_space<vmem>>[vector<16xi32>], vector<16xf32>,
      %parallel_loop3A_2853 = arith.mulf %parallel_loop3A_2032, %parallel_loop3A_2852 : vector<16xf32>
      %parallel_loop3A_2854 = arith.addf %parallel_loop3A_2848, %parallel_loop3A_2853 : vector<16xf32>
      %parallel_loop3A_2855 = arith.constant 15 : i32
      %parallel_loop3A_2856 = vector.broadcast %parallel_loop3A_2855 : i32 to vector<16xi32>
      %parallel_loop3A_2857 = arith.addi %parallel_loop3A_1936, %parallel_loop3A_2856 : vector<16xi32>
      %parallel_loop3A_2858 = tpu.vector_load_idx %arg7[%parallel_loop3A_2857] : memref<1024xf32, #tpu.memory_space<vmem>>[vector<16xi32>], vector<16xf32>,
      %parallel_loop3A_2859 = arith.mulf %parallel_loop3A_2033, %parallel_loop3A_2858 : vector<16xf32>
      %parallel_loop3A_2860 = arith.addf %parallel_loop3A_2854, %parallel_loop3A_2859 : vector<16xf32>
      %parallel_loop3A_2861 = arith.constant 15 : i32
      %parallel_loop3A_2862 = vector.broadcast %parallel_loop3A_2861 : i32 to vector<16xi32>
      %parallel_loop3A_2863 = arith.addi %parallel_loop3A_1954, %parallel_loop3A_2862 : vector<16xi32>
      %parallel_loop3A_2864 = tpu.vector_load_idx %arg7[%parallel_loop3A_2863] : memref<1024xf32, #tpu.memory_space<vmem>>[vector<16xi32>], vector<16xf32>,
      %parallel_loop3A_2865 = arith.mulf %parallel_loop3A_2034, %parallel_loop3A_2864 : vector<16xf32>
      %parallel_loop3A_2866 = arith.addf %parallel_loop3A_2860, %parallel_loop3A_2865 : vector<16xf32>
      %parallel_loop3A_2867 = arith.constant 15 : i32
      %parallel_loop3A_2868 = vector.broadcast %parallel_loop3A_2867 : i32 to vector<16xi32>
      %parallel_loop3A_2869 = arith.addi %parallel_loop3A_1972, %parallel_loop3A_2868 : vector<16xi32>
      %parallel_loop3A_2870 = tpu.vector_load_idx %arg7[%parallel_loop3A_2869] : memref<1024xf32, #tpu.memory_space<vmem>>[vector<16xi32>], vector<16xf32>,
      %parallel_loop3A_2871 = arith.mulf %parallel_loop3A_2035, %parallel_loop3A_2870 : vector<16xf32>
      %parallel_loop3A_2872 = arith.addf %parallel_loop3A_2866, %parallel_loop3A_2871 : vector<16xf32>
      %parallel_loop3A_2873 = arith.constant 15 : i32
      %parallel_loop3A_2874 = vector.broadcast %parallel_loop3A_2873 : i32 to vector<16xi32>
      %parallel_loop3A_2875 = arith.addi %parallel_loop3A_1990, %parallel_loop3A_2874 : vector<16xi32>
      %parallel_loop3A_2876 = tpu.vector_load_idx %arg7[%parallel_loop3A_2875] : memref<1024xf32, #tpu.memory_space<vmem>>[vector<16xi32>], vector<16xf32>,
      %parallel_loop3A_2877 = arith.mulf %parallel_loop3A_2036, %parallel_loop3A_2876 : vector<16xf32>
      %parallel_loop3A_2878 = arith.addf %parallel_loop3A_2872, %parallel_loop3A_2877 : vector<16xf32>
      %parallel_loop3A_2879 = arith.constant 15 : i32
      %parallel_loop3A_2880 = vector.broadcast %parallel_loop3A_2879 : i32 to vector<16xi32>
      %parallel_loop3A_2881 = arith.addi %parallel_loop3A_2008, %parallel_loop3A_2880 : vector<16xi32>
      %parallel_loop3A_2882 = tpu.vector_load_idx %arg7[%parallel_loop3A_2881] : memref<1024xf32, #tpu.memory_space<vmem>>[vector<16xi32>], vector<16xf32>,
      %parallel_loop3A_2883 = arith.mulf %parallel_loop3A_2037, %parallel_loop3A_2882 : vector<16xf32>
      %parallel_loop3A_2884 = arith.addf %parallel_loop3A_2878, %parallel_loop3A_2883 : vector<16xf32>
      %parallel_loop3A_2885 = arith.constant 15 : i32
      %parallel_loop3A_2886 = vector.broadcast %parallel_loop3A_2885 : i32 to vector<16xi32>
      %parallel_loop3A_2887 = arith.addi %parallel_loop3A_2026, %parallel_loop3A_2886 : vector<16xi32>
      %parallel_loop3A_2888 = tpu.vector_load_idx %arg7[%parallel_loop3A_2887] : memref<1024xf32, #tpu.memory_space<vmem>>[vector<16xi32>], vector<16xf32>,
      %parallel_loop3A_2889 = arith.mulf %parallel_loop3A_2038, %parallel_loop3A_2888 : vector<16xf32>
      %parallel_loop3A_2890 = arith.addf %parallel_loop3A_2884, %parallel_loop3A_2889 : vector<16xf32>
      %parallel_loop3A_2891 = arith.constant 15 : i32
      %parallel_loop3A_2892 = vector.broadcast %parallel_loop3A_2891 : i32 to vector<16xi32>
      %parallel_loop3A_2893 = arith.addi %parallel_loop3A_2045, %parallel_loop3A_2892 : vector<16xi32>
      tpu.vector_store_idx %arg9[%parallel_loop3A_2893], %parallel_loop3A_2890 : memref<16384xf32, #tpu.memory_space<vmem>>[vector<16xi32>], vector<16xf32>,
    } {sc.loop_unroll_factor = 2 : i64, sc.parallel_access}
    %mul3A_12 = arith.constant 1024 : i32
    %mul3A_13 = arith.muli %add3A, %mul3A_12 : i32
    %mul3A_14 = arith.constant 16 : i32
    %mul3A_15 = arith.muli %mul3A_13, %mul3A_14 : i32
    "tpu.region"() ({
      %run_scoped3A = tpu.sem_alloc : memref<!tpu.dma_semaphore, #tpu.memory_space<semaphore_mem>>
      %dma_start3A = tpu.memref_slice %arg5[%mul3A_15] : memref<524288xf32, #tpu.memory_space<hbm>> -> memref<16384xf32, #tpu.memory_space<hbm>>
      %dma_start3A_16 = tpu.memref_slice %arg5[%mul3A_15] : memref<524288xf32, #tpu.memory_space<hbm>> -> memref<16384xf32, #tpu.memory_space<hbm>>
      tpu.enqueue_dma source(%arg9 : memref<16384xf32, #tpu.memory_space<vmem>>) target(%dma_start3A_16 : memref<16384xf32, #tpu.memory_space<hbm>>) target_semaphore(%run_scoped3A : memref<!tpu.dma_semaphore, #tpu.memory_space<semaphore_mem>>)
      %dma_wait3A = tpu.memref_slice %arg5[%mul3A_15] : memref<524288xf32, #tpu.memory_space<hbm>> -> memref<16384xf32, #tpu.memory_space<hbm>>
      %dma_wait3A_17 = tpu.memref_slice %arg5[%mul3A_15] : memref<524288xf32, #tpu.memory_space<hbm>> -> memref<16384xf32, #tpu.memory_space<hbm>>
      tpu.wait_dma2 semaphore(%run_scoped3A : memref<!tpu.dma_semaphore, #tpu.memory_space<semaphore_mem>>) src(%arg9 : memref<16384xf32, #tpu.memory_space<vmem>>) dst(%dma_wait3A_17 : memref<16384xf32, #tpu.memory_space<hbm>>)
      tpu.yield
    }) : () -> ()
    return
  }
}

module attributes {stable_mosaic.version = 14 : i64} {
  func.func @_h_kernel(%arg0: i32, %arg1: memref<2048x1024xf32, #tpu.memory_space<vmem>>, %arg2: memref<1024x1024xf32, #tpu.memory_space<vmem>>, %arg3: memref<1x1024xf32, #tpu.memory_space<vmem>>, %arg4: memref<2048x64xf32, #tpu.memory_space<vmem>>, %arg5: memref<1x16xf32, #tpu.memory_space<vmem>>, %arg6: memref<1xf32, #tpu.memory_space<smem>>) attributes {dimension_semantics = [#tpu.dimension_semantics<arbitrary>], iteration_bounds = array<i64: 16>, scalar_prefetch = 0 : i64, scratch_operands = 1 : i64, tpu.core_type = #tpu.core_type<tc>, window_params = [{transform_indices = @transform_0, window_bounds = array<i64: 2048, 1024>}, {pipeline_mode = #tpu.pipeline_mode<synchronous>, transform_indices = @transform_1, window_bounds = array<i64: 1024, 1024>}, {pipeline_mode = #tpu.pipeline_mode<synchronous>, transform_indices = @transform_2, window_bounds = array<i64: 1, 1024>}, {transform_indices = @transform_3, window_bounds = array<i64: 2048, 64>}, {pipeline_mode = #tpu.pipeline_mode<synchronous>, transform_indices = @transform_4, window_bounds = array<i64: 1, 16>}]} {
    %get3A = arith.constant 0 : index
    %get3A_0 = arith.constant 0 : index
    %get3A_1 = vector.load %arg1[%get3A, %get3A_0] : memref<2048x1024xf32, #tpu.memory_space<vmem>>, vector<2048x1024xf32>
    %get3A_2 = arith.constant 0 : index
    %get3A_3 = arith.constant 0 : index
    %get3A_4 = vector.load %arg2[%get3A_2, %get3A_3] : memref<1024x1024xf32, #tpu.memory_space<vmem>>, vector<64x1024xf32>
    %dot_general3A = arith.constant dense<0.000000e+00> : vector<2048x64xf32>
    %dot_general3A_5 = tpu.matmul %get3A_1, %get3A_4, %dot_general3A {dimension_numbers = #tpu.dot_dimension_numbers<[1], [1], [0], [0], [0, 0, 1, 0], [], []>, transpose_lhs_hint = false} : vector<2048x1024xf32>, vector<64x1024xf32>, vector<2048x64xf32> -> vector<2048x64xf32>
    %get3A_6 = arith.constant 0 : index
    %get3A_7 = arith.constant 0 : index
    %get3A_8 = vector.load %arg3[%get3A_6, %get3A_7] : memref<1x1024xf32, #tpu.memory_space<vmem>>, vector<1x64xf32>
    %add3A = vector.broadcast %get3A_8 : vector<1x64xf32> to vector<2048x64xf32>
    %add3A_9 = arith.addf %dot_general3A_5, %add3A : vector<2048x64xf32>
    %swap3A = arith.constant 0 : index
    %swap3A_10 = arith.constant 0 : index
    %swap3A_11 = vector.load %arg4[%swap3A, %swap3A_10] : memref<2048x64xf32, #tpu.memory_space<vmem>>, vector<2048x64xf32>
    tpu.vector_store %arg4[%swap3A, %swap3A_10], %add3A_9 {strides = array<i32>} : memref<2048x64xf32, #tpu.memory_space<vmem>>, vector<2048x64xf32>,
    %abs3A = math.absf %add3A_9 : vector<2048x64xf32>
    %reduce_max3A = vector.shape_cast %abs3A : vector<2048x64xf32> to vector<1x2048x64xf32>
    %reduce_max3A_12 = arith.constant dense<0xFF800000> : vector<1xf32>
    %reduce_max3A_13 = vector.multi_reduction <maximumf>, %reduce_max3A, %reduce_max3A_12 [1, 2] : vector<1x2048x64xf32> to vector<1xf32>
    %reduce_max3A_14 = vector.shape_cast %reduce_max3A_13 : vector<1xf32> to vector<1x1x1xf32>
    %reduce_max3A_15 = vector.extract %reduce_max3A_14[0, 0, 0] : f32 from vector<1x1x1xf32>
    %eq3A = arith.constant 0 : i32
    %eq3A_16 = arith.cmpi eq, %arg0, %eq3A : i32
    %convert_element_type3A = arith.extui %eq3A_16 : i1 to i32
    %cond3A = arith.constant 0 : i32
    %cond3A_17 = arith.cmpi ne, %convert_element_type3A, %cond3A : i32
    scf.if %cond3A_17 {
      %swap3A_27 = arith.constant 0 : index
      %swap3A_28 = memref.load %arg6[%swap3A_27] : memref<1xf32, #tpu.memory_space<smem>>
      memref.store %reduce_max3A_15, %arg6[%swap3A_27] : memref<1xf32, #tpu.memory_space<smem>>
    } else {
    }
    %ne3A = arith.constant 0 : i32
    %ne3A_18 = arith.cmpi ne, %arg0, %ne3A : i32
    %convert_element_type3A_19 = arith.extui %ne3A_18 : i1 to i32
    %cond3A_20 = arith.constant 0 : i32
    %cond3A_21 = arith.cmpi ne, %convert_element_type3A_19, %cond3A_20 : i32
    scf.if %cond3A_21 {
      %get3A_27 = arith.constant 0 : index
      %get3A_28 = memref.load %arg6[%get3A_27] : memref<1xf32, #tpu.memory_space<smem>>
      %max3A = arith.maximumf %get3A_28, %reduce_max3A_15 : f32
      %swap3A_29 = arith.constant 0 : index
      %swap3A_30 = memref.load %arg6[%swap3A_29] : memref<1xf32, #tpu.memory_space<smem>>
      memref.store %max3A, %arg6[%swap3A_29] : memref<1xf32, #tpu.memory_space<smem>>
    } else {
    }
    %get3A_22 = arith.constant 0 : index
    %get3A_23 = memref.load %arg6[%get3A_22] : memref<1xf32, #tpu.memory_space<smem>>
    %broadcast_in_dim3A = vector.broadcast %get3A_23 : f32 to vector<1x16xf32>
    %swap3A_24 = arith.constant 0 : index
    %swap3A_25 = arith.constant 0 : index
    %swap3A_26 = vector.load %arg5[%swap3A_24, %swap3A_25] : memref<1x16xf32, #tpu.memory_space<vmem>>, vector<1x16xf32>
    tpu.vector_store %arg5[%swap3A_24, %swap3A_25], %broadcast_in_dim3A {strides = array<i32>} : memref<1x16xf32, #tpu.memory_space<vmem>>, vector<1x16xf32>,
    return
  }
  func.func @transform_0(%arg0: i32) -> (i32, i32) {
    %c0_i32 = arith.constant 0 : i32
    %c0_i32_0 = arith.constant 0 : i32
    return %arg0, %c0_i32 : i32, i32
  }
  func.func @transform_1(%arg0: i32) -> (i32, i32) {
    %c0_i32 = arith.constant 0 : i32
    %c0_i32_0 = arith.constant 0 : i32
    %c0_i32_1 = arith.constant 0 : i32
    return %c0_i32, %c0_i32_0 : i32, i32
  }
  func.func @transform_2(%arg0: i32) -> (i32, i32) {
    %c0_i32 = arith.constant 0 : i32
    %c0_i32_0 = arith.constant 0 : i32
    %c0_i32_1 = arith.constant 0 : i32
    return %c0_i32, %c0_i32_0 : i32, i32
  }
  func.func @transform_3(%arg0: i32) -> (i32, i32) {
    %c0_i32 = arith.constant 0 : i32
    %c0_i32_0 = arith.constant 0 : i32
    return %arg0, %c0_i32 : i32, i32
  }
  func.func @transform_4(%arg0: i32) -> (i32, i32) {
    %c0_i32 = arith.constant 0 : i32
    %c0_i32_0 = arith.constant 0 : i32
    %c0_i32_1 = arith.constant 0 : i32
    return %c0_i32, %c0_i32_0 : i32, i32
  }
}

module attributes {stable_mosaic.version = 14 : i64} {
  func.func @_main_kernel(%arg0: i32, %arg1: memref<2048x1024xf32, #tpu.memory_space<vmem>>, %arg2: memref<1024x1024xf32, #tpu.memory_space<vmem>>, %arg3: memref<1x1024xf32, #tpu.memory_space<vmem>>, %arg4: memref<1024x16xf32, #tpu.memory_space<vmem>>, %arg5: memref<16x1024xf32, #tpu.memory_space<vmem>>, %arg6: memref<2048x16xf32, #tpu.memory_space<vmem>>, %arg7: memref<2048x1024xf32, #tpu.memory_space<vmem>>) attributes {dimension_semantics = [#tpu.dimension_semantics<arbitrary>], iteration_bounds = array<i64: 16>, scalar_prefetch = 0 : i64, scratch_operands = 0 : i64, tpu.core_type = #tpu.core_type<tc>, window_params = [{transform_indices = @transform_0, window_bounds = array<i64: 2048, 1024>}, {pipeline_mode = #tpu.pipeline_mode<synchronous>, transform_indices = @transform_1, window_bounds = array<i64: 1024, 1024>}, {pipeline_mode = #tpu.pipeline_mode<synchronous>, transform_indices = @transform_2, window_bounds = array<i64: 1, 1024>}, {pipeline_mode = #tpu.pipeline_mode<synchronous>, transform_indices = @transform_3, window_bounds = array<i64: 1024, 16>}, {pipeline_mode = #tpu.pipeline_mode<synchronous>, transform_indices = @transform_4, window_bounds = array<i64: 16, 1024>}, {transform_indices = @transform_5, window_bounds = array<i64: 2048, 16>}, {transform_indices = @transform_6, window_bounds = array<i64: 2048, 1024>}]} {
    %get3A = arith.constant 0 : index
    %get3A_0 = arith.constant 0 : index
    %get3A_1 = vector.load %arg1[%get3A, %get3A_0] : memref<2048x1024xf32, #tpu.memory_space<vmem>>, vector<2048x1024xf32>
    %get3A_2 = arith.constant 0 : index
    %get3A_3 = arith.constant 0 : index
    %get3A_4 = vector.load %arg2[%get3A_2, %get3A_3] : memref<1024x1024xf32, #tpu.memory_space<vmem>>, vector<1024x1024xf32>
    %dot_general3A = arith.constant dense<0.000000e+00> : vector<2048x1024xf32>
    %dot_general3A_5 = tpu.matmul %get3A_1, %get3A_4, %dot_general3A {dimension_numbers = #tpu.dot_dimension_numbers<[1], [1], [0], [0], [0, 0, 1, 0], [], []>, transpose_lhs_hint = false} : vector<2048x1024xf32>, vector<1024x1024xf32>, vector<2048x1024xf32> -> vector<2048x1024xf32>
    %get3A_6 = arith.constant 0 : index
    %get3A_7 = arith.constant 0 : index
    %get3A_8 = vector.load %arg3[%get3A_6, %get3A_7] : memref<1x1024xf32, #tpu.memory_space<vmem>>, vector<1x1024xf32>
    %add3A = vector.broadcast %get3A_8 : vector<1x1024xf32> to vector<2048x1024xf32>
    %add3A_9 = arith.addf %dot_general3A_5, %add3A : vector<2048x1024xf32>
    %get3A_10 = arith.constant 0 : index
    %get3A_11 = arith.constant 0 : index
    %get3A_12 = vector.load %arg4[%get3A_10, %get3A_11] : memref<1024x16xf32, #tpu.memory_space<vmem>>, vector<1024x16xf32>
    %dot_general3A_13 = arith.constant dense<0.000000e+00> : vector<2048x16xf32>
    %dot_general3A_14 = tpu.matmul %get3A_1, %get3A_12, %dot_general3A_13 {dimension_numbers = #tpu.dot_dimension_numbers<[1], [0], [0], [1], [0, 0, 1, 1], [], []>, transpose_lhs_hint = false} : vector<2048x1024xf32>, vector<1024x16xf32>, vector<2048x16xf32> -> vector<2048x16xf32>
    %get3A_15 = arith.constant 0 : index
    %get3A_16 = arith.constant 0 : index
    %get3A_17 = vector.load %arg6[%get3A_15, %get3A_16] : memref<2048x16xf32, #tpu.memory_space<vmem>>, vector<2048x16xf32>
    %mul3A = arith.mulf %dot_general3A_14, %get3A_17 : vector<2048x16xf32>
    %get3A_18 = arith.constant 0 : index
    %get3A_19 = arith.constant 0 : index
    %get3A_20 = vector.load %arg5[%get3A_18, %get3A_19] : memref<16x1024xf32, #tpu.memory_space<vmem>>, vector<16x1024xf32>
    %dot_general3A_21 = arith.constant dense<0.000000e+00> : vector<2048x1024xf32>
    %dot_general3A_22 = tpu.matmul %mul3A, %get3A_20, %dot_general3A_21 {dimension_numbers = #tpu.dot_dimension_numbers<[1], [0], [0], [1], [0, 0, 1, 1], [], []>, transpose_lhs_hint = false} : vector<2048x16xf32>, vector<16x1024xf32>, vector<2048x1024xf32> -> vector<2048x1024xf32>
    %add3A_23 = arith.addf %add3A_9, %dot_general3A_22 : vector<2048x1024xf32>
    %swap3A = arith.constant 0 : index
    %swap3A_24 = arith.constant 0 : index
    %swap3A_25 = vector.load %arg7[%swap3A, %swap3A_24] : memref<2048x1024xf32, #tpu.memory_space<vmem>>, vector<2048x1024xf32>
    tpu.vector_store %arg7[%swap3A, %swap3A_24], %add3A_23 {strides = array<i32>} : memref<2048x1024xf32, #tpu.memory_space<vmem>>, vector<2048x1024xf32>,
    return
  }
  func.func @transform_0(%arg0: i32) -> (i32, i32) {
    %c0_i32 = arith.constant 0 : i32
    %c0_i32_0 = arith.constant 0 : i32
    return %arg0, %c0_i32 : i32, i32
  }
  func.func @transform_1(%arg0: i32) -> (i32, i32) {
    %c0_i32 = arith.constant 0 : i32
    %c0_i32_0 = arith.constant 0 : i32
    %c0_i32_1 = arith.constant 0 : i32
    return %c0_i32, %c0_i32_0 : i32, i32
  }
  func.func @transform_2(%arg0: i32) -> (i32, i32) {
    %c0_i32 = arith.constant 0 : i32
    %c0_i32_0 = arith.constant 0 : i32
    %c0_i32_1 = arith.constant 0 : i32
    return %c0_i32, %c0_i32_0 : i32, i32
  }
  func.func @transform_3(%arg0: i32) -> (i32, i32) {
    %c0_i32 = arith.constant 0 : i32
    %c0_i32_0 = arith.constant 0 : i32
    %c0_i32_1 = arith.constant 0 : i32
    return %c0_i32, %c0_i32_0 : i32, i32
  }
  func.func @transform_4(%arg0: i32) -> (i32, i32) {
    %c0_i32 = arith.constant 0 : i32
    %c0_i32_0 = arith.constant 0 : i32
    %c0_i32_1 = arith.constant 0 : i32
    return %c0_i32, %c0_i32_0 : i32, i32
  }
  func.func @transform_5(%arg0: i32) -> (i32, i32) {
    %c0_i32 = arith.constant 0 : i32
    %c0_i32_0 = arith.constant 0 : i32
    return %arg0, %c0_i32 : i32, i32
  }
  func.func @transform_6(%arg0: i32) -> (i32, i32) {
    %c0_i32 = arith.constant 0 : i32
    %c0_i32_0 = arith.constant 0 : i32
    return %arg0, %c0_i32 : i32, i32
  }
}

</mosaic_0001>

<sc_bundles>
// kernel: kernel.5.cloned.1.call-start
scs
__scs_entry_jumppad:
0x0: {  	(pc) =	sbr.rel $0x88, $3  }
0x1: {  	(tag) =	ssettag $0x0;
	lr =	simm.s32 $0x1  }
0x2: {  	[smem:$0x3F9B] =	sst lr;
	_ =	strace $0xD0000000  }
0x3: {  	_ = 	snop  }
0x4: {  	_ = 	snop  }
0x5: {  	_ = 	snop  }
0x6: {  	_ = 	snop  }
0x7: {  	_ = 	snop  }
__scs_overlays_trampoline_lowered:
0x8: {  	[smem:$0x3FAA] =	sst s0  }
0x9: {  	[smem:$0x3FAB] =	sst s1  }
0xa: {  	[smem:$0x3FAC] =	sst s2  }
0xb: {  	[smem:$0x3FAD] =	sst s3  }
0xc: {  	[smem:$0x3FAE] =	sst s4  }
0xd: {  	[smem:$0x3FAF] =	sst s5  }
0xe: {  	[smem:$0x3FB0] =	sst s6  }
0xf: {  	[smem:$0x3FB1] =	sst s7  }
0x10: {  	[smem:$0x3FB2] =	sst s8  }
0x11: {  	[smem:$0x3FB3] =	sst s9;
	s0 =	simm.s32 @!p0 $0x0  }
0x12: {  	s1 =	sld [smem:$0x3F99];
	s0 =	simm.s32 @p0 $0x1  }
0x13: {  	[smem:$0x3FB4] =	sst s0;
	s0 =	simm.s32 @!p1 $0x0  }
0x14: {  	s2 =	sld [smem:$0x3F98];
	s0 =	simm.s32 @p1 $0x1  }
0x15: {  	[smem:$0x3FB5] =	sst s0;
	s0 =	simm.s32 @!p2 $0x0  }
0x16: {  	s3 =	sld [smem:$0x3FDB];
	s0 =	simm.s32 @p2 $0x1  }
0x17: {  	s4 =	simm.s32 $0x1BF5;
	[smem:$0x3FB7] =	sst s0  }
0x18: {  	s0 =	sld [smem:$0x3F9A];
	_ =	swait.ge [sflag:s4], $0x0  }
0x19: {  	s7 =	sld [smem:$0x3F9B]  }
0x1a: {  	s8 =	sadd.s32 $0xFFFFE003, lr  }
0x1b: {  	s9 =	sadd.s32 $0xFFFFFEF7, lr;
	s5 =	simm.s32 $0xFFFFFFFF;
	p2 =	slt.u32 s8, $0xFFFFF086  }
0x1c: {  	p1 =	slt.u32 s9, $0xF7A;
	s5 =	simm.s32 @!p2 $0x0  }
0x1d: {  	s5 =	simm.s32 @p1 $0x1;
	p0 =	seq.s32 s7, s2  }
0x1e: {  	s7 =	smul.u32 @!p0 $0xF7A, s2;
	p2 =	seq.s32 @!p0 s5, $0x0  }
0x1f: {  	s9 =	smul.u32 $0xF7A, s1;
	s8 =	simm.s32 @!p0 $0x1BF5;
	p2 =	por !p2, p0  }
0x20: {  	[sflag:s8] =	ssyncset.s32 @!p0 $0xFFFFF086;
	s6 =	sadd.s32 @!p0 s3, s7;
	s7 =	simm.s32 @!p0 $0x108  }
0x21: {  	s3 =	sadd.s32 s3, s9;
	s6 =	sadd.s32 @!p0 $0x88, s6;
	s7 =	simm.s32 @p2 $0x1082  }
0x22: {  	[simem:s7], [sflag:s8] =	dma.local @!p0 [hbm:s6], $0xF7A  }
0x23: {  	s9 =	sor.u32 $0xD0000000, s2;
	s6 =	simm.s32 $0x108;
	_ =	swait.ge @!p0 [sflag:s8], $0x0  }
0x24: {  	s3 =	sadd.s32 $0x88, s3;
	s6 =	simm.s32 @!p1 $0x1082;
	[sflag:s4] =	ssyncset.s32 $0xFFFFF086  }
0x25: {  	[simem:s6], [sflag:s4] =	dma.local [hbm:s3], $0xF7A  }
0x26: {  	[smem:$0x3F9B] =	sst s1;
	(tag) =	ssettag s2;
	_ =	strace s9  }
0x27: {  	s1 =	sld [smem:$0x3FAB]  }
0x28: {  	s2 =	sld [smem:$0x3FAC]  }
0x29: {  	s4 =	sld [smem:$0x3FAE]  }
0x2a: {  	p0 =	seq.s32 s5, $0x0;
	s5 =	sld [smem:$0x3FAF]  }
0x2b: {  	s6 =	sld [smem:$0x3FB0]  }
0x2c: {  	s7 =	sld [smem:$0x3FB1]  }
0x2d: {  	s3 =	simm.s32 $0x108;
	s8 =	sld [smem:$0x3FB2]  }
0x2e: {  	s3 =	simm.s32 @!p0 $0x1082;
	s9 =	sld [smem:$0x3FB3]  }
0x2f: {  	lr =	sadd.s32 s0, s3;
	s0 =	sld [smem:$0x3FAA]  }
0x30: {  	s3 =	sld [smem:$0x3FAD]  }
0x31: {  	[smem:$0x3FB6] =	sst s10  }
0x32: {  	s10 =	sld [smem:$0x3FB4];
	_ =	sdelay $0x3  }
0x33: {  	p0 =	seq.s32 s10, $0x1;
	s10 =	sld [smem:$0x3FB6];
	_ =	sdelay $0x3  }
0x34: {  	[smem:$0x3FB6] =	sst s10  }
0x35: {  	s10 =	sld [smem:$0x3FB5];
	_ =	sdelay $0x3  }
0x36: {  	p1 =	seq.s32 s10, $0x1;
	s10 =	sld [smem:$0x3FB6];
	_ =	sdelay $0x3  }
0x37: {  	[smem:$0x3FB6] =	sst s10  }
0x38: {  	s10 =	sld [smem:$0x3FB7]  }
0x39: {  	_ = 	snop;
	(pc) =	sbr.ind lr, $3  }
0x3a: {  	_ = 	snop  }
0x3b: {  	_ = 	snop  }
0x3c: {  	p2 =	seq.s32 s10, $0x1;
	s10 =	sld [smem:$0x3FB6]  }
0x3d: {  	_ =	shalt  }
0x3e: {  	_ =	shalt  }
0x3f: {  	_ =	shalt  }
0x40: {  	_ =	shalt  }
0x41: {  	_ =	shalt  }
0x42: {  	_ =	shalt  }
0x43: {  	_ =	shalt  }
0x44: {  	_ =	shalt  }
0x45: {  	_ =	shalt  }
0x46: {  	_ =	shalt  }
0x47: {  	_ =	shalt  }
0x48: {  	_ =	shalt  }
0x49: {  	_ =	shalt  }
0x4a: {  	_ =	shalt  }
0x4b: {  	_ =	shalt  }
0x4c: {  	_ =	shalt  }
0x4d: {  	_ =	shalt  }
0x4e: {  	_ =	shalt  }
0x4f: {  	_ =	shalt  }
0x50: {  	_ =	shalt  }
0x51: {  	_ =	shalt  }
0x52: {  	_ =	shalt  }
0x53: {  	_ =	shalt  }
0x54: {  	_ =	shalt  }
0x55: {  	_ =	shalt  }
0x56: {  	_ =	shalt  }
0x57: {  	_ =	shalt  }
0x58: {  	_ =	shalt  }
0x59: {  	_ =	shalt  }
0x5a: {  	_ =	shalt  }
0x5b: {  	_ =	shalt  }
0x5c: {  	_ =	shalt  }
0x5d: {  	_ =	shalt  }
0x5e: {  	_ =	shalt  }
0x5f: {  	_ =	shalt  }
0x60: {  	_ =	shalt  }
0x61: {  	_ =	shalt  }
0x62: {  	_ =	shalt  }
0x63: {  	_ =	shalt  }
0x64: {  	_ =	shalt  }
0x65: {  	_ =	shalt  }
0x66: {  	_ =	shalt  }
0x67: {  	_ =	shalt  }
0x68: {  	_ =	shalt  }
0x69: {  	_ =	shalt  }
0x6a: {  	_ =	shalt  }
0x6b: {  	_ =	shalt  }
0x6c: {  	_ =	shalt  }
0x6d: {  	_ =	shalt  }
0x6e: {  	_ =	shalt  }
0x6f: {  	_ =	shalt  }
0x70: {  	_ =	shalt  }
0x71: {  	_ =	shalt  }
0x72: {  	_ =	shalt  }
0x73: {  	_ =	shalt  }
0x74: {  	_ =	shalt  }
0x75: {  	_ =	shalt  }
0x76: {  	_ =	shalt  }
0x77: {  	_ =	shalt  }
0x78: {  	_ =	shalt  }
0x79: {  	_ =	shalt  }
0x7a: {  	_ =	shalt  }
0x7b: {  	_ =	shalt  }
0x7c: {  	_ =	shalt  }
0x7d: {  	_ =	shalt  }
0x7e: {  	_ =	shalt  }
0x7f: {  	_ =	shalt  }
0x80: {  	_ =	shalt  }
0x81: {  	_ =	shalt  }
0x82: {  	_ =	shalt  }
0x83: {  	_ =	shalt  }
0x84: {  	_ =	shalt  }
0x85: {  	_ =	shalt  }
0x86: {  	_ =	shalt  }
0x87: {  	_ =	shalt  }
.Lfunc_end0:
.L_simem_size_0:
called_computation_lowered:
.L_overlay_start_0:
0x88: {  	s2 =	sld [smem:$0x3FD9]  }
0x89: {  	s3 =	sld [smem:$0x3FFE];
	_ =	sdelay $0x1  }
0x8a: {  	s1 =	srdreg.scid  }
0x8b: {  	s0 =	sand.u32 $0x1, s1  }
0x8c: {  	s17 =	sshll.u32 s0, $0xA;
	s2 =	sadd.s32 s3, s2  }
0x8d: {  	s2 =	sadd.s32 s2, s17  }
0x8e: {  	[smem:$0x3FC2] =	sst s2  }
0x8f: {  	_ = 	snop  }
0x90: {  	s2 =	sld [smem:$0x3FD0];
	(tm) =	ssettm $0x1  }
0x91: {  	s18 =	sld [smem:$0x3FFB];
	_ =	sdelay $0x3  }
0x92: {  	_ =	strace s18  }
0x93: {  	s3 =	sld [smem:$0x3FFC];
	_ =	sdelay $0x3  }
0x94: {  	_ =	strace s3  }
0x95: {  	s3 =	sld [smem:$0x3FFD];
	_ =	sdelay $0x3  }
0x96: {  	_ =	strace s3  }
0x97: {  	_ =	strace $0x8FFFFFFF  }
0x98: {  	s19 =	sld [smem:$0x3FDB];
	_ =	sdelay $0x1  }
0x99: {  	s4 =	simm.s32 $_scs_section_size  }
0x9a: {  	s5 =	simm.s32 $_size__tile_overlayer_lowered;
	s6 =	simm.s32 $_tile_overlayer_lowered  }
0x9b: {  	s22 =	simm.s32 $0x1BFF;
	s21 =	sshll.u32 s6, $0x1;
	s3 =	sadd.s32 s4, s19  }
0x9c: {  	s7 =	simm.s32 $0x0;
	s20 =	sshll.u32 s5, $0x1;
	s5 =	sadd.s32 s21, s3  }
0x9d: {  	[timem:s7], [sflag:s22] =	dma.local [hbm:s5], s20  }
0x9e: {  	_ =	swait.ge [sflag:s22], s20  }
0x9f: {  	s4 =	ssub.s32 $0x0, s20;
	[sflag:s22] =	ssyncset.done $0x0  }
0xa0: {  	[sflag:s22] =	ssyncadd.s32 s4;
	_ =	sdelay $0x1  }
0xa1: {  	s23 =	simm.s32 $0x1B8B  }
0xa2: {  	_ =	swait.ge [sflag:s23], $0x1  }
0xa3: {  	[sflag:s23] =	ssyncset.done $0x0  }
0xa4: {  	s25 =	simm.s32 $0x1B8E;
	s24 =	sld [smem:$0x3FFE];
	[sflag:s23] =	ssyncadd.s32 $0xFFFFFFFF  }
0xa5: {  	s26 =	simm.s32 $execute0_lowered;
	[smem:$0x3FD2] =	sst s25  }
0xa6: {  	s5 =	sshll.u32 s26, $0x1;
	_ =	strace $0x80000046;
	[dreg:$0x1] =	wrdreg $0xFFFFFFFF  }
0xa7: {  	s28 =	simm.s32 $_size_execute0_lowered;
	s3 =	sadd.s32 s3, s5;
	[dreg:$0x0] =	wrdreg $0x0  }
0xa8: {  	s5 =	sshll.u32 s28, $0x1;
	[dreg:$0x2] =	wrdreg s3  }
0xa9: {  	[dreg:$0x3] =	wrdreg s5  }
0xaa: {  	[dreg:$0x4] =	wrdreg $0xC0  }
0xab: {  	_ =	task [dreg:s7], $0x5FFFF  }
0xac: {  	[dreg:$0x1] =	wrdreg $0xFFFFFFFF  }
0xad: {  	[dreg:$0x0] =	wrdreg $0x60  }
0xae: {  	[dreg:$0x2] =	wrdreg s2  }
0xaf: {  	[dreg:$0x3] =	wrdreg s24  }
0xb0: {  	[dreg:$0x4] =	wrdreg $0x9  }
0xb1: {  	_ =	task.clear_ibuf [dreg:s7], $0x5FFFF;
	_ =	strace $0x90000046  }
0xb2: {  	s29 =	simm.s32 $0x9;
	_ =	strace $0x80000048  }
0xb3: {  	_ =	swait.ge [sflag:s29], $0x1  }
0xb4: {  	[sflag:s29] =	ssyncadd.s32 $0xFFFFFFFF  }
0xb5: {  	_ =	strace $0x90000048  }
0xb6: {  	_ =	sfence  }
0xb7: {  	s30 =	sld [smem:$0x0];
	_ =	sdelay $0x2  }
0xb8: {  	s31 =	sshll.u32 s1, $0xD;
	s1 =	sshrl.u32 s1, $0x2  }
0xb9: {  	s3 =	sand.u32 $0x4000, s31;
	s1 =	sadd.s32 s1, s30  }
0xba: {  	s0 =	sor.u32 s3, s0;
	s1 =	sshll.u32 s1, $0x11  }
0xbb: {  	s0 =	sor.u32 s1, s0  }
0xbc: {  	s0 =	sadd.s32 $0x8F2B, s0  }
0xbd: {  	[sflag:s0] =	ssyncadd.remote.s32 $0x1  }
0xbe: {  	_ =	sfence.sel $0xFFFF  }
0xbf: {  	[dreg:$0x0] =	wrdreg $0xFFFFFFFF;
	(pc) =	sbr.abs _section_cstart, $3  }
0xc0: {  	[dreg:$0x1] =	wrdreg $0xFFFFFFFF  }
0xc1: {  	_ =	task.clear_ibuf [dreg:s7], $0x2FFFF;
	_ =	strace $0x9FFFFFFF  }
0xc2: {  	(tm) =	ssettm $0x7FFFFFFF  }
0xc3: {  	_ =	shalt  }
tec
execute0_lowered:
.L_overlay_start_1:
0x0: {  	(tag) =	ssettag $0x1  }
0x1: {  	s5 =	rddreg [dreg:$0x0]  }
0x2: {  	s6 =	rddreg [dreg:$0x1]  }
0x3: {  	s0 =	rddreg [dreg:$0x2]  }
0x4: {  	s2 =	simm.s32 $0x0;
	s3 =	srdreg.scid;
	s1 =	stileid.u32  }
0x5: {  	s10 =	simm.s32 $0x10400;
	s11 =	simm.s32 $0x10480;
	s12 =	simm.s32 $0x0  }
0x6: {  	[smem:$0x7FF] =	sst s2;
	s7 =	sand.u32 $0x1, s3;
	s4 =	sshll.u32 s1, $0x1  }
0x7: {  	s3 =	sadd.s32 $0x1000, s6;
	_ =	strace $0x80000047;
	s8 =	sor.u32 s7, s4  }
0x8: {  	s4 =	sadd.s32 $0xE00, s6;
	s7 =	ssub.s32 $0x2, s7;
	s9 =	sshll.u32 s8, $0xB  }
0x9: {  	s31 =	sshrl.u32 s7, $0x1;
	s8 =	sshll.u32 s8, $0xD;
	s6 =	sadd.s32 s9, s6  }
0xa: {  	s7 =	ssub.s32 s7, s31;
	s5 =	sadd.s32 s5, s8;
	s8 =	simm.s32 $0x1  }
0xb: {  	v0 =	vlaneseq.u32;
	s9 =	simm.s32 $0x10000;
	s6 =	sadd.s32 $0x1200, s6;
	s7 =	smax.u32 s7, $0x1  }
.LBB2_1:
0xc: {  	[tilespmem:s2], [sflag:$0x1] =	stream.linear.gather [hbm4b:s5+s2], $0x10000, $0x38;
	[tilespmem:$0x14480] =	vst v63  }
0xd: {  	_ =	swait.ge [sflag:s8], $0x10000  }
0xe: {  	[sflag:s8] =	ssyncset.done $0x0  }
0xf: {  	[sflag:s8] =	ssyncadd.s32 $0xFFFF0000  }
0x10: {  	[tilespmem:s9], [sflag:$0x1] =	stream.linear.gather [hbm4b:s4+s2], $0x400, $0x38;
	[tilespmem:$0x14480] =	vst v63  }
0x11: {  	_ =	swait.ge [sflag:s8], $0x400  }
0x12: {  	[sflag:s8] =	ssyncset.done $0x0  }
0x13: {  	[sflag:s8] =	ssyncadd.s32 $0xFFFFFC00  }
0x14: {  	[tilespmem:s10], [sflag:$0x1] =	stream.linear.gather [hbm4b:s3+s2], $0x80, $0x38;
	[tilespmem:$0x14480] =	vst v63  }
0x15: {  	_ =	swait.ge [sflag:s8], $0x80  }
0x16: {  	[sflag:s8] =	ssyncset.done $0x0  }
0x17: {  	[sflag:s8] =	ssyncadd.s32 $0xFFFFFF80  }
0x18: {  	v1 =	vld [tilespmem:$0x10400];
	_ =	sdelay $0x4  }
0x19: {  	v1 =	vmax.f32 v1, $9.999999970e-07  }
0x1a: {  	(erf) = vrcp.f32 v1;
	_ =	sdelay $0x8  }
0x1b: {  	v2 =	vpop (erf)  }
0x1c: {  	v2 =	vadd.f32 v2, v2;
	_ =	sdelay $0x1  }
0x1d: {  	s13 =	simm.s32 $0xFFFFFFFE;
	s14 =	simm.s32 $0x10;
	[tilespmem:$0x1FFF0] =	vst v2  }
.LBB2_2:
0x1e: {  	s15 =	sadd.s32 $0xFFFFFFF0, s14  }
0x1f: {  	v9 =	vor.u32 s15, v0  }
0x20: {  	v3 =	vshll.u32 v9, $0x6  }
0x21: {  	v4 =	vor.u32 $0x1, v3  }
0x22: {  	v5 =	vor.u32 $0x2, v3  }
0x23: {  	v7 =	vor.u32 $0x3, v3  }
0x24: {  	v8 =	vor.u32 $0x4, v3  }
0x25: {  	v12 =	vor.u32 $0x5, v3;
	v6 =	vld.idx.msk [tilespmem:v3+s2+$0x0], $0xffff  }
0x26: {  	v15 =	vor.u32 $0x8, v3;
	v4 =	vld.idx.msk [tilespmem:v4+s2+$0x0], $0xffff  }
0x27: {  	v5 =	vld.idx.msk [tilespmem:v5+s2+$0x0], $0xffff  }
0x28: {  	v7 =	vld.idx.msk [tilespmem:v7+s2+$0x0], $0xffff  }
0x29: {  	v8 =	vld.idx.msk [tilespmem:v8+s2+$0x0], $0xffff  }
0x2a: {  	v12 =	vld.idx.msk [tilespmem:v12+s2+$0x0], $0xffff  }
0x2b: {  	v15 =	vld.idx.msk [tilespmem:v15+s2+$0x0], $0xffff  }
0x2c: {  	v14 =	vor.u32 $0x6, v3;
	v28 =	vor.u32 $0x7, v3;
	v44 =	vor.u32 $0x9, v3  }
0x2d: {  	v51 =	vor.u32 $0xA, v3;
	v6 =	vadd.f32 v6, v1;
	v4 =	vadd.f32 v4, v1  }
0x2e: {  	v61 =	vor.u32 $0xB, v3;
	v5 =	vadd.f32 v5, v1;
	v7 =	vadd.f32 v7, v1  }
0x2f: {  	v8 =	vadd.f32 v8, v1;
	v12 =	vadd.f32 v12, v1;
	v6 =	vor.u32 $0x3F, v6  }
0x30: {  	v49 =	vadd.f32 v15, v1;
	v4 =	vand.u32 $0xFFFFFFC0, v4;
	v10 =	vmax.f32 v6, $0.0e+00  }
0x31: {  	v6 =	vclamp.gez.f32 v6, $0.0e+00;
	v5 =	vand.u32 $0xFFFFFFC0, v5;
	v7 =	vand.u32 $0xFFFFFFC0, v7  }
0x32: {  	v8 =	vand.u32 $0xFFFFFFC0, v8;
	v12 =	vand.u32 $0xFFFFFFC0, v12;
	v4 =	vor.u32 $0x3E, v4  }
0x33: {  	v5 =	vor.u32 $0x3D, v5;
	v11 =	vmax.f32 v10, v4;
	v4 =	vmin.f32 v10, v4  }
0x34: {  	v26 =	vld.idx.msk [tilespmem:v14+s2+$0x0], $0xffff;
	v7 =	vor.u32 $0x3C, v7;
	v8 =	vor.u32 $0x3B, v8;
	v10 =	vmax.f32 v6, v4  }
0x35: {  	v4 =	vmin.f32 v6, v4;
	v18 =	vmax.f32 v11, v5;
	v5 =	vmin.f32 v11, v5  }
0x36: {  	v12 =	vor.u32 $0x3A, v12;
	v4 =	vmax.f32 v6, v4;
	v11 =	vmax.f32 v10, v5  }
0x37: {  	v5 =	vmin.f32 v10, v5;
	v13 =	vmin.f32 v18, v7;
	v19 =	vmax.f32 v18, v7  }
0x38: {  	v10 =	vmax.f32 v4, v5;
	v5 =	vmin.f32 v4, v5;
	v20 =	vmin.f32 v11, v13  }
0x39: {  	v34 =	vld.idx.msk [tilespmem:v28+s2+$0x0], $0xffff;
	v21 =	vmax.f32 v11, v13;
	v24 =	vmin.f32 v19, v8;
	v13 =	vadd.f32 v26, v1  }
0x3a: {  	v4 =	vmax.f32 v4, v5;
	v22 =	vmin.f32 v10, v20;
	v6 =	vmax.f32 v10, v20  }
0x3b: {  	v5 =	vmax.f32 v19, v8;
	v25 =	vmin.f32 v21, v24;
	v7 =	vmax.f32 v21, v24  }
0x3c: {  	v24 =	vor.u32 $0xC, v3;
	v23 =	vmin.f32 v4, v22;
	v11 =	vmax.f32 v4, v22  }
0x3d: {  	v27 =	vmin.f32 v6, v25;
	v6 =	vmax.f32 v6, v25;
	v31 =	vmin.f32 v5, v12  }
0x3e: {  	v5 =	vmax.f32 v5, v12;
	v36 =	vand.u32 $0xFFFFFFC0, v13;
	v12 =	vadd.f32 v34, v1  }
0x3f: {  	v4 =	vmax.f32 v4, v23;
	v29 =	vmin.f32 v11, v27;
	v10 =	vmax.f32 v11, v27  }
0x40: {  	v32 =	vmin.f32 v7, v31;
	v7 =	vmax.f32 v7, v31;
	v30 =	vmin.f32 v4, v29  }
0x41: {  	v8 =	vmax.f32 v4, v29;
	v33 =	vmax.f32 v6, v32;
	v6 =	vmin.f32 v6, v32  }
0x42: {  	v12 =	vand.u32 $0xFFFFFFC0, v12;
	v4 =	vmax.f32 v4, v30;
	v35 =	vmax.f32 v10, v6  }
0x43: {  	v6 =	vmin.f32 v10, v6;
	v10 =	vor.u32 $0x39, v36;
	v43 =	vor.u32 $0x38, v12  }
0x44: {  	v23 =	vld.idx.msk [tilespmem:v61+s2+$0x0], $0xffff;
	v37 =	vmin.f32 v8, v6;
	v6 =	vmax.f32 v8, v6;
	v16 =	vmin.f32 v5, v10  }
0x45: {  	v5 =	vmax.f32 v5, v10;
	v38 =	vmin.f32 v4, v37;
	v13 =	vmax.f32 v4, v37  }
0x46: {  	v39 =	vmin.f32 v7, v16;
	v7 =	vmax.f32 v7, v16;
	v46 =	vmin.f32 v5, v43  }
0x47: {  	v12 =	vld.idx.msk [tilespmem:v44+s2+$0x0], $0xffff;
	v5 =	vmax.f32 v5, v43;
	v4 =	vmax.f32 v4, v38;
	v40 =	vmin.f32 v33, v39  }
0x48: {  	v8 =	vmax.f32 v33, v39;
	v18 =	vmin.f32 v7, v46;
	v7 =	vmax.f32 v7, v46  }
0x49: {  	v31 =	vadd.f32 v23, v1;
	v46 =	vor.u32 $0xE, v3;
	v41 =	vmin.f32 v35, v40  }
0x4a: {  	v10 =	vmax.f32 v35, v40;
	v47 =	vmin.f32 v8, v18;
	v8 =	vmax.f32 v8, v18  }
0x4b: {  	v35 =	vor.u32 $0xD, v3;
	v42 =	vmax.f32 v6, v41;
	v6 =	vmin.f32 v6, v41  }
0x4c: {  	v48 =	vmin.f32 v10, v47;
	v12 =	vadd.f32 v12, v1;
	v34 =	vand.u32 $0xFFFFFFC0, v31  }
0x4d: {  	v31 =	vor.u32 $0x11, v3;
	v45 =	vmax.f32 v13, v6;
	v6 =	vmin.f32 v13, v6  }
0x4e: {  	v57 =	vld.idx.msk [tilespmem:v51+s2+$0x0], $0xffff;
	v50 =	vmax.f32 v42, v48;
	v11 =	vmin.f32 v42, v48;
	v13 =	vand.u32 $0xFFFFFFC0, v49  }
0x4f: {  	v17 =	vmax.f32 v4, v6;
	v6 =	vmin.f32 v4, v6;
	v52 =	vmax.f32 v45, v11  }
0x50: {  	v11 =	vmin.f32 v45, v11;
	v13 =	vor.u32 $0x37, v13;
	v59 =	vand.u32 $0xFFFFFFC0, v12  }
0x51: {  	v4 =	vmax.f32 v4, v6;
	v6 =	vmax.f32 v10, v47;
	v16 =	vmax.f32 v17, v11  }
0x52: {  	v11 =	vmin.f32 v17, v11;
	v53 =	vmin.f32 v5, v13;
	v5 =	vmax.f32 v5, v13  }
0x53: {  	v10 =	vor.u32 $0x36, v59;
	v13 =	vadd.f32 v57, v1;
	v4 =	vmax.f32 v4, v11  }
0x54: {  	v54 =	vmin.f32 v7, v53;
	v7 =	vmax.f32 v7, v53;
	v63 =	vmin.f32 v5, v10  }
0x55: {  	v5 =	vmax.f32 v5, v10;
	v55 =	vmin.f32 v8, v54;
	v8 =	vmax.f32 v8, v54  }
0x56: {  	v19 =	vmin.f32 v7, v63;
	v7 =	vmax.f32 v7, v63;
	v13 =	vand.u32 $0xFFFFFFC0, v13  }
0x57: {  	v54 =	vor.u32 $0xF, v3;
	v56 =	vmax.f32 v6, v55;
	v6 =	vmin.f32 v6, v55  }
0x58: {  	v20 =	vmin.f32 v8, v19;
	v8 =	vmax.f32 v8, v19;
	v13 =	vor.u32 $0x35, v13  }
0x59: {  	v58 =	vmax.f32 v50, v6;
	v6 =	vmin.f32 v50, v6;
	v21 =	vmin.f32 v56, v20  }
0x5a: {  	v10 =	vmax.f32 v56, v20;
	v26 =	vmin.f32 v5, v13;
	v5 =	vmax.f32 v5, v13  }
0x5b: {  	v42 =	vld.idx.msk [tilespmem:v35+s2+$0x0], $0xffff;
	v13 =	vor.u32 $0x34, v34;
	v20 =	vor.u32 $0x10, v3;
	v60 =	vmin.f32 v52, v6  }
0x5c: {  	v53 =	vld.idx.msk [tilespmem:v46+s2+$0x0], $0xffff;
	v6 =	vmax.f32 v52, v6;
	v22 =	vmax.f32 v58, v21;
	v14 =	vmin.f32 v58, v21  }
0x5d: {  	v28 =	vmin.f32 v7, v26;
	v7 =	vmax.f32 v7, v26;
	v38 =	vmin.f32 v5, v13  }
0x5e: {  	v33 =	vld.idx.msk [tilespmem:v24+s2+$0x0], $0xffff;
	v5 =	vmax.f32 v5, v13;
	v62 =	vmin.f32 v16, v60;
	v12 =	vmax.f32 v16, v60  }
0x5f: {  	v25 =	vmax.f32 v6, v14;
	v6 =	vmin.f32 v6, v14;
	v29 =	vmin.f32 v8, v28  }
0x60: {  	v8 =	vmax.f32 v8, v28;
	v39 =	vmin.f32 v7, v38;
	v7 =	vmax.f32 v7, v38  }
0x61: {  	v13 =	vadd.f32 v42, v1;
	v61 =	vadd.f32 v53, v1;
	v4 =	vmax.f32 v4, v62  }
0x62: {  	v27 =	vmax.f32 v12, v6;
	v6 =	vmin.f32 v12, v6;
	v30 =	vmin.f32 v10, v29  }
0x63: {  	v40 =	vmin.f32 v8, v39;
	v12 =	vadd.f32 v33, v1;
	v8 =	vmax.f32 v8, v39  }
0x64: {  	v39 =	vor.u32 $0x12, v3;
	v4 =	vmax.f32 v4, v6;
	v6 =	vmax.f32 v10, v29  }
0x65: {  	v32 =	vmax.f32 v22, v30;
	v11 =	vmin.f32 v22, v30;
	v13 =	vand.u32 $0xFFFFFFC0, v13  }
0x66: {  	v19 =	vand.u32 $0xFFFFFFC0, v61;
	v61 =	vor.u32 $0x14, v3;
	v36 =	vmax.f32 v25, v11  }
0x67: {  	v38 =	vld.idx.msk [tilespmem:v31+s2+$0x0], $0xffff;
	v11 =	vmin.f32 v25, v11;
	v41 =	vmax.f32 v6, v40;
	v6 =	vmin.f32 v6, v40  }
0x68: {  	v44 =	vand.u32 $0xFFFFFFC0, v12;
	v13 =	vor.u32 $0x32, v13;
	v37 =	vmax.f32 v27, v11  }
0x69: {  	v11 =	vmin.f32 v27, v11;
	v43 =	vmax.f32 v32, v6;
	v6 =	vmin.f32 v32, v6  }
0x6a: {  	v10 =	vor.u32 $0x33, v44;
	v4 =	vmax.f32 v4, v11;
	v45 =	vmin.f32 v36, v6  }
0x6b: {  	v6 =	vmax.f32 v36, v6;
	v48 =	vmin.f32 v5, v10;
	v5 =	vmax.f32 v5, v10  }
0x6c: {  	v46 =	vadd.f32 v38, v1;
	v47 =	vmin.f32 v37, v45;
	v12 =	vmax.f32 v37, v45  }
0x6d: {  	v49 =	vmin.f32 v7, v48;
	v7 =	vmax.f32 v7, v48;
	v56 =	vmin.f32 v5, v13  }
0x6e: {  	v5 =	vmax.f32 v5, v13;
	v13 =	vor.u32 $0x31, v19;
	v4 =	vmax.f32 v4, v47  }
0x6f: {  	v50 =	vmin.f32 v8, v49;
	v8 =	vmax.f32 v8, v49;
	v58 =	vmin.f32 v7, v56  }
0x70: {  	v27 =	vld.idx.msk [tilespmem:v20+s2+$0x0], $0xffff;
	v7 =	vmax.f32 v7, v56;
	v23 =	vmin.f32 v5, v13;
	v5 =	vmax.f32 v5, v13  }
0x71: {  	v49 =	vand.u32 $0xFFFFFFC0, v46;
	v46 =	vor.u32 $0x17, v3;
	v51 =	vmin.f32 v41, v50  }
0x72: {  	v10 =	vmax.f32 v41, v50;
	v59 =	vmin.f32 v8, v58;
	v8 =	vmax.f32 v8, v58  }
0x73: {  	v24 =	vmin.f32 v7, v23;
	v7 =	vmax.f32 v7, v23;
	v50 =	vor.u32 $0x13, v3  }
0x74: {  	v63 =	vld.idx.msk [tilespmem:v54+s2+$0x0], $0xffff;
	v52 =	vmax.f32 v43, v51;
	v14 =	vmin.f32 v43, v51;
	v60 =	vmin.f32 v10, v59  }
0x75: {  	v25 =	vmin.f32 v8, v24;
	v8 =	vmax.f32 v8, v24;
	v13 =	vadd.f32 v27, v1  }
0x76: {  	v24 =	vor.u32 $0x15, v3;
	v55 =	vmax.f32 v6, v14;
	v6 =	vmin.f32 v6, v14  }
0x77: {  	v23 =	vld.idx.msk [tilespmem:v61+s2+$0x0], $0xffff;
	v62 =	vmax.f32 v52, v60;
	v11 =	vmin.f32 v52, v60;
	v57 =	vmax.f32 v12, v6  }
0x78: {  	v6 =	vmin.f32 v12, v6;
	v21 =	vmax.f32 v55, v11;
	v11 =	vmin.f32 v55, v11  }
0x79: {  	v12 =	vadd.f32 v63, v1;
	v13 =	vand.u32 $0xFFFFFFC0, v13;
	v4 =	vmax.f32 v4, v6  }
0x7a: {  	v6 =	vmax.f32 v10, v59;
	v22 =	vmax.f32 v57, v11;
	v11 =	vmin.f32 v57, v11  }
0x7b: {  	v13 =	vor.u32 $0x2F, v13;
	v4 =	vmax.f32 v4, v11;
	v26 =	vmax.f32 v6, v25  }
0x7c: {  	v6 =	vmin.f32 v6, v25;
	v29 =	vand.u32 $0xFFFFFFC0, v12;
	v31 =	vadd.f32 v23, v1  }
0x7d: {  	v28 =	vmax.f32 v62, v6;
	v6 =	vmin.f32 v62, v6;
	v10 =	vor.u32 $0x30, v29  }
0x7e: {  	v30 =	vmin.f32 v21, v6;
	v6 =	vmax.f32 v21, v6;
	v33 =	vmin.f32 v5, v10  }
0x7f: {  	v5 =	vmax.f32 v5, v10;
	v32 =	vmin.f32 v22, v30;
	v12 =	vmax.f32 v22, v30  }
0x80: {  	v34 =	vmin.f32 v7, v33;
	v7 =	vmax.f32 v7, v33;
	v41 =	vmin.f32 v5, v13  }
0x81: {  	v57 =	vld.idx.msk [tilespmem:v50+s2+$0x0], $0xffff;
	v5 =	vmax.f32 v5, v13;
	v13 =	vor.u32 $0x2E, v49;
	v4 =	vmax.f32 v4, v32  }
0x82: {  	v35 =	vmin.f32 v8, v34;
	v8 =	vmax.f32 v8, v34;
	v43 =	vmin.f32 v7, v41  }
0x83: {  	v7 =	vmax.f32 v7, v41;
	v53 =	vmin.f32 v5, v13;
	v5 =	vmax.f32 v5, v13  }
0x84: {  	v34 =	vand.u32 $0xFFFFFFC0, v31;
	v31 =	vor.u32 $0x1A, v3;
	v36 =	vmin.f32 v26, v35  }
0x85: {  	v10 =	vmax.f32 v26, v35;
	v44 =	vmin.f32 v8, v43;
	v8 =	vmax.f32 v8, v43  }
0x86: {  	v54 =	vmin.f32 v7, v53;
	v7 =	vmax.f32 v7, v53;
	v13 =	vadd.f32 v57, v1  }
0x87: {  	v48 =	vld.idx.msk [tilespmem:v39+s2+$0x0], $0xffff;
	v35 =	vor.u32 $0x16, v3;
	v37 =	vmax.f32 v28, v36;
	v14 =	vmin.f32 v28, v36  }
0x88: {  	v45 =	vmin.f32 v10, v44;
	v55 =	vmin.f32 v8, v54;
	v8 =	vmax.f32 v8, v54  }
0x89: {  	v54 =	vor.u32 $0x18, v3;
	v40 =	vmax.f32 v6, v14;
	v6 =	vmin.f32 v6, v14  }
0x8a: {  	v53 =	vld.idx.msk [tilespmem:v46+s2+$0x0], $0xffff;
	v47 =	vmax.f32 v37, v45;
	v11 =	vmin.f32 v37, v45;
	v13 =	vand.u32 $0xFFFFFFC0, v13  }
0x8b: {  	v42 =	vmax.f32 v12, v6;
	v6 =	vmin.f32 v12, v6;
	v51 =	vmax.f32 v40, v11  }
0x8c: {  	v11 =	vmin.f32 v40, v11;
	v12 =	vadd.f32 v48, v1;
	v4 =	vmax.f32 v4, v6  }
0x8d: {  	v6 =	vmax.f32 v10, v44;
	v52 =	vmax.f32 v42, v11;
	v11 =	vmin.f32 v42, v11  }
0x8e: {  	v13 =	vor.u32 $0x2C, v13;
	v4 =	vmax.f32 v4, v11;
	v56 =	vmax.f32 v6, v55  }
0x8f: {  	v6 =	vmin.f32 v6, v55;
	v59 =	vand.u32 $0xFFFFFFC0, v12;
	v61 =	vadd.f32 v53, v1  }
0x90: {  	v58 =	vmax.f32 v47, v6;
	v6 =	vmin.f32 v47, v6;
	v10 =	vor.u32 $0x2D, v59  }
0x91: {  	v60 =	vmin.f32 v51, v6;
	v6 =	vmax.f32 v51, v6;
	v63 =	vmin.f32 v5, v10  }
0x92: {  	v5 =	vmax.f32 v5, v10;
	v62 =	vmin.f32 v52, v60;
	v12 =	vmax.f32 v52, v60  }
0x93: {  	v19 =	vmin.f32 v7, v63;
	v7 =	vmax.f32 v7, v63;
	v26 =	vmin.f32 v5, v13  }
0x94: {  	v42 =	vld.idx.msk [tilespmem:v35+s2+$0x0], $0xffff;
	v5 =	vmax.f32 v5, v13;
	v13 =	vor.u32 $0x2B, v34;
	v4 =	vmax.f32 v4, v62  }
0x95: {  	v20 =	vmin.f32 v8, v19;
	v8 =	vmax.f32 v8, v19;
	v28 =	vmin.f32 v7, v26  }
0x96: {  	v7 =	vmax.f32 v7, v26;
	v38 =	vmin.f32 v5, v13;
	v5 =	vmax.f32 v5, v13  }
0x97: {  	v19 =	vand.u32 $0xFFFFFFC0, v61;
	v61 =	vor.u32 $0x1D, v3;
	v21 =	vmin.f32 v56, v20  }
0x98: {  	v10 =	vmax.f32 v56, v20;
	v29 =	vmin.f32 v8, v28;
	v8 =	vmax.f32 v8, v28  }
0x99: {  	v39 =	vmin.f32 v7, v38;
	v7 =	vmax.f32 v7, v38;
	v13 =	vadd.f32 v42, v1  }
0x9a: {  	v33 =	vld.idx.msk [tilespmem:v24+s2+$0x0], $0xffff;
	v20 =	vor.u32 $0x19, v3;
	v22 =	vmax.f32 v58, v21;
	v14 =	vmin.f32 v58, v21  }
0x9b: {  	v30 =	vmin.f32 v10, v29;
	v40 =	vmin.f32 v8, v39;
	v8 =	vmax.f32 v8, v39  }
0x9c: {  	v39 =	vor.u32 $0x1B, v3;
	v25 =	vmax.f32 v6, v14;
	v6 =	vmin.f32 v6, v14  }
0x9d: {  	v38 =	vld.idx.msk [tilespmem:v31+s2+$0x0], $0xffff;
	v32 =	vmax.f32 v22, v30;
	v11 =	vmin.f32 v22, v30;
	v13 =	vand.u32 $0xFFFFFFC0, v13  }
0x9e: {  	v27 =	vmax.f32 v12, v6;
	v6 =	vmin.f32 v12, v6;
	v36 =	vmax.f32 v25, v11  }
0x9f: {  	v11 =	vmin.f32 v25, v11;
	v12 =	vadd.f32 v33, v1;
	v4 =	vmax.f32 v4, v6  }
0xa0: {  	v6 =	vmax.f32 v10, v29;
	v37 =	vmax.f32 v27, v11;
	v11 =	vmin.f32 v27, v11  }
0xa1: {  	v13 =	vor.u32 $0x29, v13;
	v4 =	vmax.f32 v4, v11;
	v41 =	vmax.f32 v6, v40  }
0xa2: {  	v6 =	vmin.f32 v6, v40;
	v44 =	vand.u32 $0xFFFFFFC0, v12;
	v46 =	vadd.f32 v38, v1  }
0xa3: {  	v43 =	vmax.f32 v32, v6;
	v6 =	vmin.f32 v32, v6;
	v10 =	vor.u32 $0x2A, v44  }
0xa4: {  	v45 =	vmin.f32 v36, v6;
	v6 =	vmax.f32 v36, v6;
	v48 =	vmin.f32 v5, v10  }
0xa5: {  	v5 =	vmax.f32 v5, v10;
	v47 =	vmin.f32 v37, v45;
	v12 =	vmax.f32 v37, v45  }
0xa6: {  	v49 =	vmin.f32 v7, v48;
	v7 =	vmax.f32 v7, v48;
	v56 =	vmin.f32 v5, v13  }
0xa7: {  	v27 =	vld.idx.msk [tilespmem:v20+s2+$0x0], $0xffff;
	v5 =	vmax.f32 v5, v13;
	v13 =	vor.u32 $0x28, v19;
	v4 =	vmax.f32 v4, v47  }
0xa8: {  	v50 =	vmin.f32 v8, v49;
	v8 =	vmax.f32 v8, v49;
	v58 =	vmin.f32 v7, v56  }
0xa9: {  	v7 =	vmax.f32 v7, v56;
	v23 =	vmin.f32 v5, v13;
	v5 =	vmax.f32 v5, v13  }
0xaa: {  	v49 =	vand.u32 $0xFFFFFFC0, v46;
	v46 =	vor.u32 $0x20, v3;
	v51 =	vmin.f32 v41, v50  }
0xab: {  	v10 =	vmax.f32 v41, v50;
	v59 =	vmin.f32 v8, v58;
	v8 =	vmax.f32 v8, v58  }
0xac: {  	v24 =	vmin.f32 v7, v23;
	v7 =	vmax.f32 v7, v23;
	v13 =	vadd.f32 v27, v1  }
0xad: {  	v63 =	vld.idx.msk [tilespmem:v54+s2+$0x0], $0xffff;
	v50 =	vor.u32 $0x1C, v3;
	v52 =	vmax.f32 v43, v51;
	v14 =	vmin.f32 v43, v51  }
0xae: {  	v60 =	vmin.f32 v10, v59;
	v25 =	vmin.f32 v8, v24;
	v8 =	vmax.f32 v8, v24  }
0xaf: {  	v24 =	vor.u32 $0x1E, v3;
	v55 =	vmax.f32 v6, v14;
	v6 =	vmin.f32 v6, v14  }
0xb0: {  	v23 =	vld.idx.msk [tilespmem:v61+s2+$0x0], $0xffff;
	v62 =	vmax.f32 v52, v60;
	v11 =	vmin.f32 v52, v60;
	v13 =	vand.u32 $0xFFFFFFC0, v13  }
0xb1: {  	v57 =	vmax.f32 v12, v6;
	v6 =	vmin.f32 v12, v6;
	v21 =	vmax.f32 v55, v11  }
0xb2: {  	v11 =	vmin.f32 v55, v11;
	v12 =	vadd.f32 v63, v1;
	v4 =	vmax.f32 v4, v6  }
0xb3: {  	v6 =	vmax.f32 v10, v59;
	v22 =	vmax.f32 v57, v11;
	v11 =	vmin.f32 v57, v11  }
0xb4: {  	v13 =	vor.u32 $0x26, v13;
	v4 =	vmax.f32 v4, v11;
	v26 =	vmax.f32 v6, v25  }
0xb5: {  	v6 =	vmin.f32 v6, v25;
	v29 =	vand.u32 $0xFFFFFFC0, v12;
	v31 =	vadd.f32 v23, v1  }
0xb6: {  	v28 =	vmax.f32 v62, v6;
	v6 =	vmin.f32 v62, v6;
	v10 =	vor.u32 $0x27, v29  }
0xb7: {  	v30 =	vmin.f32 v21, v6;
	v6 =	vmax.f32 v21, v6;
	v33 =	vmin.f32 v5, v10  }
0xb8: {  	v5 =	vmax.f32 v5, v10;
	v32 =	vmin.f32 v22, v30;
	v12 =	vmax.f32 v22, v30  }
0xb9: {  	v34 =	vmin.f32 v7, v33;
	v7 =	vmax.f32 v7, v33;
	v41 =	vmin.f32 v5, v13  }
0xba: {  	v57 =	vld.idx.msk [tilespmem:v50+s2+$0x0], $0xffff;
	v5 =	vmax.f32 v5, v13;
	v13 =	vor.u32 $0x25, v49;
	v4 =	vmax.f32 v4, v32  }
0xbb: {  	v35 =	vmin.f32 v8, v34;
	v8 =	vmax.f32 v8, v34;
	v43 =	vmin.f32 v7, v41  }
0xbc: {  	v7 =	vmax.f32 v7, v41;
	v53 =	vmin.f32 v5, v13;
	v5 =	vmax.f32 v5, v13  }
0xbd: {  	v34 =	vand.u32 $0xFFFFFFC0, v31;
	v31 =	vor.u32 $0x23, v3;
	v36 =	vmin.f32 v26, v35  }
0xbe: {  	v10 =	vmax.f32 v26, v35;
	v44 =	vmin.f32 v8, v43;
	v8 =	vmax.f32 v8, v43  }
0xbf: {  	v54 =	vmin.f32 v7, v53;
	v7 =	vmax.f32 v7, v53;
	v13 =	vadd.f32 v57, v1  }
0xc0: {  	v48 =	vld.idx.msk [tilespmem:v39+s2+$0x0], $0xffff;
	v35 =	vor.u32 $0x1F, v3;
	v37 =	vmax.f32 v28, v36;
	v14 =	vmin.f32 v28, v36  }
0xc1: {  	v45 =	vmin.f32 v10, v44;
	v55 =	vmin.f32 v8, v54;
	v8 =	vmax.f32 v8, v54  }
0xc2: {  	v54 =	vor.u32 $0x21, v3;
	v40 =	vmax.f32 v6, v14;
	v6 =	vmin.f32 v6, v14  }
0xc3: {  	v53 =	vld.idx.msk [tilespmem:v46+s2+$0x0], $0xffff;
	v47 =	vmax.f32 v37, v45;
	v11 =	vmin.f32 v37, v45;
	v13 =	vand.u32 $0xFFFFFFC0, v13  }
0xc4: {  	v42 =	vmax.f32 v12, v6;
	v6 =	vmin.f32 v12, v6;
	v51 =	vmax.f32 v40, v11  }
0xc5: {  	v11 =	vmin.f32 v40, v11;
	v12 =	vadd.f32 v48, v1;
	v4 =	vmax.f32 v4, v6  }
0xc6: {  	v6 =	vmax.f32 v10, v44;
	v52 =	vmax.f32 v42, v11;
	v11 =	vmin.f32 v42, v11  }
0xc7: {  	v13 =	vor.u32 $0x23, v13;
	v4 =	vmax.f32 v4, v11;
	v56 =	vmax.f32 v6, v55  }
0xc8: {  	v6 =	vmin.f32 v6, v55;
	v59 =	vand.u32 $0xFFFFFFC0, v12;
	v61 =	vadd.f32 v53, v1  }
0xc9: {  	v58 =	vmax.f32 v47, v6;
	v6 =	vmin.f32 v47, v6;
	v10 =	vor.u32 $0x24, v59  }
0xca: {  	v60 =	vmin.f32 v51, v6;
	v6 =	vmax.f32 v51, v6;
	v63 =	vmin.f32 v5, v10  }
0xcb: {  	v5 =	vmax.f32 v5, v10;
	v62 =	vmin.f32 v52, v60;
	v12 =	vmax.f32 v52, v60  }
0xcc: {  	v19 =	vmin.f32 v7, v63;
	v7 =	vmax.f32 v7, v63;
	v26 =	vmin.f32 v5, v13  }
0xcd: {  	v42 =	vld.idx.msk [tilespmem:v35+s2+$0x0], $0xffff;
	v5 =	vmax.f32 v5, v13;
	v13 =	vor.u32 $0x22, v34;
	v4 =	vmax.f32 v4, v62  }
0xce: {  	v20 =	vmin.f32 v8, v19;
	v8 =	vmax.f32 v8, v19;
	v28 =	vmin.f32 v7, v26  }
0xcf: {  	v7 =	vmax.f32 v7, v26;
	v38 =	vmin.f32 v5, v13;
	v5 =	vmax.f32 v5, v13  }
0xd0: {  	v19 =	vand.u32 $0xFFFFFFC0, v61;
	v61 =	vor.u32 $0x26, v3;
	v21 =	vmin.f32 v56, v20  }
0xd1: {  	v10 =	vmax.f32 v56, v20;
	v29 =	vmin.f32 v8, v28;
	v8 =	vmax.f32 v8, v28  }
0xd2: {  	v39 =	vmin.f32 v7, v38;
	v7 =	vmax.f32 v7, v38;
	v13 =	vadd.f32 v42, v1  }
0xd3: {  	v33 =	vld.idx.msk [tilespmem:v24+s2+$0x0], $0xffff;
	v20 =	vor.u32 $0x22, v3;
	v22 =	vmax.f32 v58, v21;
	v14 =	vmin.f32 v58, v21  }
0xd4: {  	v30 =	vmin.f32 v10, v29;
	v40 =	vmin.f32 v8, v39;
	v8 =	vmax.f32 v8, v39  }
0xd5: {  	v39 =	vor.u32 $0x24, v3;
	v25 =	vmax.f32 v6, v14;
	v6 =	vmin.f32 v6, v14  }
0xd6: {  	v38 =	vld.idx.msk [tilespmem:v31+s2+$0x0], $0xffff;
	v32 =	vmax.f32 v22, v30;
	v11 =	vmin.f32 v22, v30;
	v13 =	vand.u32 $0xFFFFFFC0, v13  }
0xd7: {  	v27 =	vmax.f32 v12, v6;
	v6 =	vmin.f32 v12, v6;
	v36 =	vmax.f32 v25, v11  }
0xd8: {  	v11 =	vmin.f32 v25, v11;
	v12 =	vadd.f32 v33, v1;
	v4 =	vmax.f32 v4, v6  }
0xd9: {  	v6 =	vmax.f32 v10, v29;
	v37 =	vmax.f32 v27, v11;
	v11 =	vmin.f32 v27, v11  }
0xda: {  	v13 =	vor.u32 $0x20, v13;
	v4 =	vmax.f32 v4, v11;
	v41 =	vmax.f32 v6, v40  }
0xdb: {  	v6 =	vmin.f32 v6, v40;
	v44 =	vand.u32 $0xFFFFFFC0, v12;
	v46 =	vadd.f32 v38, v1  }
0xdc: {  	v43 =	vmax.f32 v32, v6;
	v6 =	vmin.f32 v32, v6;
	v10 =	vor.u32 $0x21, v44  }
0xdd: {  	v45 =	vmin.f32 v36, v6;
	v6 =	vmax.f32 v36, v6;
	v48 =	vmin.f32 v5, v10  }
0xde: {  	v5 =	vmax.f32 v5, v10;
	v47 =	vmin.f32 v37, v45;
	v12 =	vmax.f32 v37, v45  }
0xdf: {  	v49 =	vmin.f32 v7, v48;
	v7 =	vmax.f32 v7, v48;
	v56 =	vmin.f32 v5, v13  }
0xe0: {  	v27 =	vld.idx.msk [tilespmem:v20+s2+$0x0], $0xffff;
	v5 =	vmax.f32 v5, v13;
	v13 =	vor.u32 $0x1F, v19;
	v4 =	vmax.f32 v4, v47  }
0xe1: {  	v50 =	vmin.f32 v8, v49;
	v8 =	vmax.f32 v8, v49;
	v58 =	vmin.f32 v7, v56  }
0xe2: {  	v7 =	vmax.f32 v7, v56;
	v23 =	vmin.f32 v5, v13;
	v5 =	vmax.f32 v5, v13  }
0xe3: {  	v49 =	vand.u32 $0xFFFFFFC0, v46;
	v46 =	vor.u32 $0x29, v3;
	v51 =	vmin.f32 v41, v50  }
0xe4: {  	v10 =	vmax.f32 v41, v50;
	v59 =	vmin.f32 v8, v58;
	v8 =	vmax.f32 v8, v58  }
0xe5: {  	v24 =	vmin.f32 v7, v23;
	v7 =	vmax.f32 v7, v23;
	v13 =	vadd.f32 v27, v1  }
0xe6: {  	v63 =	vld.idx.msk [tilespmem:v54+s2+$0x0], $0xffff;
	v50 =	vor.u32 $0x25, v3;
	v52 =	vmax.f32 v43, v51;
	v14 =	vmin.f32 v43, v51  }
0xe7: {  	v60 =	vmin.f32 v10, v59;
	v25 =	vmin.f32 v8, v24;
	v8 =	vmax.f32 v8, v24  }
0xe8: {  	v24 =	vor.u32 $0x27, v3;
	v55 =	vmax.f32 v6, v14;
	v6 =	vmin.f32 v6, v14  }
0xe9: {  	v23 =	vld.idx.msk [tilespmem:v61+s2+$0x0], $0xffff;
	v62 =	vmax.f32 v52, v60;
	v11 =	vmin.f32 v52, v60;
	v13 =	vand.u32 $0xFFFFFFC0, v13  }
0xea: {  	v57 =	vmax.f32 v12, v6;
	v6 =	vmin.f32 v12, v6;
	v21 =	vmax.f32 v55, v11  }
0xeb: {  	v11 =	vmin.f32 v55, v11;
	v12 =	vadd.f32 v63, v1;
	v4 =	vmax.f32 v4, v6  }
0xec: {  	v6 =	vmax.f32 v10, v59;
	v22 =	vmax.f32 v57, v11;
	v11 =	vmin.f32 v57, v11  }
0xed: {  	v13 =	vor.u32 $0x1D, v13;
	v4 =	vmax.f32 v4, v11;
	v26 =	vmax.f32 v6, v25  }
0xee: {  	v6 =	vmin.f32 v6, v25;
	v29 =	vand.u32 $0xFFFFFFC0, v12;
	v31 =	vadd.f32 v23, v1  }
0xef: {  	v28 =	vmax.f32 v62, v6;
	v6 =	vmin.f32 v62, v6;
	v10 =	vor.u32 $0x1E, v29  }
0xf0: {  	v30 =	vmin.f32 v21, v6;
	v6 =	vmax.f32 v21, v6;
	v33 =	vmin.f32 v5, v10  }
0xf1: {  	v5 =	vmax.f32 v5, v10;
	v32 =	vmin.f32 v22, v30;
	v12 =	vmax.f32 v22, v30  }
0xf2: {  	v34 =	vmin.f32 v7, v33;
	v7 =	vmax.f32 v7, v33;
	v41 =	vmin.f32 v5, v13  }
0xf3: {  	v57 =	vld.idx.msk [tilespmem:v50+s2+$0x0], $0xffff;
	v5 =	vmax.f32 v5, v13;
	v13 =	vor.u32 $0x1C, v49;
	v4 =	vmax.f32 v4, v32  }
0xf4: {  	v35 =	vmin.f32 v8, v34;
	v8 =	vmax.f32 v8, v34;
	v43 =	vmin.f32 v7, v41  }
0xf5: {  	v7 =	vmax.f32 v7, v41;
	v53 =	vmin.f32 v5, v13;
	v5 =	vmax.f32 v5, v13  }
0xf6: {  	v34 =	vand.u32 $0xFFFFFFC0, v31;
	v31 =	vor.u32 $0x2C, v3;
	v36 =	vmin.f32 v26, v35  }
0xf7: {  	v10 =	vmax.f32 v26, v35;
	v44 =	vmin.f32 v8, v43;
	v8 =	vmax.f32 v8, v43  }
0xf8: {  	v54 =	vmin.f32 v7, v53;
	v7 =	vmax.f32 v7, v53;
	v13 =	vadd.f32 v57, v1  }
0xf9: {  	v48 =	vld.idx.msk [tilespmem:v39+s2+$0x0], $0xffff;
	v35 =	vor.u32 $0x28, v3;
	v37 =	vmax.f32 v28, v36;
	v14 =	vmin.f32 v28, v36  }
0xfa: {  	v45 =	vmin.f32 v10, v44;
	v55 =	vmin.f32 v8, v54;
	v8 =	vmax.f32 v8, v54  }
0xfb: {  	v54 =	vor.u32 $0x2A, v3;
	v40 =	vmax.f32 v6, v14;
	v6 =	vmin.f32 v6, v14  }
0xfc: {  	v53 =	vld.idx.msk [tilespmem:v46+s2+$0x0], $0xffff;
	v47 =	vmax.f32 v37, v45;
	v11 =	vmin.f32 v37, v45;
	v13 =	vand.u32 $0xFFFFFFC0, v13  }
0xfd: {  	v42 =	vmax.f32 v12, v6;
	v6 =	vmin.f32 v12, v6;
	v51 =	vmax.f32 v40, v11  }
0xfe: {  	v11 =	vmin.f32 v40, v11;
	v12 =	vadd.f32 v48, v1;
	v4 =	vmax.f32 v4, v6  }
0xff: {  	v6 =	vmax.f32 v10, v44;
	v52 =	vmax.f32 v42, v11;
	v11 =	vmin.f32 v42, v11  }
0x100: {  	v13 =	vor.u32 $0x1A, v13;
	v4 =	vmax.f32 v4, v11;
	v56 =	vmax.f32 v6, v55  }
0x101: {  	v6 =	vmin.f32 v6, v55;
	v59 =	vand.u32 $0xFFFFFFC0, v12;
	v61 =	vadd.f32 v53, v1  }
0x102: {  	v58 =	vmax.f32 v47, v6;
	v6 =	vmin.f32 v47, v6;
	v10 =	vor.u32 $0x1B, v59  }
0x103: {  	v60 =	vmin.f32 v51, v6;
	v6 =	vmax.f32 v51, v6;
	v63 =	vmin.f32 v5, v10  }
0x104: {  	v5 =	vmax.f32 v5, v10;
	v62 =	vmin.f32 v52, v60;
	v12 =	vmax.f32 v52, v60  }
0x105: {  	v19 =	vmin.f32 v7, v63;
	v7 =	vmax.f32 v7, v63;
	v26 =	vmin.f32 v5, v13  }
0x106: {  	v42 =	vld.idx.msk [tilespmem:v35+s2+$0x0], $0xffff;
	v5 =	vmax.f32 v5, v13;
	v13 =	vor.u32 $0x19, v34;
	v4 =	vmax.f32 v4, v62  }
0x107: {  	v20 =	vmin.f32 v8, v19;
	v8 =	vmax.f32 v8, v19;
	v28 =	vmin.f32 v7, v26  }
0x108: {  	v7 =	vmax.f32 v7, v26;
	v38 =	vmin.f32 v5, v13;
	v5 =	vmax.f32 v5, v13  }
0x109: {  	v19 =	vand.u32 $0xFFFFFFC0, v61;
	v61 =	vor.u32 $0x2F, v3;
	v21 =	vmin.f32 v56, v20  }
0x10a: {  	v10 =	vmax.f32 v56, v20;
	v29 =	vmin.f32 v8, v28;
	v8 =	vmax.f32 v8, v28  }
0x10b: {  	v39 =	vmin.f32 v7, v38;
	v7 =	vmax.f32 v7, v38;
	v13 =	vadd.f32 v42, v1  }
0x10c: {  	v33 =	vld.idx.msk [tilespmem:v24+s2+$0x0], $0xffff;
	v20 =	vor.u32 $0x2B, v3;
	v22 =	vmax.f32 v58, v21;
	v14 =	vmin.f32 v58, v21  }
0x10d: {  	v30 =	vmin.f32 v10, v29;
	v40 =	vmin.f32 v8, v39;
	v8 =	vmax.f32 v8, v39  }
0x10e: {  	v39 =	vor.u32 $0x2D, v3;
	v25 =	vmax.f32 v6, v14;
	v6 =	vmin.f32 v6, v14  }
0x10f: {  	v38 =	vld.idx.msk [tilespmem:v31+s2+$0x0], $0xffff;
	v32 =	vmax.f32 v22, v30;
	v11 =	vmin.f32 v22, v30;
	v13 =	vand.u32 $0xFFFFFFC0, v13  }
0x110: {  	v27 =	vmax.f32 v12, v6;
	v6 =	vmin.f32 v12, v6;
	v36 =	vmax.f32 v25, v11  }
0x111: {  	v11 =	vmin.f32 v25, v11;
	v12 =	vadd.f32 v33, v1;
	v4 =	vmax.f32 v4, v6  }
0x112: {  	v6 =	vmax.f32 v10, v29;
	v37 =	vmax.f32 v27, v11;
	v11 =	vmin.f32 v27, v11  }
0x113: {  	v13 =	vor.u32 $0x17, v13;
	v4 =	vmax.f32 v4, v11;
	v41 =	vmax.f32 v6, v40  }
0x114: {  	v6 =	vmin.f32 v6, v40;
	v44 =	vand.u32 $0xFFFFFFC0, v12;
	v46 =	vadd.f32 v38, v1  }
0x115: {  	v43 =	vmax.f32 v32, v6;
	v6 =	vmin.f32 v32, v6;
	v10 =	vor.u32 $0x18, v44  }
0x116: {  	v45 =	vmin.f32 v36, v6;
	v6 =	vmax.f32 v36, v6;
	v48 =	vmin.f32 v5, v10  }
0x117: {  	v5 =	vmax.f32 v5, v10;
	v47 =	vmin.f32 v37, v45;
	v12 =	vmax.f32 v37, v45  }
0x118: {  	v49 =	vmin.f32 v7, v48;
	v7 =	vmax.f32 v7, v48;
	v56 =	vmin.f32 v5, v13  }
0x119: {  	v27 =	vld.idx.msk [tilespmem:v20+s2+$0x0], $0xffff;
	v5 =	vmax.f32 v5, v13;
	v13 =	vor.u32 $0x16, v19;
	v4 =	vmax.f32 v4, v47  }
0x11a: {  	v50 =	vmin.f32 v8, v49;
	v8 =	vmax.f32 v8, v49;
	v58 =	vmin.f32 v7, v56  }
0x11b: {  	v7 =	vmax.f32 v7, v56;
	v23 =	vmin.f32 v5, v13;
	v5 =	vmax.f32 v5, v13  }
0x11c: {  	v49 =	vand.u32 $0xFFFFFFC0, v46;
	v46 =	vor.u32 $0x32, v3;
	v51 =	vmin.f32 v41, v50  }
0x11d: {  	v10 =	vmax.f32 v41, v50;
	v59 =	vmin.f32 v8, v58;
	v8 =	vmax.f32 v8, v58  }
0x11e: {  	v24 =	vmin.f32 v7, v23;
	v7 =	vmax.f32 v7, v23;
	v13 =	vadd.f32 v27, v1  }
0x11f: {  	v63 =	vld.idx.msk [tilespmem:v54+s2+$0x0], $0xffff;
	v50 =	vor.u32 $0x2E, v3;
	v52 =	vmax.f32 v43, v51;
	v14 =	vmin.f32 v43, v51  }
0x120: {  	v60 =	vmin.f32 v10, v59;
	v25 =	vmin.f32 v8, v24;
	v8 =	vmax.f32 v8, v24  }
0x121: {  	v24 =	vor.u32 $0x30, v3;
	v55 =	vmax.f32 v6, v14;
	v6 =	vmin.f32 v6, v14  }
0x122: {  	v23 =	vld.idx.msk [tilespmem:v61+s2+$0x0], $0xffff;
	v62 =	vmax.f32 v52, v60;
	v11 =	vmin.f32 v52, v60;
	v13 =	vand.u32 $0xFFFFFFC0, v13  }
0x123: {  	v57 =	vmax.f32 v12, v6;
	v6 =	vmin.f32 v12, v6;
	v21 =	vmax.f32 v55, v11  }
0x124: {  	v11 =	vmin.f32 v55, v11;
	v12 =	vadd.f32 v63, v1;
	v4 =	vmax.f32 v4, v6  }
0x125: {  	v6 =	vmax.f32 v10, v59;
	v22 =	vmax.f32 v57, v11;
	v11 =	vmin.f32 v57, v11  }
0x126: {  	v13 =	vor.u32 $0x14, v13;
	v4 =	vmax.f32 v4, v11;
	v26 =	vmax.f32 v6, v25  }
0x127: {  	v6 =	vmin.f32 v6, v25;
	v29 =	vand.u32 $0xFFFFFFC0, v12;
	v31 =	vadd.f32 v23, v1  }
0x128: {  	v28 =	vmax.f32 v62, v6;
	v6 =	vmin.f32 v62, v6;
	v10 =	vor.u32 $0x15, v29  }
0x129: {  	v30 =	vmin.f32 v21, v6;
	v6 =	vmax.f32 v21, v6;
	v33 =	vmin.f32 v5, v10  }
0x12a: {  	v5 =	vmax.f32 v5, v10;
	v32 =	vmin.f32 v22, v30;
	v12 =	vmax.f32 v22, v30  }
0x12b: {  	v34 =	vmin.f32 v7, v33;
	v7 =	vmax.f32 v7, v33;
	v41 =	vmin.f32 v5, v13  }
0x12c: {  	v57 =	vld.idx.msk [tilespmem:v50+s2+$0x0], $0xffff;
	v5 =	vmax.f32 v5, v13;
	v13 =	vor.u32 $0x13, v49;
	v4 =	vmax.f32 v4, v32  }
0x12d: {  	v35 =	vmin.f32 v8, v34;
	v8 =	vmax.f32 v8, v34;
	v43 =	vmin.f32 v7, v41  }
0x12e: {  	v7 =	vmax.f32 v7, v41;
	v53 =	vmin.f32 v5, v13;
	v5 =	vmax.f32 v5, v13  }
0x12f: {  	v34 =	vand.u32 $0xFFFFFFC0, v31;
	v31 =	vor.u32 $0x35, v3;
	v36 =	vmin.f32 v26, v35  }
0x130: {  	v10 =	vmax.f32 v26, v35;
	v44 =	vmin.f32 v8, v43;
	v8 =	vmax.f32 v8, v43  }
0x131: {  	v54 =	vmin.f32 v7, v53;
	v7 =	vmax.f32 v7, v53;
	v13 =	vadd.f32 v57, v1  }
0x132: {  	v48 =	vld.idx.msk [tilespmem:v39+s2+$0x0], $0xffff;
	v35 =	vor.u32 $0x31, v3;
	v37 =	vmax.f32 v28, v36;
	v14 =	vmin.f32 v28, v36  }
0x133: {  	v45 =	vmin.f32 v10, v44;
	v55 =	vmin.f32 v8, v54;
	v8 =	vmax.f32 v8, v54  }
0x134: {  	v54 =	vor.u32 $0x33, v3;
	v40 =	vmax.f32 v6, v14;
	v6 =	vmin.f32 v6, v14  }
0x135: {  	v53 =	vld.idx.msk [tilespmem:v46+s2+$0x0], $0xffff;
	v47 =	vmax.f32 v37, v45;
	v11 =	vmin.f32 v37, v45;
	v13 =	vand.u32 $0xFFFFFFC0, v13  }
0x136: {  	v42 =	vmax.f32 v12, v6;
	v6 =	vmin.f32 v12, v6;
	v51 =	vmax.f32 v40, v11  }
0x137: {  	v11 =	vmin.f32 v40, v11;
	v12 =	vadd.f32 v48, v1;
	v4 =	vmax.f32 v4, v6  }
0x138: {  	v6 =	vmax.f32 v10, v44;
	v52 =	vmax.f32 v42, v11;
	v11 =	vmin.f32 v42, v11  }
0x139: {  	v13 =	vor.u32 $0x11, v13;
	v4 =	vmax.f32 v4, v11;
	v56 =	vmax.f32 v6, v55  }
0x13a: {  	v6 =	vmin.f32 v6, v55;
	v59 =	vand.u32 $0xFFFFFFC0, v12;
	v61 =	vadd.f32 v53, v1  }
0x13b: {  	v58 =	vmax.f32 v47, v6;
	v6 =	vmin.f32 v47, v6;
	v10 =	vor.u32 $0x12, v59  }
0x13c: {  	v60 =	vmin.f32 v51, v6;
	v6 =	vmax.f32 v51, v6;
	v63 =	vmin.f32 v5, v10  }
0x13d: {  	v5 =	vmax.f32 v5, v10;
	v62 =	vmin.f32 v52, v60;
	v12 =	vmax.f32 v52, v60  }
0x13e: {  	v19 =	vmin.f32 v7, v63;
	v7 =	vmax.f32 v7, v63;
	v26 =	vmin.f32 v5, v13  }
0x13f: {  	v42 =	vld.idx.msk [tilespmem:v35+s2+$0x0], $0xffff;
	v5 =	vmax.f32 v5, v13;
	v13 =	vor.u32 $0x10, v34;
	v4 =	vmax.f32 v4, v62  }
0x140: {  	v20 =	vmin.f32 v8, v19;
	v8 =	vmax.f32 v8, v19;
	v28 =	vmin.f32 v7, v26  }
0x141: {  	v7 =	vmax.f32 v7, v26;
	v38 =	vmin.f32 v5, v13;
	v5 =	vmax.f32 v5, v13  }
0x142: {  	v19 =	vand.u32 $0xFFFFFFC0, v61;
	v61 =	vor.u32 $0x38, v3;
	v21 =	vmin.f32 v56, v20  }
0x143: {  	v10 =	vmax.f32 v56, v20;
	v29 =	vmin.f32 v8, v28;
	v8 =	vmax.f32 v8, v28  }
0x144: {  	v39 =	vmin.f32 v7, v38;
	v7 =	vmax.f32 v7, v38;
	v13 =	vadd.f32 v42, v1  }
0x145: {  	v33 =	vld.idx.msk [tilespmem:v24+s2+$0x0], $0xffff;
	v20 =	vor.u32 $0x34, v3;
	v22 =	vmax.f32 v58, v21;
	v14 =	vmin.f32 v58, v21  }
0x146: {  	v30 =	vmin.f32 v10, v29;
	v40 =	vmin.f32 v8, v39;
	v8 =	vmax.f32 v8, v39  }
0x147: {  	v39 =	vor.u32 $0x36, v3;
	v25 =	vmax.f32 v6, v14;
	v6 =	vmin.f32 v6, v14  }
0x148: {  	v38 =	vld.idx.msk [tilespmem:v31+s2+$0x0], $0xffff;
	v32 =	vmax.f32 v22, v30;
	v11 =	vmin.f32 v22, v30;
	v13 =	vand.u32 $0xFFFFFFC0, v13  }
0x149: {  	v27 =	vmax.f32 v12, v6;
	v6 =	vmin.f32 v12, v6;
	v36 =	vmax.f32 v25, v11  }
0x14a: {  	v11 =	vmin.f32 v25, v11;
	v12 =	vadd.f32 v33, v1;
	v4 =	vmax.f32 v4, v6  }
0x14b: {  	v6 =	vmax.f32 v10, v29;
	v37 =	vmax.f32 v27, v11;
	v11 =	vmin.f32 v27, v11  }
0x14c: {  	v13 =	vor.u32 $0xE, v13;
	v4 =	vmax.f32 v4, v11;
	v41 =	vmax.f32 v6, v40  }
0x14d: {  	v6 =	vmin.f32 v6, v40;
	v44 =	vand.u32 $0xFFFFFFC0, v12;
	v46 =	vadd.f32 v38, v1  }
0x14e: {  	v43 =	vmax.f32 v32, v6;
	v6 =	vmin.f32 v32, v6;
	v10 =	vor.u32 $0xF, v44  }
0x14f: {  	v45 =	vmin.f32 v36, v6;
	v6 =	vmax.f32 v36, v6;
	v48 =	vmin.f32 v5, v10  }
0x150: {  	v5 =	vmax.f32 v5, v10;
	v47 =	vmin.f32 v37, v45;
	v12 =	vmax.f32 v37, v45  }
0x151: {  	v49 =	vmin.f32 v7, v48;
	v7 =	vmax.f32 v7, v48;
	v56 =	vmin.f32 v5, v13  }
0x152: {  	v27 =	vld.idx.msk [tilespmem:v20+s2+$0x0], $0xffff;
	v5 =	vmax.f32 v5, v13;
	v13 =	vor.u32 $0xD, v19;
	v4 =	vmax.f32 v4, v47  }
0x153: {  	v50 =	vmin.f32 v8, v49;
	v8 =	vmax.f32 v8, v49;
	v58 =	vmin.f32 v7, v56  }
0x154: {  	v7 =	vmax.f32 v7, v56;
	v23 =	vmin.f32 v5, v13;
	v5 =	vmax.f32 v5, v13  }
0x155: {  	v49 =	vand.u32 $0xFFFFFFC0, v46;
	v46 =	vor.u32 $0x3B, v3;
	v51 =	vmin.f32 v41, v50  }
0x156: {  	v10 =	vmax.f32 v41, v50;
	v59 =	vmin.f32 v8, v58;
	v8 =	vmax.f32 v8, v58  }
0x157: {  	v24 =	vmin.f32 v7, v23;
	v7 =	vmax.f32 v7, v23;
	v13 =	vadd.f32 v27, v1  }
0x158: {  	v63 =	vld.idx.msk [tilespmem:v54+s2+$0x0], $0xffff;
	v50 =	vor.u32 $0x37, v3;
	v52 =	vmax.f32 v43, v51;
	v14 =	vmin.f32 v43, v51  }
0x159: {  	v60 =	vmin.f32 v10, v59;
	v25 =	vmin.f32 v8, v24;
	v8 =	vmax.f32 v8, v24  }
0x15a: {  	v24 =	vor.u32 $0x39, v3;
	v55 =	vmax.f32 v6, v14;
	v6 =	vmin.f32 v6, v14  }
0x15b: {  	v23 =	vld.idx.msk [tilespmem:v61+s2+$0x0], $0xffff;
	v62 =	vmax.f32 v52, v60;
	v11 =	vmin.f32 v52, v60;
	v13 =	vand.u32 $0xFFFFFFC0, v13  }
0x15c: {  	v57 =	vmax.f32 v12, v6;
	v6 =	vmin.f32 v12, v6;
	v21 =	vmax.f32 v55, v11  }
0x15d: {  	v11 =	vmin.f32 v55, v11;
	v12 =	vadd.f32 v63, v1;
	v4 =	vmax.f32 v4, v6  }
0x15e: {  	v6 =	vmax.f32 v10, v59;
	v22 =	vmax.f32 v57, v11;
	v11 =	vmin.f32 v57, v11  }
0x15f: {  	v13 =	vor.u32 $0xB, v13;
	v4 =	vmax.f32 v4, v11;
	v26 =	vmax.f32 v6, v25  }
0x160: {  	v6 =	vmin.f32 v6, v25;
	v29 =	vand.u32 $0xFFFFFFC0, v12;
	v31 =	vadd.f32 v23, v1  }
0x161: {  	v28 =	vmax.f32 v62, v6;
	v6 =	vmin.f32 v62, v6;
	v10 =	vor.u32 $0xC, v29  }
0x162: {  	v30 =	vmin.f32 v21, v6;
	v6 =	vmax.f32 v21, v6;
	v33 =	vmin.f32 v5, v10  }
0x163: {  	v5 =	vmax.f32 v5, v10;
	v32 =	vmin.f32 v22, v30;
	v12 =	vmax.f32 v22, v30  }
0x164: {  	v34 =	vmin.f32 v7, v33;
	v7 =	vmax.f32 v7, v33;
	v41 =	vmin.f32 v5, v13  }
0x165: {  	v57 =	vld.idx.msk [tilespmem:v50+s2+$0x0], $0xffff;
	v5 =	vmax.f32 v5, v13;
	v13 =	vor.u32 $0xA, v49;
	v4 =	vmax.f32 v4, v32  }
0x166: {  	v35 =	vmin.f32 v8, v34;
	v8 =	vmax.f32 v8, v34;
	v43 =	vmin.f32 v7, v41  }
0x167: {  	v7 =	vmax.f32 v7, v41;
	v53 =	vmin.f32 v5, v13;
	v5 =	vmax.f32 v5, v13  }
0x168: {  	v34 =	vand.u32 $0xFFFFFFC0, v31;
	v36 =	vmin.f32 v26, v35;
	v10 =	vmax.f32 v26, v35  }
0x169: {  	v44 =	vmin.f32 v8, v43;
	v8 =	vmax.f32 v8, v43;
	v54 =	vmin.f32 v7, v53  }
0x16a: {  	v7 =	vmax.f32 v7, v53;
	v13 =	vadd.f32 v57, v1;
	v35 =	vor.u32 $0x3A, v3  }
0x16b: {  	v48 =	vld.idx.msk [tilespmem:v39+s2+$0x0], $0xffff;
	v37 =	vmax.f32 v28, v36;
	v14 =	vmin.f32 v28, v36;
	v45 =	vmin.f32 v10, v44  }
0x16c: {  	v55 =	vmin.f32 v8, v54;
	v8 =	vmax.f32 v8, v54;
	v54 =	vor.u32 $0x3C, v3  }
0x16d: {  	v40 =	vmax.f32 v6, v14;
	v6 =	vmin.f32 v6, v14;
	v47 =	vmax.f32 v37, v45  }
0x16e: {  	v11 =	vmin.f32 v37, v45;
	v13 =	vand.u32 $0xFFFFFFC0, v13;
	v42 =	vmax.f32 v12, v6  }
0x16f: {  	v53 =	vld.idx.msk [tilespmem:v46+s2+$0x0], $0xffff;
	v6 =	vmin.f32 v12, v6;
	v51 =	vmax.f32 v40, v11;
	v11 =	vmin.f32 v40, v11  }
0x170: {  	v12 =	vadd.f32 v48, v1;
	v13 =	vor.u32 $0x8, v13;
	v4 =	vmax.f32 v4, v6  }
0x171: {  	v6 =	vmax.f32 v10, v44;
	v52 =	vmax.f32 v42, v11;
	v11 =	vmin.f32 v42, v11  }
0x172: {  	v4 =	vmax.f32 v4, v11;
	v56 =	vmax.f32 v6, v55;
	v6 =	vmin.f32 v6, v55  }
0x173: {  	v59 =	vand.u32 $0xFFFFFFC0, v12;
	v58 =	vmax.f32 v47, v6;
	v6 =	vmin.f32 v47, v6  }
0x174: {  	v61 =	vadd.f32 v53, v1;
	v10 =	vor.u32 $0x9, v59;
	v60 =	vmin.f32 v51, v6  }
0x175: {  	v6 =	vmax.f32 v51, v6;
	v63 =	vmin.f32 v5, v10;
	v5 =	vmax.f32 v5, v10  }
0x176: {  	v62 =	vmin.f32 v52, v60;
	v12 =	vmax.f32 v52, v60;
	v19 =	vmin.f32 v7, v63  }
0x177: {  	v42 =	vld.idx.msk [tilespmem:v35+s2+$0x0], $0xffff;
	v7 =	vmax.f32 v7, v63;
	v26 =	vmin.f32 v5, v13;
	v5 =	vmax.f32 v5, v13  }
0x178: {  	v13 =	vor.u32 $0x7, v34;
	v4 =	vmax.f32 v4, v62;
	v20 =	vmin.f32 v8, v19  }
0x179: {  	v8 =	vmax.f32 v8, v19;
	v28 =	vmin.f32 v7, v26;
	v7 =	vmax.f32 v7, v26  }
0x17a: {  	v38 =	vmin.f32 v5, v13;
	v5 =	vmax.f32 v5, v13;
	v21 =	vmin.f32 v56, v20  }
0x17b: {  	v10 =	vmax.f32 v56, v20;
	v29 =	vmin.f32 v8, v28;
	v8 =	vmax.f32 v8, v28  }
0x17c: {  	v39 =	vmin.f32 v7, v38;
	v7 =	vmax.f32 v7, v38;
	v13 =	vadd.f32 v42, v1  }
0x17d: {  	v33 =	vld.idx.msk [tilespmem:v24+s2+$0x0], $0xffff;
	v22 =	vmax.f32 v58, v21;
	v14 =	vmin.f32 v58, v21;
	v30 =	vmin.f32 v10, v29  }
0x17e: {  	v40 =	vmin.f32 v8, v39;
	v8 =	vmax.f32 v8, v39;
	v21 =	vor.u32 $0x3D, v3  }
0x17f: {  	v25 =	vmax.f32 v6, v14;
	v6 =	vmin.f32 v6, v14;
	v32 =	vmax.f32 v22, v30  }
0x180: {  	v11 =	vmin.f32 v22, v30;
	v13 =	vand.u32 $0xFFFFFFC0, v13;
	v27 =	vmax.f32 v12, v6  }
0x181: {  	v6 =	vmin.f32 v12, v6;
	v36 =	vmax.f32 v25, v11;
	v11 =	vmin.f32 v25, v11  }
0x182: {  	v12 =	vadd.f32 v33, v1;
	v13 =	vor.u32 $0x5, v13;
	v4 =	vmax.f32 v4, v6  }
0x183: {  	v6 =	vmax.f32 v10, v29;
	v37 =	vmax.f32 v27, v11;
	v11 =	vmin.f32 v27, v11  }
0x184: {  	v27 =	vor.u32 $0x3E, v3;
	v3 =	vor.u32 $0x3F, v3;
	v4 =	vmax.f32 v4, v11  }
0x185: {  	v41 =	vmax.f32 v6, v40;
	v6 =	vmin.f32 v6, v40;
	v44 =	vand.u32 $0xFFFFFFC0, v12  }
0x186: {  	v43 =	vmax.f32 v32, v6;
	v6 =	vmin.f32 v32, v6;
	v10 =	vor.u32 $0x6, v44  }
0x187: {  	v45 =	vmin.f32 v36, v6;
	v6 =	vmax.f32 v36, v6;
	v48 =	vmin.f32 v5, v10  }
0x188: {  	v5 =	vmax.f32 v5, v10;
	v47 =	vmin.f32 v37, v45;
	v12 =	vmax.f32 v37, v45  }
0x189: {  	v15 =	vld.idx.msk [tilespmem:v21+s2+$0x0], $0xffff;
	v49 =	vmin.f32 v7, v48;
	v7 =	vmax.f32 v7, v48;
	v56 =	vmin.f32 v5, v13  }
0x18a: {  	v5 =	vmax.f32 v5, v13;
	v4 =	vmax.f32 v4, v47;
	v50 =	vmin.f32 v8, v49  }
0x18b: {  	v8 =	vmax.f32 v8, v49;
	v58 =	vmin.f32 v7, v56;
	v7 =	vmax.f32 v7, v56  }
0x18c: {  	v63 =	vld.idx.msk [tilespmem:v54+s2+$0x0], $0xffff;
	v51 =	vmin.f32 v41, v50;
	v10 =	vmax.f32 v41, v50;
	v59 =	vmin.f32 v8, v58  }
0x18d: {  	v8 =	vmax.f32 v8, v58;
	v52 =	vmax.f32 v43, v51;
	v14 =	vmin.f32 v43, v51  }
0x18e: {  	v34 =	vld.idx.msk [tilespmem:v27+s2+$0x0], $0xffff;
	v60 =	vmin.f32 v10, v59;
	v15 =	vadd.f32 v15, v1;
	v55 =	vmax.f32 v6, v14  }
0x18f: {  	v3 =	vld.idx.msk [tilespmem:v3+s2+$0x0], $0xffff;
	v6 =	vmin.f32 v6, v14;
	v62 =	vmin.f32 v52, v60;
	v11 =	vmax.f32 v52, v60  }
0x190: {  	v14 =	vand.u32 $0xFFFFFFC0, v61;
	v57 =	vmax.f32 v12, v6;
	v6 =	vmin.f32 v12, v6  }
0x191: {  	v20 =	vmax.f32 v55, v62;
	v14 =	vor.u32 $0x4, v14;
	v12 =	vadd.f32 v63, v1  }
0x192: {  	v36 =	vand.u32 $0xFFFFFFC0, v15;
	v4 =	vmax.f32 v4, v6;
	v6 =	vmax.f32 v10, v59  }
0x193: {  	v10 =	vmin.f32 v55, v62;
	v23 =	vmin.f32 v5, v14;
	v5 =	vmax.f32 v5, v14  }
0x194: {  	v40 =	vadd.f32 v34, v1;
	v3 =	vadd.f32 v3, v1;
	v22 =	vmax.f32 v57, v10  }
0x195: {  	v10 =	vmin.f32 v57, v10;
	v24 =	vmin.f32 v7, v23;
	v7 =	vmax.f32 v7, v23  }
0x196: {  	v12 =	vand.u32 $0xFFFFFFC0, v12;
	v4 =	vmax.f32 v4, v10;
	v25 =	vmin.f32 v8, v24  }
0x197: {  	v8 =	vmax.f32 v8, v24;
	v12 =	vor.u32 $0x3, v12;
	v42 =	vand.u32 $0xFFFFFFC0, v40  }
0x198: {  	v3 =	vand.u32 $0xFFFFFFC0, v3;
	v26 =	vmax.f32 v6, v25;
	v6 =	vmin.f32 v6, v25  }
0x199: {  	v30 =	vmin.f32 v5, v12;
	v5 =	vmax.f32 v5, v12;
	v14 =	vmin.f32 v11, v6  }
0x19a: {  	v6 =	vmax.f32 v11, v6;
	v31 =	vmin.f32 v7, v30;
	v7 =	vmax.f32 v7, v30  }
0x19b: {  	v28 =	vmin.f32 v20, v14;
	v13 =	vmax.f32 v20, v14;
	v32 =	vmin.f32 v8, v31  }
0x19c: {  	v8 =	vmax.f32 v8, v31;
	v29 =	vmin.f32 v22, v28;
	v33 =	vmin.f32 v26, v32  }
0x19d: {  	v11 =	vmax.f32 v22, v28;
	v35 =	vmax.f32 v6, v33;
	v6 =	vmin.f32 v6, v33  }
0x19e: {  	v14 =	vmax.f32 v13, v6;
	v6 =	vmin.f32 v13, v6;
	v13 =	vor.u32 $0x2, v36  }
0x19f: {  	v10 =	vmax.f32 v26, v32;
	v4 =	vmax.f32 v4, v29;
	v38 =	vmin.f32 v5, v13  }
0x1a0: {  	v37 =	vmin.f32 v11, v6;
	v6 =	vmax.f32 v11, v6;
	v39 =	vmin.f32 v7, v38  }
0x1a1: {  	v5 =	vmax.f32 v5, v13;
	v41 =	vmax.f32 v8, v39;
	v8 =	vmin.f32 v8, v39  }
0x1a2: {  	v4 =	vmax.f32 v4, v37;
	v13 =	vmax.f32 v10, v8;
	v8 =	vmin.f32 v10, v8  }
0x1a3: {  	v7 =	vmax.f32 v7, v38;
	v10 =	vor.u32 $0x1, v42;
	v43 =	vmax.f32 v35, v8  }
0x1a4: {  	v8 =	vmin.f32 v35, v8;
	v44 =	vmin.f32 v5, v10;
	v5 =	vmax.f32 v5, v10  }
0x1a5: {  	v12 =	vmax.f32 v14, v8;
	v8 =	vmin.f32 v14, v8;
	v46 =	vmin.f32 v7, v44  }
0x1a6: {  	v7 =	vmax.f32 v7, v44;
	v51 =	vmax.f32 v5, v3;
	v3 =	vmin.f32 v5, v3  }
0x1a7: {  	v45 =	vmax.f32 v6, v8;
	v6 =	vmin.f32 v6, v8;
	v47 =	vmin.f32 v41, v46  }
0x1a8: {  	v8 =	vmax.f32 v41, v46;
	v5 =	vmax.f32 v7, v3;
	v3 =	vmin.f32 v7, v3  }
0x1a9: {  	v2 =	vld [tilespmem:$0x1FFF0];
	v52 =	vand.u32 $0xFFFFFFC0, v51;
	v4 =	vmax.f32 v4, v6;
	v48 =	vmin.f32 v13, v47  }
0x1aa: {  	v6 =	vmax.f32 v13, v47;
	v53 =	vmin.f32 v8, v3;
	v7 =	vsub.f32 v52, v1  }
0x1ab: {  	v54 =	vand.u32 $0xFFFFFFC0, v5;
	v3 =	vmax.f32 v8, v3;
	v49 =	vmin.f32 v43, v48  }
0x1ac: {  	v10 =	vmax.f32 v43, v48;
	v55 =	vmax.f32 v6, v53;
	v15 =	vsub.f32 v54, v1  }
0x1ad: {  	v6 =	vmin.f32 v6, v53;
	v56 =	vand.u32 $0xFFFFFFC0, v3;
	v50 =	vmax.f32 v12, v49  }
0x1ae: {  	v11 =	vmin.f32 v12, v49;
	v7 =	vmul.f32 v7, v2;
	v57 =	vmin.f32 v10, v6  }
0x1af: {  	v14 =	vsub.f32 v56, v1;
	v6 =	vmax.f32 v10, v6;
	v59 =	vand.u32 $0xFFFFFFC0, v55  }
0x1b0: {  	v12 =	vmax.f32 v45, v11;
	v11 =	vmin.f32 v45, v11;
	v15 =	vmul.f32 v15, v2  }
0x1b1: {  	v58 =	vmax.f32 v50, v57;
	v13 =	vmin.f32 v50, v57;
	v7 =	vmul.f32 $1.442695020e+00, v7  }
0x1b2: {  	v60 =	vsub.f32 v59, v1;
	v61 =	vand.u32 $0xFFFFFFC0, v6;
	v14 =	vmul.f32 v14, v2  }
0x1b3: {  	v4 =	vmax.f32 v4, v11;
	v15 =	vmul.f32 $1.442695020e+00, v15;
	(erf) = vpow2.f32 v7  }
0x1b4: {  	v62 =	vand.u32 $0xFFFFFFC0, v58;
	v63 =	vmax.f32 v12, v13;
	v14 =	vmul.f32 $1.442695020e+00, v14  }
0x1b5: {  	v7 =	vmul.f32 v60, v2;
	(erf) = vpow2.f32 v15;
	v15 =	vsub.f32 v61, v1  }
0x1b6: {  	v12 =	vmin.f32 v12, v13;
	v38 =	vsub.f32 v62, v1;
	(erf) = vpow2.f32 v14  }
0x1b7: {  	v41 =	vand.u32 $0xFFFFFFC0, v63;
	v7 =	vmul.f32 $1.442695020e+00, v7;
	v39 =	vmul.f32 v15, v2  }
0x1b8: {  	v4 =	vmax.f32 v4, v12;
	v43 =	vsub.f32 v41, v1;
	v40 =	vmul.f32 v38, v2  }
0x1b9: {  	v44 =	vand.u32 $0xFFFFFFC0, v4;
	(erf) = vpow2.f32 v7;
	v42 =	vmul.f32 $1.442695020e+00, v39  }
0x1ba: {  	v46 =	vsub.f32 v44, v1;
	v45 =	vmul.f32 v43, v2  }
0x1bb: {  	v12 =	vmul.f32 $1.442695020e+00, v40;
	(erf) = vpow2.f32 v42  }
0x1bc: {  	v13 =	vmul.f32 v46, v2;
	v47 =	vpop (erf)  }
0x1bd: {  	v7 =	vmul.f32 $1.442695020e+00, v45;
	(erf) = vpow2.f32 v12;
	v48 =	vadd.f32 $0.0e+00, v47  }
0x1be: {  	v28 =	vpop (erf)  }
0x1bf: {  	v49 =	vmul.f32 $1.442695020e+00, v13;
	(erf) = vpow2.f32 v7;
	v12 =	vadd.f32 v28, v48  }
0x1c0: {  	v29 =	vpop (erf)  }
0x1c1: {  	(erf) = vpow2.f32 v49;
	v12 =	vadd.f32 v29, v12  }
0x1c2: {  	v30 =	vpop (erf)  }
0x1c3: {  	v50 =	vadd.f32 v30, v12  }
0x1c4: {  	v31 =	vpop (erf)  }
0x1c5: {  	v7 =	vadd.f32 v31, v50  }
0x1c6: {  	v32 =	vpop (erf)  }
0x1c7: {  	v7 =	vadd.f32 v32, v7  }
0x1c8: {  	v33 =	vpop (erf)  }
0x1c9: {  	v7 =	vadd.f32 v33, v7  }
0x1ca: {  	v34 =	vpop (erf)  }
0x1cb: {  	v7 =	vadd.f32 v34, v7;
	_ =	sdelay $0x1  }
0x1cc: {  	v27 =	vshll.u32 v51, $0x4;
	(erf) = vrcp.f32 v7  }
0x1cd: {  	v12 =	vand.u32 $0x3F0, v27  }
0x1ce: {  	v26 =	vshll.u32 v5, $0x4;
	v51 =	vxor.u32 $0x3F0, v12  }
0x1cf: {  	v17 =	vand.u32 $0x3F0, v26  }
0x1d0: {  	v25 =	vshll.u32 v3, $0x4;
	v52 =	vxor.u32 $0x3F0, v17  }
0x1d1: {  	v15 =	vand.u32 $0x3F0, v25  }
0x1d2: {  	v24 =	vshll.u32 v55, $0x4;
	v3 =	vxor.u32 $0x3F0, v15  }
0x1d3: {  	v8 =	vand.u32 $0x3F0, v24;
	v53 =	vld.idx.msk [tilespmem:v51+s9+$0x0], $0xffff  }
0x1d4: {  	v23 =	vshll.u32 v6, $0x4;
	[tilespmem:$0x1FFE0] =	vst v8;
	v8 =	vxor.u32 $0x3F0, v8  }
0x1d5: {  	v22 =	vshll.u32 v58, $0x4;
	v5 =	vld.idx.msk [tilespmem:v52+s9+$0x0], $0xffff;
	v13 =	vand.u32 $0x3F0, v23;
	v36 =	vpop (erf)  }
0x1d6: {  	v21 =	vshll.u32 v63, $0x4;
	v35 =	vxor.u32 $0x3F0, v13;
	v18 =	vmul.f32 v36, v47  }
0x1d7: {  	v10 =	vand.u32 $0x3F0, v21;
	v20 =	vshll.u32 v4, $0x4;
	v14 =	vand.u32 $0x3F0, v22;
	v3 =	vld.idx.msk [tilespmem:v3+s9+$0x0], $0xffff  }
0x1d8: {  	v37 =	vxor.u32 $0x3F0, v14;
	v16 =	vmul.f32 v36, v28;
	v54 =	vmul.f32 v18, v53  }
0x1d9: {  	v55 =	vxor.u32 $0x3F0, v10;
	v38 =	vld.idx.msk [tilespmem:v8+s9+$0x0], $0xffff;
	v7 =	vand.u32 $0x3F0, v20  }
0x1da: {  	v11 =	vmul.f32 v36, v29;
	v5 =	vmul.f32 v16, v5;
	v4 =	vadd.f32 $0.0e+00, v54  }
0x1db: {  	v35 =	vld.idx.msk [tilespmem:v35+s9+$0x0], $0xffff;
	v56 =	vxor.u32 $0x3F0, v7  }
0x1dc: {  	v8 =	vmul.f32 v36, v30;
	v3 =	vmul.f32 v11, v3;
	v4 =	vadd.f32 v4, v5  }
0x1dd: {  	v57 =	vld.idx.msk [tilespmem:v37+s9+$0x0], $0xffff  }
0x1de: {  	v6 =	vmul.f32 v36, v31;
	v58 =	vmul.f32 v8, v38;
	v3 =	vadd.f32 v4, v3  }
0x1df: {  	v28 =	vld.idx.msk [tilespmem:v55+s9+$0x0], $0xffff  }
0x1e0: {  	v31 =	vmul.f32 v6, v35;
	v5 =	vmul.f32 v36, v32;
	v3 =	vadd.f32 v3, v58  }
0x1e1: {  	v29 =	vld.idx.msk [tilespmem:v56+s9+$0x0], $0xffff  }
0x1e2: {  	v4 =	vmul.f32 v36, v33;
	v30 =	vmul.f32 v5, v57;
	v31 =	vadd.f32 v3, v31;
	_ =	sdelay $0x1  }
0x1e3: {  	v28 =	vmul.f32 v4, v28;
	v3 =	vmul.f32 v36, v34;
	v30 =	vadd.f32 v31, v30  }
0x1e4: {  	v9 =	vshll.u32 v9, $0x4;
	v59 =	vsub.s32 $0x3F1, v27  }
0x1e5: {  	v60 =	vand.u32 $0x3F1, v59;
	v29 =	vmul.f32 v3, v29;
	v28 =	vadd.f32 v30, v28  }
0x1e6: {  	v61 =	vsub.s32 $0x3F1, v26  }
0x1e7: {  	v62 =	vand.u32 $0x3F1, v61;
	v28 =	vadd.f32 v28, v29  }
0x1e8: {  	v63 =	vsub.s32 $0x3F1, v25  }
0x1e9: {  	v19 =	vand.u32 $0x3F1, v63;
	[tilespmem:v9+s11+$0x0] =	vst.idx.msk $0xffff, v28  }
0x1ea: {  	v30 =	vld.idx.msk [tilespmem:v60+s9+$0x0], $0xffff;
	_ =	sdelay $0x1  }
0x1eb: {  	v29 =	vld.idx.msk [tilespmem:v62+s9+$0x0], $0xffff  }
0x1ec: {  	v36 =	vsub.s32 $0x3F1, v24  }
0x1ed: {  	v31 =	vand.u32 $0x3F1, v36;
	v28 =	vld.idx.msk [tilespmem:v19+s9+$0x0], $0xffff  }
0x1ee: {  	v37 =	vsub.s32 $0x3F1, v23;
	v30 =	vmul.f32 v18, v30  }
0x1ef: {  	v39 =	vsub.s32 $0x3F1, v21;
	v38 =	vsub.s32 $0x3F1, v22;
	v32 =	vand.u32 $0x3F1, v37  }
0x1f0: {  	v34 =	vand.u32 $0x3F1, v39;
	v29 =	vmul.f32 v16, v29;
	v30 =	vadd.f32 $0.0e+00, v30  }
0x1f1: {  	v33 =	vand.u32 $0x3F1, v38  }
0x1f2: {  	v31 =	vld.idx.msk [tilespmem:v31+s9+$0x0], $0xffff;
	v28 =	vmul.f32 v11, v28;
	v29 =	vadd.f32 v30, v29  }
0x1f3: {  	v40 =	vsub.s32 $0x3F1, v20  }
0x1f4: {  	v41 =	vand.u32 $0x3F1, v40;
	v32 =	vld.idx.msk [tilespmem:v32+s9+$0x0], $0xffff;
	v29 =	vadd.f32 v29, v28;
	v28 =	vor.u32 s14, v0  }
0x1f5: {  	v42 =	vld.idx.msk [tilespmem:v34+s9+$0x0], $0xffff;
	v34 =	vshll.u32 v28, $0x6  }
0x1f6: {  	v33 =	vld.idx.msk [tilespmem:v33+s9+$0x0], $0xffff;
	v44 =	vor.u32 $0x1, v34  }
0x1f7: {  	v31 =	vmul.f32 v8, v31;
	v46 =	vor.u32 $0x2, v34  }
0x1f8: {  	v50 =	vor.u32 $0x3, v34  }
0x1f9: {  	v43 =	vmul.f32 v6, v32;
	v30 =	vld.idx.msk [tilespmem:v41+s9+$0x0], $0xffff;
	v29 =	vadd.f32 v29, v31;
	v39 =	vor.u32 $0x4, v34  }
0x1fa: {  	v47 =	vmul.f32 v4, v42;
	v42 =	vor.u32 $0x5, v34;
	v48 =	vld.idx.msk [tilespmem:v34+s2+$0x0], $0xffff  }
0x1fb: {  	v45 =	vmul.f32 v5, v33;
	v29 =	vadd.f32 v29, v43;
	v49 =	vld.idx.msk [tilespmem:v44+s2+$0x0], $0xffff  }
0x1fc: {  	v51 =	vld.idx.msk [tilespmem:v46+s2+$0x0], $0xffff  }
0x1fd: {  	v29 =	vadd.f32 v29, v45;
	v37 =	vld.idx.msk [tilespmem:v50+s2+$0x0], $0xffff  }
0x1fe: {  	v52 =	vsub.s32 $0x3F2, v27;
	v53 =	vsub.s32 $0x3F2, v26;
	v39 =	vld.idx.msk [tilespmem:v39+s2+$0x0], $0xffff  }
0x1ff: {  	v54 =	vsub.s32 $0x3F2, v25;
	v30 =	vmul.f32 v3, v30;
	v42 =	vld.idx.msk [tilespmem:v42+s2+$0x0], $0xffff;
	v29 =	vadd.f32 v29, v47  }
0x200: {  	v32 =	vor.u32 $0x1, v9;
	v33 =	vand.u32 $0x3F2, v52;
	v19 =	vor.u32 $0x7, v34  }
0x201: {  	v45 =	vor.u32 $0x8, v34;
	v44 =	vor.u32 $0x6, v34;
	v31 =	vadd.f32 v29, v30  }
0x202: {  	v30 =	vand.u32 $0x3F2, v53;
	v35 =	vadd.f32 v48, v1;
	v36 =	vadd.f32 v49, v1  }
0x203: {  	v29 =	vand.u32 $0x3F2, v54;
	v38 =	vadd.f32 v51, v1;
	v37 =	vadd.f32 v37, v1  }
0x204: {  	v39 =	vadd.f32 v39, v1;
	v42 =	vadd.f32 v42, v1;
	v35 =	vor.u32 $0x3F, v35  }
0x205: {  	v36 =	vand.u32 $0xFFFFFFC0, v36;
	v40 =	vmax.f32 v35, $0.0e+00;
	v35 =	vclamp.gez.f32 v35, $0.0e+00  }
0x206: {  	v38 =	vand.u32 $0xFFFFFFC0, v38;
	v37 =	vand.u32 $0xFFFFFFC0, v37;
	v39 =	vand.u32 $0xFFFFFFC0, v39  }
0x207: {  	v42 =	vand.u32 $0xFFFFFFC0, v42;
	v36 =	vor.u32 $0x3E, v36;
	v38 =	vor.u32 $0x3D, v38  }
0x208: {  	v37 =	vor.u32 $0x3C, v37;
	v41 =	vmax.f32 v40, v36;
	v36 =	vmin.f32 v40, v36  }
0x209: {  	v62 =	vld.idx.msk [tilespmem:v44+s2+$0x0], $0xffff;
	v39 =	vor.u32 $0x3B, v39;
	v42 =	vor.u32 $0x3A, v42;
	v40 =	vmax.f32 v35, v36  }
0x20a: {  	v36 =	vmin.f32 v35, v36;
	v55 =	vmax.f32 v41, v38;
	v38 =	vmin.f32 v41, v38  }
0x20b: {  	v35 =	vmax.f32 v35, v36;
	v41 =	vmax.f32 v40, v38;
	v38 =	vmin.f32 v40, v38  }
0x20c: {  	v53 =	vld.idx.msk [tilespmem:v19+s2+$0x0], $0xffff;
	v43 =	vmin.f32 v55, v37;
	v36 =	vmax.f32 v55, v37;
	v40 =	vmax.f32 v35, v38  }
0x20d: {  	v38 =	vmin.f32 v35, v38;
	v56 =	vmin.f32 v41, v43;
	v57 =	vmax.f32 v41, v43  }
0x20e: {  	v60 =	vmin.f32 v36, v39;
	v36 =	vmax.f32 v36, v39;
	v43 =	vadd.f32 v62, v1  }
0x20f: {  	v35 =	vmax.f32 v35, v38;
	v58 =	vmin.f32 v40, v56;
	v37 =	vmax.f32 v40, v56  }
0x210: {  	v61 =	vmin.f32 v57, v60;
	v38 =	vmax.f32 v57, v60;
	v50 =	vmin.f32 v36, v42  }
0x211: {  	v36 =	vmax.f32 v36, v42;
	v42 =	vadd.f32 v53, v1;
	v59 =	vmin.f32 v35, v58  }
0x212: {  	v41 =	vmax.f32 v35, v58;
	v63 =	vmin.f32 v37, v61;
	v37 =	vmax.f32 v37, v61  }
0x213: {  	v45 =	vld.idx.msk [tilespmem:v45+s2+$0x0], $0xffff;
	v51 =	vmin.f32 v38, v50;
	v38 =	vmax.f32 v38, v50;
	v55 =	vand.u32 $0xFFFFFFC0, v43  }
0x214: {  	v35 =	vmax.f32 v35, v59;
	v48 =	vmin.f32 v41, v63;
	v40 =	vmax.f32 v41, v63  }
0x215: {  	v52 =	vmax.f32 v37, v51;
	v37 =	vmin.f32 v37, v51;
	v42 =	vand.u32 $0xFFFFFFC0, v42  }
0x216: {  	v63 =	vor.u32 $0x9, v34;
	v49 =	vmin.f32 v35, v48;
	v39 =	vmax.f32 v35, v48  }
0x217: {  	v54 =	vmax.f32 v40, v37;
	v37 =	vmin.f32 v40, v37;
	v40 =	vor.u32 $0x39, v55  }
0x218: {  	v62 =	vor.u32 $0x38, v42;
	v55 =	vadd.f32 v45, v1;
	v35 =	vmax.f32 v35, v49  }
0x219: {  	v56 =	vmin.f32 v39, v37;
	v37 =	vmax.f32 v39, v37;
	v46 =	vmin.f32 v36, v40  }
0x21a: {  	v36 =	vmax.f32 v36, v40;
	v57 =	vmin.f32 v35, v56;
	v43 =	vmax.f32 v35, v56  }
0x21b: {  	v58 =	vmin.f32 v38, v46;
	v38 =	vmax.f32 v38, v46;
	v35 =	vmax.f32 v35, v57  }
0x21c: {  	v59 =	vmin.f32 v52, v58;
	v39 =	vmax.f32 v52, v58;
	v52 =	vmin.f32 v36, v62  }
0x21d: {  	v36 =	vmax.f32 v36, v62;
	v57 =	vor.u32 $0xA, v34;
	v60 =	vmin.f32 v54, v59  }
0x21e: {  	v40 =	vmax.f32 v54, v59;
	v48 =	vmin.f32 v38, v52;
	v38 =	vmax.f32 v38, v52  }
0x21f: {  	v61 =	vmax.f32 v37, v60;
	v37 =	vmin.f32 v37, v60;
	v53 =	vmin.f32 v39, v48  }
0x220: {  	v39 =	vmax.f32 v39, v48;
	v19 =	vmax.f32 v43, v37;
	v37 =	vmin.f32 v43, v37  }
0x221: {  	v54 =	vmin.f32 v40, v53;
	v43 =	vand.u32 $0xFFFFFFC0, v55;
	v47 =	vmax.f32 v35, v37  }
0x222: {  	v42 =	vld.idx.msk [tilespmem:v63+s2+$0x0], $0xffff;
	v37 =	vmin.f32 v35, v37;
	v56 =	vmax.f32 v61, v54;
	v41 =	vmin.f32 v61, v54  }
0x223: {  	v43 =	vor.u32 $0x37, v43;
	v35 =	vmax.f32 v35, v37;
	v37 =	vmax.f32 v40, v53  }
0x224: {  	v58 =	vmax.f32 v19, v41;
	v41 =	vmin.f32 v19, v41;
	v59 =	vmin.f32 v36, v43  }
0x225: {  	v36 =	vmax.f32 v36, v43;
	v53 =	vor.u32 $0xB, v34;
	v46 =	vmax.f32 v47, v41  }
0x226: {  	v41 =	vmin.f32 v47, v41;
	v60 =	vmin.f32 v38, v59;
	v38 =	vmax.f32 v38, v59  }
0x227: {  	v63 =	vld.idx.msk [tilespmem:v57+s2+$0x0], $0xffff;
	v42 =	vadd.f32 v42, v1;
	v35 =	vmax.f32 v35, v41;
	v61 =	vmin.f32 v39, v60  }
0x228: {  	v39 =	vmax.f32 v39, v60;
	v62 =	vmax.f32 v37, v61;
	v37 =	vmin.f32 v37, v61  }
0x229: {  	v51 =	vand.u32 $0xFFFFFFC0, v42;
	v19 =	vmax.f32 v56, v37;
	v37 =	vmin.f32 v56, v37  }
0x22a: {  	v61 =	vor.u32 $0xC, v34;
	v40 =	vor.u32 $0x36, v51;
	v52 =	vmin.f32 v58, v37  }
0x22b: {  	v37 =	vmax.f32 v58, v37;
	v55 =	vmin.f32 v36, v40;
	v36 =	vmax.f32 v36, v40  }
0x22c: {  	v43 =	vadd.f32 v63, v1;
	v54 =	vmin.f32 v46, v52;
	v42 =	vmax.f32 v46, v52  }
0x22d: {  	v56 =	vmin.f32 v38, v55;
	v38 =	vmax.f32 v38, v55;
	v35 =	vmax.f32 v35, v54  }
0x22e: {  	v60 =	vld.idx.msk [tilespmem:v53+s2+$0x0], $0xffff;
	v57 =	vmin.f32 v39, v56;
	v39 =	vmax.f32 v39, v56;
	v43 =	vand.u32 $0xFFFFFFC0, v43  }
0x22f: {  	v56 =	vor.u32 $0xD, v34;
	v58 =	vmin.f32 v62, v57;
	v40 =	vmax.f32 v62, v57  }
0x230: {  	v43 =	vor.u32 $0x35, v43;
	v59 =	vmax.f32 v19, v58;
	v44 =	vmin.f32 v19, v58  }
0x231: {  	v63 =	vmin.f32 v36, v43;
	v36 =	vmax.f32 v36, v43;
	v62 =	vmax.f32 v37, v44  }
0x232: {  	v54 =	vld.idx.msk [tilespmem:v61+s2+$0x0], $0xffff;
	v37 =	vmin.f32 v37, v44;
	v49 =	vmin.f32 v38, v63;
	v38 =	vmax.f32 v38, v63  }
0x233: {  	v52 =	vadd.f32 v60, v1;
	v19 =	vmax.f32 v42, v37;
	v37 =	vmin.f32 v42, v37  }
0x234: {  	v50 =	vmin.f32 v39, v49;
	v39 =	vmax.f32 v39, v49;
	v35 =	vmax.f32 v35, v37  }
0x235: {  	v51 =	vmin.f32 v40, v50;
	v37 =	vmax.f32 v40, v50;
	v55 =	vand.u32 $0xFFFFFFC0, v52  }
0x236: {  	v53 =	vmax.f32 v59, v51;
	v41 =	vmin.f32 v59, v51;
	v43 =	vor.u32 $0x34, v55  }
0x237: {  	v42 =	vadd.f32 v54, v1;
	v57 =	vmax.f32 v62, v41;
	v41 =	vmin.f32 v62, v41  }
0x238: {  	v63 =	vld.idx.msk [tilespmem:v56+s2+$0x0], $0xffff;
	v59 =	vmin.f32 v36, v43;
	v36 =	vmax.f32 v36, v43;
	v58 =	vmax.f32 v19, v41  }
0x239: {  	v41 =	vmin.f32 v19, v41;
	v60 =	vmin.f32 v38, v59;
	v38 =	vmax.f32 v38, v59  }
0x23a: {  	v51 =	vand.u32 $0xFFFFFFC0, v42;
	v35 =	vmax.f32 v35, v41;
	v61 =	vmin.f32 v39, v60  }
0x23b: {  	v39 =	vmax.f32 v39, v60;
	v40 =	vor.u32 $0x33, v51;
	v62 =	vmax.f32 v37, v61  }
0x23c: {  	v37 =	vmin.f32 v37, v61;
	v55 =	vmin.f32 v36, v40;
	v36 =	vmax.f32 v36, v40  }
0x23d: {  	v43 =	vadd.f32 v63, v1;
	v61 =	vor.u32 $0xF, v34;
	v19 =	vmax.f32 v53, v37  }
0x23e: {  	v37 =	vmin.f32 v53, v37;
	v53 =	vor.u32 $0xE, v34;
	v56 =	vmin.f32 v38, v55  }
0x23f: {  	v38 =	vmax.f32 v38, v55;
	v52 =	vmin.f32 v57, v37;
	v37 =	vmax.f32 v57, v37  }
0x240: {  	v57 =	vmin.f32 v39, v56;
	v39 =	vmax.f32 v39, v56;
	v43 =	vand.u32 $0xFFFFFFC0, v43  }
0x241: {  	v56 =	vor.u32 $0x10, v34;
	v54 =	vmin.f32 v58, v52;
	v42 =	vmax.f32 v58, v52  }
0x242: {  	v58 =	vmin.f32 v62, v57;
	v40 =	vmax.f32 v62, v57;
	v43 =	vor.u32 $0x32, v43  }
0x243: {  	v35 =	vmax.f32 v35, v54;
	v59 =	vmax.f32 v19, v58;
	v44 =	vmin.f32 v19, v58;
	v60 =	vld.idx.msk [tilespmem:v53+s2+$0x0], $0xffff  }
0x244: {  	v63 =	vmin.f32 v36, v43;
	v36 =	vmax.f32 v36, v43;
	v62 =	vmax.f32 v37, v44;
	v54 =	vld.idx.msk [tilespmem:v61+s2+$0x0], $0xffff  }
0x245: {  	v37 =	vmin.f32 v37, v44;
	v49 =	vmin.f32 v38, v63;
	v38 =	vmax.f32 v38, v63  }
0x246: {  	v19 =	vmax.f32 v42, v37;
	v37 =	vmin.f32 v42, v37;
	v50 =	vmin.f32 v39, v49  }
0x247: {  	v39 =	vmax.f32 v39, v49;
	v35 =	vmax.f32 v35, v37;
	v51 =	vmin.f32 v40, v50  }
0x248: {  	v37 =	vmax.f32 v40, v50;
	v63 =	vld.idx.msk [tilespmem:v56+s2+$0x0], $0xffff;
	v41 =	vmin.f32 v59, v51;
	v52 =	vadd.f32 v60, v1  }
0x249: {  	v57 =	vmax.f32 v62, v41;
	v41 =	vmin.f32 v62, v41;
	v42 =	vadd.f32 v54, v1  }
0x24a: {  	v53 =	vmax.f32 v59, v51;
	v58 =	vmax.f32 v19, v41;
	v55 =	vand.u32 $0xFFFFFFC0, v52  }
0x24b: {  	v41 =	vmin.f32 v19, v41;
	v51 =	vand.u32 $0xFFFFFFC0, v42;
	v43 =	vor.u32 $0x31, v55  }
0x24c: {  	v35 =	vmax.f32 v35, v41;
	v40 =	vor.u32 $0x30, v51;
	v59 =	vmin.f32 v36, v43  }
0x24d: {  	v36 =	vmax.f32 v36, v43;
	v43 =	vadd.f32 v63, v1;
	v60 =	vmin.f32 v38, v59  }
0x24e: {  	v38 =	vmax.f32 v38, v59;
	v55 =	vmin.f32 v36, v40;
	v36 =	vmax.f32 v36, v40  }
0x24f: {  	v61 =	vmin.f32 v39, v60;
	v39 =	vmax.f32 v39, v60;
	v56 =	vmin.f32 v38, v55  }
0x250: {  	v43 =	vand.u32 $0xFFFFFFC0, v43;
	v62 =	vmax.f32 v37, v61;
	v37 =	vmin.f32 v37, v61  }
0x251: {  	v19 =	vmax.f32 v53, v37;
	v37 =	vmin.f32 v53, v37;
	v53 =	vor.u32 $0x11, v34  }
0x252: {  	v38 =	vmax.f32 v38, v55;
	v43 =	vor.u32 $0x2F, v43;
	v61 =	vor.u32 $0x12, v34  }
0x253: {  	v63 =	vmin.f32 v36, v43;
	v36 =	vmax.f32 v36, v43;
	v52 =	vmin.f32 v57, v37  }
0x254: {  	v37 =	vmax.f32 v57, v37;
	v57 =	vmin.f32 v39, v56;
	v39 =	vmax.f32 v39, v56  }
0x255: {  	v49 =	vmin.f32 v38, v63;
	v38 =	vmax.f32 v38, v63;
	v56 =	vor.u32 $0x13, v34  }
0x256: {  	v54 =	vmin.f32 v58, v52;
	v42 =	vmax.f32 v58, v52;
	v58 =	vmin.f32 v62, v57;
	v60 =	vld.idx.msk [tilespmem:v53+s2+$0x0], $0xffff  }
0x257: {  	v40 =	vmax.f32 v62, v57;
	v50 =	vmin.f32 v39, v49;
	v35 =	vmax.f32 v35, v54;
	v54 =	vld.idx.msk [tilespmem:v61+s2+$0x0], $0xffff  }
0x258: {  	v39 =	vmax.f32 v39, v49;
	v59 =	vmax.f32 v19, v58;
	v44 =	vmin.f32 v19, v58  }
0x259: {  	v51 =	vmin.f32 v40, v50;
	v62 =	vmax.f32 v37, v44;
	v37 =	vmin.f32 v37, v44  }
0x25a: {  	v41 =	vmin.f32 v59, v51;
	v19 =	vmax.f32 v42, v37;
	v37 =	vmin.f32 v42, v37  }
0x25b: {  	v53 =	vmax.f32 v59, v51;
	v57 =	vmax.f32 v62, v41;
	v63 =	vld.idx.msk [tilespmem:v56+s2+$0x0], $0xffff;
	v52 =	vadd.f32 v60, v1  }
0x25c: {  	v41 =	vmin.f32 v62, v41;
	v35 =	vmax.f32 v35, v37;
	v42 =	vadd.f32 v54, v1  }
0x25d: {  	v37 =	vmax.f32 v40, v50;
	v58 =	vmax.f32 v19, v41;
	v55 =	vand.u32 $0xFFFFFFC0, v52  }
0x25e: {  	v41 =	vmin.f32 v19, v41;
	v51 =	vand.u32 $0xFFFFFFC0, v42;
	v43 =	vor.u32 $0x2E, v55  }
0x25f: {  	v35 =	vmax.f32 v35, v41;
	v40 =	vor.u32 $0x2D, v51;
	v59 =	vmin.f32 v36, v43  }
0x260: {  	v36 =	vmax.f32 v36, v43;
	v43 =	vadd.f32 v63, v1;
	v60 =	vmin.f32 v38, v59  }
0x261: {  	v38 =	vmax.f32 v38, v59;
	v55 =	vmin.f32 v36, v40;
	v36 =	vmax.f32 v36, v40  }
0x262: {  	v61 =	vmin.f32 v39, v60;
	v39 =	vmax.f32 v39, v60;
	v56 =	vmin.f32 v38, v55  }
0x263: {  	v43 =	vand.u32 $0xFFFFFFC0, v43;
	v62 =	vmax.f32 v37, v61;
	v37 =	vmin.f32 v37, v61  }
0x264: {  	v19 =	vmax.f32 v53, v37;
	v37 =	vmin.f32 v53, v37;
	v53 =	vor.u32 $0x14, v34  }
0x265: {  	v38 =	vmax.f32 v38, v55;
	v43 =	vor.u32 $0x2C, v43;
	v61 =	vor.u32 $0x15, v34  }
0x266: {  	v63 =	vmin.f32 v36, v43;
	v36 =	vmax.f32 v36, v43;
	v52 =	vmin.f32 v57, v37  }
0x267: {  	v37 =	vmax.f32 v57, v37;
	v57 =	vmin.f32 v39, v56;
	v39 =	vmax.f32 v39, v56  }
0x268: {  	v49 =	vmin.f32 v38, v63;
	v38 =	vmax.f32 v38, v63;
	v56 =	vor.u32 $0x16, v34  }
0x269: {  	v54 =	vmin.f32 v58, v52;
	v42 =	vmax.f32 v58, v52;
	v58 =	vmin.f32 v62, v57;
	v60 =	vld.idx.msk [tilespmem:v53+s2+$0x0], $0xffff  }
0x26a: {  	v40 =	vmax.f32 v62, v57;
	v50 =	vmin.f32 v39, v49;
	v35 =	vmax.f32 v35, v54;
	v54 =	vld.idx.msk [tilespmem:v61+s2+$0x0], $0xffff  }
0x26b: {  	v39 =	vmax.f32 v39, v49;
	v59 =	vmax.f32 v19, v58;
	v44 =	vmin.f32 v19, v58  }
0x26c: {  	v51 =	vmin.f32 v40, v50;
	v62 =	vmax.f32 v37, v44;
	v37 =	vmin.f32 v37, v44  }
0x26d: {  	v41 =	vmin.f32 v59, v51;
	v19 =	vmax.f32 v42, v37;
	v37 =	vmin.f32 v42, v37  }
0x26e: {  	v53 =	vmax.f32 v59, v51;
	v57 =	vmax.f32 v62, v41;
	v63 =	vld.idx.msk [tilespmem:v56+s2+$0x0], $0xffff;
	v52 =	vadd.f32 v60, v1  }
0x26f: {  	v41 =	vmin.f32 v62, v41;
	v35 =	vmax.f32 v35, v37;
	v42 =	vadd.f32 v54, v1  }
0x270: {  	v37 =	vmax.f32 v40, v50;
	v58 =	vmax.f32 v19, v41;
	v55 =	vand.u32 $0xFFFFFFC0, v52  }
0x271: {  	v41 =	vmin.f32 v19, v41;
	v51 =	vand.u32 $0xFFFFFFC0, v42;
	v43 =	vor.u32 $0x2B, v55  }
0x272: {  	v35 =	vmax.f32 v35, v41;
	v40 =	vor.u32 $0x2A, v51;
	v59 =	vmin.f32 v36, v43  }
0x273: {  	v36 =	vmax.f32 v36, v43;
	v43 =	vadd.f32 v63, v1;
	v60 =	vmin.f32 v38, v59  }
0x274: {  	v38 =	vmax.f32 v38, v59;
	v55 =	vmin.f32 v36, v40;
	v36 =	vmax.f32 v36, v40  }
0x275: {  	v61 =	vmin.f32 v39, v60;
	v39 =	vmax.f32 v39, v60;
	v56 =	vmin.f32 v38, v55  }
0x276: {  	v43 =	vand.u32 $0xFFFFFFC0, v43;
	v62 =	vmax.f32 v37, v61;
	v37 =	vmin.f32 v37, v61  }
0x277: {  	v19 =	vmax.f32 v53, v37;
	v37 =	vmin.f32 v53, v37;
	v53 =	vor.u32 $0x17, v34  }
0x278: {  	v38 =	vmax.f32 v38, v55;
	v43 =	vor.u32 $0x29, v43;
	v61 =	vor.u32 $0x18, v34  }
0x279: {  	v63 =	vmin.f32 v36, v43;
	v36 =	vmax.f32 v36, v43;
	v52 =	vmin.f32 v57, v37  }
0x27a: {  	v37 =	vmax.f32 v57, v37;
	v57 =	vmin.f32 v39, v56;
	v39 =	vmax.f32 v39, v56  }
0x27b: {  	v49 =	vmin.f32 v38, v63;
	v38 =	vmax.f32 v38, v63;
	v56 =	vor.u32 $0x19, v34  }
0x27c: {  	v54 =	vmin.f32 v58, v52;
	v42 =	vmax.f32 v58, v52;
	v58 =	vmin.f32 v62, v57;
	v60 =	vld.idx.msk [tilespmem:v53+s2+$0x0], $0xffff  }
0x27d: {  	v40 =	vmax.f32 v62, v57;
	v50 =	vmin.f32 v39, v49;
	v35 =	vmax.f32 v35, v54;
	v54 =	vld.idx.msk [tilespmem:v61+s2+$0x0], $0xffff  }
0x27e: {  	v39 =	vmax.f32 v39, v49;
	v59 =	vmax.f32 v19, v58;
	v44 =	vmin.f32 v19, v58  }
0x27f: {  	v51 =	vmin.f32 v40, v50;
	v62 =	vmax.f32 v37, v44;
	v37 =	vmin.f32 v37, v44  }
0x280: {  	v41 =	vmin.f32 v59, v51;
	v19 =	vmax.f32 v42, v37;
	v37 =	vmin.f32 v42, v37  }
0x281: {  	v53 =	vmax.f32 v59, v51;
	v57 =	vmax.f32 v62, v41;
	v63 =	vld.idx.msk [tilespmem:v56+s2+$0x0], $0xffff;
	v52 =	vadd.f32 v60, v1  }
0x282: {  	v41 =	vmin.f32 v62, v41;
	v35 =	vmax.f32 v35, v37;
	v42 =	vadd.f32 v54, v1  }
0x283: {  	v37 =	vmax.f32 v40, v50;
	v58 =	vmax.f32 v19, v41;
	v55 =	vand.u32 $0xFFFFFFC0, v52  }
0x284: {  	v41 =	vmin.f32 v19, v41;
	v51 =	vand.u32 $0xFFFFFFC0, v42;
	v43 =	vor.u32 $0x28, v55  }
0x285: {  	v35 =	vmax.f32 v35, v41;
	v40 =	vor.u32 $0x27, v51;
	v59 =	vmin.f32 v36, v43  }
0x286: {  	v36 =	vmax.f32 v36, v43;
	v43 =	vadd.f32 v63, v1;
	v60 =	vmin.f32 v38, v59  }
0x287: {  	v38 =	vmax.f32 v38, v59;
	v55 =	vmin.f32 v36, v40;
	v36 =	vmax.f32 v36, v40  }
0x288: {  	v61 =	vmin.f32 v39, v60;
	v39 =	vmax.f32 v39, v60;
	v56 =	vmin.f32 v38, v55  }
0x289: {  	v43 =	vand.u32 $0xFFFFFFC0, v43;
	v62 =	vmax.f32 v37, v61;
	v37 =	vmin.f32 v37, v61  }
0x28a: {  	v19 =	vmax.f32 v53, v37;
	v37 =	vmin.f32 v53, v37;
	v53 =	vor.u32 $0x1A, v34  }
0x28b: {  	v38 =	vmax.f32 v38, v55;
	v43 =	vor.u32 $0x26, v43;
	v61 =	vor.u32 $0x1B, v34  }
0x28c: {  	v63 =	vmin.f32 v36, v43;
	v36 =	vmax.f32 v36, v43;
	v52 =	vmin.f32 v57, v37  }
0x28d: {  	v37 =	vmax.f32 v57, v37;
	v57 =	vmin.f32 v39, v56;
	v39 =	vmax.f32 v39, v56  }
0x28e: {  	v49 =	vmin.f32 v38, v63;
	v38 =	vmax.f32 v38, v63;
	v56 =	vor.u32 $0x1C, v34  }
0x28f: {  	v54 =	vmin.f32 v58, v52;
	v42 =	vmax.f32 v58, v52;
	v58 =	vmin.f32 v62, v57;
	v60 =	vld.idx.msk [tilespmem:v53+s2+$0x0], $0xffff  }
0x290: {  	v40 =	vmax.f32 v62, v57;
	v50 =	vmin.f32 v39, v49;
	v35 =	vmax.f32 v35, v54;
	v54 =	vld.idx.msk [tilespmem:v61+s2+$0x0], $0xffff  }
0x291: {  	v39 =	vmax.f32 v39, v49;
	v59 =	vmax.f32 v19, v58;
	v44 =	vmin.f32 v19, v58  }
0x292: {  	v51 =	vmin.f32 v40, v50;
	v62 =	vmax.f32 v37, v44;
	v37 =	vmin.f32 v37, v44  }
0x293: {  	v41 =	vmin.f32 v59, v51;
	v19 =	vmax.f32 v42, v37;
	v37 =	vmin.f32 v42, v37  }
0x294: {  	v53 =	vmax.f32 v59, v51;
	v57 =	vmax.f32 v62, v41;
	v63 =	vld.idx.msk [tilespmem:v56+s2+$0x0], $0xffff;
	v52 =	vadd.f32 v60, v1  }
0x295: {  	v41 =	vmin.f32 v62, v41;
	v35 =	vmax.f32 v35, v37;
	v42 =	vadd.f32 v54, v1  }
0x296: {  	v37 =	vmax.f32 v40, v50;
	v58 =	vmax.f32 v19, v41;
	v55 =	vand.u32 $0xFFFFFFC0, v52  }
0x297: {  	v41 =	vmin.f32 v19, v41;
	v51 =	vand.u32 $0xFFFFFFC0, v42;
	v43 =	vor.u32 $0x25, v55  }
0x298: {  	v35 =	vmax.f32 v35, v41;
	v40 =	vor.u32 $0x24, v51;
	v59 =	vmin.f32 v36, v43  }
0x299: {  	v36 =	vmax.f32 v36, v43;
	v43 =	vadd.f32 v63, v1;
	v60 =	vmin.f32 v38, v59  }
0x29a: {  	v38 =	vmax.f32 v38, v59;
	v55 =	vmin.f32 v36, v40;
	v36 =	vmax.f32 v36, v40  }
0x29b: {  	v61 =	vmin.f32 v39, v60;
	v39 =	vmax.f32 v39, v60;
	v56 =	vmin.f32 v38, v55  }
0x29c: {  	v43 =	vand.u32 $0xFFFFFFC0, v43;
	v62 =	vmax.f32 v37, v61;
	v37 =	vmin.f32 v37, v61  }
0x29d: {  	v19 =	vmax.f32 v53, v37;
	v37 =	vmin.f32 v53, v37;
	v53 =	vor.u32 $0x1D, v34  }
0x29e: {  	v38 =	vmax.f32 v38, v55;
	v43 =	vor.u32 $0x23, v43;
	v61 =	vor.u32 $0x1E, v34  }
0x29f: {  	v63 =	vmin.f32 v36, v43;
	v36 =	vmax.f32 v36, v43;
	v52 =	vmin.f32 v57, v37  }
0x2a0: {  	v37 =	vmax.f32 v57, v37;
	v57 =	vmin.f32 v39, v56;
	v39 =	vmax.f32 v39, v56  }
0x2a1: {  	v49 =	vmin.f32 v38, v63;
	v38 =	vmax.f32 v38, v63;
	v56 =	vor.u32 $0x1F, v34  }
0x2a2: {  	v54 =	vmin.f32 v58, v52;
	v42 =	vmax.f32 v58, v52;
	v58 =	vmin.f32 v62, v57;
	v60 =	vld.idx.msk [tilespmem:v53+s2+$0x0], $0xffff  }
0x2a3: {  	v40 =	vmax.f32 v62, v57;
	v50 =	vmin.f32 v39, v49;
	v35 =	vmax.f32 v35, v54;
	v54 =	vld.idx.msk [tilespmem:v61+s2+$0x0], $0xffff  }
0x2a4: {  	v39 =	vmax.f32 v39, v49;
	v59 =	vmax.f32 v19, v58;
	v44 =	vmin.f32 v19, v58  }
0x2a5: {  	v51 =	vmin.f32 v40, v50;
	v62 =	vmax.f32 v37, v44;
	v37 =	vmin.f32 v37, v44  }
0x2a6: {  	v41 =	vmin.f32 v59, v51;
	v19 =	vmax.f32 v42, v37;
	v37 =	vmin.f32 v42, v37  }
0x2a7: {  	v53 =	vmax.f32 v59, v51;
	v57 =	vmax.f32 v62, v41;
	v63 =	vld.idx.msk [tilespmem:v56+s2+$0x0], $0xffff;
	v52 =	vadd.f32 v60, v1  }
0x2a8: {  	v41 =	vmin.f32 v62, v41;
	v35 =	vmax.f32 v35, v37;
	v42 =	vadd.f32 v54, v1  }
0x2a9: {  	v37 =	vmax.f32 v40, v50;
	v58 =	vmax.f32 v19, v41;
	v55 =	vand.u32 $0xFFFFFFC0, v52  }
0x2aa: {  	v41 =	vmin.f32 v19, v41;
	v51 =	vand.u32 $0xFFFFFFC0, v42;
	v43 =	vor.u32 $0x22, v55  }
0x2ab: {  	v35 =	vmax.f32 v35, v41;
	v40 =	vor.u32 $0x21, v51;
	v59 =	vmin.f32 v36, v43  }
0x2ac: {  	v36 =	vmax.f32 v36, v43;
	v43 =	vadd.f32 v63, v1;
	v60 =	vmin.f32 v38, v59  }
0x2ad: {  	v38 =	vmax.f32 v38, v59;
	v55 =	vmin.f32 v36, v40;
	v36 =	vmax.f32 v36, v40  }
0x2ae: {  	v61 =	vmin.f32 v39, v60;
	v39 =	vmax.f32 v39, v60;
	v56 =	vmin.f32 v38, v55  }
0x2af: {  	v43 =	vand.u32 $0xFFFFFFC0, v43;
	v62 =	vmax.f32 v37, v61;
	v37 =	vmin.f32 v37, v61  }
0x2b0: {  	v19 =	vmax.f32 v53, v37;
	v37 =	vmin.f32 v53, v37;
	v53 =	vor.u32 $0x20, v34  }
0x2b1: {  	v38 =	vmax.f32 v38, v55;
	v43 =	vor.u32 $0x20, v43;
	v61 =	vor.u32 $0x21, v34  }
0x2b2: {  	v63 =	vmin.f32 v36, v43;
	v36 =	vmax.f32 v36, v43;
	v52 =	vmin.f32 v57, v37  }
0x2b3: {  	v37 =	vmax.f32 v57, v37;
	v57 =	vmin.f32 v39, v56;
	v39 =	vmax.f32 v39, v56  }
0x2b4: {  	v49 =	vmin.f32 v38, v63;
	v38 =	vmax.f32 v38, v63;
	v56 =	vor.u32 $0x22, v34  }
0x2b5: {  	v54 =	vmin.f32 v58, v52;
	v42 =	vmax.f32 v58, v52;
	v58 =	vmin.f32 v62, v57;
	v60 =	vld.idx.msk [tilespmem:v53+s2+$0x0], $0xffff  }
0x2b6: {  	v40 =	vmax.f32 v62, v57;
	v50 =	vmin.f32 v39, v49;
	v35 =	vmax.f32 v35, v54;
	v54 =	vld.idx.msk [tilespmem:v61+s2+$0x0], $0xffff  }
0x2b7: {  	v39 =	vmax.f32 v39, v49;
	v59 =	vmax.f32 v19, v58;
	v44 =	vmin.f32 v19, v58  }
0x2b8: {  	v51 =	vmin.f32 v40, v50;
	v62 =	vmax.f32 v37, v44;
	v37 =	vmin.f32 v37, v44  }
0x2b9: {  	v41 =	vmin.f32 v59, v51;
	v19 =	vmax.f32 v42, v37;
	v37 =	vmin.f32 v42, v37  }
0x2ba: {  	v53 =	vmax.f32 v59, v51;
	v57 =	vmax.f32 v62, v41;
	v63 =	vld.idx.msk [tilespmem:v56+s2+$0x0], $0xffff;
	v52 =	vadd.f32 v60, v1  }
0x2bb: {  	v41 =	vmin.f32 v62, v41;
	v35 =	vmax.f32 v35, v37;
	v42 =	vadd.f32 v54, v1  }
0x2bc: {  	v37 =	vmax.f32 v40, v50;
	v58 =	vmax.f32 v19, v41;
	v55 =	vand.u32 $0xFFFFFFC0, v52  }
0x2bd: {  	v41 =	vmin.f32 v19, v41;
	v51 =	vand.u32 $0xFFFFFFC0, v42;
	v43 =	vor.u32 $0x1F, v55  }
0x2be: {  	v35 =	vmax.f32 v35, v41;
	v40 =	vor.u32 $0x1E, v51;
	v59 =	vmin.f32 v36, v43  }
0x2bf: {  	v36 =	vmax.f32 v36, v43;
	v43 =	vadd.f32 v63, v1;
	v60 =	vmin.f32 v38, v59  }
0x2c0: {  	v38 =	vmax.f32 v38, v59;
	v55 =	vmin.f32 v36, v40;
	v36 =	vmax.f32 v36, v40  }
0x2c1: {  	v61 =	vmin.f32 v39, v60;
	v39 =	vmax.f32 v39, v60;
	v56 =	vmin.f32 v38, v55  }
0x2c2: {  	v43 =	vand.u32 $0xFFFFFFC0, v43;
	v62 =	vmax.f32 v37, v61;
	v37 =	vmin.f32 v37, v61  }
0x2c3: {  	v19 =	vmax.f32 v53, v37;
	v37 =	vmin.f32 v53, v37;
	v53 =	vor.u32 $0x23, v34  }
0x2c4: {  	v38 =	vmax.f32 v38, v55;
	v43 =	vor.u32 $0x1D, v43;
	v61 =	vor.u32 $0x24, v34  }
0x2c5: {  	v63 =	vmin.f32 v36, v43;
	v36 =	vmax.f32 v36, v43;
	v52 =	vmin.f32 v57, v37  }
0x2c6: {  	v37 =	vmax.f32 v57, v37;
	v57 =	vmin.f32 v39, v56;
	v39 =	vmax.f32 v39, v56  }
0x2c7: {  	v49 =	vmin.f32 v38, v63;
	v38 =	vmax.f32 v38, v63;
	v56 =	vor.u32 $0x25, v34  }
0x2c8: {  	v54 =	vmin.f32 v58, v52;
	v42 =	vmax.f32 v58, v52;
	v58 =	vmin.f32 v62, v57;
	v60 =	vld.idx.msk [tilespmem:v53+s2+$0x0], $0xffff  }
0x2c9: {  	v40 =	vmax.f32 v62, v57;
	v50 =	vmin.f32 v39, v49;
	v35 =	vmax.f32 v35, v54;
	v54 =	vld.idx.msk [tilespmem:v61+s2+$0x0], $0xffff  }
0x2ca: {  	v39 =	vmax.f32 v39, v49;
	v59 =	vmax.f32 v19, v58;
	v44 =	vmin.f32 v19, v58  }
0x2cb: {  	v51 =	vmin.f32 v40, v50;
	v62 =	vmax.f32 v37, v44;
	v37 =	vmin.f32 v37, v44  }
0x2cc: {  	v41 =	vmin.f32 v59, v51;
	v19 =	vmax.f32 v42, v37;
	v37 =	vmin.f32 v42, v37  }
0x2cd: {  	v53 =	vmax.f32 v59, v51;
	v57 =	vmax.f32 v62, v41;
	v63 =	vld.idx.msk [tilespmem:v56+s2+$0x0], $0xffff;
	v52 =	vadd.f32 v60, v1  }
0x2ce: {  	v41 =	vmin.f32 v62, v41;
	v35 =	vmax.f32 v35, v37;
	v42 =	vadd.f32 v54, v1  }
0x2cf: {  	v37 =	vmax.f32 v40, v50;
	v58 =	vmax.f32 v19, v41;
	v55 =	vand.u32 $0xFFFFFFC0, v52  }
0x2d0: {  	v41 =	vmin.f32 v19, v41;
	v51 =	vand.u32 $0xFFFFFFC0, v42;
	v43 =	vor.u32 $0x1C, v55  }
0x2d1: {  	v35 =	vmax.f32 v35, v41;
	v40 =	vor.u32 $0x1B, v51;
	v59 =	vmin.f32 v36, v43  }
0x2d2: {  	v36 =	vmax.f32 v36, v43;
	v43 =	vadd.f32 v63, v1;
	v60 =	vmin.f32 v38, v59  }
0x2d3: {  	v38 =	vmax.f32 v38, v59;
	v55 =	vmin.f32 v36, v40;
	v36 =	vmax.f32 v36, v40  }
0x2d4: {  	v61 =	vmin.f32 v39, v60;
	v39 =	vmax.f32 v39, v60;
	v56 =	vmin.f32 v38, v55  }
0x2d5: {  	v43 =	vand.u32 $0xFFFFFFC0, v43;
	v62 =	vmax.f32 v37, v61;
	v37 =	vmin.f32 v37, v61  }
0x2d6: {  	v19 =	vmax.f32 v53, v37;
	v37 =	vmin.f32 v53, v37;
	v53 =	vor.u32 $0x26, v34  }
0x2d7: {  	v38 =	vmax.f32 v38, v55;
	v43 =	vor.u32 $0x1A, v43;
	v61 =	vor.u32 $0x27, v34  }
0x2d8: {  	v63 =	vmin.f32 v36, v43;
	v36 =	vmax.f32 v36, v43;
	v52 =	vmin.f32 v57, v37  }
0x2d9: {  	v37 =	vmax.f32 v57, v37;
	v57 =	vmin.f32 v39, v56;
	v39 =	vmax.f32 v39, v56  }
0x2da: {  	v49 =	vmin.f32 v38, v63;
	v38 =	vmax.f32 v38, v63;
	v56 =	vor.u32 $0x28, v34  }
0x2db: {  	v54 =	vmin.f32 v58, v52;
	v42 =	vmax.f32 v58, v52;
	v58 =	vmin.f32 v62, v57;
	v60 =	vld.idx.msk [tilespmem:v53+s2+$0x0], $0xffff  }
0x2dc: {  	v40 =	vmax.f32 v62, v57;
	v50 =	vmin.f32 v39, v49;
	v35 =	vmax.f32 v35, v54;
	v54 =	vld.idx.msk [tilespmem:v61+s2+$0x0], $0xffff  }
0x2dd: {  	v39 =	vmax.f32 v39, v49;
	v59 =	vmax.f32 v19, v58;
	v44 =	vmin.f32 v19, v58  }
0x2de: {  	v51 =	vmin.f32 v40, v50;
	v62 =	vmax.f32 v37, v44;
	v37 =	vmin.f32 v37, v44  }
0x2df: {  	v41 =	vmin.f32 v59, v51;
	v19 =	vmax.f32 v42, v37;
	v37 =	vmin.f32 v42, v37  }
0x2e0: {  	v53 =	vmax.f32 v59, v51;
	v57 =	vmax.f32 v62, v41;
	v63 =	vld.idx.msk [tilespmem:v56+s2+$0x0], $0xffff;
	v52 =	vadd.f32 v60, v1  }
0x2e1: {  	v41 =	vmin.f32 v62, v41;
	v35 =	vmax.f32 v35, v37;
	v42 =	vadd.f32 v54, v1  }
0x2e2: {  	v37 =	vmax.f32 v40, v50;
	v58 =	vmax.f32 v19, v41;
	v55 =	vand.u32 $0xFFFFFFC0, v52  }
0x2e3: {  	v41 =	vmin.f32 v19, v41;
	v51 =	vand.u32 $0xFFFFFFC0, v42;
	v43 =	vor.u32 $0x19, v55  }
0x2e4: {  	v35 =	vmax.f32 v35, v41;
	v40 =	vor.u32 $0x18, v51;
	v59 =	vmin.f32 v36, v43  }
0x2e5: {  	v36 =	vmax.f32 v36, v43;
	v43 =	vadd.f32 v63, v1;
	v60 =	vmin.f32 v38, v59  }
0x2e6: {  	v38 =	vmax.f32 v38, v59;
	v55 =	vmin.f32 v36, v40;
	v36 =	vmax.f32 v36, v40  }
0x2e7: {  	v61 =	vmin.f32 v39, v60;
	v39 =	vmax.f32 v39, v60;
	v56 =	vmin.f32 v38, v55  }
0x2e8: {  	v43 =	vand.u32 $0xFFFFFFC0, v43;
	v62 =	vmax.f32 v37, v61;
	v37 =	vmin.f32 v37, v61  }
0x2e9: {  	v19 =	vmax.f32 v53, v37;
	v37 =	vmin.f32 v53, v37;
	v53 =	vor.u32 $0x29, v34  }
0x2ea: {  	v38 =	vmax.f32 v38, v55;
	v43 =	vor.u32 $0x17, v43;
	v61 =	vor.u32 $0x2A, v34  }
0x2eb: {  	v63 =	vmin.f32 v36, v43;
	v36 =	vmax.f32 v36, v43;
	v52 =	vmin.f32 v57, v37  }
0x2ec: {  	v37 =	vmax.f32 v57, v37;
	v57 =	vmin.f32 v39, v56;
	v39 =	vmax.f32 v39, v56  }
0x2ed: {  	v49 =	vmin.f32 v38, v63;
	v38 =	vmax.f32 v38, v63;
	v56 =	vor.u32 $0x2B, v34  }
0x2ee: {  	v54 =	vmin.f32 v58, v52;
	v42 =	vmax.f32 v58, v52;
	v58 =	vmin.f32 v62, v57;
	v60 =	vld.idx.msk [tilespmem:v53+s2+$0x0], $0xffff  }
0x2ef: {  	v40 =	vmax.f32 v62, v57;
	v50 =	vmin.f32 v39, v49;
	v35 =	vmax.f32 v35, v54;
	v54 =	vld.idx.msk [tilespmem:v61+s2+$0x0], $0xffff  }
0x2f0: {  	v39 =	vmax.f32 v39, v49;
	v59 =	vmax.f32 v19, v58;
	v44 =	vmin.f32 v19, v58  }
0x2f1: {  	v51 =	vmin.f32 v40, v50;
	v62 =	vmax.f32 v37, v44;
	v37 =	vmin.f32 v37, v44  }
0x2f2: {  	v41 =	vmin.f32 v59, v51;
	v19 =	vmax.f32 v42, v37;
	v37 =	vmin.f32 v42, v37  }
0x2f3: {  	v53 =	vmax.f32 v59, v51;
	v57 =	vmax.f32 v62, v41;
	v63 =	vld.idx.msk [tilespmem:v56+s2+$0x0], $0xffff;
	v52 =	vadd.f32 v60, v1  }
0x2f4: {  	v41 =	vmin.f32 v62, v41;
	v35 =	vmax.f32 v35, v37;
	v42 =	vadd.f32 v54, v1  }
0x2f5: {  	v37 =	vmax.f32 v40, v50;
	v58 =	vmax.f32 v19, v41;
	v55 =	vand.u32 $0xFFFFFFC0, v52  }
0x2f6: {  	v41 =	vmin.f32 v19, v41;
	v51 =	vand.u32 $0xFFFFFFC0, v42;
	v43 =	vor.u32 $0x16, v55  }
0x2f7: {  	v35 =	vmax.f32 v35, v41;
	v40 =	vor.u32 $0x15, v51;
	v59 =	vmin.f32 v36, v43  }
0x2f8: {  	v36 =	vmax.f32 v36, v43;
	v43 =	vadd.f32 v63, v1;
	v60 =	vmin.f32 v38, v59  }
0x2f9: {  	v38 =	vmax.f32 v38, v59;
	v55 =	vmin.f32 v36, v40;
	v36 =	vmax.f32 v36, v40  }
0x2fa: {  	v61 =	vmin.f32 v39, v60;
	v39 =	vmax.f32 v39, v60;
	v56 =	vmin.f32 v38, v55  }
0x2fb: {  	v43 =	vand.u32 $0xFFFFFFC0, v43;
	v62 =	vmax.f32 v37, v61;
	v37 =	vmin.f32 v37, v61  }
0x2fc: {  	v19 =	vmax.f32 v53, v37;
	v37 =	vmin.f32 v53, v37;
	v53 =	vor.u32 $0x2C, v34  }
0x2fd: {  	v38 =	vmax.f32 v38, v55;
	v43 =	vor.u32 $0x14, v43;
	v61 =	vor.u32 $0x2D, v34  }
0x2fe: {  	v63 =	vmin.f32 v36, v43;
	v36 =	vmax.f32 v36, v43;
	v52 =	vmin.f32 v57, v37  }
0x2ff: {  	v37 =	vmax.f32 v57, v37;
	v57 =	vmin.f32 v39, v56;
	v39 =	vmax.f32 v39, v56  }
0x300: {  	v49 =	vmin.f32 v38, v63;
	v38 =	vmax.f32 v38, v63;
	v56 =	vor.u32 $0x2E, v34  }
0x301: {  	v54 =	vmin.f32 v58, v52;
	v42 =	vmax.f32 v58, v52;
	v58 =	vmin.f32 v62, v57;
	v60 =	vld.idx.msk [tilespmem:v53+s2+$0x0], $0xffff  }
0x302: {  	v40 =	vmax.f32 v62, v57;
	v50 =	vmin.f32 v39, v49;
	v35 =	vmax.f32 v35, v54;
	v54 =	vld.idx.msk [tilespmem:v61+s2+$0x0], $0xffff  }
0x303: {  	v39 =	vmax.f32 v39, v49;
	v59 =	vmax.f32 v19, v58;
	v44 =	vmin.f32 v19, v58  }
0x304: {  	v51 =	vmin.f32 v40, v50;
	v62 =	vmax.f32 v37, v44;
	v37 =	vmin.f32 v37, v44  }
0x305: {  	v41 =	vmin.f32 v59, v51;
	v19 =	vmax.f32 v42, v37;
	v37 =	vmin.f32 v42, v37  }
0x306: {  	v53 =	vmax.f32 v59, v51;
	v57 =	vmax.f32 v62, v41;
	v63 =	vld.idx.msk [tilespmem:v56+s2+$0x0], $0xffff;
	v52 =	vadd.f32 v60, v1  }
0x307: {  	v41 =	vmin.f32 v62, v41;
	v35 =	vmax.f32 v35, v37;
	v42 =	vadd.f32 v54, v1  }
0x308: {  	v37 =	vmax.f32 v40, v50;
	v58 =	vmax.f32 v19, v41;
	v55 =	vand.u32 $0xFFFFFFC0, v52  }
0x309: {  	v41 =	vmin.f32 v19, v41;
	v51 =	vand.u32 $0xFFFFFFC0, v42;
	v43 =	vor.u32 $0x13, v55  }
0x30a: {  	v35 =	vmax.f32 v35, v41;
	v40 =	vor.u32 $0x12, v51;
	v59 =	vmin.f32 v36, v43  }
0x30b: {  	v36 =	vmax.f32 v36, v43;
	v43 =	vadd.f32 v63, v1;
	v60 =	vmin.f32 v38, v59  }
0x30c: {  	v38 =	vmax.f32 v38, v59;
	v55 =	vmin.f32 v36, v40;
	v36 =	vmax.f32 v36, v40  }
0x30d: {  	v61 =	vmin.f32 v39, v60;
	v39 =	vmax.f32 v39, v60;
	v56 =	vmin.f32 v38, v55  }
0x30e: {  	v43 =	vand.u32 $0xFFFFFFC0, v43;
	v62 =	vmax.f32 v37, v61;
	v37 =	vmin.f32 v37, v61  }
0x30f: {  	v19 =	vmax.f32 v53, v37;
	v37 =	vmin.f32 v53, v37;
	v53 =	vor.u32 $0x2F, v34  }
0x310: {  	v38 =	vmax.f32 v38, v55;
	v43 =	vor.u32 $0x11, v43;
	v61 =	vor.u32 $0x30, v34  }
0x311: {  	v63 =	vmin.f32 v36, v43;
	v36 =	vmax.f32 v36, v43;
	v52 =	vmin.f32 v57, v37  }
0x312: {  	v37 =	vmax.f32 v57, v37;
	v57 =	vmin.f32 v39, v56;
	v39 =	vmax.f32 v39, v56  }
0x313: {  	v49 =	vmin.f32 v38, v63;
	v38 =	vmax.f32 v38, v63;
	v56 =	vor.u32 $0x31, v34  }
0x314: {  	v54 =	vmin.f32 v58, v52;
	v42 =	vmax.f32 v58, v52;
	v58 =	vmin.f32 v62, v57;
	v60 =	vld.idx.msk [tilespmem:v53+s2+$0x0], $0xffff  }
0x315: {  	v40 =	vmax.f32 v62, v57;
	v50 =	vmin.f32 v39, v49;
	v35 =	vmax.f32 v35, v54;
	v54 =	vld.idx.msk [tilespmem:v61+s2+$0x0], $0xffff  }
0x316: {  	v39 =	vmax.f32 v39, v49;
	v59 =	vmax.f32 v19, v58;
	v44 =	vmin.f32 v19, v58  }
0x317: {  	v51 =	vmin.f32 v40, v50;
	v62 =	vmax.f32 v37, v44;
	v37 =	vmin.f32 v37, v44  }
0x318: {  	v41 =	vmin.f32 v59, v51;
	v19 =	vmax.f32 v42, v37;
	v37 =	vmin.f32 v42, v37  }
0x319: {  	v53 =	vmax.f32 v59, v51;
	v57 =	vmax.f32 v62, v41;
	v63 =	vld.idx.msk [tilespmem:v56+s2+$0x0], $0xffff;
	v52 =	vadd.f32 v60, v1  }
0x31a: {  	v41 =	vmin.f32 v62, v41;
	v35 =	vmax.f32 v35, v37;
	v42 =	vadd.f32 v54, v1  }
0x31b: {  	v37 =	vmax.f32 v40, v50;
	v58 =	vmax.f32 v19, v41;
	v55 =	vand.u32 $0xFFFFFFC0, v52  }
0x31c: {  	v41 =	vmin.f32 v19, v41;
	v51 =	vand.u32 $0xFFFFFFC0, v42;
	v43 =	vor.u32 $0x10, v55  }
0x31d: {  	v35 =	vmax.f32 v35, v41;
	v40 =	vor.u32 $0xF, v51;
	v59 =	vmin.f32 v36, v43  }
0x31e: {  	v36 =	vmax.f32 v36, v43;
	v43 =	vadd.f32 v63, v1;
	v60 =	vmin.f32 v38, v59  }
0x31f: {  	v38 =	vmax.f32 v38, v59;
	v55 =	vmin.f32 v36, v40;
	v36 =	vmax.f32 v36, v40  }
0x320: {  	v61 =	vmin.f32 v39, v60;
	v39 =	vmax.f32 v39, v60;
	v56 =	vmin.f32 v38, v55  }
0x321: {  	v43 =	vand.u32 $0xFFFFFFC0, v43;
	v62 =	vmax.f32 v37, v61;
	v37 =	vmin.f32 v37, v61  }
0x322: {  	v19 =	vmax.f32 v53, v37;
	v37 =	vmin.f32 v53, v37;
	v53 =	vor.u32 $0x32, v34  }
0x323: {  	v38 =	vmax.f32 v38, v55;
	v43 =	vor.u32 $0xE, v43;
	v61 =	vor.u32 $0x33, v34  }
0x324: {  	v63 =	vmin.f32 v36, v43;
	v36 =	vmax.f32 v36, v43;
	v52 =	vmin.f32 v57, v37  }
0x325: {  	v37 =	vmax.f32 v57, v37;
	v57 =	vmin.f32 v39, v56;
	v39 =	vmax.f32 v39, v56  }
0x326: {  	v49 =	vmin.f32 v38, v63;
	v38 =	vmax.f32 v38, v63;
	v56 =	vor.u32 $0x34, v34  }
0x327: {  	v54 =	vmin.f32 v58, v52;
	v42 =	vmax.f32 v58, v52;
	v58 =	vmin.f32 v62, v57;
	v60 =	vld.idx.msk [tilespmem:v53+s2+$0x0], $0xffff  }
0x328: {  	v40 =	vmax.f32 v62, v57;
	v50 =	vmin.f32 v39, v49;
	v35 =	vmax.f32 v35, v54;
	v54 =	vld.idx.msk [tilespmem:v61+s2+$0x0], $0xffff  }
0x329: {  	v39 =	vmax.f32 v39, v49;
	v59 =	vmax.f32 v19, v58;
	v44 =	vmin.f32 v19, v58  }
0x32a: {  	v51 =	vmin.f32 v40, v50;
	v62 =	vmax.f32 v37, v44;
	v37 =	vmin.f32 v37, v44  }
0x32b: {  	v41 =	vmin.f32 v59, v51;
	v19 =	vmax.f32 v42, v37;
	v37 =	vmin.f32 v42, v37  }
0x32c: {  	v53 =	vmax.f32 v59, v51;
	v57 =	vmax.f32 v62, v41;
	v63 =	vld.idx.msk [tilespmem:v56+s2+$0x0], $0xffff;
	v52 =	vadd.f32 v60, v1  }
0x32d: {  	v41 =	vmin.f32 v62, v41;
	v35 =	vmax.f32 v35, v37;
	v42 =	vadd.f32 v54, v1  }
0x32e: {  	v37 =	vmax.f32 v40, v50;
	v58 =	vmax.f32 v19, v41;
	v55 =	vand.u32 $0xFFFFFFC0, v52  }
0x32f: {  	v41 =	vmin.f32 v19, v41;
	v51 =	vand.u32 $0xFFFFFFC0, v42;
	v43 =	vor.u32 $0xD, v55  }
0x330: {  	v35 =	vmax.f32 v35, v41;
	v40 =	vor.u32 $0xC, v51;
	v59 =	vmin.f32 v36, v43  }
0x331: {  	v36 =	vmax.f32 v36, v43;
	v43 =	vadd.f32 v63, v1;
	v60 =	vmin.f32 v38, v59  }
0x332: {  	v38 =	vmax.f32 v38, v59;
	v55 =	vmin.f32 v36, v40;
	v36 =	vmax.f32 v36, v40  }
0x333: {  	v61 =	vmin.f32 v39, v60;
	v39 =	vmax.f32 v39, v60;
	v56 =	vmin.f32 v38, v55  }
0x334: {  	v43 =	vand.u32 $0xFFFFFFC0, v43;
	v62 =	vmax.f32 v37, v61;
	v37 =	vmin.f32 v37, v61  }
0x335: {  	v19 =	vmax.f32 v53, v37;
	v37 =	vmin.f32 v53, v37;
	v53 =	vor.u32 $0x35, v34  }
0x336: {  	v38 =	vmax.f32 v38, v55;
	v43 =	vor.u32 $0xB, v43;
	v61 =	vor.u32 $0x36, v34  }
0x337: {  	v63 =	vmin.f32 v36, v43;
	v36 =	vmax.f32 v36, v43;
	v52 =	vmin.f32 v57, v37  }
0x338: {  	v37 =	vmax.f32 v57, v37;
	v57 =	vmin.f32 v39, v56;
	v39 =	vmax.f32 v39, v56  }
0x339: {  	v49 =	vmin.f32 v38, v63;
	v38 =	vmax.f32 v38, v63;
	v56 =	vor.u32 $0x37, v34  }
0x33a: {  	v54 =	vmin.f32 v58, v52;
	v42 =	vmax.f32 v58, v52;
	v58 =	vmin.f32 v62, v57;
	v60 =	vld.idx.msk [tilespmem:v53+s2+$0x0], $0xffff  }
0x33b: {  	v40 =	vmax.f32 v62, v57;
	v50 =	vmin.f32 v39, v49;
	v35 =	vmax.f32 v35, v54;
	v54 =	vld.idx.msk [tilespmem:v61+s2+$0x0], $0xffff  }
0x33c: {  	v39 =	vmax.f32 v39, v49;
	v59 =	vmax.f32 v19, v58;
	v44 =	vmin.f32 v19, v58  }
0x33d: {  	v51 =	vmin.f32 v40, v50;
	v62 =	vmax.f32 v37, v44;
	v37 =	vmin.f32 v37, v44  }
0x33e: {  	v41 =	vmin.f32 v59, v51;
	v19 =	vmax.f32 v42, v37;
	v37 =	vmin.f32 v42, v37  }
0x33f: {  	v53 =	vmax.f32 v59, v51;
	v57 =	vmax.f32 v62, v41;
	v63 =	vld.idx.msk [tilespmem:v56+s2+$0x0], $0xffff;
	v52 =	vadd.f32 v60, v1  }
0x340: {  	v41 =	vmin.f32 v62, v41;
	v35 =	vmax.f32 v35, v37;
	v42 =	vadd.f32 v54, v1  }
0x341: {  	v37 =	vmax.f32 v40, v50;
	v58 =	vmax.f32 v19, v41;
	v55 =	vand.u32 $0xFFFFFFC0, v52  }
0x342: {  	v41 =	vmin.f32 v19, v41;
	v51 =	vand.u32 $0xFFFFFFC0, v42;
	v43 =	vor.u32 $0xA, v55  }
0x343: {  	v35 =	vmax.f32 v35, v41;
	v40 =	vor.u32 $0x9, v51;
	v59 =	vmin.f32 v36, v43  }
0x344: {  	v36 =	vmax.f32 v36, v43;
	v43 =	vadd.f32 v63, v1;
	v60 =	vmin.f32 v38, v59  }
0x345: {  	v38 =	vmax.f32 v38, v59;
	v55 =	vmin.f32 v36, v40;
	v36 =	vmax.f32 v36, v40  }
0x346: {  	v61 =	vmin.f32 v39, v60;
	v39 =	vmax.f32 v39, v60;
	v56 =	vmin.f32 v38, v55  }
0x347: {  	v43 =	vand.u32 $0xFFFFFFC0, v43;
	v62 =	vmax.f32 v37, v61;
	v37 =	vmin.f32 v37, v61  }
0x348: {  	v19 =	vmax.f32 v53, v37;
	v37 =	vmin.f32 v53, v37;
	v53 =	vor.u32 $0x38, v34  }
0x349: {  	v38 =	vmax.f32 v38, v55;
	v43 =	vor.u32 $0x8, v43;
	v61 =	vor.u32 $0x39, v34  }
0x34a: {  	v63 =	vmin.f32 v36, v43;
	v36 =	vmax.f32 v36, v43;
	v52 =	vmin.f32 v57, v37  }
0x34b: {  	v37 =	vmax.f32 v57, v37;
	v57 =	vmin.f32 v39, v56;
	v39 =	vmax.f32 v39, v56  }
0x34c: {  	v49 =	vmin.f32 v38, v63;
	v38 =	vmax.f32 v38, v63;
	v56 =	vor.u32 $0x3A, v34  }
0x34d: {  	v54 =	vmin.f32 v58, v52;
	v42 =	vmax.f32 v58, v52;
	v58 =	vmin.f32 v62, v57;
	v60 =	vld.idx.msk [tilespmem:v53+s2+$0x0], $0xffff  }
0x34e: {  	v40 =	vmax.f32 v62, v57;
	v50 =	vmin.f32 v39, v49;
	v35 =	vmax.f32 v35, v54;
	v54 =	vld.idx.msk [tilespmem:v61+s2+$0x0], $0xffff  }
0x34f: {  	v39 =	vmax.f32 v39, v49;
	v59 =	vmax.f32 v19, v58;
	v44 =	vmin.f32 v19, v58  }
0x350: {  	v51 =	vmin.f32 v40, v50;
	v62 =	vmax.f32 v37, v44;
	v37 =	vmin.f32 v37, v44  }
0x351: {  	v41 =	vmin.f32 v59, v51;
	v19 =	vmax.f32 v42, v37;
	v37 =	vmin.f32 v42, v37  }
0x352: {  	v53 =	vmax.f32 v59, v51;
	v57 =	vmax.f32 v62, v41;
	v63 =	vld.idx.msk [tilespmem:v56+s2+$0x0], $0xffff;
	v52 =	vadd.f32 v60, v1  }
0x353: {  	v41 =	vmin.f32 v62, v41;
	v35 =	vmax.f32 v35, v37;
	v42 =	vadd.f32 v54, v1  }
0x354: {  	v37 =	vmax.f32 v40, v50;
	v58 =	vmax.f32 v19, v41;
	v55 =	vand.u32 $0xFFFFFFC0, v52  }
0x355: {  	v41 =	vmin.f32 v19, v41;
	v51 =	vand.u32 $0xFFFFFFC0, v42;
	v43 =	vor.u32 $0x7, v55  }
0x356: {  	v35 =	vmax.f32 v35, v41;
	v40 =	vor.u32 $0x6, v51;
	v59 =	vmin.f32 v36, v43  }
0x357: {  	v36 =	vmax.f32 v36, v43;
	v43 =	vadd.f32 v63, v1;
	v60 =	vmin.f32 v38, v59  }
0x358: {  	v38 =	vmax.f32 v38, v59;
	v55 =	vmin.f32 v36, v40;
	v36 =	vmax.f32 v36, v40  }
0x359: {  	v61 =	vmin.f32 v39, v60;
	v39 =	vmax.f32 v39, v60;
	v56 =	vmin.f32 v38, v55  }
0x35a: {  	v38 =	vmax.f32 v38, v55;
	v43 =	vand.u32 $0xFFFFFFC0, v43;
	v62 =	vmax.f32 v37, v61  }
0x35b: {  	v37 =	vmin.f32 v37, v61;
	v43 =	vor.u32 $0x5, v43;
	v61 =	vor.u32 $0x3C, v34  }
0x35c: {  	v19 =	vmax.f32 v53, v37;
	v37 =	vmin.f32 v53, v37;
	v53 =	vor.u32 $0x3B, v34  }
0x35d: {  	v63 =	vmin.f32 v36, v43;
	v52 =	vmin.f32 v57, v37;
	v37 =	vmax.f32 v57, v37  }
0x35e: {  	v57 =	vmin.f32 v39, v56;
	v39 =	vmax.f32 v39, v56;
	v51 =	vmin.f32 v38, v63  }
0x35f: {  	v54 =	vmin.f32 v58, v52;
	v42 =	vmax.f32 v58, v52;
	v58 =	vmin.f32 v62, v57  }
0x360: {  	v59 =	vmax.f32 v19, v58;
	v44 =	vmin.f32 v19, v58;
	v58 =	vor.u32 $0x3D, v34  }
0x361: {  	v40 =	vmax.f32 v62, v57;
	v52 =	vmin.f32 v39, v51;
	v35 =	vmax.f32 v35, v54;
	v60 =	vld.idx.msk [tilespmem:v53+s2+$0x0], $0xffff  }
0x362: {  	v62 =	vmax.f32 v37, v44;
	v37 =	vmin.f32 v37, v44;
	v56 =	vld.idx.msk [tilespmem:v61+s2+$0x0], $0xffff;
	v53 =	vmin.f32 v40, v52  }
0x363: {  	v19 =	vmax.f32 v42, v37;
	v37 =	vmin.f32 v42, v37;
	v55 =	vmin.f32 v59, v53  }
0x364: {  	v35 =	vmax.f32 v35, v37;
	v37 =	vmax.f32 v40, v52;
	v40 =	vmin.f32 v62, v55  }
0x365: {  	v36 =	vmax.f32 v36, v43;
	v41 =	vmax.f32 v59, v53;
	v59 =	vmax.f32 v19, v40;
	v45 =	vld.idx.msk [tilespmem:v58+s2+$0x0], $0xffff  }
0x366: {  	v40 =	vmin.f32 v19, v40;
	v19 =	vor.u32 $0x3E, v34;
	v54 =	vadd.f32 v60, v1  }
0x367: {  	v38 =	vmax.f32 v38, v63;
	v34 =	vor.u32 $0x3F, v34;
	v42 =	vadd.f32 v56, v1  }
0x368: {  	v39 =	vmax.f32 v39, v51;
	v57 =	vmax.f32 v62, v55;
	v44 =	vand.u32 $0xFFFFFFC0, v54  }
0x369: {  	v35 =	vmax.f32 v35, v40;
	v42 =	vand.u32 $0xFFFFFFC0, v42;
	v44 =	vor.u32 $0x4, v44  }
0x36a: {  	v42 =	vor.u32 $0x3, v42;
	v45 =	vadd.f32 v45, v1;
	v60 =	vmin.f32 v36, v44  }
0x36b: {  	v58 =	vld.idx.msk [tilespmem:v19+s2+$0x0], $0xffff;
	v36 =	vmax.f32 v36, v44;
	v61 =	vmin.f32 v38, v60;
	v38 =	vmax.f32 v38, v60  }
0x36c: {  	v34 =	vld.idx.msk [tilespmem:v34+s2+$0x0], $0xffff;
	v54 =	vmin.f32 v36, v42;
	v36 =	vmax.f32 v36, v42;
	v60 =	vand.u32 $0xFFFFFFC0, v45  }
0x36d: {  	v62 =	vmin.f32 v39, v61;
	v39 =	vmax.f32 v39, v61;
	v55 =	vmin.f32 v38, v54  }
0x36e: {  	v38 =	vmax.f32 v38, v54;
	v63 =	vmax.f32 v37, v62;
	v37 =	vmin.f32 v37, v62  }
0x36f: {  	v56 =	vmin.f32 v39, v55;
	v39 =	vmax.f32 v39, v55;
	v44 =	vmin.f32 v41, v37  }
0x370: {  	v37 =	vmax.f32 v41, v37;
	v40 =	vmax.f32 v63, v56;
	v19 =	vadd.f32 v58, v1  }
0x371: {  	v34 =	vadd.f32 v34, v1;
	v52 =	vmin.f32 v57, v44;
	v43 =	vmax.f32 v57, v44  }
0x372: {  	v57 =	vmin.f32 v63, v56;
	v53 =	vmin.f32 v59, v52;
	v41 =	vmax.f32 v59, v52  }
0x373: {  	v59 =	vmax.f32 v37, v57;
	v37 =	vmin.f32 v37, v57;
	v49 =	vand.u32 $0xFFFFFFC0, v19  }
0x374: {  	v44 =	vmax.f32 v43, v37;
	v37 =	vmin.f32 v43, v37;
	v43 =	vor.u32 $0x2, v60  }
0x375: {  	v34 =	vand.u32 $0xFFFFFFC0, v34;
	v35 =	vmax.f32 v35, v53;
	v62 =	vmin.f32 v36, v43  }
0x376: {  	v61 =	vmin.f32 v41, v37;
	v37 =	vmax.f32 v41, v37;
	v63 =	vmin.f32 v38, v62  }
0x377: {  	v36 =	vmax.f32 v36, v43;
	v48 =	vmax.f32 v39, v63;
	v39 =	vmin.f32 v39, v63  }
0x378: {  	v43 =	vmax.f32 v40, v39;
	v39 =	vmin.f32 v40, v39;
	v40 =	vor.u32 $0x1, v49  }
0x379: {  	v35 =	vmax.f32 v35, v61;
	v38 =	vmax.f32 v38, v62;
	v51 =	vmin.f32 v36, v40  }
0x37a: {  	v50 =	vmax.f32 v59, v39;
	v39 =	vmin.f32 v59, v39;
	v53 =	vmin.f32 v38, v51  }
0x37b: {  	v36 =	vmax.f32 v36, v40;
	v42 =	vmax.f32 v44, v39;
	v54 =	vmin.f32 v48, v53  }
0x37c: {  	v39 =	vmin.f32 v44, v39;
	v38 =	vmax.f32 v38, v51;
	v55 =	vmin.f32 v43, v54  }
0x37d: {  	v52 =	vmax.f32 v37, v39;
	v37 =	vmin.f32 v37, v39;
	v56 =	vmin.f32 v50, v55  }
0x37e: {  	v39 =	vmax.f32 v48, v53;
	v35 =	vmax.f32 v35, v37;
	v41 =	vmin.f32 v42, v56  }
0x37f: {  	v57 =	vmax.f32 v42, v56;
	v42 =	vmax.f32 v52, v41;
	v41 =	vmin.f32 v52, v41  }
0x380: {  	v35 =	vmax.f32 v35, v41;
	v41 =	vmax.f32 v36, v34;
	v34 =	vmin.f32 v36, v34  }
0x381: {  	v37 =	vmax.f32 v43, v54;
	v36 =	vmax.f32 v38, v34;
	v34 =	vmin.f32 v38, v34  }
0x382: {  	v40 =	vmax.f32 v50, v55;
	v58 =	vand.u32 $0xFFFFFFC0, v41;
	v59 =	vmin.f32 v39, v34  }
0x383: {  	v38 =	vsub.f32 v58, v1;
	v60 =	vand.u32 $0xFFFFFFC0, v36;
	v34 =	vmax.f32 v39, v34  }
0x384: {  	v39 =	vmax.f32 v37, v59;
	v45 =	vsub.f32 v60, v1;
	v37 =	vmin.f32 v37, v59  }
0x385: {  	v61 =	vand.u32 $0xFFFFFFC0, v34;
	v38 =	vmul.f32 v38, v2;
	v62 =	vmin.f32 v40, v37  }
0x386: {  	v44 =	vsub.f32 v61, v1;
	v37 =	vmax.f32 v40, v37;
	v63 =	vand.u32 $0xFFFFFFC0, v39  }
0x387: {  	v45 =	vmul.f32 v45, v2;
	v40 =	vmax.f32 v57, v62;
	v38 =	vmul.f32 $1.442695020e+00, v38  }
0x388: {  	v43 =	vmin.f32 v57, v62;
	v19 =	vsub.f32 v63, v1;
	v44 =	vmul.f32 v44, v2  }
0x389: {  	v48 =	vand.u32 $0xFFFFFFC0, v37;
	v45 =	vmul.f32 $1.442695020e+00, v45;
	(erf) = vpow2.f32 v38  }
0x38a: {  	v49 =	vand.u32 $0xFFFFFFC0, v40;
	v53 =	vmax.f32 v42, v43;
	v44 =	vmul.f32 $1.442695020e+00, v44  }
0x38b: {  	v38 =	vmul.f32 v19, v2;
	(erf) = vpow2.f32 v45;
	v45 =	vsub.f32 v48, v1  }
0x38c: {  	v42 =	vmin.f32 v42, v43;
	v50 =	vsub.f32 v49, v1;
	(erf) = vpow2.f32 v44  }
0x38d: {  	v54 =	vand.u32 $0xFFFFFFC0, v53;
	v38 =	vmul.f32 $1.442695020e+00, v38;
	v51 =	vmul.f32 v45, v2  }
0x38e: {  	v42 =	vmax.f32 v35, v42;
	v56 =	vsub.f32 v54, v1;
	v52 =	vmul.f32 v50, v2  }
0x38f: {  	v59 =	vand.u32 $0xFFFFFFC0, v42;
	(erf) = vpow2.f32 v38;
	v55 =	vmul.f32 $1.442695020e+00, v51  }
0x390: {  	v35 =	vsub.f32 v59, v1;
	v60 =	vmul.f32 v56, v2  }
0x391: {  	v58 =	vmul.f32 $1.442695020e+00, v52;
	(erf) = vpow2.f32 v55  }
0x392: {  	[tilespmem:v32+s11+$0x0] =	vst.idx.msk $0xffff, v31;
	v57 =	vsub.s32 $0x3F2, v24;
	v35 =	vmul.f32 v35, v2;
	v44 =	vpop (erf)  }
0x393: {  	v33 =	vld.idx.msk [tilespmem:v33+s9+$0x0], $0xffff;
	v38 =	vmul.f32 $1.442695020e+00, v60;
	(erf) = vpow2.f32 v58;
	v62 =	vadd.f32 $0.0e+00, v44  }
0x394: {  	v61 =	vsub.s32 $0x3F2, v23;
	v31 =	vand.u32 $0x3F2, v57;
	v54 =	vpop (erf)  }
0x395: {  	v30 =	vld.idx.msk [tilespmem:v30+s9+$0x0], $0xffff;
	v35 =	vmul.f32 $1.442695020e+00, v35;
	(erf) = vpow2.f32 v38;
	v32 =	vadd.f32 v54, v62  }
0x396: {  	v43 =	vand.u32 $0x3F2, v61;
	v55 =	vpop (erf)  }
0x397: {  	v29 =	vld.idx.msk [tilespmem:v29+s9+$0x0], $0xffff;
	v63 =	vsub.s32 $0x3F2, v22;
	(erf) = vpow2.f32 v35;
	v32 =	vadd.f32 v55, v32  }
0x398: {  	v33 =	vmul.f32 v18, v33;
	v19 =	vand.u32 $0x3F2, v63;
	v56 =	vpop (erf)  }
0x399: {  	v31 =	vld.idx.msk [tilespmem:v31+s9+$0x0], $0xffff;
	v45 =	vsub.s32 $0x3F2, v21;
	v32 =	vadd.f32 v56, v32  }
0x39a: {  	v33 =	vadd.f32 $0.0e+00, v33;
	v30 =	vmul.f32 v16, v30;
	v35 =	vand.u32 $0x3F2, v45;
	v57 =	vpop (erf)  }
0x39b: {  	v47 =	vsub.s32 $0x3F2, v20;
	v43 =	vld.idx.msk [tilespmem:v43+s9+$0x0], $0xffff;
	v32 =	vadd.f32 v57, v32  }
0x39c: {  	v29 =	vmul.f32 v11, v29;
	v30 =	vadd.f32 v33, v30;
	v49 =	vand.u32 $0x3F2, v47;
	v58 =	vpop (erf)  }
0x39d: {  	v46 =	vld.idx.msk [tilespmem:v19+s9+$0x0], $0xffff;
	v32 =	vadd.f32 v58, v32  }
0x39e: {  	v29 =	vadd.f32 v30, v29;
	v48 =	vmul.f32 v8, v31;
	v59 =	vpop (erf)  }
0x39f: {  	v35 =	vld.idx.msk [tilespmem:v35+s9+$0x0], $0xffff;
	v32 =	vadd.f32 v59, v32  }
0x3a0: {  	v63 =	vsub.s32 $0x3F3, v27;
	v50 =	vmul.f32 v43, v6;
	v29 =	vadd.f32 v29, v48;
	v60 =	vpop (erf)  }
0x3a1: {  	v47 =	vsub.s32 $0x3F3, v26;
	v19 =	vand.u32 $0x3F3, v63;
	v31 =	vld.idx.msk [tilespmem:v49+s9+$0x0], $0xffff;
	v32 =	vadd.f32 v60, v32  }
0x3a2: {  	v49 =	vshll.u32 v39, $0x4;
	v51 =	vmul.f32 v46, v5;
	v29 =	vadd.f32 v29, v50  }
0x3a3: {  	v39 =	vand.u32 $0x3F3, v47;
	v50 =	vshll.u32 v41, $0x4;
	(erf) = vrcp.f32 v32  }
0x3a4: {  	v30 =	vadd.f32 v29, v51;
	v29 =	vand.u32 $0x3F0, v50;
	v52 =	vmul.f32 v35, v4  }
0x3a5: {  	v51 =	vshll.u32 v36, $0x4;
	v36 =	vor.u32 $0x2, v9;
	v62 =	vxor.u32 $0x3F0, v29  }
0x3a6: {  	v31 =	vmul.f32 v31, v3;
	v61 =	vadd.f32 v30, v52;
	v30 =	vand.u32 $0x3F0, v51  }
0x3a7: {  	v33 =	vand.u32 $0x3F0, v49;
	v52 =	vshll.u32 v34, $0x4;
	v38 =	vxor.u32 $0x3F0, v30  }
0x3a8: {  	v48 =	vsub.s32 $0x3F3, v25;
	v32 =	vadd.f32 v61, v31;
	v31 =	vand.u32 $0x3F0, v52  }
0x3a9: {  	v43 =	vand.u32 $0x3F3, v48;
	v48 =	vshll.u32 v40, $0x4;
	v41 =	vxor.u32 $0x3F0, v31  }
0x3aa: {  	v47 =	vshll.u32 v37, $0x4;
	v37 =	vld.idx.msk [tilespmem:v62+s9+$0x0], $0xffff;
	v61 =	vxor.u32 $0x3F0, v33;
	[tilespmem:v36+s11+$0x0] =	vst.idx.msk $0xffff, v32;
	v36 =	vand.u32 $0x3F0, v48  }
0x3ab: {  	v46 =	vshll.u32 v53, $0x4;
	v32 =	vld.idx.msk [tilespmem:v19+s9+$0x0], $0xffff;
	v53 =	vxor.u32 $0x3F0, v36  }
0x3ac: {  	v35 =	vand.u32 $0x3F0, v47;
	v0 =	vld.idx.msk [tilespmem:v38+s9+$0x0], $0xffff;
	v63 =	vpop (erf)  }
0x3ad: {  	v62 =	vxor.u32 $0x3F0, v35;
	v40 =	vmul.f32 v63, v44  }
0x3ae: {  	v45 =	vshll.u32 v42, $0x4;
	v34 =	vand.u32 $0x3F0, v46;
	v41 =	vld.idx.msk [tilespmem:v41+s9+$0x0], $0xffff  }
0x3af: {  	v19 =	vsub.s32 $0x3F3, v24;
	v61 =	vld.idx.msk [tilespmem:v61+s9+$0x0], $0xffff;
	v38 =	vmul.f32 v63, v54;
	v42 =	vmul.f32 v40, v37  }
0x3b0: {  	v2 =	vxor.u32 $0x3F0, v34;
	v32 =	vmul.f32 v32, v18;
	v53 =	vld.idx.msk [tilespmem:v53+s9+$0x0], $0xffff;
	v44 =	vand.u32 $0x3F3, v19  }
0x3b1: {  	v19 =	vld.idx.msk [tilespmem:v39+s9+$0x0], $0xffff;
	v37 =	vmul.f32 v63, v55;
	v0 =	vmul.f32 v38, v0;
	v42 =	vadd.f32 $0.0e+00, v42  }
0x3b2: {  	v62 =	vld.idx.msk [tilespmem:v62+s9+$0x0], $0xffff;
	v54 =	vand.u32 $0x3F0, v45;
	v56 =	vmul.f32 v63, v56;
	v32 =	vadd.f32 $0.0e+00, v32  }
0x3b3: {  	v43 =	vld.idx.msk [tilespmem:v43+s9+$0x0], $0xffff;
	v39 =	vxor.u32 $0x3F0, v54;
	v0 =	vadd.f32 v42, v0;
	v42 =	vmul.f32 v37, v41  }
0x3b4: {  	v57 =	vmul.f32 v63, v57;
	v58 =	vmul.f32 v63, v58;
	v55 =	vsub.s32 $0x3F3, v23  }
0x3b5: {  	v61 =	vmul.f32 v56, v61;
	v55 =	vand.u32 $0x3F3, v55;
	v44 =	vld.idx.msk [tilespmem:v44+s9+$0x0], $0xffff;
	v0 =	vadd.f32 v0, v42  }
0x3b6: {  	v2 =	vld.idx.msk [tilespmem:v2+s9+$0x0], $0xffff;
	v53 =	vmul.f32 v58, v53;
	v19 =	vmul.f32 v19, v16;
	v41 =	vsub.s32 $0x3F3, v22  }
0x3b7: {  	v41 =	vand.u32 $0x3F3, v41;
	v0 =	vadd.f32 v0, v61;
	v61 =	vmul.f32 v57, v62  }
0x3b8: {  	v39 =	vld.idx.msk [tilespmem:v39+s9+$0x0], $0xffff;
	v19 =	vadd.f32 v19, v32;
	v42 =	vsub.s32 $0x3F3, v21;
	v62 =	vmul.f32 v43, v11  }
0x3b9: {  	v42 =	vand.u32 $0x3F3, v42;
	v43 =	vmul.f32 v63, v59;
	v0 =	vadd.f32 v0, v61  }
0x3ba: {  	v19 =	vadd.f32 v62, v19;
	v61 =	vmul.f32 v44, v8;
	v62 =	vsub.s32 $0x3F3, v20  }
0x3bb: {  	v55 =	vld.idx.msk [tilespmem:v55+s9+$0x0], $0xffff;
	v44 =	vmul.f32 v63, v60;
	v2 =	vmul.f32 v43, v2;
	v0 =	vadd.f32 v0, v53  }
0x3bc: {  	v28 =	vshll.u32 v28, $0x4;
	v63 =	vsub.s32 $0x3F1, v50;
	v53 =	vand.u32 $0x3F3, v62  }
0x3bd: {  	v41 =	vld.idx.msk [tilespmem:v41+s9+$0x0], $0xffff;
	v59 =	vand.u32 $0x3F1, v63;
	v0 =	vadd.f32 v0, v2;
	v2 =	vmul.f32 v44, v39  }
0x3be: {  	v19 =	vadd.f32 v61, v19;
	v61 =	vsub.s32 $0x3F1, v51  }
0x3bf: {  	v42 =	vld.idx.msk [tilespmem:v42+s9+$0x0], $0xffff;
	v0 =	vadd.f32 v0, v2;
	v2 =	vand.u32 $0x3F1, v61  }
0x3c0: {  	v60 =	vmul.f32 v55, v6;
	v63 =	vsub.s32 $0x3F1, v52  }
0x3c1: {  	v53 =	vld.idx.msk [tilespmem:v53+s9+$0x0], $0xffff;
	[tilespmem:v28+s11+$0x0] =	vst.idx.msk $0xffff, v0;
	v0 =	vand.u32 $0x3F1, v63  }
0x3c2: {  	v19 =	vadd.f32 v60, v19;
	v62 =	vmul.f32 v41, v5;
	v39 =	vld.idx.msk [tilespmem:v59+s9+$0x0], $0xffff;
	v59 =	vsub.s32 $0x3F1, v49  }
0x3c3: {  	v41 =	vand.u32 $0x3F1, v59  }
0x3c4: {  	v60 =	vsub.s32 $0x3F1, v47;
	v19 =	vadd.f32 v62, v19;
	v55 =	vmul.f32 v42, v4;
	v2 =	vld.idx.msk [tilespmem:v2+s9+$0x0], $0xffff  }
0x3c5: {  	v32 =	vand.u32 $0x3F1, v60;
	v61 =	vor.u32 $0x3, v9  }
0x3c6: {  	v63 =	vsub.s32 $0x3F1, v48;
	v19 =	vadd.f32 v55, v19;
	v53 =	vmul.f32 v53, v3;
	v0 =	vld.idx.msk [tilespmem:v0+s9+$0x0], $0xffff  }
0x3c7: {  	v62 =	vsub.s32 $0x3F4, v27;
	v59 =	vand.u32 $0x3F1, v63;
	v39 =	vmul.f32 v40, v39  }
0x3c8: {  	v60 =	vsub.s32 $0x3F1, v46;
	v55 =	vand.u32 $0x3F4, v62;
	v19 =	vadd.f32 v53, v19;
	v41 =	vld.idx.msk [tilespmem:v41+s9+$0x0], $0xffff  }
0x3c9: {  	v53 =	vand.u32 $0x3F1, v60;
	v39 =	vadd.f32 $0.0e+00, v39;
	v2 =	vmul.f32 v38, v2  }
0x3ca: {  	v62 =	vsub.s32 $0x3F1, v45;
	v32 =	vld.idx.msk [tilespmem:v32+s9+$0x0], $0xffff  }
0x3cb: {  	v63 =	vand.u32 $0x3F1, v62;
	v2 =	vadd.f32 v39, v2;
	v0 =	vmul.f32 v37, v0  }
0x3cc: {  	v60 =	vld.idx.msk [tilespmem:v59+s9+$0x0], $0xffff;
	[tilespmem:v61+s11+$0x0] =	vst.idx.msk $0xffff, v19;
	v61 =	vsub.s32 $0x3F4, v26  }
0x3cd: {  	v55 =	vld.idx.msk [tilespmem:v55+s9+$0x0], $0xffff;
	v19 =	vand.u32 $0x3F4, v61;
	v0 =	vadd.f32 v2, v0;
	v2 =	vmul.f32 v56, v41  }
0x3ce: {  	v61 =	vsub.s32 $0x3F4, v25;
	v53 =	vld.idx.msk [tilespmem:v53+s9+$0x0], $0xffff  }
0x3cf: {  	v41 =	vand.u32 $0x3F4, v61;
	v0 =	vadd.f32 v0, v2;
	v2 =	vmul.f32 v57, v32  }
0x3d0: {  	v39 =	vld.idx.msk [tilespmem:v63+s9+$0x0], $0xffff  }
0x3d1: {  	v63 =	vsub.s32 $0x3F4, v24;
	v0 =	vadd.f32 v0, v2;
	v2 =	vmul.f32 v58, v60  }
0x3d2: {  	v59 =	vsub.s32 $0x3F4, v23;
	v42 =	vand.u32 $0x3F4, v63;
	v62 =	vmul.f32 v55, v18;
	v19 =	vld.idx.msk [tilespmem:v19+s9+$0x0], $0xffff  }
0x3d3: {  	v55 =	vand.u32 $0x3F4, v59;
	v0 =	vadd.f32 v0, v2;
	v2 =	vmul.f32 v43, v53  }
0x3d4: {  	v59 =	vor.u32 $0x1, v28;
	v60 =	vsub.s32 $0x3F2, v50;
	v41 =	vld.idx.msk [tilespmem:v41+s9+$0x0], $0xffff;
	v53 =	vsub.s32 $0x3F4, v22  }
0x3d5: {  	v0 =	vadd.f32 v0, v2;
	v2 =	vmul.f32 v44, v39;
	v39 =	vand.u32 $0x3F2, v60  }
0x3d6: {  	v32 =	vadd.f32 $0.0e+00, v62;
	v53 =	vand.u32 $0x3F4, v53;
	v60 =	vsub.s32 $0x3F2, v51  }
0x3d7: {  	v42 =	vld.idx.msk [tilespmem:v42+s9+$0x0], $0xffff;
	v19 =	vmul.f32 v19, v16;
	v0 =	vadd.f32 v0, v2;
	v2 =	vand.u32 $0x3F2, v60  }
0x3d8: {  	v61 =	vsub.s32 $0x3F4, v21;
	v55 =	vld.idx.msk [tilespmem:v55+s9+$0x0], $0xffff;
	v60 =	vsub.s32 $0x3F2, v52  }
0x3d9: {  	v19 =	vadd.f32 v19, v32;
	v41 =	vmul.f32 v41, v11;
	[tilespmem:v59+s11+$0x0] =	vst.idx.msk $0xffff, v0;
	v0 =	vand.u32 $0x3F2, v60  }
0x3da: {  	v32 =	vand.u32 $0x3F4, v61;
	v60 =	vsub.s32 $0x3F2, v49;
	v39 =	vld.idx.msk [tilespmem:v39+s9+$0x0], $0xffff  }
0x3db: {  	v61 =	vsub.s32 $0x3F4, v20;
	v19 =	vadd.f32 v41, v19;
	v41 =	vld.idx.msk [tilespmem:v53+s9+$0x0], $0xffff;
	v59 =	vand.u32 $0x3F2, v60  }
0x3dc: {  	v42 =	vmul.f32 v42, v8;
	v53 =	vand.u32 $0x3F4, v61;
	v60 =	vsub.s32 $0x3F2, v47;
	v2 =	vld.idx.msk [tilespmem:v2+s9+$0x0], $0xffff  }
0x3dd: {  	v60 =	vand.u32 $0x3F2, v60  }
0x3de: {  	v63 =	vsub.s32 $0x3F2, v48;
	v62 =	vmul.f32 v55, v6;
	v19 =	vadd.f32 v42, v19;
	v0 =	vld.idx.msk [tilespmem:v0+s9+$0x0], $0xffff  }
0x3df: {  	v55 =	vand.u32 $0x3F2, v63;
	v32 =	vld.idx.msk [tilespmem:v32+s9+$0x0], $0xffff;
	v39 =	vmul.f32 v40, v39  }
0x3e0: {  	v61 =	vsub.s32 $0x3F2, v46;
	v19 =	vadd.f32 v62, v19;
	v41 =	vmul.f32 v41, v5;
	v42 =	vld.idx.msk [tilespmem:v59+s9+$0x0], $0xffff  }
0x3e1: {  	v53 =	vld.idx.msk [tilespmem:v53+s9+$0x0], $0xffff;
	v59 =	vand.u32 $0x3F2, v61;
	v39 =	vadd.f32 $0.0e+00, v39;
	v2 =	vmul.f32 v38, v2  }
0x3e2: {  	v19 =	vadd.f32 v41, v19;
	v41 =	vld.idx.msk [tilespmem:v60+s9+$0x0], $0xffff;
	v60 =	vsub.s32 $0x3F2, v45  }
0x3e3: {  	v62 =	vand.u32 $0x3F2, v60;
	v2 =	vadd.f32 v39, v2;
	v0 =	vmul.f32 v37, v0  }
0x3e4: {  	v55 =	vld.idx.msk [tilespmem:v55+s9+$0x0], $0xffff;
	v32 =	vmul.f32 v32, v4  }
0x3e5: {  	v61 =	vsub.s32 $0x3F5, v27;
	v0 =	vadd.f32 v2, v0;
	v2 =	vmul.f32 v56, v42  }
0x3e6: {  	v60 =	vor.u32 $0x4, v9;
	v19 =	vadd.f32 v32, v19;
	v63 =	vmul.f32 v53, v3;
	v59 =	vld.idx.msk [tilespmem:v59+s9+$0x0], $0xffff  }
0x3e7: {  	v53 =	vand.u32 $0x3F5, v61;
	v0 =	vadd.f32 v0, v2;
	v2 =	vmul.f32 v41, v57  }
0x3e8: {  	v19 =	vadd.f32 v63, v19;
	v62 =	vld.idx.msk [tilespmem:v62+s9+$0x0], $0xffff  }
0x3e9: {  	v63 =	vsub.s32 $0x3F5, v26;
	v0 =	vadd.f32 v0, v2;
	v2 =	vmul.f32 v55, v58  }
0x3ea: {  	v39 =	vand.u32 $0x3F5, v63  }
0x3eb: {  	[tilespmem:v60+s11+$0x0] =	vst.idx.msk $0xffff, v19;
	v0 =	vadd.f32 v0, v2;
	v2 =	vmul.f32 v59, v43  }
0x3ec: {  	v61 =	vsub.s32 $0x3F3, v50;
	v42 =	vor.u32 $0x2, v28;
	v60 =	vsub.s32 $0x3F5, v25;
	v19 =	vld.idx.msk [tilespmem:v53+s9+$0x0], $0xffff  }
0x3ed: {  	v0 =	vadd.f32 v0, v2;
	v2 =	vmul.f32 v62, v44;
	v62 =	vand.u32 $0x3F3, v61  }
0x3ee: {  	v63 =	vsub.s32 $0x3F3, v51;
	v41 =	vand.u32 $0x3F5, v60  }
0x3ef: {  	v39 =	vld.idx.msk [tilespmem:v39+s9+$0x0], $0xffff;
	v59 =	vsub.s32 $0x3F5, v24;
	v0 =	vadd.f32 v0, v2;
	v2 =	vand.u32 $0x3F3, v63  }
0x3f0: {  	v60 =	vsub.s32 $0x3F3, v52;
	v53 =	vand.u32 $0x3F5, v59  }
0x3f1: {  	v19 =	vmul.f32 v19, v18;
	v61 =	vsub.s32 $0x3F5, v23;
	[tilespmem:v42+s11+$0x0] =	vst.idx.msk $0xffff, v0;
	v0 =	vand.u32 $0x3F3, v60  }
0x3f2: {  	v42 =	vand.u32 $0x3F5, v61;
	v32 =	vld.idx.msk [tilespmem:v62+s9+$0x0], $0xffff;
	v62 =	vsub.s32 $0x3F3, v49  }
0x3f3: {  	v41 =	vld.idx.msk [tilespmem:v41+s9+$0x0], $0xffff;
	v19 =	vadd.f32 $0.0e+00, v19;
	v63 =	vsub.s32 $0x3F5, v22;
	v55 =	vand.u32 $0x3F3, v62  }
0x3f4: {  	v39 =	vmul.f32 v39, v16;
	v59 =	vand.u32 $0x3F5, v63;
	v60 =	vsub.s32 $0x3F3, v47;
	v2 =	vld.idx.msk [tilespmem:v2+s9+$0x0], $0xffff  }
0x3f5: {  	v53 =	vld.idx.msk [tilespmem:v53+s9+$0x0], $0xffff;
	v61 =	vsub.s32 $0x3F5, v21;
	v60 =	vand.u32 $0x3F3, v60  }
0x3f6: {  	v19 =	vadd.f32 v39, v19;
	v39 =	vand.u32 $0x3F5, v61;
	v61 =	vsub.s32 $0x3F3, v48;
	v0 =	vld.idx.msk [tilespmem:v0+s9+$0x0], $0xffff  }
0x3f7: {  	v62 =	vsub.s32 $0x3F5, v20;
	v61 =	vand.u32 $0x3F3, v61;
	v42 =	vld.idx.msk [tilespmem:v42+s9+$0x0], $0xffff;
	v32 =	vmul.f32 v32, v40  }
0x3f8: {  	v63 =	vsub.s32 $0x3F3, v46;
	v41 =	vmul.f32 v41, v11;
	v62 =	vand.u32 $0x3F5, v62;
	v55 =	vld.idx.msk [tilespmem:v55+s9+$0x0], $0xffff  }
0x3f9: {  	v63 =	vand.u32 $0x3F3, v63;
	v59 =	vld.idx.msk [tilespmem:v59+s9+$0x0], $0xffff;
	v32 =	vadd.f32 $0.0e+00, v32;
	v2 =	vmul.f32 v2, v38  }
0x3fa: {  	v19 =	vadd.f32 v41, v19;
	v41 =	vmul.f32 v53, v8;
	v53 =	vld.idx.msk [tilespmem:v60+s9+$0x0], $0xffff;
	v60 =	vsub.s32 $0x3F3, v45  }
0x3fb: {  	v39 =	vld.idx.msk [tilespmem:v39+s9+$0x0], $0xffff;
	v2 =	vadd.f32 v2, v32;
	v0 =	vmul.f32 v0, v37;
	v32 =	vand.u32 $0x3F3, v60  }
0x3fc: {  	v19 =	vadd.f32 v41, v19;
	v41 =	vmul.f32 v42, v6;
	v42 =	vld.idx.msk [tilespmem:v61+s9+$0x0], $0xffff  }
0x3fd: {  	v60 =	vld.idx.msk [tilespmem:v62+s9+$0x0], $0xffff;
	v0 =	vadd.f32 v0, v2;
	v2 =	vmul.f32 v55, v56  }
0x3fe: {  	v61 =	vld.idx.msk [tilespmem:v63+s9+$0x0], $0xffff  }
0x3ff: {  	v0 =	vadd.f32 v2, v0;
	v2 =	vmul.f32 v53, v57  }
0x400: {  	v59 =	vmul.f32 v59, v5;
	v63 =	vor.u32 $0x5, v9;
	v19 =	vadd.f32 v41, v19;
	v32 =	vld.idx.msk [tilespmem:v32+s9+$0x0], $0xffff  }
0x401: {  	v39 =	vmul.f32 v39, v4;
	v0 =	vadd.f32 v2, v0;
	v2 =	vmul.f32 v42, v58  }
0x402: {  	v19 =	vadd.f32 v59, v19;
	v59 =	vsub.s32 $0x3F6, v27;
	v53 =	vor.u32 $0x3, v28  }
0x403: {  	v62 =	vmul.f32 v60, v3;
	v0 =	vadd.f32 v2, v0;
	v2 =	vmul.f32 v61, v43  }
0x404: {  	v60 =	vsub.s32 $0x3F4, v50;
	v19 =	vadd.f32 v39, v19;
	v42 =	vand.u32 $0x3F6, v59  }
0x405: {  	v0 =	vadd.f32 v2, v0;
	v2 =	vmul.f32 v32, v44;
	v32 =	vand.u32 $0x3F4, v60  }
0x406: {  	v19 =	vadd.f32 v62, v19;
	v61 =	vsub.s32 $0x3F4, v51  }
0x407: {  	v62 =	vsub.s32 $0x3F6, v26;
	v0 =	vadd.f32 v2, v0;
	v2 =	vand.u32 $0x3F4, v61  }
0x408: {  	[tilespmem:v63+s11+$0x0] =	vst.idx.msk $0xffff, v19;
	v63 =	vand.u32 $0x3F6, v62  }
0x409: {  	v59 =	vld.idx.msk [tilespmem:v42+s9+$0x0], $0xffff;
	[tilespmem:v53+s11+$0x0] =	vst.idx.msk $0xffff, v0;
	v0 =	vsub.s32 $0x3F4, v52  }
0x40a: {  	v60 =	vsub.s32 $0x3F6, v25;
	v32 =	vld.idx.msk [tilespmem:v32+s9+$0x0], $0xffff;
	v0 =	vand.u32 $0x3F4, v0  }
0x40b: {  	v41 =	vand.u32 $0x3F6, v60;
	v61 =	vsub.s32 $0x3F4, v49  }
0x40c: {  	v62 =	vsub.s32 $0x3F6, v24;
	v42 =	vand.u32 $0x3F4, v61;
	v2 =	vld.idx.msk [tilespmem:v2+s9+$0x0], $0xffff  }
0x40d: {  	v53 =	vand.u32 $0x3F6, v62;
	v19 =	vld.idx.msk [tilespmem:v63+s9+$0x0], $0xffff;
	v63 =	vsub.s32 $0x3F4, v47  }
0x40e: {  	v60 =	vsub.s32 $0x3F6, v23;
	v39 =	vmul.f32 v59, v18;
	v55 =	vand.u32 $0x3F4, v63  }
0x40f: {  	v59 =	vand.u32 $0x3F6, v60;
	v60 =	vsub.s32 $0x3F4, v48;
	v32 =	vmul.f32 v32, v40;
	v0 =	vld.idx.msk [tilespmem:v0+s9+$0x0], $0xffff  }
0x410: {  	v61 =	vsub.s32 $0x3F4, v46;
	v41 =	vld.idx.msk [tilespmem:v41+s9+$0x0], $0xffff;
	v60 =	vand.u32 $0x3F4, v60  }
0x411: {  	v62 =	vsub.s32 $0x3F6, v22;
	v42 =	vld.idx.msk [tilespmem:v42+s9+$0x0], $0xffff;
	v32 =	vadd.f32 $0.0e+00, v32;
	v2 =	vmul.f32 v2, v38  }
0x412: {  	v61 =	vand.u32 $0x3F4, v61;
	v62 =	vand.u32 $0x3F6, v62;
	v39 =	vadd.f32 $0.0e+00, v39;
	v53 =	vld.idx.msk [tilespmem:v53+s9+$0x0], $0xffff  }
0x413: {  	v19 =	vmul.f32 v19, v16;
	v2 =	vadd.f32 v2, v32;
	v32 =	vld.idx.msk [tilespmem:v55+s9+$0x0], $0xffff;
	v55 =	vsub.s32 $0x3F4, v45  }
0x414: {  	v0 =	vmul.f32 v0, v37;
	v55 =	vand.u32 $0x3F4, v55  }
0x415: {  	v19 =	vadd.f32 v19, v39;
	v39 =	vmul.f32 v41, v11;
	v60 =	vld.idx.msk [tilespmem:v60+s9+$0x0], $0xffff  }
0x416: {  	v63 =	vsub.s32 $0x3F6, v21;
	v59 =	vld.idx.msk [tilespmem:v59+s9+$0x0], $0xffff;
	v0 =	vadd.f32 v0, v2;
	v2 =	vmul.f32 v42, v56  }
0x417: {  	v41 =	vand.u32 $0x3F6, v63;
	v19 =	vadd.f32 v39, v19;
	v39 =	vmul.f32 v53, v8;
	v42 =	vld.idx.msk [tilespmem:v61+s9+$0x0], $0xffff  }
0x418: {  	v53 =	vld.idx.msk [tilespmem:v62+s9+$0x0], $0xffff;
	v61 =	vsub.s32 $0x3F6, v20;
	v0 =	vadd.f32 v2, v0;
	v2 =	vmul.f32 v32, v57  }
0x419: {  	v19 =	vadd.f32 v39, v19;
	v32 =	vand.u32 $0x3F6, v61;
	v39 =	vld.idx.msk [tilespmem:v55+s9+$0x0], $0xffff  }
0x41a: {  	v0 =	vadd.f32 v2, v0;
	v2 =	vmul.f32 v60, v58;
	_ =	sdelay $0x1  }
0x41b: {  	v63 =	vsub.s32 $0x3F5, v50;
	v41 =	vld.idx.msk [tilespmem:v41+s9+$0x0], $0xffff;
	v0 =	vadd.f32 v2, v0;
	v2 =	vmul.f32 v42, v43  }
0x41c: {  	v61 =	vmul.f32 v59, v6;
	v62 =	vmul.f32 v53, v5;
	v53 =	vor.u32 $0x4, v28  }
0x41d: {  	v59 =	vand.u32 $0x3F5, v63;
	v32 =	vld.idx.msk [tilespmem:v32+s9+$0x0], $0xffff;
	v0 =	vadd.f32 v2, v0;
	v2 =	vmul.f32 v39, v44  }
0x41e: {  	v19 =	vadd.f32 v61, v19;
	v60 =	vsub.s32 $0x3F5, v51  }
0x41f: {  	v63 =	vsub.s32 $0x3F5, v49;
	v0 =	vadd.f32 v2, v0;
	v2 =	vand.u32 $0x3F5, v60  }
0x420: {  	v61 =	vsub.s32 $0x3F5, v52;
	v41 =	vmul.f32 v41, v4;
	v19 =	vadd.f32 v62, v19  }
0x421: {  	v42 =	vor.u32 $0x6, v9;
	v62 =	vsub.s32 $0x3F7, v27;
	[tilespmem:v53+s11+$0x0] =	vst.idx.msk $0xffff, v0;
	v0 =	vand.u32 $0x3F5, v61  }
0x422: {  	v19 =	vadd.f32 v41, v19;
	v41 =	vand.u32 $0x3F7, v62;
	v32 =	vmul.f32 v32, v3;
	v39 =	vld.idx.msk [tilespmem:v59+s9+$0x0], $0xffff  }
0x423: {  	v53 =	vand.u32 $0x3F5, v63;
	v59 =	vsub.s32 $0x3F7, v26  }
0x424: {  	v60 =	vsub.s32 $0x3F5, v47;
	v19 =	vadd.f32 v32, v19;
	v32 =	vand.u32 $0x3F7, v59;
	v2 =	vld.idx.msk [tilespmem:v2+s9+$0x0], $0xffff  }
0x425: {  	v55 =	vand.u32 $0x3F5, v60;
	v61 =	vsub.s32 $0x3F7, v25  }
0x426: {  	v62 =	vsub.s32 $0x3F5, v48;
	[tilespmem:v42+s11+$0x0] =	vst.idx.msk $0xffff, v19;
	v19 =	vand.u32 $0x3F7, v61;
	v0 =	vld.idx.msk [tilespmem:v0+s9+$0x0], $0xffff  }
0x427: {  	v63 =	vsub.s32 $0x3F7, v24;
	v42 =	vand.u32 $0x3F5, v62;
	v41 =	vld.idx.msk [tilespmem:v41+s9+$0x0], $0xffff;
	v39 =	vmul.f32 v39, v40  }
0x428: {  	v60 =	vsub.s32 $0x3F5, v46;
	v59 =	vand.u32 $0x3F7, v63;
	v53 =	vld.idx.msk [tilespmem:v53+s9+$0x0], $0xffff  }
0x429: {  	v60 =	vand.u32 $0x3F5, v60;
	v32 =	vld.idx.msk [tilespmem:v32+s9+$0x0], $0xffff;
	v39 =	vadd.f32 $0.0e+00, v39;
	v2 =	vmul.f32 v2, v38  }
0x42a: {  	v55 =	vld.idx.msk [tilespmem:v55+s9+$0x0], $0xffff;
	v62 =	vsub.s32 $0x3F5, v45  }
0x42b: {  	v19 =	vld.idx.msk [tilespmem:v19+s9+$0x0], $0xffff;
	v2 =	vadd.f32 v2, v39;
	v0 =	vmul.f32 v0, v37;
	v39 =	vand.u32 $0x3F5, v62  }
0x42c: {  	v61 =	vsub.s32 $0x3F7, v23;
	v42 =	vld.idx.msk [tilespmem:v42+s9+$0x0], $0xffff;
	v41 =	vmul.f32 v41, v18  }
0x42d: {  	v61 =	vand.u32 $0x3F7, v61;
	v59 =	vld.idx.msk [tilespmem:v59+s9+$0x0], $0xffff;
	v0 =	vadd.f32 v0, v2;
	v2 =	vmul.f32 v53, v56  }
0x42e: {  	v60 =	vld.idx.msk [tilespmem:v60+s9+$0x0], $0xffff;
	v62 =	vsub.s32 $0x3F7, v22;
	v41 =	vadd.f32 $0.0e+00, v41;
	v32 =	vmul.f32 v32, v16  }
0x42f: {  	v53 =	vand.u32 $0x3F7, v62;
	v0 =	vadd.f32 v2, v0;
	v2 =	vmul.f32 v55, v57  }
0x430: {  	v62 =	vsub.s32 $0x3F7, v21;
	v32 =	vadd.f32 v32, v41;
	v19 =	vmul.f32 v19, v11;
	v39 =	vld.idx.msk [tilespmem:v39+s9+$0x0], $0xffff  }
0x431: {  	v41 =	vand.u32 $0x3F7, v62;
	v0 =	vadd.f32 v2, v0;
	v2 =	vmul.f32 v42, v58  }
0x432: {  	v19 =	vadd.f32 v19, v32;
	v32 =	vmul.f32 v59, v8  }
0x433: {  	v55 =	vld.idx.msk [tilespmem:v61+s9+$0x0], $0xffff;
	v59 =	vsub.s32 $0x3F7, v20;
	v0 =	vadd.f32 v2, v0;
	v2 =	vmul.f32 v60, v43  }
0x434: {  	v42 =	vld.idx.msk [tilespmem:v53+s9+$0x0], $0xffff;
	v53 =	vand.u32 $0x3F7, v59;
	v59 =	vor.u32 $0x5, v28;
	v60 =	vsub.s32 $0x3F6, v50  }
0x435: {  	v0 =	vadd.f32 v2, v0;
	v2 =	vmul.f32 v39, v44;
	v39 =	vand.u32 $0x3F6, v60  }
0x436: {  	v61 =	vsub.s32 $0x3F6, v51;
	v41 =	vld.idx.msk [tilespmem:v41+s9+$0x0], $0xffff  }
0x437: {  	v0 =	vadd.f32 v2, v0;
	v2 =	vand.u32 $0x3F6, v61  }
0x438: {  	v63 =	vsub.s32 $0x3F6, v52;
	v19 =	vadd.f32 v32, v19;
	v60 =	vmul.f32 v55, v6  }
0x439: {  	v53 =	vld.idx.msk [tilespmem:v53+s9+$0x0], $0xffff;
	[tilespmem:v59+s11+$0x0] =	vst.idx.msk $0xffff, v0;
	v0 =	vand.u32 $0x3F6, v63  }
0x43a: {  	v19 =	vadd.f32 v60, v19;
	v62 =	vmul.f32 v42, v5;
	v59 =	vsub.s32 $0x3F6, v49;
	v39 =	vld.idx.msk [tilespmem:v39+s9+$0x0], $0xffff  }
0x43b: {  	v55 =	vmul.f32 v41, v4;
	v41 =	vand.u32 $0x3F6, v59  }
0x43c: {  	v60 =	vsub.s32 $0x3F6, v47;
	v19 =	vadd.f32 v62, v19;
	v2 =	vld.idx.msk [tilespmem:v2+s9+$0x0], $0xffff  }
0x43d: {  	v61 =	vor.u32 $0x7, v9;
	v32 =	vand.u32 $0x3F6, v60  }
0x43e: {  	v63 =	vsub.s32 $0x3F6, v48;
	v19 =	vadd.f32 v55, v19;
	v53 =	vmul.f32 v53, v3;
	v0 =	vld.idx.msk [tilespmem:v0+s9+$0x0], $0xffff  }
0x43f: {  	v62 =	vsub.s32 $0x3F8, v27;
	v59 =	vand.u32 $0x3F6, v63;
	v39 =	vmul.f32 v39, v40  }
0x440: {  	v60 =	vsub.s32 $0x3F6, v46;
	v55 =	vand.u32 $0x3F8, v62;
	v19 =	vadd.f32 v53, v19;
	v41 =	vld.idx.msk [tilespmem:v41+s9+$0x0], $0xffff  }
0x441: {  	v53 =	vand.u32 $0x3F6, v60;
	v39 =	vadd.f32 $0.0e+00, v39;
	v2 =	vmul.f32 v2, v38  }
0x442: {  	v62 =	vsub.s32 $0x3F6, v45;
	v32 =	vld.idx.msk [tilespmem:v32+s9+$0x0], $0xffff  }
0x443: {  	v63 =	vand.u32 $0x3F6, v62;
	v2 =	vadd.f32 v2, v39;
	v0 =	vmul.f32 v0, v37  }
0x444: {  	v60 =	vld.idx.msk [tilespmem:v59+s9+$0x0], $0xffff;
	[tilespmem:v61+s11+$0x0] =	vst.idx.msk $0xffff, v19;
	v61 =	vsub.s32 $0x3F8, v26  }
0x445: {  	v55 =	vld.idx.msk [tilespmem:v55+s9+$0x0], $0xffff;
	v19 =	vand.u32 $0x3F8, v61;
	v0 =	vadd.f32 v0, v2;
	v2 =	vmul.f32 v41, v56  }
0x446: {  	v61 =	vsub.s32 $0x3F8, v25;
	v53 =	vld.idx.msk [tilespmem:v53+s9+$0x0], $0xffff  }
0x447: {  	v41 =	vand.u32 $0x3F8, v61;
	v0 =	vadd.f32 v2, v0;
	v2 =	vmul.f32 v32, v57  }
0x448: {  	v39 =	vld.idx.msk [tilespmem:v63+s9+$0x0], $0xffff  }
0x449: {  	v63 =	vsub.s32 $0x3F8, v24;
	v0 =	vadd.f32 v2, v0;
	v2 =	vmul.f32 v60, v58  }
0x44a: {  	v59 =	vsub.s32 $0x3F8, v23;
	v42 =	vand.u32 $0x3F8, v63;
	v62 =	vmul.f32 v55, v18;
	v19 =	vld.idx.msk [tilespmem:v19+s9+$0x0], $0xffff  }
0x44b: {  	v55 =	vand.u32 $0x3F8, v59;
	v0 =	vadd.f32 v2, v0;
	v2 =	vmul.f32 v53, v43  }
0x44c: {  	v59 =	vor.u32 $0x6, v28;
	v60 =	vsub.s32 $0x3F7, v50;
	v41 =	vld.idx.msk [tilespmem:v41+s9+$0x0], $0xffff;
	v53 =	vsub.s32 $0x3F8, v22  }
0x44d: {  	v0 =	vadd.f32 v2, v0;
	v2 =	vmul.f32 v39, v44;
	v39 =	vand.u32 $0x3F7, v60  }
0x44e: {  	v32 =	vadd.f32 $0.0e+00, v62;
	v53 =	vand.u32 $0x3F8, v53;
	v60 =	vsub.s32 $0x3F7, v51  }
0x44f: {  	v42 =	vld.idx.msk [tilespmem:v42+s9+$0x0], $0xffff;
	v19 =	vmul.f32 v19, v16;
	v0 =	vadd.f32 v2, v0;
	v2 =	vand.u32 $0x3F7, v60  }
0x450: {  	v61 =	vsub.s32 $0x3F8, v21;
	v55 =	vld.idx.msk [tilespmem:v55+s9+$0x0], $0xffff;
	v60 =	vsub.s32 $0x3F7, v52  }
0x451: {  	v19 =	vadd.f32 v19, v32;
	v41 =	vmul.f32 v41, v11;
	[tilespmem:v59+s11+$0x0] =	vst.idx.msk $0xffff, v0;
	v0 =	vand.u32 $0x3F7, v60  }
0x452: {  	v32 =	vand.u32 $0x3F8, v61;
	v60 =	vsub.s32 $0x3F7, v49;
	v39 =	vld.idx.msk [tilespmem:v39+s9+$0x0], $0xffff  }
0x453: {  	v61 =	vsub.s32 $0x3F8, v20;
	v19 =	vadd.f32 v41, v19;
	v41 =	vld.idx.msk [tilespmem:v53+s9+$0x0], $0xffff;
	v59 =	vand.u32 $0x3F7, v60  }
0x454: {  	v42 =	vmul.f32 v42, v8;
	v53 =	vand.u32 $0x3F8, v61;
	v60 =	vsub.s32 $0x3F7, v47;
	v2 =	vld.idx.msk [tilespmem:v2+s9+$0x0], $0xffff  }
0x455: {  	v60 =	vand.u32 $0x3F7, v60  }
0x456: {  	v63 =	vsub.s32 $0x3F7, v48;
	v62 =	vmul.f32 v55, v6;
	v19 =	vadd.f32 v42, v19;
	v0 =	vld.idx.msk [tilespmem:v0+s9+$0x0], $0xffff  }
0x457: {  	v55 =	vand.u32 $0x3F7, v63;
	v32 =	vld.idx.msk [tilespmem:v32+s9+$0x0], $0xffff;
	v39 =	vmul.f32 v39, v40  }
0x458: {  	v61 =	vsub.s32 $0x3F7, v46;
	v19 =	vadd.f32 v62, v19;
	v41 =	vmul.f32 v41, v5;
	v42 =	vld.idx.msk [tilespmem:v59+s9+$0x0], $0xffff  }
0x459: {  	v53 =	vld.idx.msk [tilespmem:v53+s9+$0x0], $0xffff;
	v59 =	vand.u32 $0x3F7, v61;
	v39 =	vadd.f32 $0.0e+00, v39;
	v2 =	vmul.f32 v2, v38  }
0x45a: {  	v19 =	vadd.f32 v41, v19;
	v41 =	vld.idx.msk [tilespmem:v60+s9+$0x0], $0xffff;
	v60 =	vsub.s32 $0x3F7, v45  }
0x45b: {  	v62 =	vand.u32 $0x3F7, v60;
	v2 =	vadd.f32 v2, v39;
	v0 =	vmul.f32 v0, v37  }
0x45c: {  	v55 =	vld.idx.msk [tilespmem:v55+s9+$0x0], $0xffff;
	v32 =	vmul.f32 v32, v4  }
0x45d: {  	v61 =	vsub.s32 $0x3F9, v27;
	v0 =	vadd.f32 v0, v2;
	v2 =	vmul.f32 v42, v56  }
0x45e: {  	v60 =	vor.u32 $0x8, v9;
	v19 =	vadd.f32 v32, v19;
	v63 =	vmul.f32 v53, v3;
	v59 =	vld.idx.msk [tilespmem:v59+s9+$0x0], $0xffff  }
0x45f: {  	v53 =	vand.u32 $0x3F9, v61;
	v0 =	vadd.f32 v2, v0;
	v2 =	vmul.f32 v41, v57  }
0x460: {  	v19 =	vadd.f32 v63, v19;
	v62 =	vld.idx.msk [tilespmem:v62+s9+$0x0], $0xffff  }
0x461: {  	v63 =	vsub.s32 $0x3F9, v26;
	v0 =	vadd.f32 v2, v0;
	v2 =	vmul.f32 v55, v58  }
0x462: {  	v39 =	vand.u32 $0x3F9, v63  }
0x463: {  	[tilespmem:v60+s11+$0x0] =	vst.idx.msk $0xffff, v19;
	v0 =	vadd.f32 v2, v0;
	v2 =	vmul.f32 v59, v43  }
0x464: {  	v61 =	vsub.s32 $0x3F8, v50;
	v42 =	vor.u32 $0x7, v28;
	v60 =	vsub.s32 $0x3F9, v25;
	v19 =	vld.idx.msk [tilespmem:v53+s9+$0x0], $0xffff  }
0x465: {  	v0 =	vadd.f32 v2, v0;
	v2 =	vmul.f32 v62, v44;
	v62 =	vand.u32 $0x3F8, v61  }
0x466: {  	v63 =	vsub.s32 $0x3F8, v51;
	v41 =	vand.u32 $0x3F9, v60  }
0x467: {  	v39 =	vld.idx.msk [tilespmem:v39+s9+$0x0], $0xffff;
	v59 =	vsub.s32 $0x3F9, v24;
	v0 =	vadd.f32 v2, v0;
	v2 =	vand.u32 $0x3F8, v63  }
0x468: {  	v60 =	vsub.s32 $0x3F8, v52;
	v53 =	vand.u32 $0x3F9, v59  }
0x469: {  	v19 =	vmul.f32 v19, v18;
	v61 =	vsub.s32 $0x3F9, v23;
	[tilespmem:v42+s11+$0x0] =	vst.idx.msk $0xffff, v0;
	v0 =	vand.u32 $0x3F8, v60  }
0x46a: {  	v42 =	vand.u32 $0x3F9, v61;
	v32 =	vld.idx.msk [tilespmem:v62+s9+$0x0], $0xffff;
	v62 =	vsub.s32 $0x3F8, v49  }
0x46b: {  	v41 =	vld.idx.msk [tilespmem:v41+s9+$0x0], $0xffff;
	v19 =	vadd.f32 $0.0e+00, v19;
	v63 =	vsub.s32 $0x3F9, v22;
	v55 =	vand.u32 $0x3F8, v62  }
0x46c: {  	v39 =	vmul.f32 v39, v16;
	v59 =	vand.u32 $0x3F9, v63;
	v60 =	vsub.s32 $0x3F8, v47;
	v2 =	vld.idx.msk [tilespmem:v2+s9+$0x0], $0xffff  }
0x46d: {  	v53 =	vld.idx.msk [tilespmem:v53+s9+$0x0], $0xffff;
	v61 =	vsub.s32 $0x3F9, v21;
	v60 =	vand.u32 $0x3F8, v60  }
0x46e: {  	v19 =	vadd.f32 v39, v19;
	v39 =	vand.u32 $0x3F9, v61;
	v61 =	vsub.s32 $0x3F8, v48;
	v0 =	vld.idx.msk [tilespmem:v0+s9+$0x0], $0xffff  }
0x46f: {  	v62 =	vsub.s32 $0x3F9, v20;
	v61 =	vand.u32 $0x3F8, v61;
	v42 =	vld.idx.msk [tilespmem:v42+s9+$0x0], $0xffff;
	v32 =	vmul.f32 v32, v40  }
0x470: {  	v63 =	vsub.s32 $0x3F8, v46;
	v41 =	vmul.f32 v41, v11;
	v62 =	vand.u32 $0x3F9, v62;
	v55 =	vld.idx.msk [tilespmem:v55+s9+$0x0], $0xffff  }
0x471: {  	v63 =	vand.u32 $0x3F8, v63;
	v59 =	vld.idx.msk [tilespmem:v59+s9+$0x0], $0xffff;
	v32 =	vadd.f32 $0.0e+00, v32;
	v2 =	vmul.f32 v2, v38  }
0x472: {  	v19 =	vadd.f32 v41, v19;
	v41 =	vmul.f32 v53, v8;
	v53 =	vld.idx.msk [tilespmem:v60+s9+$0x0], $0xffff;
	v60 =	vsub.s32 $0x3F8, v45  }
0x473: {  	v39 =	vld.idx.msk [tilespmem:v39+s9+$0x0], $0xffff;
	v2 =	vadd.f32 v2, v32;
	v0 =	vmul.f32 v0, v37;
	v32 =	vand.u32 $0x3F8, v60  }
0x474: {  	v19 =	vadd.f32 v41, v19;
	v41 =	vmul.f32 v42, v6;
	v42 =	vld.idx.msk [tilespmem:v61+s9+$0x0], $0xffff  }
0x475: {  	v60 =	vld.idx.msk [tilespmem:v62+s9+$0x0], $0xffff;
	v0 =	vadd.f32 v0, v2;
	v2 =	vmul.f32 v55, v56  }
0x476: {  	v61 =	vld.idx.msk [tilespmem:v63+s9+$0x0], $0xffff  }
0x477: {  	v0 =	vadd.f32 v2, v0;
	v2 =	vmul.f32 v53, v57  }
0x478: {  	v59 =	vmul.f32 v59, v5;
	v63 =	vor.u32 $0x9, v9;
	v19 =	vadd.f32 v41, v19;
	v32 =	vld.idx.msk [tilespmem:v32+s9+$0x0], $0xffff  }
0x479: {  	v39 =	vmul.f32 v39, v4;
	v0 =	vadd.f32 v2, v0;
	v2 =	vmul.f32 v42, v58  }
0x47a: {  	v19 =	vadd.f32 v59, v19;
	v53 =	vsub.s32 $0x3FA, v27;
	v59 =	vsub.s32 $0x3F9, v50  }
0x47b: {  	v62 =	vmul.f32 v60, v3;
	v0 =	vadd.f32 v2, v0;
	v2 =	vmul.f32 v61, v43  }
0x47c: {  	v19 =	vadd.f32 v39, v19;
	v42 =	vand.u32 $0x3FA, v53;
	v53 =	vor.u32 $0x8, v28  }
0x47d: {  	v60 =	vand.u32 $0x3F9, v59;
	v0 =	vadd.f32 v2, v0;
	v2 =	vmul.f32 v32, v44  }
0x47e: {  	v19 =	vadd.f32 v62, v19;
	v61 =	vsub.s32 $0x3F9, v51  }
0x47f: {  	v62 =	vsub.s32 $0x3FA, v26;
	v0 =	vadd.f32 v2, v0;
	v2 =	vand.u32 $0x3F9, v61  }
0x480: {  	v55 =	vsub.s32 $0x3F9, v52;
	[tilespmem:v63+s11+$0x0] =	vst.idx.msk $0xffff, v19;
	v63 =	vand.u32 $0x3FA, v62  }
0x481: {  	v59 =	vsub.s32 $0x3FA, v25;
	[tilespmem:v53+s11+$0x0] =	vst.idx.msk $0xffff, v0;
	v0 =	vand.u32 $0x3F9, v55  }
0x482: {  	v39 =	vand.u32 $0x3FA, v59;
	v32 =	vld.idx.msk [tilespmem:v60+s9+$0x0], $0xffff;
	v60 =	vsub.s32 $0x3F9, v49  }
0x483: {  	v41 =	vld.idx.msk [tilespmem:v42+s9+$0x0], $0xffff;
	v61 =	vsub.s32 $0x3FA, v24;
	v42 =	vand.u32 $0x3F9, v60  }
0x484: {  	v62 =	vsub.s32 $0x3F9, v47;
	v53 =	vand.u32 $0x3FA, v61;
	v2 =	vld.idx.msk [tilespmem:v2+s9+$0x0], $0xffff  }
0x485: {  	v55 =	vand.u32 $0x3F9, v62;
	v19 =	vld.idx.msk [tilespmem:v63+s9+$0x0], $0xffff;
	v63 =	vsub.s32 $0x3FA, v23  }
0x486: {  	v59 =	vand.u32 $0x3FA, v63;
	v60 =	vsub.s32 $0x3F9, v48;
	v0 =	vld.idx.msk [tilespmem:v0+s9+$0x0], $0xffff  }
0x487: {  	v39 =	vld.idx.msk [tilespmem:v39+s9+$0x0], $0xffff;
	v62 =	vsub.s32 $0x3F9, v46;
	v60 =	vand.u32 $0x3F9, v60;
	v32 =	vmul.f32 v32, v40  }
0x488: {  	v61 =	vsub.s32 $0x3FA, v22;
	v62 =	vand.u32 $0x3F9, v62;
	v41 =	vmul.f32 v41, v18;
	v42 =	vld.idx.msk [tilespmem:v42+s9+$0x0], $0xffff  }
0x489: {  	v61 =	vand.u32 $0x3FA, v61;
	v53 =	vld.idx.msk [tilespmem:v53+s9+$0x0], $0xffff;
	v32 =	vadd.f32 $0.0e+00, v32;
	v2 =	vmul.f32 v2, v38  }
0x48a: {  	v63 =	vsub.s32 $0x3F9, v45;
	v41 =	vadd.f32 $0.0e+00, v41;
	v55 =	vld.idx.msk [tilespmem:v55+s9+$0x0], $0xffff;
	v19 =	vmul.f32 v19, v16  }
0x48b: {  	v2 =	vadd.f32 v2, v32;
	v32 =	vld.idx.msk [tilespmem:v59+s9+$0x0], $0xffff;
	v0 =	vmul.f32 v0, v37;
	v59 =	vand.u32 $0x3F9, v63  }
0x48c: {  	v39 =	vmul.f32 v39, v11;
	v19 =	vadd.f32 v19, v41;
	v41 =	vsub.s32 $0x3FA, v21;
	v60 =	vld.idx.msk [tilespmem:v60+s9+$0x0], $0xffff  }
0x48d: {  	v0 =	vadd.f32 v0, v2;
	v2 =	vand.u32 $0x3FA, v41;
	v41 =	vmul.f32 v42, v56  }
0x48e: {  	v19 =	vadd.f32 v39, v19;
	v39 =	vmul.f32 v53, v8;
	v53 =	vld.idx.msk [tilespmem:v62+s9+$0x0], $0xffff  }
0x48f: {  	v61 =	vld.idx.msk [tilespmem:v61+s9+$0x0], $0xffff;
	v55 =	vmul.f32 v55, v57;
	v42 =	vsub.s32 $0x3FA, v20;
	v0 =	vadd.f32 v41, v0  }
0x490: {  	v19 =	vadd.f32 v39, v19;
	v42 =	vand.u32 $0x3FA, v42;
	v39 =	vld.idx.msk [tilespmem:v59+s9+$0x0], $0xffff  }
0x491: {  	v60 =	vmul.f32 v60, v58;
	v0 =	vadd.f32 v55, v0  }
0x492: {  	v32 =	vmul.f32 v32, v6  }
0x493: {  	v62 =	vmul.f32 v53, v43;
	v59 =	vsub.s32 $0x3FA, v50;
	v0 =	vadd.f32 v60, v0  }
0x494: {  	v63 =	vmul.f32 v61, v5;
	v53 =	vor.u32 $0x9, v28;
	v61 =	vand.u32 $0x3FA, v59;
	v2 =	vld.idx.msk [tilespmem:v2+s9+$0x0], $0xffff  }
0x495: {  	v19 =	vadd.f32 v32, v19;
	v42 =	vld.idx.msk [tilespmem:v42+s9+$0x0], $0xffff;
	v0 =	vadd.f32 v62, v0;
	v60 =	vmul.f32 v39, v44  }
0x496: {  	v62 =	vsub.s32 $0x3FA, v51  }
0x497: {  	v19 =	vadd.f32 v63, v19;
	v63 =	vand.u32 $0x3FA, v62;
	v0 =	vadd.f32 v60, v0;
	_ =	sdelay $0x1  }
0x498: {  	v41 =	vor.u32 $0xA, v9;
	v2 =	vmul.f32 v2, v4;
	[tilespmem:v53+s11+$0x0] =	vst.idx.msk $0xffff, v0;
	v0 =	vsub.s32 $0x3FA, v52  }
0x499: {  	v60 =	vsub.s32 $0x3FB, v27;
	v59 =	vmul.f32 v42, v3;
	v39 =	vld.idx.msk [tilespmem:v61+s9+$0x0], $0xffff;
	v0 =	vand.u32 $0x3FA, v0  }
0x49a: {  	v42 =	vand.u32 $0x3FB, v60;
	v2 =	vadd.f32 v2, v19;
	v61 =	vsub.s32 $0x3FA, v49  }
0x49b: {  	v62 =	vsub.s32 $0x3FB, v26;
	v32 =	vld.idx.msk [tilespmem:v63+s9+$0x0], $0xffff;
	v53 =	vand.u32 $0x3FA, v61  }
0x49c: {  	v60 =	vsub.s32 $0x3FA, v47;
	v19 =	vand.u32 $0x3FB, v62;
	v2 =	vadd.f32 v59, v2  }
0x49d: {  	v63 =	vsub.s32 $0x3FB, v25;
	v59 =	vand.u32 $0x3FA, v60  }
0x49e: {  	v61 =	vsub.s32 $0x3FA, v48;
	v55 =	vand.u32 $0x3FB, v63;
	[tilespmem:v41+s11+$0x0] =	vst.idx.msk $0xffff, v2;
	v39 =	vmul.f32 v39, v40;
	v0 =	vld.idx.msk [tilespmem:v0+s9+$0x0], $0xffff  }
0x49f: {  	v60 =	vsub.s32 $0x3FA, v46;
	v2 =	vsub.s32 $0x3FB, v24;
	v41 =	vand.u32 $0x3FA, v61;
	v42 =	vld.idx.msk [tilespmem:v42+s9+$0x0], $0xffff  }
0x4a0: {  	v2 =	vand.u32 $0x3FB, v2;
	v32 =	vmul.f32 v32, v38;
	v53 =	vld.idx.msk [tilespmem:v53+s9+$0x0], $0xffff;
	v39 =	vadd.f32 $0.0e+00, v39  }
0x4a1: {  	v60 =	vand.u32 $0x3FA, v60;
	v19 =	vld.idx.msk [tilespmem:v19+s9+$0x0], $0xffff  }
0x4a2: {  	v32 =	vadd.f32 v32, v39;
	v39 =	vld.idx.msk [tilespmem:v59+s9+$0x0], $0xffff;
	v59 =	vsub.s32 $0x3FA, v45  }
0x4a3: {  	v61 =	vsub.s32 $0x3FB, v23;
	v55 =	vld.idx.msk [tilespmem:v55+s9+$0x0], $0xffff;
	v0 =	vmul.f32 v0, v37;
	v59 =	vand.u32 $0x3FA, v59  }
0x4a4: {  	v61 =	vand.u32 $0x3FB, v61;
	v41 =	vld.idx.msk [tilespmem:v41+s9+$0x0], $0xffff  }
0x4a5: {  	v2 =	vld.idx.msk [tilespmem:v2+s9+$0x0], $0xffff;
	v53 =	vmul.f32 v53, v56;
	v0 =	vadd.f32 v0, v32  }
0x4a6: {  	v62 =	vsub.s32 $0x3FB, v22;
	v63 =	vsub.s32 $0x3FB, v21;
	v60 =	vld.idx.msk [tilespmem:v60+s9+$0x0], $0xffff;
	v42 =	vmul.f32 v42, v18  }
0x4a7: {  	v19 =	vmul.f32 v19, v16;
	v0 =	vadd.f32 v53, v0;
	v39 =	vmul.f32 v39, v57  }
0x4a8: {  	v42 =	vadd.f32 $0.0e+00, v42;
	v32 =	vand.u32 $0x3FB, v62;
	v62 =	vmul.f32 v55, v11;
	v55 =	vld.idx.msk [tilespmem:v59+s9+$0x0], $0xffff  }
0x4a9: {  	v53 =	vand.u32 $0x3FB, v63;
	v63 =	vmul.f32 v41, v58;
	v59 =	vld.idx.msk [tilespmem:v61+s9+$0x0], $0xffff;
	v0 =	vadd.f32 v39, v0  }
0x4aa: {  	v19 =	vadd.f32 v19, v42;
	v42 =	vor.u32 $0xA, v28;
	v2 =	vmul.f32 v2, v8  }
0x4ab: {  	v61 =	vsub.s32 $0x3FB, v20;
	v39 =	vmul.f32 v60, v43;
	v0 =	vadd.f32 v63, v0  }
0x4ac: {  	v19 =	vadd.f32 v62, v19;
	v41 =	vand.u32 $0x3FB, v61;
	v60 =	vsub.s32 $0x3FB, v50  }
0x4ad: {  	v32 =	vld.idx.msk [tilespmem:v32+s9+$0x0], $0xffff;
	v0 =	vadd.f32 v39, v0;
	v62 =	vmul.f32 v55, v44;
	v55 =	vand.u32 $0x3FB, v60  }
0x4ae: {  	v2 =	vadd.f32 v2, v19;
	v63 =	vmul.f32 v59, v6;
	v60 =	vsub.s32 $0x3FB, v51  }
0x4af: {  	v61 =	vand.u32 $0x3FB, v60;
	v0 =	vadd.f32 v62, v0  }
0x4b0: {  	v53 =	vld.idx.msk [tilespmem:v53+s9+$0x0], $0xffff;
	v2 =	vadd.f32 v63, v2;
	v63 =	vsub.s32 $0x3FB, v52  }
0x4b1: {  	[tilespmem:v42+s11+$0x0] =	vst.idx.msk $0xffff, v0;
	v0 =	vand.u32 $0x3FB, v63  }
0x4b2: {  	v60 =	vsub.s32 $0x3FB, v49;
	v62 =	vmul.f32 v32, v5;
	v32 =	vld.idx.msk [tilespmem:v55+s9+$0x0], $0xffff  }
0x4b3: {  	v41 =	vld.idx.msk [tilespmem:v41+s9+$0x0], $0xffff;
	v42 =	vand.u32 $0x3FB, v60  }
0x4b4: {  	v19 =	vld.idx.msk [tilespmem:v61+s9+$0x0], $0xffff;
	v61 =	vsub.s32 $0x3FB, v47  }
0x4b5: {  	v2 =	vadd.f32 v62, v2;
	v59 =	vmul.f32 v53, v4;
	v39 =	vand.u32 $0x3FB, v61  }
0x4b6: {  	v53 =	vor.u32 $0xB, v9;
	v62 =	vsub.s32 $0x3FC, v27;
	v63 =	vsub.s32 $0x3FB, v48;
	v0 =	vld.idx.msk [tilespmem:v0+s9+$0x0], $0xffff  }
0x4b7: {  	v2 =	vadd.f32 v59, v2;
	v59 =	vand.u32 $0x3FB, v63;
	v32 =	vmul.f32 v32, v40  }
0x4b8: {  	v55 =	vand.u32 $0x3FC, v62;
	v41 =	vmul.f32 v41, v3;
	v61 =	vsub.s32 $0x3FB, v46;
	v60 =	vld.idx.msk [tilespmem:v42+s9+$0x0], $0xffff  }
0x4b9: {  	v42 =	vand.u32 $0x3FB, v61;
	v19 =	vmul.f32 v19, v38;
	v32 =	vadd.f32 $0.0e+00, v32  }
0x4ba: {  	v62 =	vsub.s32 $0x3FB, v45;
	v2 =	vadd.f32 v41, v2;
	v39 =	vld.idx.msk [tilespmem:v39+s9+$0x0], $0xffff  }
0x4bb: {  	v63 =	vand.u32 $0x3FB, v62;
	v19 =	vadd.f32 v19, v32;
	v0 =	vmul.f32 v0, v37  }
0x4bc: {  	[tilespmem:v53+s11+$0x0] =	vst.idx.msk $0xffff, v2;
	v2 =	vsub.s32 $0x3FC, v26;
	v53 =	vld.idx.msk [tilespmem:v59+s9+$0x0], $0xffff  }
0x4bd: {  	v55 =	vld.idx.msk [tilespmem:v55+s9+$0x0], $0xffff;
	v2 =	vand.u32 $0x3FC, v2;
	v59 =	vmul.f32 v60, v56;
	v0 =	vadd.f32 v0, v19  }
0x4be: {  	v41 =	vld.idx.msk [tilespmem:v42+s9+$0x0], $0xffff  }
0x4bf: {  	v60 =	vsub.s32 $0x3FC, v25;
	v61 =	vmul.f32 v39, v57;
	v0 =	vadd.f32 v59, v0  }
0x4c0: {  	v32 =	vld.idx.msk [tilespmem:v63+s9+$0x0], $0xffff;
	v63 =	vsub.s32 $0x3FC, v24;
	v42 =	vand.u32 $0x3FC, v60  }
0x4c1: {  	v60 =	vsub.s32 $0x3FC, v23;
	v59 =	vmul.f32 v53, v58;
	v0 =	vadd.f32 v61, v0  }
0x4c2: {  	v62 =	vmul.f32 v55, v18;
	v2 =	vld.idx.msk [tilespmem:v2+s9+$0x0], $0xffff;
	v55 =	vand.u32 $0x3FC, v60;
	v53 =	vand.u32 $0x3FC, v63  }
0x4c3: {  	v60 =	vsub.s32 $0x3FC, v50;
	v19 =	vmul.f32 v41, v43;
	v0 =	vadd.f32 v59, v0  }
0x4c4: {  	v39 =	vadd.f32 $0.0e+00, v62;
	v41 =	vsub.s32 $0x3FC, v22;
	v59 =	vor.u32 $0xB, v28  }
0x4c5: {  	v42 =	vld.idx.msk [tilespmem:v42+s9+$0x0], $0xffff;
	v0 =	vadd.f32 v19, v0;
	v19 =	vmul.f32 v32, v44;
	v32 =	vand.u32 $0x3FC, v60  }
0x4c6: {  	v41 =	vand.u32 $0x3FC, v41;
	v61 =	vsub.s32 $0x3FC, v21;
	v60 =	vsub.s32 $0x3FC, v51  }
0x4c7: {  	v2 =	vmul.f32 v2, v16;
	v53 =	vld.idx.msk [tilespmem:v53+s9+$0x0], $0xffff;
	v0 =	vadd.f32 v19, v0;
	v19 =	vand.u32 $0x3FC, v60  }
0x4c8: {  	v60 =	vand.u32 $0x3FC, v61  }
0x4c9: {  	v2 =	vadd.f32 v2, v39;
	v39 =	vld.idx.msk [tilespmem:v55+s9+$0x0], $0xffff;
	[tilespmem:v59+s11+$0x0] =	vst.idx.msk $0xffff, v0;
	v0 =	vsub.s32 $0x3FC, v52  }
0x4ca: {  	v42 =	vmul.f32 v42, v11;
	v61 =	vsub.s32 $0x3FC, v20;
	v32 =	vld.idx.msk [tilespmem:v32+s9+$0x0], $0xffff;
	v0 =	vand.u32 $0x3FC, v0  }
0x4cb: {  	v62 =	vsub.s32 $0x3FC, v49;
	v41 =	vld.idx.msk [tilespmem:v41+s9+$0x0], $0xffff;
	v55 =	vand.u32 $0x3FC, v61  }
0x4cc: {  	v2 =	vadd.f32 v42, v2;
	v42 =	vmul.f32 v53, v8;
	v53 =	vand.u32 $0x3FC, v62;
	v19 =	vld.idx.msk [tilespmem:v19+s9+$0x0], $0xffff  }
0x4cd: {  	v59 =	vld.idx.msk [tilespmem:v60+s9+$0x0], $0xffff;
	v60 =	vsub.s32 $0x3FC, v47  }
0x4ce: {  	v39 =	vmul.f32 v39, v6;
	v2 =	vadd.f32 v42, v2;
	v42 =	vand.u32 $0x3FC, v60  }
0x4cf: {  	v60 =	vsub.s32 $0x3FC, v48;
	v32 =	vmul.f32 v32, v40;
	v0 =	vld.idx.msk [tilespmem:v0+s9+$0x0], $0xffff  }
0x4d0: {  	v2 =	vadd.f32 v39, v2;
	v39 =	vmul.f32 v41, v5;
	v41 =	vld.idx.msk [tilespmem:v55+s9+$0x0], $0xffff;
	v55 =	vand.u32 $0x3FC, v60  }
0x4d1: {  	v53 =	vld.idx.msk [tilespmem:v53+s9+$0x0], $0xffff;
	v60 =	vsub.s32 $0x3FC, v46;
	v32 =	vadd.f32 $0.0e+00, v32;
	v19 =	vmul.f32 v19, v38  }
0x4d2: {  	v2 =	vadd.f32 v39, v2;
	v39 =	vmul.f32 v59, v4;
	v59 =	vand.u32 $0x3FC, v60  }
0x4d3: {  	v19 =	vadd.f32 v19, v32;
	v32 =	vld.idx.msk [tilespmem:v42+s9+$0x0], $0xffff;
	v42 =	vsub.s32 $0x3FC, v45  }
0x4d4: {  	v60 =	vor.u32 $0xC, v9;
	v0 =	vmul.f32 v0, v37;
	v42 =	vand.u32 $0x3FC, v42  }
0x4d5: {  	v61 =	vsub.s32 $0x3FD, v27;
	v63 =	vmul.f32 v41, v3;
	v2 =	vadd.f32 v39, v2;
	v55 =	vld.idx.msk [tilespmem:v55+s9+$0x0], $0xffff  }
0x4d6: {  	v41 =	vand.u32 $0x3FD, v61;
	v62 =	vmul.f32 v53, v56;
	v0 =	vadd.f32 v0, v19  }
0x4d7: {  	v2 =	vadd.f32 v63, v2;
	v63 =	vsub.s32 $0x3FD, v26;
	v61 =	vld.idx.msk [tilespmem:v59+s9+$0x0], $0xffff  }
0x4d8: {  	v39 =	vand.u32 $0x3FD, v63;
	v0 =	vadd.f32 v62, v0;
	v62 =	vmul.f32 v32, v57  }
0x4d9: {  	[tilespmem:v60+s11+$0x0] =	vst.idx.msk $0xffff, v2;
	v2 =	vld.idx.msk [tilespmem:v42+s9+$0x0], $0xffff  }
0x4da: {  	v63 =	vsub.s32 $0x3FD, v25;
	v59 =	vmul.f32 v55, v58;
	v0 =	vadd.f32 v62, v0  }
0x4db: {  	v60 =	vsub.s32 $0x3FD, v24;
	v32 =	vld.idx.msk [tilespmem:v41+s9+$0x0], $0xffff;
	v41 =	vand.u32 $0x3FD, v63  }
0x4dc: {  	v63 =	vsub.s32 $0x3FD, v50;
	v61 =	vmul.f32 v61, v43;
	v0 =	vadd.f32 v59, v0  }
0x4dd: {  	v55 =	vor.u32 $0xC, v28;
	v42 =	vand.u32 $0x3FD, v60;
	v19 =	vand.u32 $0x3FD, v63;
	v39 =	vld.idx.msk [tilespmem:v39+s9+$0x0], $0xffff  }
0x4de: {  	v62 =	vsub.s32 $0x3FD, v23;
	v0 =	vadd.f32 v61, v0;
	v2 =	vmul.f32 v2, v44  }
0x4df: {  	v60 =	vsub.s32 $0x3FD, v22;
	v53 =	vand.u32 $0x3FD, v62;
	v59 =	vsub.s32 $0x3FD, v51  }
0x4e0: {  	v32 =	vmul.f32 v32, v18;
	v41 =	vld.idx.msk [tilespmem:v41+s9+$0x0], $0xffff;
	v0 =	vadd.f32 v2, v0;
	v2 =	vand.u32 $0x3FD, v59  }
0x4e1: {  	v59 =	vand.u32 $0x3FD, v60;
	v60 =	vsub.s32 $0x3FD, v52  }
0x4e2: {  	v42 =	vld.idx.msk [tilespmem:v42+s9+$0x0], $0xffff;
	v32 =	vadd.f32 $0.0e+00, v32;
	v39 =	vmul.f32 v39, v16;
	[tilespmem:v55+s11+$0x0] =	vst.idx.msk $0xffff, v0;
	v0 =	vand.u32 $0x3FD, v60  }
0x4e3: {  	v60 =	vsub.s32 $0x3FD, v21;
	v19 =	vld.idx.msk [tilespmem:v19+s9+$0x0], $0xffff  }
0x4e4: {  	v32 =	vadd.f32 v39, v32;
	v39 =	vld.idx.msk [tilespmem:v53+s9+$0x0], $0xffff;
	v55 =	vsub.s32 $0x3FD, v49;
	v53 =	vand.u32 $0x3FD, v60  }
0x4e5: {  	v41 =	vmul.f32 v41, v11;
	v60 =	vsub.s32 $0x3FD, v20;
	v55 =	vand.u32 $0x3FD, v55;
	v2 =	vld.idx.msk [tilespmem:v2+s9+$0x0], $0xffff  }
0x4e6: {  	v61 =	vsub.s32 $0x3FD, v47;
	v60 =	vand.u32 $0x3FD, v60;
	v59 =	vld.idx.msk [tilespmem:v59+s9+$0x0], $0xffff  }
0x4e7: {  	v32 =	vadd.f32 v41, v32;
	v41 =	vmul.f32 v42, v8;
	v42 =	vand.u32 $0x3FD, v61;
	v0 =	vld.idx.msk [tilespmem:v0+s9+$0x0], $0xffff  }
0x4e8: {  	v61 =	vsub.s32 $0x3FD, v48;
	v19 =	vmul.f32 v19, v40  }
0x4e9: {  	v32 =	vadd.f32 v41, v32;
	v39 =	vmul.f32 v39, v6;
	v41 =	vld.idx.msk [tilespmem:v53+s9+$0x0], $0xffff;
	v53 =	vand.u32 $0x3FD, v61  }
0x4ea: {  	v55 =	vld.idx.msk [tilespmem:v55+s9+$0x0], $0xffff;
	v61 =	vsub.s32 $0x3FD, v46;
	v19 =	vadd.f32 $0.0e+00, v19;
	v2 =	vmul.f32 v2, v38  }
0x4eb: {  	v32 =	vadd.f32 v39, v32;
	v39 =	vmul.f32 v59, v5;
	v59 =	vld.idx.msk [tilespmem:v60+s9+$0x0], $0xffff;
	v60 =	vand.u32 $0x3FD, v61  }
0x4ec: {  	v61 =	vsub.s32 $0x3FD, v45;
	v2 =	vadd.f32 v2, v19;
	v0 =	vmul.f32 v0, v37;
	v19 =	vld.idx.msk [tilespmem:v42+s9+$0x0], $0xffff  }
0x4ed: {  	v42 =	vand.u32 $0x3FD, v61  }
0x4ee: {  	v32 =	vadd.f32 v39, v32;
	v62 =	vmul.f32 v41, v4;
	v0 =	vadd.f32 v0, v2;
	v2 =	vld.idx.msk [tilespmem:v53+s9+$0x0], $0xffff  }
0x4ef: {  	v63 =	vmul.f32 v55, v56  }
0x4f0: {  	v32 =	vadd.f32 v62, v32;
	v62 =	vld.idx.msk [tilespmem:v60+s9+$0x0], $0xffff  }
0x4f1: {  	v0 =	vadd.f32 v63, v0;
	v19 =	vmul.f32 v19, v57  }
0x4f2: {  	v27 =	vsub.s32 $0x3FE, v27;
	v41 =	vor.u32 $0xD, v9;
	v63 =	vld.idx.msk [tilespmem:v42+s9+$0x0], $0xffff  }
0x4f3: {  	v61 =	vmul.f32 v59, v3;
	v0 =	vadd.f32 v19, v0;
	v2 =	vmul.f32 v2, v58  }
0x4f4: {  	v27 =	vand.u32 $0x3FE, v27;
	v26 =	vsub.s32 $0x3FE, v26;
	v25 =	vsub.s32 $0x3FE, v25  }
0x4f5: {  	v32 =	vadd.f32 v61, v32;
	v0 =	vadd.f32 v2, v0;
	v2 =	vmul.f32 v62, v43  }
0x4f6: {  	v55 =	vor.u32 $0xD, v28;
	v59 =	vsub.s32 $0x3FE, v50;
	v42 =	vand.u32 $0x3FE, v26  }
0x4f7: {  	[tilespmem:v41+s11+$0x0] =	vst.idx.msk $0xffff, v32;
	v32 =	vand.u32 $0x3FE, v59;
	v0 =	vadd.f32 v2, v0;
	v2 =	vmul.f32 v63, v44  }
0x4f8: {  	v25 =	vand.u32 $0x3FE, v25;
	v60 =	vsub.s32 $0x3FE, v51  }
0x4f9: {  	v61 =	vand.u32 $0x3FE, v60;
	v53 =	vld.idx.msk [tilespmem:v27+s9+$0x0], $0xffff;
	v0 =	vadd.f32 v2, v0;
	v2 =	vsub.s32 $0x3FE, v24  }
0x4fa: {  	v62 =	vsub.s32 $0x3FE, v52;
	v2 =	vand.u32 $0x3FE, v2  }
0x4fb: {  	v23 =	vsub.s32 $0x3FE, v23;
	v19 =	vld.idx.msk [tilespmem:v42+s9+$0x0], $0xffff;
	v63 =	vand.u32 $0x3FE, v62;
	[tilespmem:v55+s11+$0x0] =	vst.idx.msk $0xffff, v0  }
0x4fc: {  	v23 =	vand.u32 $0x3FE, v23;
	v42 =	vsub.s32 $0x3FE, v49;
	v27 =	vld.idx.msk [tilespmem:v32+s9+$0x0], $0xffff  }
0x4fd: {  	v22 =	vsub.s32 $0x3FE, v22;
	v49 =	vsub.s32 $0x3FE, v47;
	v0 =	vld.idx.msk [tilespmem:v25+s9+$0x0], $0xffff;
	v32 =	vand.u32 $0x3FE, v42  }
0x4fe: {  	v21 =	vsub.s32 $0x3FE, v21;
	v50 =	vand.u32 $0x3FE, v49;
	v26 =	vmul.f32 v53, v18;
	v24 =	vld.idx.msk [tilespmem:v61+s9+$0x0], $0xffff  }
0x4ff: {  	v22 =	vand.u32 $0x3FE, v22;
	v21 =	vand.u32 $0x3FE, v21;
	v51 =	vsub.s32 $0x3FE, v48;
	v2 =	vld.idx.msk [tilespmem:v2+s9+$0x0], $0xffff  }
0x500: {  	v39 =	vand.u32 $0x3FE, v51;
	v26 =	vadd.f32 $0.0e+00, v26;
	v19 =	vmul.f32 v19, v16;
	v25 =	vld.idx.msk [tilespmem:v63+s9+$0x0], $0xffff  }
0x501: {  	v59 =	vsub.s32 $0x3FE, v45;
	v23 =	vld.idx.msk [tilespmem:v23+s9+$0x0], $0xffff;
	v55 =	vsub.s32 $0x3FE, v46;
	v27 =	vmul.f32 v27, v40  }
0x502: {  	v19 =	vadd.f32 v19, v26;
	v0 =	vmul.f32 v0, v11;
	v53 =	vld.idx.msk [tilespmem:v32+s9+$0x0], $0xffff;
	v32 =	vand.u32 $0x3FE, v55  }
0x503: {  	v52 =	vsub.s32 $0x3FE, v20;
	v26 =	vld.idx.msk [tilespmem:v50+s9+$0x0], $0xffff;
	v24 =	vmul.f32 v24, v38;
	v27 =	vadd.f32 $0.0e+00, v27  }
0x504: {  	v22 =	vld.idx.msk [tilespmem:v22+s9+$0x0], $0xffff;
	v0 =	vadd.f32 v0, v19;
	v19 =	vand.u32 $0x3FE, v52;
	v2 =	vmul.f32 v2, v8  }
0x505: {  	v60 =	vand.u32 $0x3FE, v59;
	v61 =	vld.idx.msk [tilespmem:v39+s9+$0x0], $0xffff;
	v25 =	vmul.f32 v25, v37;
	v24 =	vadd.f32 v24, v27  }
0x506: {  	v21 =	vld.idx.msk [tilespmem:v21+s9+$0x0], $0xffff;
	v0 =	vadd.f32 v2, v0  }
0x507: {  	v2 =	vmul.f32 v23, v6;
	v20 =	vmul.f32 v53, v56;
	v62 =	vld.idx.msk [tilespmem:v32+s9+$0x0], $0xffff;
	v24 =	vadd.f32 v25, v24  }
0x508: {  	v63 =	vmul.f32 v26, v57  }
0x509: {  	v19 =	vld.idx.msk [tilespmem:v19+s9+$0x0], $0xffff;
	v0 =	vadd.f32 v2, v0;
	v2 =	vmul.f32 v22, v5;
	v20 =	vadd.f32 v20, v24  }
0x50a: {  	v26 =	vld.idx.msk [tilespmem:v60+s9+$0x0], $0xffff;
	v23 =	vmul.f32 v61, v58  }
0x50b: {  	v0 =	vadd.f32 v2, v0;
	v2 =	vmul.f32 v21, v4;
	v20 =	vadd.f32 v63, v20  }
0x50c: {  	v22 =	vmul.f32 v62, v43  }
0x50d: {  	v0 =	vadd.f32 v2, v0;
	v2 =	vor.u32 $0xE, v9;
	v20 =	vadd.f32 v23, v20  }
0x50e: {  	v12 =	vxor.u32 $0x3FF, v12;
	v27 =	vor.u32 $0xE, v28;
	v19 =	vmul.f32 v19, v3  }
0x50f: {  	v45 =	vld [tilespmem:$0x1FFE0];
	v32 =	vxor.u32 $0x3FF, v29;
	v21 =	vmul.f32 v26, v44;
	v20 =	vadd.f32 v22, v20  }
0x510: {  	v17 =	vxor.u32 $0x3FF, v17;
	v0 =	vadd.f32 v19, v0  }
0x511: {  	v41 =	vxor.u32 $0x3FF, v30;
	v39 =	vadd.f32 v21, v20  }
0x512: {  	[tilespmem:v2+s11+$0x0] =	vst.idx.msk $0xffff, v0;
	v0 =	vxor.u32 $0x3FF, v15  }
0x513: {  	v42 =	vxor.u32 $0x3FF, v31;
	v2 =	vld.idx.msk [tilespmem:v12+s9+$0x0], $0xffff;
	[tilespmem:v27+s11+$0x0] =	vst.idx.msk $0xffff, v39  }
0x514: {  	v15 =	vxor.u32 $0x3FF, v45;
	v19 =	vld.idx.msk [tilespmem:v32+s9+$0x0], $0xffff  }
0x515: {  	v46 =	vxor.u32 $0x3FF, v33;
	v17 =	vld.idx.msk [tilespmem:v17+s9+$0x0], $0xffff  }
0x516: {  	v13 =	vxor.u32 $0x3FF, v13;
	v20 =	vld.idx.msk [tilespmem:v41+s9+$0x0], $0xffff  }
0x517: {  	v47 =	vxor.u32 $0x3FF, v35;
	v0 =	vld.idx.msk [tilespmem:v0+s9+$0x0], $0xffff  }
0x518: {  	v14 =	vxor.u32 $0x3FF, v14;
	v12 =	vld.idx.msk [tilespmem:v42+s9+$0x0], $0xffff;
	v2 =	vmul.f32 v2, v18  }
0x519: {  	v49 =	vxor.u32 $0x3FF, v36;
	v15 =	vld.idx.msk [tilespmem:v15+s9+$0x0], $0xffff;
	v48 =	vmul.f32 v19, v40  }
0x51a: {  	v10 =	vxor.u32 $0x3FF, v10;
	v50 =	vld.idx.msk [tilespmem:v46+s9+$0x0], $0xffff;
	v16 =	vmul.f32 v17, v16;
	v2 =	vadd.f32 $0.0e+00, v2  }
0x51b: {  	v51 =	vxor.u32 $0x3FF, v34;
	v13 =	vld.idx.msk [tilespmem:v13+s9+$0x0], $0xffff;
	v20 =	vmul.f32 v20, v38;
	v18 =	vadd.f32 $0.0e+00, v48  }
0x51c: {  	v7 =	vxor.u32 $0x3FF, v7;
	v52 =	vld.idx.msk [tilespmem:v47+s9+$0x0], $0xffff;
	v2 =	vadd.f32 v16, v2;
	v0 =	vmul.f32 v0, v11  }
0x51d: {  	v55 =	vxor.u32 $0x3FF, v54;
	v14 =	vld.idx.msk [tilespmem:v14+s9+$0x0], $0xffff;
	v12 =	vmul.f32 v12, v37;
	v53 =	vadd.f32 v20, v18  }
0x51e: {  	v59 =	vld.idx.msk [tilespmem:v49+s9+$0x0], $0xffff;
	v0 =	vadd.f32 v0, v2;
	v2 =	vmul.f32 v15, v8  }
0x51f: {  	v10 =	vld.idx.msk [tilespmem:v10+s9+$0x0], $0xffff;
	v60 =	vmul.f32 v50, v56;
	v12 =	vadd.f32 v12, v53  }
0x520: {  	v61 =	vld.idx.msk [tilespmem:v51+s9+$0x0], $0xffff;
	v0 =	vadd.f32 v2, v0;
	v2 =	vmul.f32 v13, v6  }
0x521: {  	v7 =	vld.idx.msk [tilespmem:v7+s9+$0x0], $0xffff;
	v11 =	vmul.f32 v52, v57;
	v12 =	vadd.f32 v60, v12  }
0x522: {  	v62 =	vld.idx.msk [tilespmem:v55+s9+$0x0], $0xffff;
	v0 =	vadd.f32 v2, v0;
	v2 =	vmul.f32 v14, v5  }
0x523: {  	v8 =	vmul.f32 v59, v58;
	v11 =	vadd.f32 v11, v12  }
0x524: {  	v0 =	vadd.f32 v2, v0;
	v2 =	vmul.f32 v10, v4  }
0x525: {  	s13 =	sadd.s32 $0x2, s13;
	v63 =	vor.u32 $0xF, v9;
	v6 =	vmul.f32 v61, v43;
	v8 =	vadd.f32 v8, v11  }
0x526: {  	p0 =	slt.u32 s13, $0x3E;
	v0 =	vadd.f32 v2, v0;
	v2 =	vmul.f32 v7, v3;
	v3 =	vor.u32 $0xF, v28  }
.Ltmp0:
0x527: {  	v5 =	vmul.f32 v62, v44;
	v6 =	vadd.f32 v6, v8;
	(pc) =	sbr.rel @p0 .LBB2_2-.Ltmp0, $4  }
0x528: {  	v0 =	vadd.f32 v2, v0  }
0x529: {  	v2 =	vadd.f32 v5, v6  }
0x52a: {  	[tilespmem:v63+s11+$0x0] =	vst.idx.msk $0xffff, v0  }
0x52b: {  	s14 =	sadd.s32 $0x20, s14;
	v0 =	vlaneseq.u32;
	[tilespmem:v3+s11+$0x0] =	vst.idx.msk $0xffff, v2  }
0x52c: {  	s12 =	sadd.s32 $0x1, s12  }
0x52d: {  	p0 =	sne.s32 s12, s7  }
.Ltmp1:
0x52e: {  	_ = 	snop;
	(pc) =	sbr.rel @p0 .LBB2_1-.Ltmp1, $4  }
0x52f: {  	[hbm4b:s6+s2] =	stream.linear.scatter [tilespmem:s11], [sflag:$0x1], $0x4000, $0x38;
	[tilespmem:$0x14480] =	vst v63  }
0x530: {  	_ =	swait.ge [sflag:s8], $0x4000  }
0x531: {  	[sflag:s8] =	ssyncset.done $0x0  }
0x532: {  	[sflag:s8] =	ssyncadd.s32 $0xFFFFC000  }
0x533: {  	_ =	sfence.sel $0x180000  }
0x534: {  	[bflag:$0x0] =	sbarrier.arrive $0xFFFF  }
0x535: {  	p0 =	sne.s32 s1, $0x0;
	_ =	strace $0x90000047  }
0x536: {  	s0 =	sadd.s32 @!p0 $0x100000, s0;
	[bflag:$0x2] =	sbarrier.arrive $0xFFFF  }
0x537: {  	[sflag:s0] =	ssyncadd.tile.s32 @!p0 $0x1;
	_ =	shalt  }
.Lfunc_end2:
_tile_overlayer_lowered:
.L_overlay_start_2:
0x538: {  	(tag) =	ssettag $0x2  }
0x539: {  	s0 =	rddreg [dreg:$0x0];
	s2 =	stileid.u32  }
0x53a: {  	s1 =	rddreg [dreg:$0x1];
	p0 =	sne.s32 s2, $0x0  }
0x53b: {  	s3 =	rddreg [dreg:$0x2];
	[bflag:$0x3] =	sbarrier.arrive $0xFFFF;
	s2 =	simm.s32 @!p0 $0x1C01  }
0x53c: {  	[timem:s3], [sflag:s2] =	dma.local @!p0 [hbm:s0], s1  }
0x53d: {  	s0 =	simm.s32 @!p0 $0x1  }
0x53e: {  	_ =	swait.ge @!p0 [sflag:s0], s1  }
0x53f: {  	s1 =	ssub.s32 @!p0 $0x0, s1;
	[sflag:s0] =	ssyncset.done @!p0 $0x0  }
0x540: {  	[sflag:s0] =	ssyncadd.s32 @!p0 s1  }
0x541: {  	[bflag:$0x3] =	sbarrier.arrive $0xFFFF  }
0x542: {  	_ =	shalt  }

</sc_bundles>
